<compile_context>
chip_gen: v7x
topology: tpu7x:2x2x1
jax: 0.10.2.dev20260603
libtpu: 0.0.44.dev20260713+nightly
codegen_flags: <defaults>
</compile_context>

<pallas_src>
import functools

import jax
import jax.numpy as jnp
from jax import lax
from jax.experimental import pallas as pl
from jax.experimental.pallas import tpu as pltpu
from jax.experimental.pallas import tpu_sc as plsc

N = 10000
E = 160000
G = 64

NC = 2
NS = 16
NPT = N // NS

EPT = E // NS

DCHUNK = 40
DNCHUNK = (E // (NC * NS)) // DCHUNK
DEG_PAD = 10240

MBLK = 2000


def _sc_mesh():
  return plsc.VectorSubcoreMesh(core_axis_name="c", subcore_axis_name="s")


def _deg_sc(dstd):
  @functools.partial(
      pl.kernel,
      out_type=jax.ShapeDtypeStruct((NC, DEG_PAD), jnp.float32),
      mesh=_sc_mesh(),
      scratch_types=[
          pltpu.VMEM((DNCHUNK, DCHUNK), jnp.int32),
          pltpu.VMEM((640,), jnp.float32),
          pltpu.VMEM((48,), jnp.float32),
          pltpu.VMEM_SHARED((DEG_PAD,), jnp.float32),
      ],
  )
  def k(dst_hbm, deg_hbm, didx, init_v, ones_v, deg_sh):
    c = lax.axis_index("c")
    s = lax.axis_index("s")
    tid = c * NS + s
    iv = jnp.where(c == 0, 1.0, 0.0).astype(jnp.float32)

    @pl.loop(0, 640, step=16)
    def _(i):
      init_v[pl.ds(i, 16)] = jnp.full((16,), iv, jnp.float32)

    @pl.loop(0, 48, step=16)
    def _(i):
      ones_v[pl.ds(i, 16)] = jnp.ones((16,), jnp.float32)

    pltpu.sync_copy(dst_hbm.at[tid], didx)
    pltpu.sync_copy(init_v, deg_sh.at[pl.ds(s * 640, 640)])
    plsc.subcore_barrier()

    @pl.loop(0, DNCHUNK)
    def _(j):
      pltpu.sync_copy(ones_v.at[pl.ds(0, DCHUNK)], deg_sh.at[didx.at[j]],
                      add=True)

    plsc.subcore_barrier()
    pltpu.sync_copy(deg_sh.at[pl.ds(s * 640, 640)],
                    deg_hbm.at[c, pl.ds(s * 640, 640)])

  return k(dstd)


def _tc_first(x, W1, degA, degB):
  F = W1.shape[1]
  Fh = F // 2
  NB = N // MBLK

  def body(x_ref, w_ref, dga_ref, dgb_ref, h_ref, dinv_ref):
    deg = dga_ref[0, 0] + dgb_ref[0, 0]
    dinv = lax.rsqrt(deg)
    dinv_ref[0, 0] = dinv
    h = jnp.dot(x_ref[...], w_ref[...], preferred_element_type=jnp.float32)
    hs = h * dinv[:, None]
    h_ref[0] = hs[:, :Fh]
    h_ref[1] = hs[:, Fh:]

  h2, dinv3 = pl.pallas_call(
      body,
      grid=(NB,),
      in_specs=[
          pl.BlockSpec((MBLK, x.shape[1]), lambda i: (i, 0)),
          pl.BlockSpec(W1.shape, lambda i: (0, 0)),
          pl.BlockSpec((1, 1, MBLK), lambda i: (i, 0, 0)),
          pl.BlockSpec((1, 1, MBLK), lambda i: (i, 0, 0)),
      ],
      out_specs=[
          pl.BlockSpec((2, MBLK, Fh), lambda i: (0, i, 0)),
          pl.BlockSpec((1, 1, MBLK), lambda i: (i, 0, 0)),
      ],
      out_shape=[
          jax.ShapeDtypeStruct((2, N, Fh), jnp.float32),
          jax.ShapeDtypeStruct((NB, 1, MBLK), jnp.float32),
      ],
  )(x, W1, degA, degB)
  return h2.reshape(2 * N, Fh), dinv3


def _tc_mid(acc, dinv3, b, W):
  Fin = W.shape[0]
  Fo = W.shape[1]
  Foh = Fo // 2

  def body(acc_ref, dinv_ref, b_ref, w_ref, h_ref):
    z = jnp.concatenate([acc_ref[0], acc_ref[1]], axis=1)
    dv = dinv_ref[0, 0]
    z = jnp.maximum(z * dv[:, None] + b_ref[...][None, :], 0.0)
    h = jnp.dot(z, w_ref[...], preferred_element_type=jnp.float32)
    hs = h * dv[:, None]
    h_ref[0] = hs[:, :Foh]
    h_ref[1] = hs[:, Foh:]

  h2 = pl.pallas_call(
      body,
      grid=(N // MBLK,),
      in_specs=[
          pl.BlockSpec((2, MBLK, Fin // 2), lambda i: (0, i, 0)),
          pl.BlockSpec((1, 1, MBLK), lambda i: (i, 0, 0)),
          pl.BlockSpec((Fin,), lambda i: (0,)),
          pl.BlockSpec(W.shape, lambda i: (0, 0)),
      ],
      out_specs=pl.BlockSpec((2, MBLK, Foh), lambda i: (0, i, 0)),
      out_shape=jax.ShapeDtypeStruct((2, N, Foh), jnp.float32),
  )(acc, dinv3, b, W)
  return h2.reshape(2 * N, Foh)


def _edge_loop(h_hbm, sidx, didx, bufs, gsems, ssems, acc, nchunk):
  nbuf = len(bufs)
  d = nbuf // 2

  if nbuf == 2:
    pltpu.async_copy(h_hbm.at[sidx.at[0]], bufs[0], gsems[0])

    @pl.loop(0, nchunk - 1, step=2)
    def _(j):
      pltpu.async_copy(h_hbm.at[sidx.at[j + 1]], bufs[1], gsems[1])
      pltpu.make_async_copy(h_hbm.at[sidx.at[j]], bufs[0], gsems[0]).wait()
      pltpu.sync_copy(bufs[0], acc.at[didx.at[j]], add=True)
      pltpu.async_copy(h_hbm.at[sidx.at[j + 2]], bufs[0], gsems[0])
      pltpu.make_async_copy(h_hbm.at[sidx.at[j + 1]], bufs[1],
                            gsems[1]).wait()
      pltpu.sync_copy(bufs[1], acc.at[didx.at[j + 1]], add=True)

    pltpu.make_async_copy(h_hbm.at[sidx.at[nchunk - 1]], bufs[0],
                          gsems[0]).wait()
    pltpu.sync_copy(bufs[0], acc.at[didx.at[nchunk - 1]], add=True)
    return

  def wait_gather(j, k):
    pltpu.make_async_copy(h_hbm.at[sidx.at[j]], bufs[k], gsems[k]).wait()

  def start_gather(j, k):
    pltpu.async_copy(h_hbm.at[sidx.at[j]], bufs[k], gsems[k])

  def start_scatter(j, k):
    pltpu.async_copy(bufs[k], acc.at[didx.at[j]], ssems[k], add=True)

  def wait_scatter(j, k):
    pltpu.make_async_copy(bufs[k], acc.at[didx.at[j]], ssems[k]).wait()

  def slot(j, k, start=None):
    wait_gather(j, k)
    start_scatter(j, k)
    k2 = (k + d) % nbuf
    if start is None or j - d >= start:
      wait_scatter(j - d, k2)
    start_gather(j + d, k2)

  for m in range(d):
    start_gather(m, m)
  for m in range(min(d, nchunk - d)):
    slot(m, m, start=0)

  main_end = d + nbuf * ((nchunk - 2 * d - d) // nbuf)

  @pl.loop(d, main_end, step=nbuf)
  def _(m):
    for p in range(nbuf):
      slot(m + p, (d + p) % nbuf)

  for m in range(main_end, nchunk):
    k = m % nbuf
    wait_gather(m, k)
    start_scatter(m, k)
    wait_scatter(m - d, (m - d) % nbuf)
    if m + d < nchunk:
      start_gather(m + d, (m + d) % nbuf)
  for m in range(max(main_end, nchunk - d), nchunk):
    wait_scatter(m, m % nbuf)


def _msg_sc(h_flat, srcc, dst3, Fh, echunk, nbuf):
  nchunk = EPT // echunk

  @functools.partial(
      pl.kernel,
      out_type=jax.ShapeDtypeStruct((2 * N, Fh), jnp.float32),
      mesh=_sc_mesh(),
      compiler_params=pltpu.CompilerParams(use_tc_tiling_on_sc=False),
      scratch_types=[
          pltpu.VMEM((nchunk, echunk), jnp.int32),
          pltpu.VMEM((nchunk, echunk), jnp.int32),
          [pltpu.VMEM((echunk, Fh), jnp.float32)] * nbuf,
          pltpu.VMEM_SHARED((N, Fh), jnp.float32),
          [pltpu.SemaphoreType.DMA] * nbuf,
          [pltpu.SemaphoreType.DMA] * nbuf,
      ],
  )
  def k(h_hbm, src_hbm, dst_hbm, out_hbm, sidx, didx, bufs, acc,
        gsems, ssems):
    c = lax.axis_index("c")
    s = lax.axis_index("s")
    pltpu.sync_copy(src_hbm.at[c, s], sidx)
    pltpu.sync_copy(dst_hbm.at[s], didx)
    pltpu.sync_copy(h_hbm.at[pl.ds(c * N + s * NPT, NPT)],
                    acc.at[pl.ds(s * NPT, NPT)])
    plsc.subcore_barrier()
    _edge_loop(h_hbm, sidx, didx, bufs, gsems, ssems, acc, nchunk)
    plsc.subcore_barrier()
    pltpu.sync_copy(acc.at[pl.ds(s * NPT, NPT)],
                    out_hbm.at[pl.ds(c * N + s * NPT, NPT)])

  return k(h_flat, srcc, dst3)


def _msg_pool_sc(h_flat, srcc, dst3, dinv2, batch2, echunk):
  Fh = 32
  nchunk = EPT // echunk
  cp = pltpu.CompilerParams(needs_layout_passes=False,
                            use_tc_tiling_on_sc=False)

  @functools.partial(
      pl.kernel,
      out_type=jax.ShapeDtypeStruct((NC, NS, G * Fh), jnp.float32),
      mesh=_sc_mesh(),
      compiler_params=cp,
      scratch_types=[
          pltpu.VMEM((nchunk, echunk), jnp.int32),
          pltpu.VMEM((nchunk, echunk), jnp.int32),
          [pltpu.VMEM((echunk, Fh), jnp.float32)] * 8,
          pltpu.VMEM((NPT, Fh), jnp.float32),
          pltpu.VMEM((640,), jnp.float32),
          pltpu.VMEM((640,), jnp.int32),
          pltpu.VMEM((G * Fh,), jnp.float32),
          pltpu.VMEM_SHARED((N, Fh), jnp.float32),
          [pltpu.SemaphoreType.DMA] * 8,
          [pltpu.SemaphoreType.DMA] * 8,
      ],
  )
  def k(h_hbm, src_hbm, dst_hbm, dinv_hbm, batch_hbm, pool_hbm,
        sidx, didx, bufs, rslab, dvs, bts, pool, acc, gsems, ssems):
    c = lax.axis_index("c")
    s = lax.axis_index("s")
    pltpu.sync_copy(src_hbm.at[c, s], sidx)
    pltpu.sync_copy(dst_hbm.at[s], didx)
    pltpu.sync_copy(h_hbm.at[pl.ds(c * N + s * NPT, NPT)],
                    acc.at[pl.ds(s * NPT, NPT)])
    plsc.subcore_barrier()
    _edge_loop(h_hbm, sidx, didx, bufs, gsems, ssems, acc, nchunk)
    plsc.subcore_barrier()

    pltpu.sync_copy(acc.at[pl.ds(s * NPT, NPT)], rslab)
    pltpu.sync_copy(dinv_hbm.at[s], dvs.at[pl.ds(0, NPT)])
    pltpu.sync_copy(batch_hbm.at[s], bts.at[pl.ds(0, NPT)])

    @pl.loop(0, G * Fh, step=16)
    def _(i):
      pool[pl.ds(i, 16)] = jnp.zeros((16,), jnp.float32)

    lanes = lax.iota(jnp.int32, 16)

    def do_row(row_i, b, dv):
      ri = jnp.full((16,), row_i, jnp.int32)
      base = lanes + b * Fh
      v0 = plsc.load_gather(rslab, [ri, lanes])
      v1 = plsc.load_gather(rslab, [ri, lanes + 16])
      plsc.addupdate_scatter(pool, [base], v0 * dv)
      plsc.addupdate_scatter(pool, [base + 16], v1 * dv)

    @pl.loop(0, NPT - 1, step=16)
    def _(i16):
      bvec = bts[pl.ds(i16, 16)]
      dvec = dvs[pl.ds(i16, 16)]
      for l in range(16):
        do_row(i16 + l, bvec[l], dvec[l])

    bvec = bts[pl.ds(NPT - 1, 16)]
    dvec = dvs[pl.ds(NPT - 1, 16)]
    do_row(NPT - 1, bvec[0], dvec[0])

    pltpu.sync_copy(pool, pool_hbm.at[c, s])

  return k(h_flat, srcc, dst3, dinv2, batch2)


def _head_tc(pool_part, batch, b3, lin_W, lin_b):
  def body(p_ref, batch_ref, b3_ref, w_ref, lb_ref, o_ref):
    p0 = jnp.sum(p_ref[0], axis=0)
    p1 = jnp.sum(p_ref[1], axis=0)
    gsum = jnp.concatenate([p0, p1], axis=1)
    gid = lax.broadcasted_iota(jnp.int32, (G, N), 0)
    onehot = (gid == batch_ref[...][None, :]).astype(jnp.float32)
    cnt = jnp.sum(onehot, axis=1)
    g = gsum / jnp.maximum(cnt, 1.0)[:, None] + b3_ref[...][None, :]
    o_ref[...] = (
        jnp.dot(g, w_ref[...], preferred_element_type=jnp.float32)
        + lb_ref[...][None, :])

  return pl.pallas_call(
      body,
      out_shape=jax.ShapeDtypeStruct((G, lin_W.shape[1]), jnp.float32),
  )(pool_part, batch, b3, lin_W, lin_b)


def kernel(x, edge_index, batch, W1, b1, W2, b2, W3, b3, lin_W, lin_b):
  src = edge_index[0].astype(jnp.int32)
  dst = edge_index[1].astype(jnp.int32)
  batch = batch.astype(jnp.int32)

  def elay(echunk):
    s3 = src.reshape(NS, EPT // echunk, echunk)
    return jnp.stack([s3, s3 + N]), dst.reshape(NS, EPT // echunk, echunk)

  srcc80, dst80 = elay(80)
  dstd = dst.reshape(NC * NS, DNCHUNK, DCHUNK)
  batch2 = batch.reshape(NS, NPT)

  deg2 = _deg_sc(dstd)
  degA = deg2[0, :N].reshape(N // MBLK, 1, MBLK)
  degB = deg2[1, :N].reshape(N // MBLK, 1, MBLK)
  h1, dinv3 = _tc_first(x, W1, degA, degB)
  acc1 = _msg_sc(h1, srcc80, dst80, 128, 80, 2)
  h2 = _tc_mid(acc1.reshape(2, N, 128), dinv3, b1, W2)
  acc2 = _msg_sc(h2, srcc80, dst80, 64, 80, 8)
  h3 = _tc_mid(acc2.reshape(2, N, 64), dinv3, b2, W3)
  dinv2 = dinv3.reshape(NS, NPT)
  pool_part = _msg_pool_sc(h3, srcc80, dst80, dinv2, batch2, 80)
  pool_part = pool_part.reshape(NC, NS, G, 32)
  return _head_tc(pool_part, batch, b3, lin_W, lin_b)

# --- scband reference (transcript-rebuilt; emitter-appended) ---
"""Pipeline reference for scband-gcn-27874337751415 (READ-ONLY COPY).

The authoritative reference and input builder live on the scoring server;
editing this copy changes nothing except your own understanding.
"""

import jax, jax.numpy as jnp
import numpy as np

N_NODES = 10000
N_EDGES = 160000
N_GRAPHS = 64


def gcn_conv(x, src, dst, W, b, n):
    # GCNConv with added self-loops and symmetric normalization:
    # out = D^{-1/2} (A + I) D^{-1/2} (x W) + b
    h = x @ W
    loop = jnp.arange(n, dtype=src.dtype)
    s = jnp.concatenate([src, loop])
    d = jnp.concatenate([dst, loop])
    deg = jax.ops.segment_sum(jnp.ones_like(s, dtype=h.dtype), d, num_segments=n)
    dinv = jnp.where(deg > 0, jax.lax.rsqrt(deg), 0.0)
    norm = dinv[s] * dinv[d]
    msgs = h[s] * norm[:, None]
    out = jax.ops.segment_sum(msgs, d, num_segments=n)
    return out + b


def global_mean_pool(x, batch, num_graphs):
    cnt = jax.ops.segment_sum(jnp.ones((x.shape[0],), dtype=x.dtype), batch, num_segments=num_graphs)
    s = jax.ops.segment_sum(x, batch, num_segments=num_graphs)
    return s / jnp.maximum(cnt, 1.0)[:, None]


def setup_inputs(seed: int = 0):
    key = jax.random.key(seed)
    ks = jax.random.split(key, 12)
    x = jax.random.normal(ks[0], (N_NODES, 512), dtype=jnp.float32)
    edge_index = jax.random.randint(ks[1], (2, N_EDGES), 0, N_NODES)
    batch = jnp.sort(jax.random.randint(ks[2], (N_NODES,), 0, N_GRAPHS))
    def glorot(k, shp):
        fan = shp[0] + shp[1]
        return jax.random.uniform(k, shp, dtype=jnp.float32, minval=-1.0, maxval=1.0) * jnp.sqrt(6.0 / fan)
    W1 = glorot(ks[3], (512, 256)); b1 = jnp.zeros((256,), jnp.float32)
    W2 = glorot(ks[4], (256, 128)); b2 = jnp.zeros((128,), jnp.float32)
    W3 = glorot(ks[5], (128, 64)); b3 = jnp.zeros((64,), jnp.float32)
    lin_W = glorot(ks[6], (64, 2)); lin_b = jnp.zeros((2,), jnp.float32)
    return {"x": x, "edge_index": edge_index, "batch": batch,
            "W1": W1, "b1": b1, "W2": W2, "b2": b2, "W3": W3, "b3": b3,
            "lin_W": lin_W, "lin_b": lin_b}


def reference(x, edge_index, batch, W1, b1, W2, b2, W3, b3, lin_W, lin_b):
    n = x.shape[0]
    src, dst = edge_index[0], edge_index[1]
    h = gcn_conv(x, src, dst, W1, b1, n)
    h = jax.nn.relu(h)
    h = gcn_conv(h, src, dst, W2, b2, n)
    h = jax.nn.relu(h)
    h = gcn_conv(h, src, dst, W3, b3, n)
    g = global_mean_pool(h, batch, N_GRAPHS)
    # dropout p=0.5 is identity in eval mode
    out = g @ lin_W + lin_b
    return out

if __name__ == "__main__":
    import jax
    _d = setup_inputs()
    print(jax.jit(kernel)(*tuple(_d.values())))

</pallas_src>

<mosaic_0001>
#map = affine_map<(d0, d1) -> (0, 0, 0)>
#map1 = affine_map<(d0, d1) -> (0, 0)>
module attributes {stable_mosaic.version = 14 : i64} {
  func.func @k(%arg0: i32, %arg1: i32, %arg2: memref<32x125x40xi32, #tpu.memory_space<hbm>>, %arg3: memref<2x10240xf32, #tpu.memory_space<hbm>>, %arg4: memref<125x40xi32, #tpu.memory_space<vmem>>, %arg5: memref<640xf32, #tpu.memory_space<vmem>>, %arg6: memref<48xf32, #tpu.memory_space<vmem>>, %arg7: memref<10240xf32, #tpu.memory_space<vmem_shared>>) attributes {dimension_semantics = [#tpu.dimension_semantics<core_parallel>, #tpu.dimension_semantics<subcore_parallel>], iteration_bounds = array<i64: 2, 16>, scalar_prefetch = 0 : i64, scratch_operands = 4 : i64, tpu.core_type = #tpu.core_type<sc_vector_subcore>, window_params = [{transform_indices = #map}, {transform_indices = #map1}]} {
    %mul3A = arith.constant 16 : i32
    %mul3A_0 = arith.muli %arg0, %mul3A : i32
    %add3A = arith.addi %mul3A_0, %arg1 : i32
    %eq3A = arith.constant 0 : i32
    %eq3A_1 = arith.cmpi eq, %arg0, %eq3A : i32
    %jit3A = arith.constant 1.000000e+00 : f32
    %jit3A_2 = arith.constant 0.000000e+00 : f32
    %select_n3A = arith.select %eq3A_1, %jit3A, %jit3A_2 : f32
    %scan3A = arith.constant 0 : i32
    %scan3A_3 = arith.constant 40 : i32
    %scan3A_4 = arith.addi %scan3A, %scan3A_3 : i32
    %scan3A_5 = arith.constant 1 : i32
    scf.for %scan3A_24 = %scan3A to %scan3A_4 step %scan3A_5  : i32 {
      %mul3A_25 = arith.constant 16 : i32
      %mul3A_26 = arith.muli %scan3A_24, %mul3A_25 : i32
      %add3A_27 = arith.constant 0 : i32
      %add3A_28 = arith.addi %add3A_27, %mul3A_26 : i32
      %broadcast_in_dim3A = vector.broadcast %select_n3A : f32 to vector<16xf32>
      %swap3A = arith.index_cast %add3A_28 : i32 to index
      %swap3A_29 = tpu.vector_load %arg5[%swap3A] {strides = array<i32>} : memref<640xf32, #tpu.memory_space<vmem>>, vector<16xf32>,
      %swap3A_30 = vector.shape_cast %swap3A_29 : vector<16xf32> to vector<16xf32>
      %swap3A_31 = vector.shape_cast %broadcast_in_dim3A : vector<16xf32> to vector<16xf32>
      tpu.vector_store %arg5[%swap3A], %swap3A_31 {strides = array<i32>} : memref<640xf32, #tpu.memory_space<vmem>>, vector<16xf32>,
    }
    %scan3A_6 = arith.constant 40 : i32
    %scan3A_7 = arith.constant 0 : i32
    %scan3A_8 = arith.constant 3 : i32
    %scan3A_9 = arith.addi %scan3A_7, %scan3A_8 : i32
    %scan3A_10 = arith.constant 1 : i32
    scf.for %scan3A_24 = %scan3A_7 to %scan3A_9 step %scan3A_10  : i32 {
      %mul3A_25 = arith.constant 16 : i32
      %mul3A_26 = arith.muli %scan3A_24, %mul3A_25 : i32
      %add3A_27 = arith.constant 0 : i32
      %add3A_28 = arith.addi %add3A_27, %mul3A_26 : i32
      %broadcast_in_dim3A = arith.constant 1.000000e+00 : f32
      %broadcast_in_dim3A_29 = vector.broadcast %broadcast_in_dim3A : f32 to vector<16xf32>
      %swap3A = arith.index_cast %add3A_28 : i32 to index
      %swap3A_30 = tpu.vector_load %arg6[%swap3A] {strides = array<i32>} : memref<48xf32, #tpu.memory_space<vmem>>, vector<16xf32>,
      %swap3A_31 = vector.shape_cast %swap3A_30 : vector<16xf32> to vector<16xf32>
      %swap3A_32 = vector.shape_cast %broadcast_in_dim3A_29 : vector<16xf32> to vector<16xf32>
      tpu.vector_store %arg6[%swap3A], %swap3A_32 {strides = array<i32>} : memref<48xf32, #tpu.memory_space<vmem>>, vector<16xf32>,
    }
    %scan3A_11 = arith.constant 3 : i32
    "tpu.region"() ({
      %run_scoped3A = tpu.sem_alloc : memref<!tpu.dma_semaphore, #tpu.memory_space<semaphore_mem>>
      %dma_start3A = arith.constant 0 : i32
      %dma_start3A_24 = arith.constant 0 : i32
      %dma_start3A_25 = tpu.memref_slice %arg2[%add3A, %dma_start3A, %dma_start3A_24] : memref<32x125x40xi32, #tpu.memory_space<hbm>> -> memref<1x125x40xi32, #tpu.memory_space<hbm>>
      %dma_start3A_26 = tpu.memref_squeeze %dma_start3A_25 : memref<1x125x40xi32, #tpu.memory_space<hbm>> -> memref<125x40xi32, #tpu.memory_space<hbm>>
      %dma_start3A_27 = arith.constant 0 : i32
      %dma_start3A_28 = arith.constant 0 : i32
      %dma_start3A_29 = tpu.memref_slice %arg2[%add3A, %dma_start3A_27, %dma_start3A_28] : memref<32x125x40xi32, #tpu.memory_space<hbm>> -> memref<1x125x40xi32, #tpu.memory_space<hbm>>
      %dma_start3A_30 = tpu.memref_squeeze %dma_start3A_29 : memref<1x125x40xi32, #tpu.memory_space<hbm>> -> memref<125x40xi32, #tpu.memory_space<hbm>>
      tpu.enqueue_dma source(%dma_start3A_30 : memref<125x40xi32, #tpu.memory_space<hbm>>) target(%arg4 : memref<125x40xi32, #tpu.memory_space<vmem>>) target_semaphore(%run_scoped3A : memref<!tpu.dma_semaphore, #tpu.memory_space<semaphore_mem>>)
      %dma_wait3A = arith.constant 0 : i32
      %dma_wait3A_31 = arith.constant 0 : i32
      %dma_wait3A_32 = tpu.memref_slice %arg2[%add3A, %dma_wait3A, %dma_wait3A_31] : memref<32x125x40xi32, #tpu.memory_space<hbm>> -> memref<1x125x40xi32, #tpu.memory_space<hbm>>
      %dma_wait3A_33 = tpu.memref_squeeze %dma_wait3A_32 : memref<1x125x40xi32, #tpu.memory_space<hbm>> -> memref<125x40xi32, #tpu.memory_space<hbm>>
      %dma_wait3A_34 = arith.constant 0 : i32
      %dma_wait3A_35 = arith.constant 0 : i32
      %dma_wait3A_36 = tpu.memref_slice %arg2[%add3A, %dma_wait3A_34, %dma_wait3A_35] : memref<32x125x40xi32, #tpu.memory_space<hbm>> -> memref<1x125x40xi32, #tpu.memory_space<hbm>>
      %dma_wait3A_37 = tpu.memref_squeeze %dma_wait3A_36 : memref<1x125x40xi32, #tpu.memory_space<hbm>> -> memref<125x40xi32, #tpu.memory_space<hbm>>
      tpu.wait_dma2 semaphore(%run_scoped3A : memref<!tpu.dma_semaphore, #tpu.memory_space<semaphore_mem>>) src(%dma_wait3A_37 : memref<125x40xi32, #tpu.memory_space<hbm>>) dst(%arg4 : memref<125x40xi32, #tpu.memory_space<vmem>>)
      tpu.yield
    }) : () -> ()
    %mul3A_12 = arith.constant 640 : i32
    %mul3A_13 = arith.muli %arg1, %mul3A_12 : i32
    "tpu.region"() ({
      %run_scoped3A = tpu.sem_alloc : memref<!tpu.dma_semaphore, #tpu.memory_space<semaphore_mem>>
      %dma_start3A = tpu.memref_slice %arg7[%mul3A_13] : memref<10240xf32, #tpu.memory_space<vmem_shared>> -> memref<640xf32, #tpu.memory_space<vmem_shared>>
      %dma_start3A_24 = tpu.memref_slice %arg7[%mul3A_13] : memref<10240xf32, #tpu.memory_space<vmem_shared>> -> memref<640xf32, #tpu.memory_space<vmem_shared>>
      tpu.enqueue_dma source(%arg5 : memref<640xf32, #tpu.memory_space<vmem>>) target(%dma_start3A_24 : memref<640xf32, #tpu.memory_space<vmem_shared>>) target_semaphore(%run_scoped3A : memref<!tpu.dma_semaphore, #tpu.memory_space<semaphore_mem>>)
      %dma_wait3A = tpu.memref_slice %arg7[%mul3A_13] : memref<10240xf32, #tpu.memory_space<vmem_shared>> -> memref<640xf32, #tpu.memory_space<vmem_shared>>
      %dma_wait3A_25 = tpu.memref_slice %arg7[%mul3A_13] : memref<10240xf32, #tpu.memory_space<vmem_shared>> -> memref<640xf32, #tpu.memory_space<vmem_shared>>
      tpu.wait_dma2 semaphore(%run_scoped3A : memref<!tpu.dma_semaphore, #tpu.memory_space<semaphore_mem>>) src(%arg5 : memref<640xf32, #tpu.memory_space<vmem>>) dst(%dma_wait3A_25 : memref<640xf32, #tpu.memory_space<vmem_shared>>)
      tpu.yield
    }) : () -> ()
    %barrier3A = arith.constant 0 : index
    tpu.barrier barrier_id(%barrier3A)
    %scan3A_14 = arith.constant 0 : i32
    %scan3A_15 = arith.constant 125 : i32
    %scan3A_16 = arith.addi %scan3A_14, %scan3A_15 : i32
    %scan3A_17 = arith.constant 1 : i32
    scf.for %scan3A_24 = %scan3A_14 to %scan3A_16 step %scan3A_17  : i32 {
      %mul3A_25 = arith.constant 1 : i32
      %mul3A_26 = arith.muli %scan3A_24, %mul3A_25 : i32
      %add3A_27 = arith.constant 0 : i32
      %add3A_28 = arith.addi %add3A_27, %mul3A_26 : i32
      "tpu.region"() ({
        %run_scoped3A = tpu.sem_alloc : memref<!tpu.dma_semaphore, #tpu.memory_space<semaphore_mem>>
        %dma_start3A = arith.constant 0 : i32
        %dma_start3A_29 = tpu.memref_slice %arg6[%dma_start3A] : memref<48xf32, #tpu.memory_space<vmem>> -> memref<40xf32, #tpu.memory_space<vmem>>
        %dma_start3A_30 = arith.constant 0 : i32
        %dma_start3A_31 = tpu.memref_slice %arg4[%add3A_28, %dma_start3A_30] : memref<125x40xi32, #tpu.memory_space<vmem>> -> memref<1x40xi32, #tpu.memory_space<vmem>>
        %dma_start3A_32 = tpu.memref_squeeze %dma_start3A_31 : memref<1x40xi32, #tpu.memory_space<vmem>> -> memref<40xi32, #tpu.memory_space<vmem>>
        %dma_start3A_33 = arith.constant 0 : i32
        %dma_start3A_34 = tpu.memref_slice %arg7[%dma_start3A_33] : memref<10240xf32, #tpu.memory_space<vmem_shared>> -> memref<10240xf32, #tpu.memory_space<vmem_shared>>
        tpu.enqueue_indirect_dma source(%dma_start3A_29 : memref<40xf32, #tpu.memory_space<vmem>>) target(%dma_start3A_34 : memref<10240xf32, #tpu.memory_space<vmem_shared>>) offsets(%dma_start3A_32 : memref<40xi32, #tpu.memory_space<vmem>>) semaphore(%run_scoped3A : memref<!tpu.dma_semaphore, #tpu.memory_space<semaphore_mem>>) {add = true}
        %dma_wait3A = arith.constant 0 : i32
        %dma_wait3A_35 = tpu.memref_slice %arg6[%dma_wait3A] : memref<48xf32, #tpu.memory_space<vmem>> -> memref<40xf32, #tpu.memory_space<vmem>>
        %dma_wait3A_36 = arith.constant 0 : i32
        %dma_wait3A_37 = tpu.memref_slice %arg4[%add3A_28, %dma_wait3A_36] : memref<125x40xi32, #tpu.memory_space<vmem>> -> memref<1x40xi32, #tpu.memory_space<vmem>>
        %dma_wait3A_38 = tpu.memref_squeeze %dma_wait3A_37 : memref<1x40xi32, #tpu.memory_space<vmem>> -> memref<40xi32, #tpu.memory_space<vmem>>
        %dma_wait3A_39 = arith.constant 0 : i32
        %dma_wait3A_40 = tpu.memref_slice %arg7[%dma_wait3A_39] : memref<10240xf32, #tpu.memory_space<vmem_shared>> -> memref<10240xf32, #tpu.memory_space<vmem_shared>>
        tpu.wait_indirect_dma semaphore(%run_scoped3A : memref<!tpu.dma_semaphore, #tpu.memory_space<semaphore_mem>>) src(%dma_wait3A_35 : memref<40xf32, #tpu.memory_space<vmem>>) dst(%dma_wait3A_40 : memref<10240xf32, #tpu.memory_space<vmem_shared>>)
        tpu.yield
      }) : () -> ()
    }
    %scan3A_18 = arith.constant 125 : i32
    %barrier3A_19 = arith.constant 0 : index
    tpu.barrier barrier_id(%barrier3A_19)
    %mul3A_20 = arith.constant 640 : i32
    %mul3A_21 = arith.muli %arg1, %mul3A_20 : i32
    %mul3A_22 = arith.constant 640 : i32
    %mul3A_23 = arith.muli %arg1, %mul3A_22 : i32
    "tpu.region"() ({
      %run_scoped3A = tpu.sem_alloc : memref<!tpu.dma_semaphore, #tpu.memory_space<semaphore_mem>>
      %dma_start3A = tpu.memref_slice %arg3[%arg0, %mul3A_23] : memref<2x10240xf32, #tpu.memory_space<hbm>> -> memref<1x640xf32, #tpu.memory_space<hbm>>
      %dma_start3A_24 = tpu.memref_squeeze %dma_start3A : memref<1x640xf32, #tpu.memory_space<hbm>> -> memref<640xf32, #tpu.memory_space<hbm>>
      %dma_start3A_25 = tpu.memref_slice %arg7[%mul3A_21] : memref<10240xf32, #tpu.memory_space<vmem_shared>> -> memref<640xf32, #tpu.memory_space<vmem_shared>>
      tpu.enqueue_dma source(%dma_start3A_25 : memref<640xf32, #tpu.memory_space<vmem_shared>>) target(%dma_start3A_24 : memref<640xf32, #tpu.memory_space<hbm>>) target_semaphore(%run_scoped3A : memref<!tpu.dma_semaphore, #tpu.memory_space<semaphore_mem>>)
      %dma_wait3A = tpu.memref_slice %arg3[%arg0, %mul3A_23] : memref<2x10240xf32, #tpu.memory_space<hbm>> -> memref<1x640xf32, #tpu.memory_space<hbm>>
      %dma_wait3A_26 = tpu.memref_squeeze %dma_wait3A : memref<1x640xf32, #tpu.memory_space<hbm>> -> memref<640xf32, #tpu.memory_space<hbm>>
      %dma_wait3A_27 = tpu.memref_slice %arg7[%mul3A_21] : memref<10240xf32, #tpu.memory_space<vmem_shared>> -> memref<640xf32, #tpu.memory_space<vmem_shared>>
      tpu.wait_dma2 semaphore(%run_scoped3A : memref<!tpu.dma_semaphore, #tpu.memory_space<semaphore_mem>>) src(%dma_wait3A_27 : memref<640xf32, #tpu.memory_space<vmem_shared>>) dst(%dma_wait3A_26 : memref<640xf32, #tpu.memory_space<hbm>>)
      tpu.yield
    }) : () -> ()
    return
  }
}

#map = affine_map<(d0, d1) -> (0, 0)>
#map1 = affine_map<(d0, d1) -> (0, 0, 0, 0)>
#map2 = affine_map<(d0, d1) -> (0, 0, 0)>
module attributes {stable_mosaic.version = 14 : i64} {
  func.func @k(%arg0: i32, %arg1: i32, %arg2: memref<20000x32xf32, #tpu.memory_space<hbm>>, %arg3: memref<2x16x125x80xi32, #tpu.memory_space<hbm>>, %arg4: memref<16x125x80xi32, #tpu.memory_space<hbm>>, %arg5: memref<16x625xf32, #tpu.memory_space<hbm>>, %arg6: memref<16x625xi32, #tpu.memory_space<hbm>>, %arg7: memref<2x16x2048xf32, #tpu.memory_space<hbm>>, %arg8: memref<125x80xi32, #tpu.memory_space<vmem>>, %arg9: memref<125x80xi32, #tpu.memory_space<vmem>>, %arg10: memref<80x32xf32, #tpu.memory_space<vmem>>, %arg11: memref<80x32xf32, #tpu.memory_space<vmem>>, %arg12: memref<80x32xf32, #tpu.memory_space<vmem>>, %arg13: memref<80x32xf32, #tpu.memory_space<vmem>>, %arg14: memref<80x32xf32, #tpu.memory_space<vmem>>, %arg15: memref<80x32xf32, #tpu.memory_space<vmem>>, %arg16: memref<80x32xf32, #tpu.memory_space<vmem>>, %arg17: memref<80x32xf32, #tpu.memory_space<vmem>>, %arg18: memref<625x32xf32, #tpu.memory_space<vmem>>, %arg19: memref<640xf32, #tpu.memory_space<vmem>>, %arg20: memref<640xi32, #tpu.memory_space<vmem>>, %arg21: memref<2048xf32, #tpu.memory_space<vmem>>, %arg22: memref<10000x32xf32, #tpu.memory_space<vmem_shared>>, %arg23: memref<!tpu.dma_semaphore, #tpu.memory_space<semaphore_mem>>, %arg24: memref<!tpu.dma_semaphore, #tpu.memory_space<semaphore_mem>>, %arg25: memref<!tpu.dma_semaphore, #tpu.memory_space<semaphore_mem>>, %arg26: memref<!tpu.dma_semaphore, #tpu.memory_space<semaphore_mem>>, %arg27: memref<!tpu.dma_semaphore, #tpu.memory_space<semaphore_mem>>, %arg28: memref<!tpu.dma_semaphore, #tpu.memory_space<semaphore_mem>>, %arg29: memref<!tpu.dma_semaphore, #tpu.memory_space<semaphore_mem>>, %arg30: memref<!tpu.dma_semaphore, #tpu.memory_space<semaphore_mem>>, %arg31: memref<!tpu.dma_semaphore, #tpu.memory_space<semaphore_mem>>, %arg32: memref<!tpu.dma_semaphore, #tpu.memory_space<semaphore_mem>>, %arg33: memref<!tpu.dma_semaphore, #tpu.memory_space<semaphore_mem>>, %arg34: memref<!tpu.dma_semaphore, #tpu.memory_space<semaphore_mem>>, %arg35: memref<!tpu.dma_semaphore, #tpu.memory_space<semaphore_mem>>, %arg36: memref<!tpu.dma_semaphore, #tpu.memory_space<semaphore_mem>>, %arg37: memref<!tpu.dma_semaphore, #tpu.memory_space<semaphore_mem>>, %arg38: memref<!tpu.dma_semaphore, #tpu.memory_space<semaphore_mem>>) attributes {dimension_semantics = [#tpu.dimension_semantics<core_parallel>, #tpu.dimension_semantics<subcore_parallel>], iteration_bounds = array<i64: 2, 16>, scalar_prefetch = 0 : i64, scratch_operands = 31 : i64, tpu.core_type = #tpu.core_type<sc_vector_subcore>, window_params = [{transform_indices = #map}, {transform_indices = #map1}, {transform_indices = #map2}, {transform_indices = #map}, {transform_indices = #map}, {transform_indices = #map2}]} {
    "tpu.region"() ({
      %run_scoped3A = tpu.sem_alloc : memref<!tpu.dma_semaphore, #tpu.memory_space<semaphore_mem>>
      %dma_start3A_405 = arith.constant 0 : i32
      %dma_start3A_406 = arith.constant 0 : i32
      %dma_start3A_407 = tpu.memref_slice %arg3[%arg0, %arg1, %dma_start3A_405, %dma_start3A_406] : memref<2x16x125x80xi32, #tpu.memory_space<hbm>> -> memref<1x1x125x80xi32, #tpu.memory_space<hbm>>
      %dma_start3A_408 = tpu.memref_squeeze %dma_start3A_407 : memref<1x1x125x80xi32, #tpu.memory_space<hbm>> -> memref<125x80xi32, #tpu.memory_space<hbm>>
      %dma_start3A_409 = arith.constant 0 : i32
      %dma_start3A_410 = arith.constant 0 : i32
      %dma_start3A_411 = tpu.memref_slice %arg3[%arg0, %arg1, %dma_start3A_409, %dma_start3A_410] : memref<2x16x125x80xi32, #tpu.memory_space<hbm>> -> memref<1x1x125x80xi32, #tpu.memory_space<hbm>>
      %dma_start3A_412 = tpu.memref_squeeze %dma_start3A_411 : memref<1x1x125x80xi32, #tpu.memory_space<hbm>> -> memref<125x80xi32, #tpu.memory_space<hbm>>
      tpu.enqueue_dma source(%dma_start3A_412 : memref<125x80xi32, #tpu.memory_space<hbm>>) target(%arg8 : memref<125x80xi32, #tpu.memory_space<vmem>>) target_semaphore(%run_scoped3A : memref<!tpu.dma_semaphore, #tpu.memory_space<semaphore_mem>>)
      %dma_wait3A_413 = arith.constant 0 : i32
      %dma_wait3A_414 = arith.constant 0 : i32
      %dma_wait3A_415 = tpu.memref_slice %arg3[%arg0, %arg1, %dma_wait3A_413, %dma_wait3A_414] : memref<2x16x125x80xi32, #tpu.memory_space<hbm>> -> memref<1x1x125x80xi32, #tpu.memory_space<hbm>>
      %dma_wait3A_416 = tpu.memref_squeeze %dma_wait3A_415 : memref<1x1x125x80xi32, #tpu.memory_space<hbm>> -> memref<125x80xi32, #tpu.memory_space<hbm>>
      %dma_wait3A_417 = arith.constant 0 : i32
      %dma_wait3A_418 = arith.constant 0 : i32
      %dma_wait3A_419 = tpu.memref_slice %arg3[%arg0, %arg1, %dma_wait3A_417, %dma_wait3A_418] : memref<2x16x125x80xi32, #tpu.memory_space<hbm>> -> memref<1x1x125x80xi32, #tpu.memory_space<hbm>>
      %dma_wait3A_420 = tpu.memref_squeeze %dma_wait3A_419 : memref<1x1x125x80xi32, #tpu.memory_space<hbm>> -> memref<125x80xi32, #tpu.memory_space<hbm>>
      tpu.wait_dma2 semaphore(%run_scoped3A : memref<!tpu.dma_semaphore, #tpu.memory_space<semaphore_mem>>) src(%dma_wait3A_420 : memref<125x80xi32, #tpu.memory_space<hbm>>) dst(%arg8 : memref<125x80xi32, #tpu.memory_space<vmem>>)
      tpu.yield
    }) : () -> ()
    "tpu.region"() ({
      %run_scoped3A = tpu.sem_alloc : memref<!tpu.dma_semaphore, #tpu.memory_space<semaphore_mem>>
      %dma_start3A_405 = arith.constant 0 : i32
      %dma_start3A_406 = arith.constant 0 : i32
      %dma_start3A_407 = tpu.memref_slice %arg4[%arg1, %dma_start3A_405, %dma_start3A_406] : memref<16x125x80xi32, #tpu.memory_space<hbm>> -> memref<1x125x80xi32, #tpu.memory_space<hbm>>
      %dma_start3A_408 = tpu.memref_squeeze %dma_start3A_407 : memref<1x125x80xi32, #tpu.memory_space<hbm>> -> memref<125x80xi32, #tpu.memory_space<hbm>>
      %dma_start3A_409 = arith.constant 0 : i32
      %dma_start3A_410 = arith.constant 0 : i32
      %dma_start3A_411 = tpu.memref_slice %arg4[%arg1, %dma_start3A_409, %dma_start3A_410] : memref<16x125x80xi32, #tpu.memory_space<hbm>> -> memref<1x125x80xi32, #tpu.memory_space<hbm>>
      %dma_start3A_412 = tpu.memref_squeeze %dma_start3A_411 : memref<1x125x80xi32, #tpu.memory_space<hbm>> -> memref<125x80xi32, #tpu.memory_space<hbm>>
      tpu.enqueue_dma source(%dma_start3A_412 : memref<125x80xi32, #tpu.memory_space<hbm>>) target(%arg9 : memref<125x80xi32, #tpu.memory_space<vmem>>) target_semaphore(%run_scoped3A : memref<!tpu.dma_semaphore, #tpu.memory_space<semaphore_mem>>)
      %dma_wait3A_413 = arith.constant 0 : i32
      %dma_wait3A_414 = arith.constant 0 : i32
      %dma_wait3A_415 = tpu.memref_slice %arg4[%arg1, %dma_wait3A_413, %dma_wait3A_414] : memref<16x125x80xi32, #tpu.memory_space<hbm>> -> memref<1x125x80xi32, #tpu.memory_space<hbm>>
      %dma_wait3A_416 = tpu.memref_squeeze %dma_wait3A_415 : memref<1x125x80xi32, #tpu.memory_space<hbm>> -> memref<125x80xi32, #tpu.memory_space<hbm>>
      %dma_wait3A_417 = arith.constant 0 : i32
      %dma_wait3A_418 = arith.constant 0 : i32
      %dma_wait3A_419 = tpu.memref_slice %arg4[%arg1, %dma_wait3A_417, %dma_wait3A_418] : memref<16x125x80xi32, #tpu.memory_space<hbm>> -> memref<1x125x80xi32, #tpu.memory_space<hbm>>
      %dma_wait3A_420 = tpu.memref_squeeze %dma_wait3A_419 : memref<1x125x80xi32, #tpu.memory_space<hbm>> -> memref<125x80xi32, #tpu.memory_space<hbm>>
      tpu.wait_dma2 semaphore(%run_scoped3A : memref<!tpu.dma_semaphore, #tpu.memory_space<semaphore_mem>>) src(%dma_wait3A_420 : memref<125x80xi32, #tpu.memory_space<hbm>>) dst(%arg9 : memref<125x80xi32, #tpu.memory_space<vmem>>)
      tpu.yield
    }) : () -> ()
    %mul3A = arith.constant 10000 : i32
    %mul3A_0 = arith.muli %arg0, %mul3A : i32
    %mul3A_1 = arith.constant 625 : i32
    %mul3A_2 = arith.muli %arg1, %mul3A_1 : i32
    %add3A = arith.addi %mul3A_0, %mul3A_2 : i32
    %mul3A_3 = arith.constant 625 : i32
    %mul3A_4 = arith.muli %arg1, %mul3A_3 : i32
    "tpu.region"() ({
      %run_scoped3A = tpu.sem_alloc : memref<!tpu.dma_semaphore, #tpu.memory_space<semaphore_mem>>
      %dma_start3A_405 = arith.constant 0 : i32
      %dma_start3A_406 = tpu.memref_slice %arg22[%mul3A_4, %dma_start3A_405] : memref<10000x32xf32, #tpu.memory_space<vmem_shared>> -> memref<625x32xf32, #tpu.memory_space<vmem_shared>>
      %dma_start3A_407 = arith.constant 0 : i32
      %dma_start3A_408 = tpu.memref_slice %arg2[%add3A, %dma_start3A_407] : memref<20000x32xf32, #tpu.memory_space<hbm>> -> memref<625x32xf32, #tpu.memory_space<hbm>>
      tpu.enqueue_dma source(%dma_start3A_408 : memref<625x32xf32, #tpu.memory_space<hbm>>) target(%dma_start3A_406 : memref<625x32xf32, #tpu.memory_space<vmem_shared>>) target_semaphore(%run_scoped3A : memref<!tpu.dma_semaphore, #tpu.memory_space<semaphore_mem>>)
      %dma_wait3A_409 = arith.constant 0 : i32
      %dma_wait3A_410 = tpu.memref_slice %arg22[%mul3A_4, %dma_wait3A_409] : memref<10000x32xf32, #tpu.memory_space<vmem_shared>> -> memref<625x32xf32, #tpu.memory_space<vmem_shared>>
      %dma_wait3A_411 = arith.constant 0 : i32
      %dma_wait3A_412 = tpu.memref_slice %arg2[%add3A, %dma_wait3A_411] : memref<20000x32xf32, #tpu.memory_space<hbm>> -> memref<625x32xf32, #tpu.memory_space<hbm>>
      tpu.wait_dma2 semaphore(%run_scoped3A : memref<!tpu.dma_semaphore, #tpu.memory_space<semaphore_mem>>) src(%dma_wait3A_412 : memref<625x32xf32, #tpu.memory_space<hbm>>) dst(%dma_wait3A_410 : memref<625x32xf32, #tpu.memory_space<vmem_shared>>)
      tpu.yield
    }) : () -> ()
    %barrier3A = arith.constant 0 : index
    tpu.barrier barrier_id(%barrier3A)
    %dma_start3A = arith.constant 0 : i32
    %dma_start3A_5 = arith.constant 0 : i32
    %dma_start3A_6 = tpu.memref_slice %arg8[%dma_start3A, %dma_start3A_5] : memref<125x80xi32, #tpu.memory_space<vmem>> -> memref<1x80xi32, #tpu.memory_space<vmem>>
    %dma_start3A_7 = tpu.memref_squeeze %dma_start3A_6 : memref<1x80xi32, #tpu.memory_space<vmem>> -> memref<80xi32, #tpu.memory_space<vmem>>
    %dma_start3A_8 = arith.constant 0 : i32
    %dma_start3A_9 = arith.constant 0 : i32
    %dma_start3A_10 = tpu.memref_slice %arg2[%dma_start3A_8, %dma_start3A_9] : memref<20000x32xf32, #tpu.memory_space<hbm>> -> memref<20000x32xf32, #tpu.memory_space<hbm>>
    tpu.enqueue_indirect_dma source(%dma_start3A_10 : memref<20000x32xf32, #tpu.memory_space<hbm>>) target(%arg10 : memref<80x32xf32, #tpu.memory_space<vmem>>) offsets(%dma_start3A_7 : memref<80xi32, #tpu.memory_space<vmem>>) semaphore(%arg23 : memref<!tpu.dma_semaphore, #tpu.memory_space<semaphore_mem>>)
    %dma_start3A_11 = arith.constant 1 : i32
    %dma_start3A_12 = arith.constant 0 : i32
    %dma_start3A_13 = tpu.memref_slice %arg8[%dma_start3A_11, %dma_start3A_12] : memref<125x80xi32, #tpu.memory_space<vmem>> -> memref<1x80xi32, #tpu.memory_space<vmem>>
    %dma_start3A_14 = tpu.memref_squeeze %dma_start3A_13 : memref<1x80xi32, #tpu.memory_space<vmem>> -> memref<80xi32, #tpu.memory_space<vmem>>
    %dma_start3A_15 = arith.constant 0 : i32
    %dma_start3A_16 = arith.constant 0 : i32
    %dma_start3A_17 = tpu.memref_slice %arg2[%dma_start3A_15, %dma_start3A_16] : memref<20000x32xf32, #tpu.memory_space<hbm>> -> memref<20000x32xf32, #tpu.memory_space<hbm>>
    tpu.enqueue_indirect_dma source(%dma_start3A_17 : memref<20000x32xf32, #tpu.memory_space<hbm>>) target(%arg11 : memref<80x32xf32, #tpu.memory_space<vmem>>) offsets(%dma_start3A_14 : memref<80xi32, #tpu.memory_space<vmem>>) semaphore(%arg24 : memref<!tpu.dma_semaphore, #tpu.memory_space<semaphore_mem>>)
    %dma_start3A_18 = arith.constant 2 : i32
    %dma_start3A_19 = arith.constant 0 : i32
    %dma_start3A_20 = tpu.memref_slice %arg8[%dma_start3A_18, %dma_start3A_19] : memref<125x80xi32, #tpu.memory_space<vmem>> -> memref<1x80xi32, #tpu.memory_space<vmem>>
    %dma_start3A_21 = tpu.memref_squeeze %dma_start3A_20 : memref<1x80xi32, #tpu.memory_space<vmem>> -> memref<80xi32, #tpu.memory_space<vmem>>
    %dma_start3A_22 = arith.constant 0 : i32
    %dma_start3A_23 = arith.constant 0 : i32
    %dma_start3A_24 = tpu.memref_slice %arg2[%dma_start3A_22, %dma_start3A_23] : memref<20000x32xf32, #tpu.memory_space<hbm>> -> memref<20000x32xf32, #tpu.memory_space<hbm>>
    tpu.enqueue_indirect_dma source(%dma_start3A_24 : memref<20000x32xf32, #tpu.memory_space<hbm>>) target(%arg12 : memref<80x32xf32, #tpu.memory_space<vmem>>) offsets(%dma_start3A_21 : memref<80xi32, #tpu.memory_space<vmem>>) semaphore(%arg25 : memref<!tpu.dma_semaphore, #tpu.memory_space<semaphore_mem>>)
    %dma_start3A_25 = arith.constant 3 : i32
    %dma_start3A_26 = arith.constant 0 : i32
    %dma_start3A_27 = tpu.memref_slice %arg8[%dma_start3A_25, %dma_start3A_26] : memref<125x80xi32, #tpu.memory_space<vmem>> -> memref<1x80xi32, #tpu.memory_space<vmem>>
    %dma_start3A_28 = tpu.memref_squeeze %dma_start3A_27 : memref<1x80xi32, #tpu.memory_space<vmem>> -> memref<80xi32, #tpu.memory_space<vmem>>
    %dma_start3A_29 = arith.constant 0 : i32
    %dma_start3A_30 = arith.constant 0 : i32
    %dma_start3A_31 = tpu.memref_slice %arg2[%dma_start3A_29, %dma_start3A_30] : memref<20000x32xf32, #tpu.memory_space<hbm>> -> memref<20000x32xf32, #tpu.memory_space<hbm>>
    tpu.enqueue_indirect_dma source(%dma_start3A_31 : memref<20000x32xf32, #tpu.memory_space<hbm>>) target(%arg13 : memref<80x32xf32, #tpu.memory_space<vmem>>) offsets(%dma_start3A_28 : memref<80xi32, #tpu.memory_space<vmem>>) semaphore(%arg26 : memref<!tpu.dma_semaphore, #tpu.memory_space<semaphore_mem>>)
    %dma_wait3A = arith.constant 0 : i32
    %dma_wait3A_32 = arith.constant 0 : i32
    %dma_wait3A_33 = tpu.memref_slice %arg8[%dma_wait3A, %dma_wait3A_32] : memref<125x80xi32, #tpu.memory_space<vmem>> -> memref<1x80xi32, #tpu.memory_space<vmem>>
    %dma_wait3A_34 = tpu.memref_squeeze %dma_wait3A_33 : memref<1x80xi32, #tpu.memory_space<vmem>> -> memref<80xi32, #tpu.memory_space<vmem>>
    %dma_wait3A_35 = arith.constant 0 : i32
    %dma_wait3A_36 = arith.constant 0 : i32
    %dma_wait3A_37 = tpu.memref_slice %arg2[%dma_wait3A_35, %dma_wait3A_36] : memref<20000x32xf32, #tpu.memory_space<hbm>> -> memref<20000x32xf32, #tpu.memory_space<hbm>>
    tpu.wait_indirect_dma semaphore(%arg23 : memref<!tpu.dma_semaphore, #tpu.memory_space<semaphore_mem>>) src(%dma_wait3A_37 : memref<20000x32xf32, #tpu.memory_space<hbm>>) dst(%arg10 : memref<80x32xf32, #tpu.memory_space<vmem>>)
    %dma_start3A_38 = arith.constant 0 : i32
    %dma_start3A_39 = arith.constant 0 : i32
    %dma_start3A_40 = tpu.memref_slice %arg9[%dma_start3A_38, %dma_start3A_39] : memref<125x80xi32, #tpu.memory_space<vmem>> -> memref<1x80xi32, #tpu.memory_space<vmem>>
    %dma_start3A_41 = tpu.memref_squeeze %dma_start3A_40 : memref<1x80xi32, #tpu.memory_space<vmem>> -> memref<80xi32, #tpu.memory_space<vmem>>
    %dma_start3A_42 = arith.constant 0 : i32
    %dma_start3A_43 = arith.constant 0 : i32
    %dma_start3A_44 = tpu.memref_slice %arg22[%dma_start3A_42, %dma_start3A_43] : memref<10000x32xf32, #tpu.memory_space<vmem_shared>> -> memref<10000x32xf32, #tpu.memory_space<vmem_shared>>
    tpu.enqueue_indirect_dma source(%arg10 : memref<80x32xf32, #tpu.memory_space<vmem>>) target(%dma_start3A_44 : memref<10000x32xf32, #tpu.memory_space<vmem_shared>>) offsets(%dma_start3A_41 : memref<80xi32, #tpu.memory_space<vmem>>) semaphore(%arg31 : memref<!tpu.dma_semaphore, #tpu.memory_space<semaphore_mem>>) {add = true}
    %dma_start3A_45 = arith.constant 4 : i32
    %dma_start3A_46 = arith.constant 0 : i32
    %dma_start3A_47 = tpu.memref_slice %arg8[%dma_start3A_45, %dma_start3A_46] : memref<125x80xi32, #tpu.memory_space<vmem>> -> memref<1x80xi32, #tpu.memory_space<vmem>>
    %dma_start3A_48 = tpu.memref_squeeze %dma_start3A_47 : memref<1x80xi32, #tpu.memory_space<vmem>> -> memref<80xi32, #tpu.memory_space<vmem>>
    %dma_start3A_49 = arith.constant 0 : i32
    %dma_start3A_50 = arith.constant 0 : i32
    %dma_start3A_51 = tpu.memref_slice %arg2[%dma_start3A_49, %dma_start3A_50] : memref<20000x32xf32, #tpu.memory_space<hbm>> -> memref<20000x32xf32, #tpu.memory_space<hbm>>
    tpu.enqueue_indirect_dma source(%dma_start3A_51 : memref<20000x32xf32, #tpu.memory_space<hbm>>) target(%arg14 : memref<80x32xf32, #tpu.memory_space<vmem>>) offsets(%dma_start3A_48 : memref<80xi32, #tpu.memory_space<vmem>>) semaphore(%arg27 : memref<!tpu.dma_semaphore, #tpu.memory_space<semaphore_mem>>)
    %dma_wait3A_52 = arith.constant 1 : i32
    %dma_wait3A_53 = arith.constant 0 : i32
    %dma_wait3A_54 = tpu.memref_slice %arg8[%dma_wait3A_52, %dma_wait3A_53] : memref<125x80xi32, #tpu.memory_space<vmem>> -> memref<1x80xi32, #tpu.memory_space<vmem>>
    %dma_wait3A_55 = tpu.memref_squeeze %dma_wait3A_54 : memref<1x80xi32, #tpu.memory_space<vmem>> -> memref<80xi32, #tpu.memory_space<vmem>>
    %dma_wait3A_56 = arith.constant 0 : i32
    %dma_wait3A_57 = arith.constant 0 : i32
    %dma_wait3A_58 = tpu.memref_slice %arg2[%dma_wait3A_56, %dma_wait3A_57] : memref<20000x32xf32, #tpu.memory_space<hbm>> -> memref<20000x32xf32, #tpu.memory_space<hbm>>
    tpu.wait_indirect_dma semaphore(%arg24 : memref<!tpu.dma_semaphore, #tpu.memory_space<semaphore_mem>>) src(%dma_wait3A_58 : memref<20000x32xf32, #tpu.memory_space<hbm>>) dst(%arg11 : memref<80x32xf32, #tpu.memory_space<vmem>>)
    %dma_start3A_59 = arith.constant 1 : i32
    %dma_start3A_60 = arith.constant 0 : i32
    %dma_start3A_61 = tpu.memref_slice %arg9[%dma_start3A_59, %dma_start3A_60] : memref<125x80xi32, #tpu.memory_space<vmem>> -> memref<1x80xi32, #tpu.memory_space<vmem>>
    %dma_start3A_62 = tpu.memref_squeeze %dma_start3A_61 : memref<1x80xi32, #tpu.memory_space<vmem>> -> memref<80xi32, #tpu.memory_space<vmem>>
    %dma_start3A_63 = arith.constant 0 : i32
    %dma_start3A_64 = arith.constant 0 : i32
    %dma_start3A_65 = tpu.memref_slice %arg22[%dma_start3A_63, %dma_start3A_64] : memref<10000x32xf32, #tpu.memory_space<vmem_shared>> -> memref<10000x32xf32, #tpu.memory_space<vmem_shared>>
    tpu.enqueue_indirect_dma source(%arg11 : memref<80x32xf32, #tpu.memory_space<vmem>>) target(%dma_start3A_65 : memref<10000x32xf32, #tpu.memory_space<vmem_shared>>) offsets(%dma_start3A_62 : memref<80xi32, #tpu.memory_space<vmem>>) semaphore(%arg32 : memref<!tpu.dma_semaphore, #tpu.memory_space<semaphore_mem>>) {add = true}
    %dma_start3A_66 = arith.constant 5 : i32
    %dma_start3A_67 = arith.constant 0 : i32
    %dma_start3A_68 = tpu.memref_slice %arg8[%dma_start3A_66, %dma_start3A_67] : memref<125x80xi32, #tpu.memory_space<vmem>> -> memref<1x80xi32, #tpu.memory_space<vmem>>
    %dma_start3A_69 = tpu.memref_squeeze %dma_start3A_68 : memref<1x80xi32, #tpu.memory_space<vmem>> -> memref<80xi32, #tpu.memory_space<vmem>>
    %dma_start3A_70 = arith.constant 0 : i32
    %dma_start3A_71 = arith.constant 0 : i32
    %dma_start3A_72 = tpu.memref_slice %arg2[%dma_start3A_70, %dma_start3A_71] : memref<20000x32xf32, #tpu.memory_space<hbm>> -> memref<20000x32xf32, #tpu.memory_space<hbm>>
    tpu.enqueue_indirect_dma source(%dma_start3A_72 : memref<20000x32xf32, #tpu.memory_space<hbm>>) target(%arg15 : memref<80x32xf32, #tpu.memory_space<vmem>>) offsets(%dma_start3A_69 : memref<80xi32, #tpu.memory_space<vmem>>) semaphore(%arg28 : memref<!tpu.dma_semaphore, #tpu.memory_space<semaphore_mem>>)
    %dma_wait3A_73 = arith.constant 2 : i32
    %dma_wait3A_74 = arith.constant 0 : i32
    %dma_wait3A_75 = tpu.memref_slice %arg8[%dma_wait3A_73, %dma_wait3A_74] : memref<125x80xi32, #tpu.memory_space<vmem>> -> memref<1x80xi32, #tpu.memory_space<vmem>>
    %dma_wait3A_76 = tpu.memref_squeeze %dma_wait3A_75 : memref<1x80xi32, #tpu.memory_space<vmem>> -> memref<80xi32, #tpu.memory_space<vmem>>
    %dma_wait3A_77 = arith.constant 0 : i32
    %dma_wait3A_78 = arith.constant 0 : i32
    %dma_wait3A_79 = tpu.memref_slice %arg2[%dma_wait3A_77, %dma_wait3A_78] : memref<20000x32xf32, #tpu.memory_space<hbm>> -> memref<20000x32xf32, #tpu.memory_space<hbm>>
    tpu.wait_indirect_dma semaphore(%arg25 : memref<!tpu.dma_semaphore, #tpu.memory_space<semaphore_mem>>) src(%dma_wait3A_79 : memref<20000x32xf32, #tpu.memory_space<hbm>>) dst(%arg12 : memref<80x32xf32, #tpu.memory_space<vmem>>)
    %dma_start3A_80 = arith.constant 2 : i32
    %dma_start3A_81 = arith.constant 0 : i32
    %dma_start3A_82 = tpu.memref_slice %arg9[%dma_start3A_80, %dma_start3A_81] : memref<125x80xi32, #tpu.memory_space<vmem>> -> memref<1x80xi32, #tpu.memory_space<vmem>>
    %dma_start3A_83 = tpu.memref_squeeze %dma_start3A_82 : memref<1x80xi32, #tpu.memory_space<vmem>> -> memref<80xi32, #tpu.memory_space<vmem>>
    %dma_start3A_84 = arith.constant 0 : i32
    %dma_start3A_85 = arith.constant 0 : i32
    %dma_start3A_86 = tpu.memref_slice %arg22[%dma_start3A_84, %dma_start3A_85] : memref<10000x32xf32, #tpu.memory_space<vmem_shared>> -> memref<10000x32xf32, #tpu.memory_space<vmem_shared>>
    tpu.enqueue_indirect_dma source(%arg12 : memref<80x32xf32, #tpu.memory_space<vmem>>) target(%dma_start3A_86 : memref<10000x32xf32, #tpu.memory_space<vmem_shared>>) offsets(%dma_start3A_83 : memref<80xi32, #tpu.memory_space<vmem>>) semaphore(%arg33 : memref<!tpu.dma_semaphore, #tpu.memory_space<semaphore_mem>>) {add = true}
    %dma_start3A_87 = arith.constant 6 : i32
    %dma_start3A_88 = arith.constant 0 : i32
    %dma_start3A_89 = tpu.memref_slice %arg8[%dma_start3A_87, %dma_start3A_88] : memref<125x80xi32, #tpu.memory_space<vmem>> -> memref<1x80xi32, #tpu.memory_space<vmem>>
    %dma_start3A_90 = tpu.memref_squeeze %dma_start3A_89 : memref<1x80xi32, #tpu.memory_space<vmem>> -> memref<80xi32, #tpu.memory_space<vmem>>
    %dma_start3A_91 = arith.constant 0 : i32
    %dma_start3A_92 = arith.constant 0 : i32
    %dma_start3A_93 = tpu.memref_slice %arg2[%dma_start3A_91, %dma_start3A_92] : memref<20000x32xf32, #tpu.memory_space<hbm>> -> memref<20000x32xf32, #tpu.memory_space<hbm>>
    tpu.enqueue_indirect_dma source(%dma_start3A_93 : memref<20000x32xf32, #tpu.memory_space<hbm>>) target(%arg16 : memref<80x32xf32, #tpu.memory_space<vmem>>) offsets(%dma_start3A_90 : memref<80xi32, #tpu.memory_space<vmem>>) semaphore(%arg29 : memref<!tpu.dma_semaphore, #tpu.memory_space<semaphore_mem>>)
    %dma_wait3A_94 = arith.constant 3 : i32
    %dma_wait3A_95 = arith.constant 0 : i32
    %dma_wait3A_96 = tpu.memref_slice %arg8[%dma_wait3A_94, %dma_wait3A_95] : memref<125x80xi32, #tpu.memory_space<vmem>> -> memref<1x80xi32, #tpu.memory_space<vmem>>
    %dma_wait3A_97 = tpu.memref_squeeze %dma_wait3A_96 : memref<1x80xi32, #tpu.memory_space<vmem>> -> memref<80xi32, #tpu.memory_space<vmem>>
    %dma_wait3A_98 = arith.constant 0 : i32
    %dma_wait3A_99 = arith.constant 0 : i32
    %dma_wait3A_100 = tpu.memref_slice %arg2[%dma_wait3A_98, %dma_wait3A_99] : memref<20000x32xf32, #tpu.memory_space<hbm>> -> memref<20000x32xf32, #tpu.memory_space<hbm>>
    tpu.wait_indirect_dma semaphore(%arg26 : memref<!tpu.dma_semaphore, #tpu.memory_space<semaphore_mem>>) src(%dma_wait3A_100 : memref<20000x32xf32, #tpu.memory_space<hbm>>) dst(%arg13 : memref<80x32xf32, #tpu.memory_space<vmem>>)
    %dma_start3A_101 = arith.constant 3 : i32
    %dma_start3A_102 = arith.constant 0 : i32
    %dma_start3A_103 = tpu.memref_slice %arg9[%dma_start3A_101, %dma_start3A_102] : memref<125x80xi32, #tpu.memory_space<vmem>> -> memref<1x80xi32, #tpu.memory_space<vmem>>
    %dma_start3A_104 = tpu.memref_squeeze %dma_start3A_103 : memref<1x80xi32, #tpu.memory_space<vmem>> -> memref<80xi32, #tpu.memory_space<vmem>>
    %dma_start3A_105 = arith.constant 0 : i32
    %dma_start3A_106 = arith.constant 0 : i32
    %dma_start3A_107 = tpu.memref_slice %arg22[%dma_start3A_105, %dma_start3A_106] : memref<10000x32xf32, #tpu.memory_space<vmem_shared>> -> memref<10000x32xf32, #tpu.memory_space<vmem_shared>>
    tpu.enqueue_indirect_dma source(%arg13 : memref<80x32xf32, #tpu.memory_space<vmem>>) target(%dma_start3A_107 : memref<10000x32xf32, #tpu.memory_space<vmem_shared>>) offsets(%dma_start3A_104 : memref<80xi32, #tpu.memory_space<vmem>>) semaphore(%arg34 : memref<!tpu.dma_semaphore, #tpu.memory_space<semaphore_mem>>) {add = true}
    %dma_start3A_108 = arith.constant 7 : i32
    %dma_start3A_109 = arith.constant 0 : i32
    %dma_start3A_110 = tpu.memref_slice %arg8[%dma_start3A_108, %dma_start3A_109] : memref<125x80xi32, #tpu.memory_space<vmem>> -> memref<1x80xi32, #tpu.memory_space<vmem>>
    %dma_start3A_111 = tpu.memref_squeeze %dma_start3A_110 : memref<1x80xi32, #tpu.memory_space<vmem>> -> memref<80xi32, #tpu.memory_space<vmem>>
    %dma_start3A_112 = arith.constant 0 : i32
    %dma_start3A_113 = arith.constant 0 : i32
    %dma_start3A_114 = tpu.memref_slice %arg2[%dma_start3A_112, %dma_start3A_113] : memref<20000x32xf32, #tpu.memory_space<hbm>> -> memref<20000x32xf32, #tpu.memory_space<hbm>>
    tpu.enqueue_indirect_dma source(%dma_start3A_114 : memref<20000x32xf32, #tpu.memory_space<hbm>>) target(%arg17 : memref<80x32xf32, #tpu.memory_space<vmem>>) offsets(%dma_start3A_111 : memref<80xi32, #tpu.memory_space<vmem>>) semaphore(%arg30 : memref<!tpu.dma_semaphore, #tpu.memory_space<semaphore_mem>>)
    %scan3A = arith.constant 0 : i32
    %scan3A_115 = arith.constant 14 : i32
    %scan3A_116 = arith.addi %scan3A, %scan3A_115 : i32
    %scan3A_117 = arith.constant 1 : i32
    scf.for %scan3A_405 = %scan3A to %scan3A_116 step %scan3A_117  : i32 {
      %mul3A_406 = arith.constant 8 : i32
      %mul3A_407 = arith.muli %scan3A_405, %mul3A_406 : i32
      %add3A_408 = arith.constant 4 : i32
      %add3A_409 = arith.addi %add3A_408, %mul3A_407 : i32
      %add3A_410 = arith.constant 0 : i32
      %add3A_411 = arith.addi %add3A_409, %add3A_410 : i32
      %dma_wait3A_412 = arith.constant 0 : i32
      %dma_wait3A_413 = tpu.memref_slice %arg8[%add3A_411, %dma_wait3A_412] : memref<125x80xi32, #tpu.memory_space<vmem>> -> memref<1x80xi32, #tpu.memory_space<vmem>>
      %dma_wait3A_414 = tpu.memref_squeeze %dma_wait3A_413 : memref<1x80xi32, #tpu.memory_space<vmem>> -> memref<80xi32, #tpu.memory_space<vmem>>
      %dma_wait3A_415 = arith.constant 0 : i32
      %dma_wait3A_416 = arith.constant 0 : i32
      %dma_wait3A_417 = tpu.memref_slice %arg2[%dma_wait3A_415, %dma_wait3A_416] : memref<20000x32xf32, #tpu.memory_space<hbm>> -> memref<20000x32xf32, #tpu.memory_space<hbm>>
      tpu.wait_indirect_dma semaphore(%arg27 : memref<!tpu.dma_semaphore, #tpu.memory_space<semaphore_mem>>) src(%dma_wait3A_417 : memref<20000x32xf32, #tpu.memory_space<hbm>>) dst(%arg14 : memref<80x32xf32, #tpu.memory_space<vmem>>)
      %dma_start3A_418 = arith.constant 0 : i32
      %dma_start3A_419 = tpu.memref_slice %arg9[%add3A_411, %dma_start3A_418] : memref<125x80xi32, #tpu.memory_space<vmem>> -> memref<1x80xi32, #tpu.memory_space<vmem>>
      %dma_start3A_420 = tpu.memref_squeeze %dma_start3A_419 : memref<1x80xi32, #tpu.memory_space<vmem>> -> memref<80xi32, #tpu.memory_space<vmem>>
      %dma_start3A_421 = arith.constant 0 : i32
      %dma_start3A_422 = arith.constant 0 : i32
      %dma_start3A_423 = tpu.memref_slice %arg22[%dma_start3A_421, %dma_start3A_422] : memref<10000x32xf32, #tpu.memory_space<vmem_shared>> -> memref<10000x32xf32, #tpu.memory_space<vmem_shared>>
      tpu.enqueue_indirect_dma source(%arg14 : memref<80x32xf32, #tpu.memory_space<vmem>>) target(%dma_start3A_423 : memref<10000x32xf32, #tpu.memory_space<vmem_shared>>) offsets(%dma_start3A_420 : memref<80xi32, #tpu.memory_space<vmem>>) semaphore(%arg35 : memref<!tpu.dma_semaphore, #tpu.memory_space<semaphore_mem>>) {add = true}
      %sub3A = arith.constant 4 : i32
      %sub3A_424 = arith.subi %add3A_411, %sub3A : i32
      %dma_wait3A_425 = arith.constant 0 : i32
      %dma_wait3A_426 = tpu.memref_slice %arg9[%sub3A_424, %dma_wait3A_425] : memref<125x80xi32, #tpu.memory_space<vmem>> -> memref<1x80xi32, #tpu.memory_space<vmem>>
      %dma_wait3A_427 = tpu.memref_squeeze %dma_wait3A_426 : memref<1x80xi32, #tpu.memory_space<vmem>> -> memref<80xi32, #tpu.memory_space<vmem>>
      %dma_wait3A_428 = arith.constant 0 : i32
      %dma_wait3A_429 = arith.constant 0 : i32
      %dma_wait3A_430 = tpu.memref_slice %arg22[%dma_wait3A_428, %dma_wait3A_429] : memref<10000x32xf32, #tpu.memory_space<vmem_shared>> -> memref<10000x32xf32, #tpu.memory_space<vmem_shared>>
      tpu.wait_indirect_dma semaphore(%arg31 : memref<!tpu.dma_semaphore, #tpu.memory_space<semaphore_mem>>) src(%arg10 : memref<80x32xf32, #tpu.memory_space<vmem>>) dst(%dma_wait3A_430 : memref<10000x32xf32, #tpu.memory_space<vmem_shared>>)
      %add3A_431 = arith.constant 4 : i32
      %add3A_432 = arith.addi %add3A_411, %add3A_431 : i32
      %dma_start3A_433 = arith.constant 0 : i32
      %dma_start3A_434 = tpu.memref_slice %arg8[%add3A_432, %dma_start3A_433] : memref<125x80xi32, #tpu.memory_space<vmem>> -> memref<1x80xi32, #tpu.memory_space<vmem>>
      %dma_start3A_435 = tpu.memref_squeeze %dma_start3A_434 : memref<1x80xi32, #tpu.memory_space<vmem>> -> memref<80xi32, #tpu.memory_space<vmem>>
      %dma_start3A_436 = arith.constant 0 : i32
      %dma_start3A_437 = arith.constant 0 : i32
      %dma_start3A_438 = tpu.memref_slice %arg2[%dma_start3A_436, %dma_start3A_437] : memref<20000x32xf32, #tpu.memory_space<hbm>> -> memref<20000x32xf32, #tpu.memory_space<hbm>>
      tpu.enqueue_indirect_dma source(%dma_start3A_438 : memref<20000x32xf32, #tpu.memory_space<hbm>>) target(%arg10 : memref<80x32xf32, #tpu.memory_space<vmem>>) offsets(%dma_start3A_435 : memref<80xi32, #tpu.memory_space<vmem>>) semaphore(%arg23 : memref<!tpu.dma_semaphore, #tpu.memory_space<semaphore_mem>>)
      %add3A_439 = arith.constant 1 : i32
      %add3A_440 = arith.addi %add3A_409, %add3A_439 : i32
      %dma_wait3A_441 = arith.constant 0 : i32
      %dma_wait3A_442 = tpu.memref_slice %arg8[%add3A_440, %dma_wait3A_441] : memref<125x80xi32, #tpu.memory_space<vmem>> -> memref<1x80xi32, #tpu.memory_space<vmem>>
      %dma_wait3A_443 = tpu.memref_squeeze %dma_wait3A_442 : memref<1x80xi32, #tpu.memory_space<vmem>> -> memref<80xi32, #tpu.memory_space<vmem>>
      %dma_wait3A_444 = arith.constant 0 : i32
      %dma_wait3A_445 = arith.constant 0 : i32
      %dma_wait3A_446 = tpu.memref_slice %arg2[%dma_wait3A_444, %dma_wait3A_445] : memref<20000x32xf32, #tpu.memory_space<hbm>> -> memref<20000x32xf32, #tpu.memory_space<hbm>>
      tpu.wait_indirect_dma semaphore(%arg28 : memref<!tpu.dma_semaphore, #tpu.memory_space<semaphore_mem>>) src(%dma_wait3A_446 : memref<20000x32xf32, #tpu.memory_space<hbm>>) dst(%arg15 : memref<80x32xf32, #tpu.memory_space<vmem>>)
      %dma_start3A_447 = arith.constant 0 : i32
      %dma_start3A_448 = tpu.memref_slice %arg9[%add3A_440, %dma_start3A_447] : memref<125x80xi32, #tpu.memory_space<vmem>> -> memref<1x80xi32, #tpu.memory_space<vmem>>
      %dma_start3A_449 = tpu.memref_squeeze %dma_start3A_448 : memref<1x80xi32, #tpu.memory_space<vmem>> -> memref<80xi32, #tpu.memory_space<vmem>>
      %dma_start3A_450 = arith.constant 0 : i32
      %dma_start3A_451 = arith.constant 0 : i32
      %dma_start3A_452 = tpu.memref_slice %arg22[%dma_start3A_450, %dma_start3A_451] : memref<10000x32xf32, #tpu.memory_space<vmem_shared>> -> memref<10000x32xf32, #tpu.memory_space<vmem_shared>>
      tpu.enqueue_indirect_dma source(%arg15 : memref<80x32xf32, #tpu.memory_space<vmem>>) target(%dma_start3A_452 : memref<10000x32xf32, #tpu.memory_space<vmem_shared>>) offsets(%dma_start3A_449 : memref<80xi32, #tpu.memory_space<vmem>>) semaphore(%arg36 : memref<!tpu.dma_semaphore, #tpu.memory_space<semaphore_mem>>) {add = true}
      %sub3A_453 = arith.constant 4 : i32
      %sub3A_454 = arith.subi %add3A_440, %sub3A_453 : i32
      %dma_wait3A_455 = arith.constant 0 : i32
      %dma_wait3A_456 = tpu.memref_slice %arg9[%sub3A_454, %dma_wait3A_455] : memref<125x80xi32, #tpu.memory_space<vmem>> -> memref<1x80xi32, #tpu.memory_space<vmem>>
      %dma_wait3A_457 = tpu.memref_squeeze %dma_wait3A_456 : memref<1x80xi32, #tpu.memory_space<vmem>> -> memref<80xi32, #tpu.memory_space<vmem>>
      %dma_wait3A_458 = arith.constant 0 : i32
      %dma_wait3A_459 = arith.constant 0 : i32
      %dma_wait3A_460 = tpu.memref_slice %arg22[%dma_wait3A_458, %dma_wait3A_459] : memref<10000x32xf32, #tpu.memory_space<vmem_shared>> -> memref<10000x32xf32, #tpu.memory_space<vmem_shared>>
      tpu.wait_indirect_dma semaphore(%arg32 : memref<!tpu.dma_semaphore, #tpu.memory_space<semaphore_mem>>) src(%arg11 : memref<80x32xf32, #tpu.memory_space<vmem>>) dst(%dma_wait3A_460 : memref<10000x32xf32, #tpu.memory_space<vmem_shared>>)
      %add3A_461 = arith.constant 4 : i32
      %add3A_462 = arith.addi %add3A_440, %add3A_461 : i32
      %dma_start3A_463 = arith.constant 0 : i32
      %dma_start3A_464 = tpu.memref_slice %arg8[%add3A_462, %dma_start3A_463] : memref<125x80xi32, #tpu.memory_space<vmem>> -> memref<1x80xi32, #tpu.memory_space<vmem>>
      %dma_start3A_465 = tpu.memref_squeeze %dma_start3A_464 : memref<1x80xi32, #tpu.memory_space<vmem>> -> memref<80xi32, #tpu.memory_space<vmem>>
      %dma_start3A_466 = arith.constant 0 : i32
      %dma_start3A_467 = arith.constant 0 : i32
      %dma_start3A_468 = tpu.memref_slice %arg2[%dma_start3A_466, %dma_start3A_467] : memref<20000x32xf32, #tpu.memory_space<hbm>> -> memref<20000x32xf32, #tpu.memory_space<hbm>>
      tpu.enqueue_indirect_dma source(%dma_start3A_468 : memref<20000x32xf32, #tpu.memory_space<hbm>>) target(%arg11 : memref<80x32xf32, #tpu.memory_space<vmem>>) offsets(%dma_start3A_465 : memref<80xi32, #tpu.memory_space<vmem>>) semaphore(%arg24 : memref<!tpu.dma_semaphore, #tpu.memory_space<semaphore_mem>>)
      %add3A_469 = arith.constant 2 : i32
      %add3A_470 = arith.addi %add3A_409, %add3A_469 : i32
      %dma_wait3A_471 = arith.constant 0 : i32
      %dma_wait3A_472 = tpu.memref_slice %arg8[%add3A_470, %dma_wait3A_471] : memref<125x80xi32, #tpu.memory_space<vmem>> -> memref<1x80xi32, #tpu.memory_space<vmem>>
      %dma_wait3A_473 = tpu.memref_squeeze %dma_wait3A_472 : memref<1x80xi32, #tpu.memory_space<vmem>> -> memref<80xi32, #tpu.memory_space<vmem>>
      %dma_wait3A_474 = arith.constant 0 : i32
      %dma_wait3A_475 = arith.constant 0 : i32
      %dma_wait3A_476 = tpu.memref_slice %arg2[%dma_wait3A_474, %dma_wait3A_475] : memref<20000x32xf32, #tpu.memory_space<hbm>> -> memref<20000x32xf32, #tpu.memory_space<hbm>>
      tpu.wait_indirect_dma semaphore(%arg29 : memref<!tpu.dma_semaphore, #tpu.memory_space<semaphore_mem>>) src(%dma_wait3A_476 : memref<20000x32xf32, #tpu.memory_space<hbm>>) dst(%arg16 : memref<80x32xf32, #tpu.memory_space<vmem>>)
      %dma_start3A_477 = arith.constant 0 : i32
      %dma_start3A_478 = tpu.memref_slice %arg9[%add3A_470, %dma_start3A_477] : memref<125x80xi32, #tpu.memory_space<vmem>> -> memref<1x80xi32, #tpu.memory_space<vmem>>
      %dma_start3A_479 = tpu.memref_squeeze %dma_start3A_478 : memref<1x80xi32, #tpu.memory_space<vmem>> -> memref<80xi32, #tpu.memory_space<vmem>>
      %dma_start3A_480 = arith.constant 0 : i32
      %dma_start3A_481 = arith.constant 0 : i32
      %dma_start3A_482 = tpu.memref_slice %arg22[%dma_start3A_480, %dma_start3A_481] : memref<10000x32xf32, #tpu.memory_space<vmem_shared>> -> memref<10000x32xf32, #tpu.memory_space<vmem_shared>>
      tpu.enqueue_indirect_dma source(%arg16 : memref<80x32xf32, #tpu.memory_space<vmem>>) target(%dma_start3A_482 : memref<10000x32xf32, #tpu.memory_space<vmem_shared>>) offsets(%dma_start3A_479 : memref<80xi32, #tpu.memory_space<vmem>>) semaphore(%arg37 : memref<!tpu.dma_semaphore, #tpu.memory_space<semaphore_mem>>) {add = true}
      %sub3A_483 = arith.constant 4 : i32
      %sub3A_484 = arith.subi %add3A_470, %sub3A_483 : i32
      %dma_wait3A_485 = arith.constant 0 : i32
      %dma_wait3A_486 = tpu.memref_slice %arg9[%sub3A_484, %dma_wait3A_485] : memref<125x80xi32, #tpu.memory_space<vmem>> -> memref<1x80xi32, #tpu.memory_space<vmem>>
      %dma_wait3A_487 = tpu.memref_squeeze %dma_wait3A_486 : memref<1x80xi32, #tpu.memory_space<vmem>> -> memref<80xi32, #tpu.memory_space<vmem>>
      %dma_wait3A_488 = arith.constant 0 : i32
      %dma_wait3A_489 = arith.constant 0 : i32
      %dma_wait3A_490 = tpu.memref_slice %arg22[%dma_wait3A_488, %dma_wait3A_489] : memref<10000x32xf32, #tpu.memory_space<vmem_shared>> -> memref<10000x32xf32, #tpu.memory_space<vmem_shared>>
      tpu.wait_indirect_dma semaphore(%arg33 : memref<!tpu.dma_semaphore, #tpu.memory_space<semaphore_mem>>) src(%arg12 : memref<80x32xf32, #tpu.memory_space<vmem>>) dst(%dma_wait3A_490 : memref<10000x32xf32, #tpu.memory_space<vmem_shared>>)
      %add3A_491 = arith.constant 4 : i32
      %add3A_492 = arith.addi %add3A_470, %add3A_491 : i32
      %dma_start3A_493 = arith.constant 0 : i32
      %dma_start3A_494 = tpu.memref_slice %arg8[%add3A_492, %dma_start3A_493] : memref<125x80xi32, #tpu.memory_space<vmem>> -> memref<1x80xi32, #tpu.memory_space<vmem>>
      %dma_start3A_495 = tpu.memref_squeeze %dma_start3A_494 : memref<1x80xi32, #tpu.memory_space<vmem>> -> memref<80xi32, #tpu.memory_space<vmem>>
      %dma_start3A_496 = arith.constant 0 : i32
      %dma_start3A_497 = arith.constant 0 : i32
      %dma_start3A_498 = tpu.memref_slice %arg2[%dma_start3A_496, %dma_start3A_497] : memref<20000x32xf32, #tpu.memory_space<hbm>> -> memref<20000x32xf32, #tpu.memory_space<hbm>>
      tpu.enqueue_indirect_dma source(%dma_start3A_498 : memref<20000x32xf32, #tpu.memory_space<hbm>>) target(%arg12 : memref<80x32xf32, #tpu.memory_space<vmem>>) offsets(%dma_start3A_495 : memref<80xi32, #tpu.memory_space<vmem>>) semaphore(%arg25 : memref<!tpu.dma_semaphore, #tpu.memory_space<semaphore_mem>>)
      %add3A_499 = arith.constant 3 : i32
      %add3A_500 = arith.addi %add3A_409, %add3A_499 : i32
      %dma_wait3A_501 = arith.constant 0 : i32
      %dma_wait3A_502 = tpu.memref_slice %arg8[%add3A_500, %dma_wait3A_501] : memref<125x80xi32, #tpu.memory_space<vmem>> -> memref<1x80xi32, #tpu.memory_space<vmem>>
      %dma_wait3A_503 = tpu.memref_squeeze %dma_wait3A_502 : memref<1x80xi32, #tpu.memory_space<vmem>> -> memref<80xi32, #tpu.memory_space<vmem>>
      %dma_wait3A_504 = arith.constant 0 : i32
      %dma_wait3A_505 = arith.constant 0 : i32
      %dma_wait3A_506 = tpu.memref_slice %arg2[%dma_wait3A_504, %dma_wait3A_505] : memref<20000x32xf32, #tpu.memory_space<hbm>> -> memref<20000x32xf32, #tpu.memory_space<hbm>>
      tpu.wait_indirect_dma semaphore(%arg30 : memref<!tpu.dma_semaphore, #tpu.memory_space<semaphore_mem>>) src(%dma_wait3A_506 : memref<20000x32xf32, #tpu.memory_space<hbm>>) dst(%arg17 : memref<80x32xf32, #tpu.memory_space<vmem>>)
      %dma_start3A_507 = arith.constant 0 : i32
      %dma_start3A_508 = tpu.memref_slice %arg9[%add3A_500, %dma_start3A_507] : memref<125x80xi32, #tpu.memory_space<vmem>> -> memref<1x80xi32, #tpu.memory_space<vmem>>
      %dma_start3A_509 = tpu.memref_squeeze %dma_start3A_508 : memref<1x80xi32, #tpu.memory_space<vmem>> -> memref<80xi32, #tpu.memory_space<vmem>>
      %dma_start3A_510 = arith.constant 0 : i32
      %dma_start3A_511 = arith.constant 0 : i32
      %dma_start3A_512 = tpu.memref_slice %arg22[%dma_start3A_510, %dma_start3A_511] : memref<10000x32xf32, #tpu.memory_space<vmem_shared>> -> memref<10000x32xf32, #tpu.memory_space<vmem_shared>>
      tpu.enqueue_indirect_dma source(%arg17 : memref<80x32xf32, #tpu.memory_space<vmem>>) target(%dma_start3A_512 : memref<10000x32xf32, #tpu.memory_space<vmem_shared>>) offsets(%dma_start3A_509 : memref<80xi32, #tpu.memory_space<vmem>>) semaphore(%arg38 : memref<!tpu.dma_semaphore, #tpu.memory_space<semaphore_mem>>) {add = true}
      %sub3A_513 = arith.constant 4 : i32
      %sub3A_514 = arith.subi %add3A_500, %sub3A_513 : i32
      %dma_wait3A_515 = arith.constant 0 : i32
      %dma_wait3A_516 = tpu.memref_slice %arg9[%sub3A_514, %dma_wait3A_515] : memref<125x80xi32, #tpu.memory_space<vmem>> -> memref<1x80xi32, #tpu.memory_space<vmem>>
      %dma_wait3A_517 = tpu.memref_squeeze %dma_wait3A_516 : memref<1x80xi32, #tpu.memory_space<vmem>> -> memref<80xi32, #tpu.memory_space<vmem>>
      %dma_wait3A_518 = arith.constant 0 : i32
      %dma_wait3A_519 = arith.constant 0 : i32
      %dma_wait3A_520 = tpu.memref_slice %arg22[%dma_wait3A_518, %dma_wait3A_519] : memref<10000x32xf32, #tpu.memory_space<vmem_shared>> -> memref<10000x32xf32, #tpu.memory_space<vmem_shared>>
      tpu.wait_indirect_dma semaphore(%arg34 : memref<!tpu.dma_semaphore, #tpu.memory_space<semaphore_mem>>) src(%arg13 : memref<80x32xf32, #tpu.memory_space<vmem>>) dst(%dma_wait3A_520 : memref<10000x32xf32, #tpu.memory_space<vmem_shared>>)
      %add3A_521 = arith.constant 4 : i32
      %add3A_522 = arith.addi %add3A_500, %add3A_521 : i32
      %dma_start3A_523 = arith.constant 0 : i32
      %dma_start3A_524 = tpu.memref_slice %arg8[%add3A_522, %dma_start3A_523] : memref<125x80xi32, #tpu.memory_space<vmem>> -> memref<1x80xi32, #tpu.memory_space<vmem>>
      %dma_start3A_525 = tpu.memref_squeeze %dma_start3A_524 : memref<1x80xi32, #tpu.memory_space<vmem>> -> memref<80xi32, #tpu.memory_space<vmem>>
      %dma_start3A_526 = arith.constant 0 : i32
      %dma_start3A_527 = arith.constant 0 : i32
      %dma_start3A_528 = tpu.memref_slice %arg2[%dma_start3A_526, %dma_start3A_527] : memref<20000x32xf32, #tpu.memory_space<hbm>> -> memref<20000x32xf32, #tpu.memory_space<hbm>>
      tpu.enqueue_indirect_dma source(%dma_start3A_528 : memref<20000x32xf32, #tpu.memory_space<hbm>>) target(%arg13 : memref<80x32xf32, #tpu.memory_space<vmem>>) offsets(%dma_start3A_525 : memref<80xi32, #tpu.memory_space<vmem>>) semaphore(%arg26 : memref<!tpu.dma_semaphore, #tpu.memory_space<semaphore_mem>>)
      %add3A_529 = arith.constant 4 : i32
      %add3A_530 = arith.addi %add3A_409, %add3A_529 : i32
      %dma_wait3A_531 = arith.constant 0 : i32
      %dma_wait3A_532 = tpu.memref_slice %arg8[%add3A_530, %dma_wait3A_531] : memref<125x80xi32, #tpu.memory_space<vmem>> -> memref<1x80xi32, #tpu.memory_space<vmem>>
      %dma_wait3A_533 = tpu.memref_squeeze %dma_wait3A_532 : memref<1x80xi32, #tpu.memory_space<vmem>> -> memref<80xi32, #tpu.memory_space<vmem>>
      %dma_wait3A_534 = arith.constant 0 : i32
      %dma_wait3A_535 = arith.constant 0 : i32
      %dma_wait3A_536 = tpu.memref_slice %arg2[%dma_wait3A_534, %dma_wait3A_535] : memref<20000x32xf32, #tpu.memory_space<hbm>> -> memref<20000x32xf32, #tpu.memory_space<hbm>>
      tpu.wait_indirect_dma semaphore(%arg23 : memref<!tpu.dma_semaphore, #tpu.memory_space<semaphore_mem>>) src(%dma_wait3A_536 : memref<20000x32xf32, #tpu.memory_space<hbm>>) dst(%arg10 : memref<80x32xf32, #tpu.memory_space<vmem>>)
      %dma_start3A_537 = arith.constant 0 : i32
      %dma_start3A_538 = tpu.memref_slice %arg9[%add3A_530, %dma_start3A_537] : memref<125x80xi32, #tpu.memory_space<vmem>> -> memref<1x80xi32, #tpu.memory_space<vmem>>
      %dma_start3A_539 = tpu.memref_squeeze %dma_start3A_538 : memref<1x80xi32, #tpu.memory_space<vmem>> -> memref<80xi32, #tpu.memory_space<vmem>>
      %dma_start3A_540 = arith.constant 0 : i32
      %dma_start3A_541 = arith.constant 0 : i32
      %dma_start3A_542 = tpu.memref_slice %arg22[%dma_start3A_540, %dma_start3A_541] : memref<10000x32xf32, #tpu.memory_space<vmem_shared>> -> memref<10000x32xf32, #tpu.memory_space<vmem_shared>>
      tpu.enqueue_indirect_dma source(%arg10 : memref<80x32xf32, #tpu.memory_space<vmem>>) target(%dma_start3A_542 : memref<10000x32xf32, #tpu.memory_space<vmem_shared>>) offsets(%dma_start3A_539 : memref<80xi32, #tpu.memory_space<vmem>>) semaphore(%arg31 : memref<!tpu.dma_semaphore, #tpu.memory_space<semaphore_mem>>) {add = true}
      %sub3A_543 = arith.constant 4 : i32
      %sub3A_544 = arith.subi %add3A_530, %sub3A_543 : i32
      %dma_wait3A_545 = arith.constant 0 : i32
      %dma_wait3A_546 = tpu.memref_slice %arg9[%sub3A_544, %dma_wait3A_545] : memref<125x80xi32, #tpu.memory_space<vmem>> -> memref<1x80xi32, #tpu.memory_space<vmem>>
      %dma_wait3A_547 = tpu.memref_squeeze %dma_wait3A_546 : memref<1x80xi32, #tpu.memory_space<vmem>> -> memref<80xi32, #tpu.memory_space<vmem>>
      %dma_wait3A_548 = arith.constant 0 : i32
      %dma_wait3A_549 = arith.constant 0 : i32
      %dma_wait3A_550 = tpu.memref_slice %arg22[%dma_wait3A_548, %dma_wait3A_549] : memref<10000x32xf32, #tpu.memory_space<vmem_shared>> -> memref<10000x32xf32, #tpu.memory_space<vmem_shared>>
      tpu.wait_indirect_dma semaphore(%arg35 : memref<!tpu.dma_semaphore, #tpu.memory_space<semaphore_mem>>) src(%arg14 : memref<80x32xf32, #tpu.memory_space<vmem>>) dst(%dma_wait3A_550 : memref<10000x32xf32, #tpu.memory_space<vmem_shared>>)
      %add3A_551 = arith.constant 4 : i32
      %add3A_552 = arith.addi %add3A_530, %add3A_551 : i32
      %dma_start3A_553 = arith.constant 0 : i32
      %dma_start3A_554 = tpu.memref_slice %arg8[%add3A_552, %dma_start3A_553] : memref<125x80xi32, #tpu.memory_space<vmem>> -> memref<1x80xi32, #tpu.memory_space<vmem>>
      %dma_start3A_555 = tpu.memref_squeeze %dma_start3A_554 : memref<1x80xi32, #tpu.memory_space<vmem>> -> memref<80xi32, #tpu.memory_space<vmem>>
      %dma_start3A_556 = arith.constant 0 : i32
      %dma_start3A_557 = arith.constant 0 : i32
      %dma_start3A_558 = tpu.memref_slice %arg2[%dma_start3A_556, %dma_start3A_557] : memref<20000x32xf32, #tpu.memory_space<hbm>> -> memref<20000x32xf32, #tpu.memory_space<hbm>>
      tpu.enqueue_indirect_dma source(%dma_start3A_558 : memref<20000x32xf32, #tpu.memory_space<hbm>>) target(%arg14 : memref<80x32xf32, #tpu.memory_space<vmem>>) offsets(%dma_start3A_555 : memref<80xi32, #tpu.memory_space<vmem>>) semaphore(%arg27 : memref<!tpu.dma_semaphore, #tpu.memory_space<semaphore_mem>>)
      %add3A_559 = arith.constant 5 : i32
      %add3A_560 = arith.addi %add3A_409, %add3A_559 : i32
      %dma_wait3A_561 = arith.constant 0 : i32
      %dma_wait3A_562 = tpu.memref_slice %arg8[%add3A_560, %dma_wait3A_561] : memref<125x80xi32, #tpu.memory_space<vmem>> -> memref<1x80xi32, #tpu.memory_space<vmem>>
      %dma_wait3A_563 = tpu.memref_squeeze %dma_wait3A_562 : memref<1x80xi32, #tpu.memory_space<vmem>> -> memref<80xi32, #tpu.memory_space<vmem>>
      %dma_wait3A_564 = arith.constant 0 : i32
      %dma_wait3A_565 = arith.constant 0 : i32
      %dma_wait3A_566 = tpu.memref_slice %arg2[%dma_wait3A_564, %dma_wait3A_565] : memref<20000x32xf32, #tpu.memory_space<hbm>> -> memref<20000x32xf32, #tpu.memory_space<hbm>>
      tpu.wait_indirect_dma semaphore(%arg24 : memref<!tpu.dma_semaphore, #tpu.memory_space<semaphore_mem>>) src(%dma_wait3A_566 : memref<20000x32xf32, #tpu.memory_space<hbm>>) dst(%arg11 : memref<80x32xf32, #tpu.memory_space<vmem>>)
      %dma_start3A_567 = arith.constant 0 : i32
      %dma_start3A_568 = tpu.memref_slice %arg9[%add3A_560, %dma_start3A_567] : memref<125x80xi32, #tpu.memory_space<vmem>> -> memref<1x80xi32, #tpu.memory_space<vmem>>
      %dma_start3A_569 = tpu.memref_squeeze %dma_start3A_568 : memref<1x80xi32, #tpu.memory_space<vmem>> -> memref<80xi32, #tpu.memory_space<vmem>>
      %dma_start3A_570 = arith.constant 0 : i32
      %dma_start3A_571 = arith.constant 0 : i32
      %dma_start3A_572 = tpu.memref_slice %arg22[%dma_start3A_570, %dma_start3A_571] : memref<10000x32xf32, #tpu.memory_space<vmem_shared>> -> memref<10000x32xf32, #tpu.memory_space<vmem_shared>>
      tpu.enqueue_indirect_dma source(%arg11 : memref<80x32xf32, #tpu.memory_space<vmem>>) target(%dma_start3A_572 : memref<10000x32xf32, #tpu.memory_space<vmem_shared>>) offsets(%dma_start3A_569 : memref<80xi32, #tpu.memory_space<vmem>>) semaphore(%arg32 : memref<!tpu.dma_semaphore, #tpu.memory_space<semaphore_mem>>) {add = true}
      %sub3A_573 = arith.constant 4 : i32
      %sub3A_574 = arith.subi %add3A_560, %sub3A_573 : i32
      %dma_wait3A_575 = arith.constant 0 : i32
      %dma_wait3A_576 = tpu.memref_slice %arg9[%sub3A_574, %dma_wait3A_575] : memref<125x80xi32, #tpu.memory_space<vmem>> -> memref<1x80xi32, #tpu.memory_space<vmem>>
      %dma_wait3A_577 = tpu.memref_squeeze %dma_wait3A_576 : memref<1x80xi32, #tpu.memory_space<vmem>> -> memref<80xi32, #tpu.memory_space<vmem>>
      %dma_wait3A_578 = arith.constant 0 : i32
      %dma_wait3A_579 = arith.constant 0 : i32
      %dma_wait3A_580 = tpu.memref_slice %arg22[%dma_wait3A_578, %dma_wait3A_579] : memref<10000x32xf32, #tpu.memory_space<vmem_shared>> -> memref<10000x32xf32, #tpu.memory_space<vmem_shared>>
      tpu.wait_indirect_dma semaphore(%arg36 : memref<!tpu.dma_semaphore, #tpu.memory_space<semaphore_mem>>) src(%arg15 : memref<80x32xf32, #tpu.memory_space<vmem>>) dst(%dma_wait3A_580 : memref<10000x32xf32, #tpu.memory_space<vmem_shared>>)
      %add3A_581 = arith.constant 4 : i32
      %add3A_582 = arith.addi %add3A_560, %add3A_581 : i32
      %dma_start3A_583 = arith.constant 0 : i32
      %dma_start3A_584 = tpu.memref_slice %arg8[%add3A_582, %dma_start3A_583] : memref<125x80xi32, #tpu.memory_space<vmem>> -> memref<1x80xi32, #tpu.memory_space<vmem>>
      %dma_start3A_585 = tpu.memref_squeeze %dma_start3A_584 : memref<1x80xi32, #tpu.memory_space<vmem>> -> memref<80xi32, #tpu.memory_space<vmem>>
      %dma_start3A_586 = arith.constant 0 : i32
      %dma_start3A_587 = arith.constant 0 : i32
      %dma_start3A_588 = tpu.memref_slice %arg2[%dma_start3A_586, %dma_start3A_587] : memref<20000x32xf32, #tpu.memory_space<hbm>> -> memref<20000x32xf32, #tpu.memory_space<hbm>>
      tpu.enqueue_indirect_dma source(%dma_start3A_588 : memref<20000x32xf32, #tpu.memory_space<hbm>>) target(%arg15 : memref<80x32xf32, #tpu.memory_space<vmem>>) offsets(%dma_start3A_585 : memref<80xi32, #tpu.memory_space<vmem>>) semaphore(%arg28 : memref<!tpu.dma_semaphore, #tpu.memory_space<semaphore_mem>>)
      %add3A_589 = arith.constant 6 : i32
      %add3A_590 = arith.addi %add3A_409, %add3A_589 : i32
      %dma_wait3A_591 = arith.constant 0 : i32
      %dma_wait3A_592 = tpu.memref_slice %arg8[%add3A_590, %dma_wait3A_591] : memref<125x80xi32, #tpu.memory_space<vmem>> -> memref<1x80xi32, #tpu.memory_space<vmem>>
      %dma_wait3A_593 = tpu.memref_squeeze %dma_wait3A_592 : memref<1x80xi32, #tpu.memory_space<vmem>> -> memref<80xi32, #tpu.memory_space<vmem>>
      %dma_wait3A_594 = arith.constant 0 : i32
      %dma_wait3A_595 = arith.constant 0 : i32
      %dma_wait3A_596 = tpu.memref_slice %arg2[%dma_wait3A_594, %dma_wait3A_595] : memref<20000x32xf32, #tpu.memory_space<hbm>> -> memref<20000x32xf32, #tpu.memory_space<hbm>>
      tpu.wait_indirect_dma semaphore(%arg25 : memref<!tpu.dma_semaphore, #tpu.memory_space<semaphore_mem>>) src(%dma_wait3A_596 : memref<20000x32xf32, #tpu.memory_space<hbm>>) dst(%arg12 : memref<80x32xf32, #tpu.memory_space<vmem>>)
      %dma_start3A_597 = arith.constant 0 : i32
      %dma_start3A_598 = tpu.memref_slice %arg9[%add3A_590, %dma_start3A_597] : memref<125x80xi32, #tpu.memory_space<vmem>> -> memref<1x80xi32, #tpu.memory_space<vmem>>
      %dma_start3A_599 = tpu.memref_squeeze %dma_start3A_598 : memref<1x80xi32, #tpu.memory_space<vmem>> -> memref<80xi32, #tpu.memory_space<vmem>>
      %dma_start3A_600 = arith.constant 0 : i32
      %dma_start3A_601 = arith.constant 0 : i32
      %dma_start3A_602 = tpu.memref_slice %arg22[%dma_start3A_600, %dma_start3A_601] : memref<10000x32xf32, #tpu.memory_space<vmem_shared>> -> memref<10000x32xf32, #tpu.memory_space<vmem_shared>>
      tpu.enqueue_indirect_dma source(%arg12 : memref<80x32xf32, #tpu.memory_space<vmem>>) target(%dma_start3A_602 : memref<10000x32xf32, #tpu.memory_space<vmem_shared>>) offsets(%dma_start3A_599 : memref<80xi32, #tpu.memory_space<vmem>>) semaphore(%arg33 : memref<!tpu.dma_semaphore, #tpu.memory_space<semaphore_mem>>) {add = true}
      %sub3A_603 = arith.constant 4 : i32
      %sub3A_604 = arith.subi %add3A_590, %sub3A_603 : i32
      %dma_wait3A_605 = arith.constant 0 : i32
      %dma_wait3A_606 = tpu.memref_slice %arg9[%sub3A_604, %dma_wait3A_605] : memref<125x80xi32, #tpu.memory_space<vmem>> -> memref<1x80xi32, #tpu.memory_space<vmem>>
      %dma_wait3A_607 = tpu.memref_squeeze %dma_wait3A_606 : memref<1x80xi32, #tpu.memory_space<vmem>> -> memref<80xi32, #tpu.memory_space<vmem>>
      %dma_wait3A_608 = arith.constant 0 : i32
      %dma_wait3A_609 = arith.constant 0 : i32
      %dma_wait3A_610 = tpu.memref_slice %arg22[%dma_wait3A_608, %dma_wait3A_609] : memref<10000x32xf32, #tpu.memory_space<vmem_shared>> -> memref<10000x32xf32, #tpu.memory_space<vmem_shared>>
      tpu.wait_indirect_dma semaphore(%arg37 : memref<!tpu.dma_semaphore, #tpu.memory_space<semaphore_mem>>) src(%arg16 : memref<80x32xf32, #tpu.memory_space<vmem>>) dst(%dma_wait3A_610 : memref<10000x32xf32, #tpu.memory_space<vmem_shared>>)
      %add3A_611 = arith.constant 4 : i32
      %add3A_612 = arith.addi %add3A_590, %add3A_611 : i32
      %dma_start3A_613 = arith.constant 0 : i32
      %dma_start3A_614 = tpu.memref_slice %arg8[%add3A_612, %dma_start3A_613] : memref<125x80xi32, #tpu.memory_space<vmem>> -> memref<1x80xi32, #tpu.memory_space<vmem>>
      %dma_start3A_615 = tpu.memref_squeeze %dma_start3A_614 : memref<1x80xi32, #tpu.memory_space<vmem>> -> memref<80xi32, #tpu.memory_space<vmem>>
      %dma_start3A_616 = arith.constant 0 : i32
      %dma_start3A_617 = arith.constant 0 : i32
      %dma_start3A_618 = tpu.memref_slice %arg2[%dma_start3A_616, %dma_start3A_617] : memref<20000x32xf32, #tpu.memory_space<hbm>> -> memref<20000x32xf32, #tpu.memory_space<hbm>>
      tpu.enqueue_indirect_dma source(%dma_start3A_618 : memref<20000x32xf32, #tpu.memory_space<hbm>>) target(%arg16 : memref<80x32xf32, #tpu.memory_space<vmem>>) offsets(%dma_start3A_615 : memref<80xi32, #tpu.memory_space<vmem>>) semaphore(%arg29 : memref<!tpu.dma_semaphore, #tpu.memory_space<semaphore_mem>>)
      %add3A_619 = arith.constant 7 : i32
      %add3A_620 = arith.addi %add3A_409, %add3A_619 : i32
      %dma_wait3A_621 = arith.constant 0 : i32
      %dma_wait3A_622 = tpu.memref_slice %arg8[%add3A_620, %dma_wait3A_621] : memref<125x80xi32, #tpu.memory_space<vmem>> -> memref<1x80xi32, #tpu.memory_space<vmem>>
      %dma_wait3A_623 = tpu.memref_squeeze %dma_wait3A_622 : memref<1x80xi32, #tpu.memory_space<vmem>> -> memref<80xi32, #tpu.memory_space<vmem>>
      %dma_wait3A_624 = arith.constant 0 : i32
      %dma_wait3A_625 = arith.constant 0 : i32
      %dma_wait3A_626 = tpu.memref_slice %arg2[%dma_wait3A_624, %dma_wait3A_625] : memref<20000x32xf32, #tpu.memory_space<hbm>> -> memref<20000x32xf32, #tpu.memory_space<hbm>>
      tpu.wait_indirect_dma semaphore(%arg26 : memref<!tpu.dma_semaphore, #tpu.memory_space<semaphore_mem>>) src(%dma_wait3A_626 : memref<20000x32xf32, #tpu.memory_space<hbm>>) dst(%arg13 : memref<80x32xf32, #tpu.memory_space<vmem>>)
      %dma_start3A_627 = arith.constant 0 : i32
      %dma_start3A_628 = tpu.memref_slice %arg9[%add3A_620, %dma_start3A_627] : memref<125x80xi32, #tpu.memory_space<vmem>> -> memref<1x80xi32, #tpu.memory_space<vmem>>
      %dma_start3A_629 = tpu.memref_squeeze %dma_start3A_628 : memref<1x80xi32, #tpu.memory_space<vmem>> -> memref<80xi32, #tpu.memory_space<vmem>>
      %dma_start3A_630 = arith.constant 0 : i32
      %dma_start3A_631 = arith.constant 0 : i32
      %dma_start3A_632 = tpu.memref_slice %arg22[%dma_start3A_630, %dma_start3A_631] : memref<10000x32xf32, #tpu.memory_space<vmem_shared>> -> memref<10000x32xf32, #tpu.memory_space<vmem_shared>>
      tpu.enqueue_indirect_dma source(%arg13 : memref<80x32xf32, #tpu.memory_space<vmem>>) target(%dma_start3A_632 : memref<10000x32xf32, #tpu.memory_space<vmem_shared>>) offsets(%dma_start3A_629 : memref<80xi32, #tpu.memory_space<vmem>>) semaphore(%arg34 : memref<!tpu.dma_semaphore, #tpu.memory_space<semaphore_mem>>) {add = true}
      %sub3A_633 = arith.constant 4 : i32
      %sub3A_634 = arith.subi %add3A_620, %sub3A_633 : i32
      %dma_wait3A_635 = arith.constant 0 : i32
      %dma_wait3A_636 = tpu.memref_slice %arg9[%sub3A_634, %dma_wait3A_635] : memref<125x80xi32, #tpu.memory_space<vmem>> -> memref<1x80xi32, #tpu.memory_space<vmem>>
      %dma_wait3A_637 = tpu.memref_squeeze %dma_wait3A_636 : memref<1x80xi32, #tpu.memory_space<vmem>> -> memref<80xi32, #tpu.memory_space<vmem>>
      %dma_wait3A_638 = arith.constant 0 : i32
      %dma_wait3A_639 = arith.constant 0 : i32
      %dma_wait3A_640 = tpu.memref_slice %arg22[%dma_wait3A_638, %dma_wait3A_639] : memref<10000x32xf32, #tpu.memory_space<vmem_shared>> -> memref<10000x32xf32, #tpu.memory_space<vmem_shared>>
      tpu.wait_indirect_dma semaphore(%arg38 : memref<!tpu.dma_semaphore, #tpu.memory_space<semaphore_mem>>) src(%arg17 : memref<80x32xf32, #tpu.memory_space<vmem>>) dst(%dma_wait3A_640 : memref<10000x32xf32, #tpu.memory_space<vmem_shared>>)
      %add3A_641 = arith.constant 4 : i32
      %add3A_642 = arith.addi %add3A_620, %add3A_641 : i32
      %dma_start3A_643 = arith.constant 0 : i32
      %dma_start3A_644 = tpu.memref_slice %arg8[%add3A_642, %dma_start3A_643] : memref<125x80xi32, #tpu.memory_space<vmem>> -> memref<1x80xi32, #tpu.memory_space<vmem>>
      %dma_start3A_645 = tpu.memref_squeeze %dma_start3A_644 : memref<1x80xi32, #tpu.memory_space<vmem>> -> memref<80xi32, #tpu.memory_space<vmem>>
      %dma_start3A_646 = arith.constant 0 : i32
      %dma_start3A_647 = arith.constant 0 : i32
      %dma_start3A_648 = tpu.memref_slice %arg2[%dma_start3A_646, %dma_start3A_647] : memref<20000x32xf32, #tpu.memory_space<hbm>> -> memref<20000x32xf32, #tpu.memory_space<hbm>>
      tpu.enqueue_indirect_dma source(%dma_start3A_648 : memref<20000x32xf32, #tpu.memory_space<hbm>>) target(%arg17 : memref<80x32xf32, #tpu.memory_space<vmem>>) offsets(%dma_start3A_645 : memref<80xi32, #tpu.memory_space<vmem>>) semaphore(%arg30 : memref<!tpu.dma_semaphore, #tpu.memory_space<semaphore_mem>>)
    }
    %scan3A_118 = arith.constant 14 : i32
    %dma_wait3A_119 = arith.constant 116 : i32
    %dma_wait3A_120 = arith.constant 0 : i32
    %dma_wait3A_121 = tpu.memref_slice %arg8[%dma_wait3A_119, %dma_wait3A_120] : memref<125x80xi32, #tpu.memory_space<vmem>> -> memref<1x80xi32, #tpu.memory_space<vmem>>
    %dma_wait3A_122 = tpu.memref_squeeze %dma_wait3A_121 : memref<1x80xi32, #tpu.memory_space<vmem>> -> memref<80xi32, #tpu.memory_space<vmem>>
    %dma_wait3A_123 = arith.constant 0 : i32
    %dma_wait3A_124 = arith.constant 0 : i32
    %dma_wait3A_125 = tpu.memref_slice %arg2[%dma_wait3A_123, %dma_wait3A_124] : memref<20000x32xf32, #tpu.memory_space<hbm>> -> memref<20000x32xf32, #tpu.memory_space<hbm>>
    tpu.wait_indirect_dma semaphore(%arg27 : memref<!tpu.dma_semaphore, #tpu.memory_space<semaphore_mem>>) src(%dma_wait3A_125 : memref<20000x32xf32, #tpu.memory_space<hbm>>) dst(%arg14 : memref<80x32xf32, #tpu.memory_space<vmem>>)
    %dma_start3A_126 = arith.constant 116 : i32
    %dma_start3A_127 = arith.constant 0 : i32
    %dma_start3A_128 = tpu.memref_slice %arg9[%dma_start3A_126, %dma_start3A_127] : memref<125x80xi32, #tpu.memory_space<vmem>> -> memref<1x80xi32, #tpu.memory_space<vmem>>
    %dma_start3A_129 = tpu.memref_squeeze %dma_start3A_128 : memref<1x80xi32, #tpu.memory_space<vmem>> -> memref<80xi32, #tpu.memory_space<vmem>>
    %dma_start3A_130 = arith.constant 0 : i32
    %dma_start3A_131 = arith.constant 0 : i32
    %dma_start3A_132 = tpu.memref_slice %arg22[%dma_start3A_130, %dma_start3A_131] : memref<10000x32xf32, #tpu.memory_space<vmem_shared>> -> memref<10000x32xf32, #tpu.memory_space<vmem_shared>>
    tpu.enqueue_indirect_dma source(%arg14 : memref<80x32xf32, #tpu.memory_space<vmem>>) target(%dma_start3A_132 : memref<10000x32xf32, #tpu.memory_space<vmem_shared>>) offsets(%dma_start3A_129 : memref<80xi32, #tpu.memory_space<vmem>>) semaphore(%arg35 : memref<!tpu.dma_semaphore, #tpu.memory_space<semaphore_mem>>) {add = true}
    %dma_wait3A_133 = arith.constant 112 : i32
    %dma_wait3A_134 = arith.constant 0 : i32
    %dma_wait3A_135 = tpu.memref_slice %arg9[%dma_wait3A_133, %dma_wait3A_134] : memref<125x80xi32, #tpu.memory_space<vmem>> -> memref<1x80xi32, #tpu.memory_space<vmem>>
    %dma_wait3A_136 = tpu.memref_squeeze %dma_wait3A_135 : memref<1x80xi32, #tpu.memory_space<vmem>> -> memref<80xi32, #tpu.memory_space<vmem>>
    %dma_wait3A_137 = arith.constant 0 : i32
    %dma_wait3A_138 = arith.constant 0 : i32
    %dma_wait3A_139 = tpu.memref_slice %arg22[%dma_wait3A_137, %dma_wait3A_138] : memref<10000x32xf32, #tpu.memory_space<vmem_shared>> -> memref<10000x32xf32, #tpu.memory_space<vmem_shared>>
    tpu.wait_indirect_dma semaphore(%arg31 : memref<!tpu.dma_semaphore, #tpu.memory_space<semaphore_mem>>) src(%arg10 : memref<80x32xf32, #tpu.memory_space<vmem>>) dst(%dma_wait3A_139 : memref<10000x32xf32, #tpu.memory_space<vmem_shared>>)
    %dma_start3A_140 = arith.constant 120 : i32
    %dma_start3A_141 = arith.constant 0 : i32
    %dma_start3A_142 = tpu.memref_slice %arg8[%dma_start3A_140, %dma_start3A_141] : memref<125x80xi32, #tpu.memory_space<vmem>> -> memref<1x80xi32, #tpu.memory_space<vmem>>
    %dma_start3A_143 = tpu.memref_squeeze %dma_start3A_142 : memref<1x80xi32, #tpu.memory_space<vmem>> -> memref<80xi32, #tpu.memory_space<vmem>>
    %dma_start3A_144 = arith.constant 0 : i32
    %dma_start3A_145 = arith.constant 0 : i32
    %dma_start3A_146 = tpu.memref_slice %arg2[%dma_start3A_144, %dma_start3A_145] : memref<20000x32xf32, #tpu.memory_space<hbm>> -> memref<20000x32xf32, #tpu.memory_space<hbm>>
    tpu.enqueue_indirect_dma source(%dma_start3A_146 : memref<20000x32xf32, #tpu.memory_space<hbm>>) target(%arg10 : memref<80x32xf32, #tpu.memory_space<vmem>>) offsets(%dma_start3A_143 : memref<80xi32, #tpu.memory_space<vmem>>) semaphore(%arg23 : memref<!tpu.dma_semaphore, #tpu.memory_space<semaphore_mem>>)
    %dma_wait3A_147 = arith.constant 117 : i32
    %dma_wait3A_148 = arith.constant 0 : i32
    %dma_wait3A_149 = tpu.memref_slice %arg8[%dma_wait3A_147, %dma_wait3A_148] : memref<125x80xi32, #tpu.memory_space<vmem>> -> memref<1x80xi32, #tpu.memory_space<vmem>>
    %dma_wait3A_150 = tpu.memref_squeeze %dma_wait3A_149 : memref<1x80xi32, #tpu.memory_space<vmem>> -> memref<80xi32, #tpu.memory_space<vmem>>
    %dma_wait3A_151 = arith.constant 0 : i32
    %dma_wait3A_152 = arith.constant 0 : i32
    %dma_wait3A_153 = tpu.memref_slice %arg2[%dma_wait3A_151, %dma_wait3A_152] : memref<20000x32xf32, #tpu.memory_space<hbm>> -> memref<20000x32xf32, #tpu.memory_space<hbm>>
    tpu.wait_indirect_dma semaphore(%arg28 : memref<!tpu.dma_semaphore, #tpu.memory_space<semaphore_mem>>) src(%dma_wait3A_153 : memref<20000x32xf32, #tpu.memory_space<hbm>>) dst(%arg15 : memref<80x32xf32, #tpu.memory_space<vmem>>)
    %dma_start3A_154 = arith.constant 117 : i32
    %dma_start3A_155 = arith.constant 0 : i32
    %dma_start3A_156 = tpu.memref_slice %arg9[%dma_start3A_154, %dma_start3A_155] : memref<125x80xi32, #tpu.memory_space<vmem>> -> memref<1x80xi32, #tpu.memory_space<vmem>>
    %dma_start3A_157 = tpu.memref_squeeze %dma_start3A_156 : memref<1x80xi32, #tpu.memory_space<vmem>> -> memref<80xi32, #tpu.memory_space<vmem>>
    %dma_start3A_158 = arith.constant 0 : i32
    %dma_start3A_159 = arith.constant 0 : i32
    %dma_start3A_160 = tpu.memref_slice %arg22[%dma_start3A_158, %dma_start3A_159] : memref<10000x32xf32, #tpu.memory_space<vmem_shared>> -> memref<10000x32xf32, #tpu.memory_space<vmem_shared>>
    tpu.enqueue_indirect_dma source(%arg15 : memref<80x32xf32, #tpu.memory_space<vmem>>) target(%dma_start3A_160 : memref<10000x32xf32, #tpu.memory_space<vmem_shared>>) offsets(%dma_start3A_157 : memref<80xi32, #tpu.memory_space<vmem>>) semaphore(%arg36 : memref<!tpu.dma_semaphore, #tpu.memory_space<semaphore_mem>>) {add = true}
    %dma_wait3A_161 = arith.constant 113 : i32
    %dma_wait3A_162 = arith.constant 0 : i32
    %dma_wait3A_163 = tpu.memref_slice %arg9[%dma_wait3A_161, %dma_wait3A_162] : memref<125x80xi32, #tpu.memory_space<vmem>> -> memref<1x80xi32, #tpu.memory_space<vmem>>
    %dma_wait3A_164 = tpu.memref_squeeze %dma_wait3A_163 : memref<1x80xi32, #tpu.memory_space<vmem>> -> memref<80xi32, #tpu.memory_space<vmem>>
    %dma_wait3A_165 = arith.constant 0 : i32
    %dma_wait3A_166 = arith.constant 0 : i32
    %dma_wait3A_167 = tpu.memref_slice %arg22[%dma_wait3A_165, %dma_wait3A_166] : memref<10000x32xf32, #tpu.memory_space<vmem_shared>> -> memref<10000x32xf32, #tpu.memory_space<vmem_shared>>
    tpu.wait_indirect_dma semaphore(%arg32 : memref<!tpu.dma_semaphore, #tpu.memory_space<semaphore_mem>>) src(%arg11 : memref<80x32xf32, #tpu.memory_space<vmem>>) dst(%dma_wait3A_167 : memref<10000x32xf32, #tpu.memory_space<vmem_shared>>)
    %dma_start3A_168 = arith.constant 121 : i32
    %dma_start3A_169 = arith.constant 0 : i32
    %dma_start3A_170 = tpu.memref_slice %arg8[%dma_start3A_168, %dma_start3A_169] : memref<125x80xi32, #tpu.memory_space<vmem>> -> memref<1x80xi32, #tpu.memory_space<vmem>>
    %dma_start3A_171 = tpu.memref_squeeze %dma_start3A_170 : memref<1x80xi32, #tpu.memory_space<vmem>> -> memref<80xi32, #tpu.memory_space<vmem>>
    %dma_start3A_172 = arith.constant 0 : i32
    %dma_start3A_173 = arith.constant 0 : i32
    %dma_start3A_174 = tpu.memref_slice %arg2[%dma_start3A_172, %dma_start3A_173] : memref<20000x32xf32, #tpu.memory_space<hbm>> -> memref<20000x32xf32, #tpu.memory_space<hbm>>
    tpu.enqueue_indirect_dma source(%dma_start3A_174 : memref<20000x32xf32, #tpu.memory_space<hbm>>) target(%arg11 : memref<80x32xf32, #tpu.memory_space<vmem>>) offsets(%dma_start3A_171 : memref<80xi32, #tpu.memory_space<vmem>>) semaphore(%arg24 : memref<!tpu.dma_semaphore, #tpu.memory_space<semaphore_mem>>)
    %dma_wait3A_175 = arith.constant 118 : i32
    %dma_wait3A_176 = arith.constant 0 : i32
    %dma_wait3A_177 = tpu.memref_slice %arg8[%dma_wait3A_175, %dma_wait3A_176] : memref<125x80xi32, #tpu.memory_space<vmem>> -> memref<1x80xi32, #tpu.memory_space<vmem>>
    %dma_wait3A_178 = tpu.memref_squeeze %dma_wait3A_177 : memref<1x80xi32, #tpu.memory_space<vmem>> -> memref<80xi32, #tpu.memory_space<vmem>>
    %dma_wait3A_179 = arith.constant 0 : i32
    %dma_wait3A_180 = arith.constant 0 : i32
    %dma_wait3A_181 = tpu.memref_slice %arg2[%dma_wait3A_179, %dma_wait3A_180] : memref<20000x32xf32, #tpu.memory_space<hbm>> -> memref<20000x32xf32, #tpu.memory_space<hbm>>
    tpu.wait_indirect_dma semaphore(%arg29 : memref<!tpu.dma_semaphore, #tpu.memory_space<semaphore_mem>>) src(%dma_wait3A_181 : memref<20000x32xf32, #tpu.memory_space<hbm>>) dst(%arg16 : memref<80x32xf32, #tpu.memory_space<vmem>>)
    %dma_start3A_182 = arith.constant 118 : i32
    %dma_start3A_183 = arith.constant 0 : i32
    %dma_start3A_184 = tpu.memref_slice %arg9[%dma_start3A_182, %dma_start3A_183] : memref<125x80xi32, #tpu.memory_space<vmem>> -> memref<1x80xi32, #tpu.memory_space<vmem>>
    %dma_start3A_185 = tpu.memref_squeeze %dma_start3A_184 : memref<1x80xi32, #tpu.memory_space<vmem>> -> memref<80xi32, #tpu.memory_space<vmem>>
    %dma_start3A_186 = arith.constant 0 : i32
    %dma_start3A_187 = arith.constant 0 : i32
    %dma_start3A_188 = tpu.memref_slice %arg22[%dma_start3A_186, %dma_start3A_187] : memref<10000x32xf32, #tpu.memory_space<vmem_shared>> -> memref<10000x32xf32, #tpu.memory_space<vmem_shared>>
    tpu.enqueue_indirect_dma source(%arg16 : memref<80x32xf32, #tpu.memory_space<vmem>>) target(%dma_start3A_188 : memref<10000x32xf32, #tpu.memory_space<vmem_shared>>) offsets(%dma_start3A_185 : memref<80xi32, #tpu.memory_space<vmem>>) semaphore(%arg37 : memref<!tpu.dma_semaphore, #tpu.memory_space<semaphore_mem>>) {add = true}
    %dma_wait3A_189 = arith.constant 114 : i32
    %dma_wait3A_190 = arith.constant 0 : i32
    %dma_wait3A_191 = tpu.memref_slice %arg9[%dma_wait3A_189, %dma_wait3A_190] : memref<125x80xi32, #tpu.memory_space<vmem>> -> memref<1x80xi32, #tpu.memory_space<vmem>>
    %dma_wait3A_192 = tpu.memref_squeeze %dma_wait3A_191 : memref<1x80xi32, #tpu.memory_space<vmem>> -> memref<80xi32, #tpu.memory_space<vmem>>
    %dma_wait3A_193 = arith.constant 0 : i32
    %dma_wait3A_194 = arith.constant 0 : i32
    %dma_wait3A_195 = tpu.memref_slice %arg22[%dma_wait3A_193, %dma_wait3A_194] : memref<10000x32xf32, #tpu.memory_space<vmem_shared>> -> memref<10000x32xf32, #tpu.memory_space<vmem_shared>>
    tpu.wait_indirect_dma semaphore(%arg33 : memref<!tpu.dma_semaphore, #tpu.memory_space<semaphore_mem>>) src(%arg12 : memref<80x32xf32, #tpu.memory_space<vmem>>) dst(%dma_wait3A_195 : memref<10000x32xf32, #tpu.memory_space<vmem_shared>>)
    %dma_start3A_196 = arith.constant 122 : i32
    %dma_start3A_197 = arith.constant 0 : i32
    %dma_start3A_198 = tpu.memref_slice %arg8[%dma_start3A_196, %dma_start3A_197] : memref<125x80xi32, #tpu.memory_space<vmem>> -> memref<1x80xi32, #tpu.memory_space<vmem>>
    %dma_start3A_199 = tpu.memref_squeeze %dma_start3A_198 : memref<1x80xi32, #tpu.memory_space<vmem>> -> memref<80xi32, #tpu.memory_space<vmem>>
    %dma_start3A_200 = arith.constant 0 : i32
    %dma_start3A_201 = arith.constant 0 : i32
    %dma_start3A_202 = tpu.memref_slice %arg2[%dma_start3A_200, %dma_start3A_201] : memref<20000x32xf32, #tpu.memory_space<hbm>> -> memref<20000x32xf32, #tpu.memory_space<hbm>>
    tpu.enqueue_indirect_dma source(%dma_start3A_202 : memref<20000x32xf32, #tpu.memory_space<hbm>>) target(%arg12 : memref<80x32xf32, #tpu.memory_space<vmem>>) offsets(%dma_start3A_199 : memref<80xi32, #tpu.memory_space<vmem>>) semaphore(%arg25 : memref<!tpu.dma_semaphore, #tpu.memory_space<semaphore_mem>>)
    %dma_wait3A_203 = arith.constant 119 : i32
    %dma_wait3A_204 = arith.constant 0 : i32
    %dma_wait3A_205 = tpu.memref_slice %arg8[%dma_wait3A_203, %dma_wait3A_204] : memref<125x80xi32, #tpu.memory_space<vmem>> -> memref<1x80xi32, #tpu.memory_space<vmem>>
    %dma_wait3A_206 = tpu.memref_squeeze %dma_wait3A_205 : memref<1x80xi32, #tpu.memory_space<vmem>> -> memref<80xi32, #tpu.memory_space<vmem>>
    %dma_wait3A_207 = arith.constant 0 : i32
    %dma_wait3A_208 = arith.constant 0 : i32
    %dma_wait3A_209 = tpu.memref_slice %arg2[%dma_wait3A_207, %dma_wait3A_208] : memref<20000x32xf32, #tpu.memory_space<hbm>> -> memref<20000x32xf32, #tpu.memory_space<hbm>>
    tpu.wait_indirect_dma semaphore(%arg30 : memref<!tpu.dma_semaphore, #tpu.memory_space<semaphore_mem>>) src(%dma_wait3A_209 : memref<20000x32xf32, #tpu.memory_space<hbm>>) dst(%arg17 : memref<80x32xf32, #tpu.memory_space<vmem>>)
    %dma_start3A_210 = arith.constant 119 : i32
    %dma_start3A_211 = arith.constant 0 : i32
    %dma_start3A_212 = tpu.memref_slice %arg9[%dma_start3A_210, %dma_start3A_211] : memref<125x80xi32, #tpu.memory_space<vmem>> -> memref<1x80xi32, #tpu.memory_space<vmem>>
    %dma_start3A_213 = tpu.memref_squeeze %dma_start3A_212 : memref<1x80xi32, #tpu.memory_space<vmem>> -> memref<80xi32, #tpu.memory_space<vmem>>
    %dma_start3A_214 = arith.constant 0 : i32
    %dma_start3A_215 = arith.constant 0 : i32
    %dma_start3A_216 = tpu.memref_slice %arg22[%dma_start3A_214, %dma_start3A_215] : memref<10000x32xf32, #tpu.memory_space<vmem_shared>> -> memref<10000x32xf32, #tpu.memory_space<vmem_shared>>
    tpu.enqueue_indirect_dma source(%arg17 : memref<80x32xf32, #tpu.memory_space<vmem>>) target(%dma_start3A_216 : memref<10000x32xf32, #tpu.memory_space<vmem_shared>>) offsets(%dma_start3A_213 : memref<80xi32, #tpu.memory_space<vmem>>) semaphore(%arg38 : memref<!tpu.dma_semaphore, #tpu.memory_space<semaphore_mem>>) {add = true}
    %dma_wait3A_217 = arith.constant 115 : i32
    %dma_wait3A_218 = arith.constant 0 : i32
    %dma_wait3A_219 = tpu.memref_slice %arg9[%dma_wait3A_217, %dma_wait3A_218] : memref<125x80xi32, #tpu.memory_space<vmem>> -> memref<1x80xi32, #tpu.memory_space<vmem>>
    %dma_wait3A_220 = tpu.memref_squeeze %dma_wait3A_219 : memref<1x80xi32, #tpu.memory_space<vmem>> -> memref<80xi32, #tpu.memory_space<vmem>>
    %dma_wait3A_221 = arith.constant 0 : i32
    %dma_wait3A_222 = arith.constant 0 : i32
    %dma_wait3A_223 = tpu.memref_slice %arg22[%dma_wait3A_221, %dma_wait3A_222] : memref<10000x32xf32, #tpu.memory_space<vmem_shared>> -> memref<10000x32xf32, #tpu.memory_space<vmem_shared>>
    tpu.wait_indirect_dma semaphore(%arg34 : memref<!tpu.dma_semaphore, #tpu.memory_space<semaphore_mem>>) src(%arg13 : memref<80x32xf32, #tpu.memory_space<vmem>>) dst(%dma_wait3A_223 : memref<10000x32xf32, #tpu.memory_space<vmem_shared>>)
    %dma_start3A_224 = arith.constant 123 : i32
    %dma_start3A_225 = arith.constant 0 : i32
    %dma_start3A_226 = tpu.memref_slice %arg8[%dma_start3A_224, %dma_start3A_225] : memref<125x80xi32, #tpu.memory_space<vmem>> -> memref<1x80xi32, #tpu.memory_space<vmem>>
    %dma_start3A_227 = tpu.memref_squeeze %dma_start3A_226 : memref<1x80xi32, #tpu.memory_space<vmem>> -> memref<80xi32, #tpu.memory_space<vmem>>
    %dma_start3A_228 = arith.constant 0 : i32
    %dma_start3A_229 = arith.constant 0 : i32
    %dma_start3A_230 = tpu.memref_slice %arg2[%dma_start3A_228, %dma_start3A_229] : memref<20000x32xf32, #tpu.memory_space<hbm>> -> memref<20000x32xf32, #tpu.memory_space<hbm>>
    tpu.enqueue_indirect_dma source(%dma_start3A_230 : memref<20000x32xf32, #tpu.memory_space<hbm>>) target(%arg13 : memref<80x32xf32, #tpu.memory_space<vmem>>) offsets(%dma_start3A_227 : memref<80xi32, #tpu.memory_space<vmem>>) semaphore(%arg26 : memref<!tpu.dma_semaphore, #tpu.memory_space<semaphore_mem>>)
    %dma_wait3A_231 = arith.constant 120 : i32
    %dma_wait3A_232 = arith.constant 0 : i32
    %dma_wait3A_233 = tpu.memref_slice %arg8[%dma_wait3A_231, %dma_wait3A_232] : memref<125x80xi32, #tpu.memory_space<vmem>> -> memref<1x80xi32, #tpu.memory_space<vmem>>
    %dma_wait3A_234 = tpu.memref_squeeze %dma_wait3A_233 : memref<1x80xi32, #tpu.memory_space<vmem>> -> memref<80xi32, #tpu.memory_space<vmem>>
    %dma_wait3A_235 = arith.constant 0 : i32
    %dma_wait3A_236 = arith.constant 0 : i32
    %dma_wait3A_237 = tpu.memref_slice %arg2[%dma_wait3A_235, %dma_wait3A_236] : memref<20000x32xf32, #tpu.memory_space<hbm>> -> memref<20000x32xf32, #tpu.memory_space<hbm>>
    tpu.wait_indirect_dma semaphore(%arg23 : memref<!tpu.dma_semaphore, #tpu.memory_space<semaphore_mem>>) src(%dma_wait3A_237 : memref<20000x32xf32, #tpu.memory_space<hbm>>) dst(%arg10 : memref<80x32xf32, #tpu.memory_space<vmem>>)
    %dma_start3A_238 = arith.constant 120 : i32
    %dma_start3A_239 = arith.constant 0 : i32
    %dma_start3A_240 = tpu.memref_slice %arg9[%dma_start3A_238, %dma_start3A_239] : memref<125x80xi32, #tpu.memory_space<vmem>> -> memref<1x80xi32, #tpu.memory_space<vmem>>
    %dma_start3A_241 = tpu.memref_squeeze %dma_start3A_240 : memref<1x80xi32, #tpu.memory_space<vmem>> -> memref<80xi32, #tpu.memory_space<vmem>>
    %dma_start3A_242 = arith.constant 0 : i32
    %dma_start3A_243 = arith.constant 0 : i32
    %dma_start3A_244 = tpu.memref_slice %arg22[%dma_start3A_242, %dma_start3A_243] : memref<10000x32xf32, #tpu.memory_space<vmem_shared>> -> memref<10000x32xf32, #tpu.memory_space<vmem_shared>>
    tpu.enqueue_indirect_dma source(%arg10 : memref<80x32xf32, #tpu.memory_space<vmem>>) target(%dma_start3A_244 : memref<10000x32xf32, #tpu.memory_space<vmem_shared>>) offsets(%dma_start3A_241 : memref<80xi32, #tpu.memory_space<vmem>>) semaphore(%arg31 : memref<!tpu.dma_semaphore, #tpu.memory_space<semaphore_mem>>) {add = true}
    %dma_wait3A_245 = arith.constant 116 : i32
    %dma_wait3A_246 = arith.constant 0 : i32
    %dma_wait3A_247 = tpu.memref_slice %arg9[%dma_wait3A_245, %dma_wait3A_246] : memref<125x80xi32, #tpu.memory_space<vmem>> -> memref<1x80xi32, #tpu.memory_space<vmem>>
    %dma_wait3A_248 = tpu.memref_squeeze %dma_wait3A_247 : memref<1x80xi32, #tpu.memory_space<vmem>> -> memref<80xi32, #tpu.memory_space<vmem>>
    %dma_wait3A_249 = arith.constant 0 : i32
    %dma_wait3A_250 = arith.constant 0 : i32
    %dma_wait3A_251 = tpu.memref_slice %arg22[%dma_wait3A_249, %dma_wait3A_250] : memref<10000x32xf32, #tpu.memory_space<vmem_shared>> -> memref<10000x32xf32, #tpu.memory_space<vmem_shared>>
    tpu.wait_indirect_dma semaphore(%arg35 : memref<!tpu.dma_semaphore, #tpu.memory_space<semaphore_mem>>) src(%arg14 : memref<80x32xf32, #tpu.memory_space<vmem>>) dst(%dma_wait3A_251 : memref<10000x32xf32, #tpu.memory_space<vmem_shared>>)
    %dma_start3A_252 = arith.constant 124 : i32
    %dma_start3A_253 = arith.constant 0 : i32
    %dma_start3A_254 = tpu.memref_slice %arg8[%dma_start3A_252, %dma_start3A_253] : memref<125x80xi32, #tpu.memory_space<vmem>> -> memref<1x80xi32, #tpu.memory_space<vmem>>
    %dma_start3A_255 = tpu.memref_squeeze %dma_start3A_254 : memref<1x80xi32, #tpu.memory_space<vmem>> -> memref<80xi32, #tpu.memory_space<vmem>>
    %dma_start3A_256 = arith.constant 0 : i32
    %dma_start3A_257 = arith.constant 0 : i32
    %dma_start3A_258 = tpu.memref_slice %arg2[%dma_start3A_256, %dma_start3A_257] : memref<20000x32xf32, #tpu.memory_space<hbm>> -> memref<20000x32xf32, #tpu.memory_space<hbm>>
    tpu.enqueue_indirect_dma source(%dma_start3A_258 : memref<20000x32xf32, #tpu.memory_space<hbm>>) target(%arg14 : memref<80x32xf32, #tpu.memory_space<vmem>>) offsets(%dma_start3A_255 : memref<80xi32, #tpu.memory_space<vmem>>) semaphore(%arg27 : memref<!tpu.dma_semaphore, #tpu.memory_space<semaphore_mem>>)
    %dma_wait3A_259 = arith.constant 121 : i32
    %dma_wait3A_260 = arith.constant 0 : i32
    %dma_wait3A_261 = tpu.memref_slice %arg8[%dma_wait3A_259, %dma_wait3A_260] : memref<125x80xi32, #tpu.memory_space<vmem>> -> memref<1x80xi32, #tpu.memory_space<vmem>>
    %dma_wait3A_262 = tpu.memref_squeeze %dma_wait3A_261 : memref<1x80xi32, #tpu.memory_space<vmem>> -> memref<80xi32, #tpu.memory_space<vmem>>
    %dma_wait3A_263 = arith.constant 0 : i32
    %dma_wait3A_264 = arith.constant 0 : i32
    %dma_wait3A_265 = tpu.memref_slice %arg2[%dma_wait3A_263, %dma_wait3A_264] : memref<20000x32xf32, #tpu.memory_space<hbm>> -> memref<20000x32xf32, #tpu.memory_space<hbm>>
    tpu.wait_indirect_dma semaphore(%arg24 : memref<!tpu.dma_semaphore, #tpu.memory_space<semaphore_mem>>) src(%dma_wait3A_265 : memref<20000x32xf32, #tpu.memory_space<hbm>>) dst(%arg11 : memref<80x32xf32, #tpu.memory_space<vmem>>)
    %dma_start3A_266 = arith.constant 121 : i32
    %dma_start3A_267 = arith.constant 0 : i32
    %dma_start3A_268 = tpu.memref_slice %arg9[%dma_start3A_266, %dma_start3A_267] : memref<125x80xi32, #tpu.memory_space<vmem>> -> memref<1x80xi32, #tpu.memory_space<vmem>>
    %dma_start3A_269 = tpu.memref_squeeze %dma_start3A_268 : memref<1x80xi32, #tpu.memory_space<vmem>> -> memref<80xi32, #tpu.memory_space<vmem>>
    %dma_start3A_270 = arith.constant 0 : i32
    %dma_start3A_271 = arith.constant 0 : i32
    %dma_start3A_272 = tpu.memref_slice %arg22[%dma_start3A_270, %dma_start3A_271] : memref<10000x32xf32, #tpu.memory_space<vmem_shared>> -> memref<10000x32xf32, #tpu.memory_space<vmem_shared>>
    tpu.enqueue_indirect_dma source(%arg11 : memref<80x32xf32, #tpu.memory_space<vmem>>) target(%dma_start3A_272 : memref<10000x32xf32, #tpu.memory_space<vmem_shared>>) offsets(%dma_start3A_269 : memref<80xi32, #tpu.memory_space<vmem>>) semaphore(%arg32 : memref<!tpu.dma_semaphore, #tpu.memory_space<semaphore_mem>>) {add = true}
    %dma_wait3A_273 = arith.constant 117 : i32
    %dma_wait3A_274 = arith.constant 0 : i32
    %dma_wait3A_275 = tpu.memref_slice %arg9[%dma_wait3A_273, %dma_wait3A_274] : memref<125x80xi32, #tpu.memory_space<vmem>> -> memref<1x80xi32, #tpu.memory_space<vmem>>
    %dma_wait3A_276 = tpu.memref_squeeze %dma_wait3A_275 : memref<1x80xi32, #tpu.memory_space<vmem>> -> memref<80xi32, #tpu.memory_space<vmem>>
    %dma_wait3A_277 = arith.constant 0 : i32
    %dma_wait3A_278 = arith.constant 0 : i32
    %dma_wait3A_279 = tpu.memref_slice %arg22[%dma_wait3A_277, %dma_wait3A_278] : memref<10000x32xf32, #tpu.memory_space<vmem_shared>> -> memref<10000x32xf32, #tpu.memory_space<vmem_shared>>
    tpu.wait_indirect_dma semaphore(%arg36 : memref<!tpu.dma_semaphore, #tpu.memory_space<semaphore_mem>>) src(%arg15 : memref<80x32xf32, #tpu.memory_space<vmem>>) dst(%dma_wait3A_279 : memref<10000x32xf32, #tpu.memory_space<vmem_shared>>)
    %dma_wait3A_280 = arith.constant 122 : i32
    %dma_wait3A_281 = arith.constant 0 : i32
    %dma_wait3A_282 = tpu.memref_slice %arg8[%dma_wait3A_280, %dma_wait3A_281] : memref<125x80xi32, #tpu.memory_space<vmem>> -> memref<1x80xi32, #tpu.memory_space<vmem>>
    %dma_wait3A_283 = tpu.memref_squeeze %dma_wait3A_282 : memref<1x80xi32, #tpu.memory_space<vmem>> -> memref<80xi32, #tpu.memory_space<vmem>>
    %dma_wait3A_284 = arith.constant 0 : i32
    %dma_wait3A_285 = arith.constant 0 : i32
    %dma_wait3A_286 = tpu.memref_slice %arg2[%dma_wait3A_284, %dma_wait3A_285] : memref<20000x32xf32, #tpu.memory_space<hbm>> -> memref<20000x32xf32, #tpu.memory_space<hbm>>
    tpu.wait_indirect_dma semaphore(%arg25 : memref<!tpu.dma_semaphore, #tpu.memory_space<semaphore_mem>>) src(%dma_wait3A_286 : memref<20000x32xf32, #tpu.memory_space<hbm>>) dst(%arg12 : memref<80x32xf32, #tpu.memory_space<vmem>>)
    %dma_start3A_287 = arith.constant 122 : i32
    %dma_start3A_288 = arith.constant 0 : i32
    %dma_start3A_289 = tpu.memref_slice %arg9[%dma_start3A_287, %dma_start3A_288] : memref<125x80xi32, #tpu.memory_space<vmem>> -> memref<1x80xi32, #tpu.memory_space<vmem>>
    %dma_start3A_290 = tpu.memref_squeeze %dma_start3A_289 : memref<1x80xi32, #tpu.memory_space<vmem>> -> memref<80xi32, #tpu.memory_space<vmem>>
    %dma_start3A_291 = arith.constant 0 : i32
    %dma_start3A_292 = arith.constant 0 : i32
    %dma_start3A_293 = tpu.memref_slice %arg22[%dma_start3A_291, %dma_start3A_292] : memref<10000x32xf32, #tpu.memory_space<vmem_shared>> -> memref<10000x32xf32, #tpu.memory_space<vmem_shared>>
    tpu.enqueue_indirect_dma source(%arg12 : memref<80x32xf32, #tpu.memory_space<vmem>>) target(%dma_start3A_293 : memref<10000x32xf32, #tpu.memory_space<vmem_shared>>) offsets(%dma_start3A_290 : memref<80xi32, #tpu.memory_space<vmem>>) semaphore(%arg33 : memref<!tpu.dma_semaphore, #tpu.memory_space<semaphore_mem>>) {add = true}
    %dma_wait3A_294 = arith.constant 118 : i32
    %dma_wait3A_295 = arith.constant 0 : i32
    %dma_wait3A_296 = tpu.memref_slice %arg9[%dma_wait3A_294, %dma_wait3A_295] : memref<125x80xi32, #tpu.memory_space<vmem>> -> memref<1x80xi32, #tpu.memory_space<vmem>>
    %dma_wait3A_297 = tpu.memref_squeeze %dma_wait3A_296 : memref<1x80xi32, #tpu.memory_space<vmem>> -> memref<80xi32, #tpu.memory_space<vmem>>
    %dma_wait3A_298 = arith.constant 0 : i32
    %dma_wait3A_299 = arith.constant 0 : i32
    %dma_wait3A_300 = tpu.memref_slice %arg22[%dma_wait3A_298, %dma_wait3A_299] : memref<10000x32xf32, #tpu.memory_space<vmem_shared>> -> memref<10000x32xf32, #tpu.memory_space<vmem_shared>>
    tpu.wait_indirect_dma semaphore(%arg37 : memref<!tpu.dma_semaphore, #tpu.memory_space<semaphore_mem>>) src(%arg16 : memref<80x32xf32, #tpu.memory_space<vmem>>) dst(%dma_wait3A_300 : memref<10000x32xf32, #tpu.memory_space<vmem_shared>>)
    %dma_wait3A_301 = arith.constant 123 : i32
    %dma_wait3A_302 = arith.constant 0 : i32
    %dma_wait3A_303 = tpu.memref_slice %arg8[%dma_wait3A_301, %dma_wait3A_302] : memref<125x80xi32, #tpu.memory_space<vmem>> -> memref<1x80xi32, #tpu.memory_space<vmem>>
    %dma_wait3A_304 = tpu.memref_squeeze %dma_wait3A_303 : memref<1x80xi32, #tpu.memory_space<vmem>> -> memref<80xi32, #tpu.memory_space<vmem>>
    %dma_wait3A_305 = arith.constant 0 : i32
    %dma_wait3A_306 = arith.constant 0 : i32
    %dma_wait3A_307 = tpu.memref_slice %arg2[%dma_wait3A_305, %dma_wait3A_306] : memref<20000x32xf32, #tpu.memory_space<hbm>> -> memref<20000x32xf32, #tpu.memory_space<hbm>>
    tpu.wait_indirect_dma semaphore(%arg26 : memref<!tpu.dma_semaphore, #tpu.memory_space<semaphore_mem>>) src(%dma_wait3A_307 : memref<20000x32xf32, #tpu.memory_space<hbm>>) dst(%arg13 : memref<80x32xf32, #tpu.memory_space<vmem>>)
    %dma_start3A_308 = arith.constant 123 : i32
    %dma_start3A_309 = arith.constant 0 : i32
    %dma_start3A_310 = tpu.memref_slice %arg9[%dma_start3A_308, %dma_start3A_309] : memref<125x80xi32, #tpu.memory_space<vmem>> -> memref<1x80xi32, #tpu.memory_space<vmem>>
    %dma_start3A_311 = tpu.memref_squeeze %dma_start3A_310 : memref<1x80xi32, #tpu.memory_space<vmem>> -> memref<80xi32, #tpu.memory_space<vmem>>
    %dma_start3A_312 = arith.constant 0 : i32
    %dma_start3A_313 = arith.constant 0 : i32
    %dma_start3A_314 = tpu.memref_slice %arg22[%dma_start3A_312, %dma_start3A_313] : memref<10000x32xf32, #tpu.memory_space<vmem_shared>> -> memref<10000x32xf32, #tpu.memory_space<vmem_shared>>
    tpu.enqueue_indirect_dma source(%arg13 : memref<80x32xf32, #tpu.memory_space<vmem>>) target(%dma_start3A_314 : memref<10000x32xf32, #tpu.memory_space<vmem_shared>>) offsets(%dma_start3A_311 : memref<80xi32, #tpu.memory_space<vmem>>) semaphore(%arg34 : memref<!tpu.dma_semaphore, #tpu.memory_space<semaphore_mem>>) {add = true}
    %dma_wait3A_315 = arith.constant 119 : i32
    %dma_wait3A_316 = arith.constant 0 : i32
    %dma_wait3A_317 = tpu.memref_slice %arg9[%dma_wait3A_315, %dma_wait3A_316] : memref<125x80xi32, #tpu.memory_space<vmem>> -> memref<1x80xi32, #tpu.memory_space<vmem>>
    %dma_wait3A_318 = tpu.memref_squeeze %dma_wait3A_317 : memref<1x80xi32, #tpu.memory_space<vmem>> -> memref<80xi32, #tpu.memory_space<vmem>>
    %dma_wait3A_319 = arith.constant 0 : i32
    %dma_wait3A_320 = arith.constant 0 : i32
    %dma_wait3A_321 = tpu.memref_slice %arg22[%dma_wait3A_319, %dma_wait3A_320] : memref<10000x32xf32, #tpu.memory_space<vmem_shared>> -> memref<10000x32xf32, #tpu.memory_space<vmem_shared>>
    tpu.wait_indirect_dma semaphore(%arg38 : memref<!tpu.dma_semaphore, #tpu.memory_space<semaphore_mem>>) src(%arg17 : memref<80x32xf32, #tpu.memory_space<vmem>>) dst(%dma_wait3A_321 : memref<10000x32xf32, #tpu.memory_space<vmem_shared>>)
    %dma_wait3A_322 = arith.constant 124 : i32
    %dma_wait3A_323 = arith.constant 0 : i32
    %dma_wait3A_324 = tpu.memref_slice %arg8[%dma_wait3A_322, %dma_wait3A_323] : memref<125x80xi32, #tpu.memory_space<vmem>> -> memref<1x80xi32, #tpu.memory_space<vmem>>
    %dma_wait3A_325 = tpu.memref_squeeze %dma_wait3A_324 : memref<1x80xi32, #tpu.memory_space<vmem>> -> memref<80xi32, #tpu.memory_space<vmem>>
    %dma_wait3A_326 = arith.constant 0 : i32
    %dma_wait3A_327 = arith.constant 0 : i32
    %dma_wait3A_328 = tpu.memref_slice %arg2[%dma_wait3A_326, %dma_wait3A_327] : memref<20000x32xf32, #tpu.memory_space<hbm>> -> memref<20000x32xf32, #tpu.memory_space<hbm>>
    tpu.wait_indirect_dma semaphore(%arg27 : memref<!tpu.dma_semaphore, #tpu.memory_space<semaphore_mem>>) src(%dma_wait3A_328 : memref<20000x32xf32, #tpu.memory_space<hbm>>) dst(%arg14 : memref<80x32xf32, #tpu.memory_space<vmem>>)
    %dma_start3A_329 = arith.constant 124 : i32
    %dma_start3A_330 = arith.constant 0 : i32
    %dma_start3A_331 = tpu.memref_slice %arg9[%dma_start3A_329, %dma_start3A_330] : memref<125x80xi32, #tpu.memory_space<vmem>> -> memref<1x80xi32, #tpu.memory_space<vmem>>
    %dma_start3A_332 = tpu.memref_squeeze %dma_start3A_331 : memref<1x80xi32, #tpu.memory_space<vmem>> -> memref<80xi32, #tpu.memory_space<vmem>>
    %dma_start3A_333 = arith.constant 0 : i32
    %dma_start3A_334 = arith.constant 0 : i32
    %dma_start3A_335 = tpu.memref_slice %arg22[%dma_start3A_333, %dma_start3A_334] : memref<10000x32xf32, #tpu.memory_space<vmem_shared>> -> memref<10000x32xf32, #tpu.memory_space<vmem_shared>>
    tpu.enqueue_indirect_dma source(%arg14 : memref<80x32xf32, #tpu.memory_space<vmem>>) target(%dma_start3A_335 : memref<10000x32xf32, #tpu.memory_space<vmem_shared>>) offsets(%dma_start3A_332 : memref<80xi32, #tpu.memory_space<vmem>>) semaphore(%arg35 : memref<!tpu.dma_semaphore, #tpu.memory_space<semaphore_mem>>) {add = true}
    %dma_wait3A_336 = arith.constant 120 : i32
    %dma_wait3A_337 = arith.constant 0 : i32
    %dma_wait3A_338 = tpu.memref_slice %arg9[%dma_wait3A_336, %dma_wait3A_337] : memref<125x80xi32, #tpu.memory_space<vmem>> -> memref<1x80xi32, #tpu.memory_space<vmem>>
    %dma_wait3A_339 = tpu.memref_squeeze %dma_wait3A_338 : memref<1x80xi32, #tpu.memory_space<vmem>> -> memref<80xi32, #tpu.memory_space<vmem>>
    %dma_wait3A_340 = arith.constant 0 : i32
    %dma_wait3A_341 = arith.constant 0 : i32
    %dma_wait3A_342 = tpu.memref_slice %arg22[%dma_wait3A_340, %dma_wait3A_341] : memref<10000x32xf32, #tpu.memory_space<vmem_shared>> -> memref<10000x32xf32, #tpu.memory_space<vmem_shared>>
    tpu.wait_indirect_dma semaphore(%arg31 : memref<!tpu.dma_semaphore, #tpu.memory_space<semaphore_mem>>) src(%arg10 : memref<80x32xf32, #tpu.memory_space<vmem>>) dst(%dma_wait3A_342 : memref<10000x32xf32, #tpu.memory_space<vmem_shared>>)
    %dma_wait3A_343 = arith.constant 121 : i32
    %dma_wait3A_344 = arith.constant 0 : i32
    %dma_wait3A_345 = tpu.memref_slice %arg9[%dma_wait3A_343, %dma_wait3A_344] : memref<125x80xi32, #tpu.memory_space<vmem>> -> memref<1x80xi32, #tpu.memory_space<vmem>>
    %dma_wait3A_346 = tpu.memref_squeeze %dma_wait3A_345 : memref<1x80xi32, #tpu.memory_space<vmem>> -> memref<80xi32, #tpu.memory_space<vmem>>
    %dma_wait3A_347 = arith.constant 0 : i32
    %dma_wait3A_348 = arith.constant 0 : i32
    %dma_wait3A_349 = tpu.memref_slice %arg22[%dma_wait3A_347, %dma_wait3A_348] : memref<10000x32xf32, #tpu.memory_space<vmem_shared>> -> memref<10000x32xf32, #tpu.memory_space<vmem_shared>>
    tpu.wait_indirect_dma semaphore(%arg32 : memref<!tpu.dma_semaphore, #tpu.memory_space<semaphore_mem>>) src(%arg11 : memref<80x32xf32, #tpu.memory_space<vmem>>) dst(%dma_wait3A_349 : memref<10000x32xf32, #tpu.memory_space<vmem_shared>>)
    %dma_wait3A_350 = arith.constant 122 : i32
    %dma_wait3A_351 = arith.constant 0 : i32
    %dma_wait3A_352 = tpu.memref_slice %arg9[%dma_wait3A_350, %dma_wait3A_351] : memref<125x80xi32, #tpu.memory_space<vmem>> -> memref<1x80xi32, #tpu.memory_space<vmem>>
    %dma_wait3A_353 = tpu.memref_squeeze %dma_wait3A_352 : memref<1x80xi32, #tpu.memory_space<vmem>> -> memref<80xi32, #tpu.memory_space<vmem>>
    %dma_wait3A_354 = arith.constant 0 : i32
    %dma_wait3A_355 = arith.constant 0 : i32
    %dma_wait3A_356 = tpu.memref_slice %arg22[%dma_wait3A_354, %dma_wait3A_355] : memref<10000x32xf32, #tpu.memory_space<vmem_shared>> -> memref<10000x32xf32, #tpu.memory_space<vmem_shared>>
    tpu.wait_indirect_dma semaphore(%arg33 : memref<!tpu.dma_semaphore, #tpu.memory_space<semaphore_mem>>) src(%arg12 : memref<80x32xf32, #tpu.memory_space<vmem>>) dst(%dma_wait3A_356 : memref<10000x32xf32, #tpu.memory_space<vmem_shared>>)
    %dma_wait3A_357 = arith.constant 123 : i32
    %dma_wait3A_358 = arith.constant 0 : i32
    %dma_wait3A_359 = tpu.memref_slice %arg9[%dma_wait3A_357, %dma_wait3A_358] : memref<125x80xi32, #tpu.memory_space<vmem>> -> memref<1x80xi32, #tpu.memory_space<vmem>>
    %dma_wait3A_360 = tpu.memref_squeeze %dma_wait3A_359 : memref<1x80xi32, #tpu.memory_space<vmem>> -> memref<80xi32, #tpu.memory_space<vmem>>
    %dma_wait3A_361 = arith.constant 0 : i32
    %dma_wait3A_362 = arith.constant 0 : i32
    %dma_wait3A_363 = tpu.memref_slice %arg22[%dma_wait3A_361, %dma_wait3A_362] : memref<10000x32xf32, #tpu.memory_space<vmem_shared>> -> memref<10000x32xf32, #tpu.memory_space<vmem_shared>>
    tpu.wait_indirect_dma semaphore(%arg34 : memref<!tpu.dma_semaphore, #tpu.memory_space<semaphore_mem>>) src(%arg13 : memref<80x32xf32, #tpu.memory_space<vmem>>) dst(%dma_wait3A_363 : memref<10000x32xf32, #tpu.memory_space<vmem_shared>>)
    %dma_wait3A_364 = arith.constant 124 : i32
    %dma_wait3A_365 = arith.constant 0 : i32
    %dma_wait3A_366 = tpu.memref_slice %arg9[%dma_wait3A_364, %dma_wait3A_365] : memref<125x80xi32, #tpu.memory_space<vmem>> -> memref<1x80xi32, #tpu.memory_space<vmem>>
    %dma_wait3A_367 = tpu.memref_squeeze %dma_wait3A_366 : memref<1x80xi32, #tpu.memory_space<vmem>> -> memref<80xi32, #tpu.memory_space<vmem>>
    %dma_wait3A_368 = arith.constant 0 : i32
    %dma_wait3A_369 = arith.constant 0 : i32
    %dma_wait3A_370 = tpu.memref_slice %arg22[%dma_wait3A_368, %dma_wait3A_369] : memref<10000x32xf32, #tpu.memory_space<vmem_shared>> -> memref<10000x32xf32, #tpu.memory_space<vmem_shared>>
    tpu.wait_indirect_dma semaphore(%arg35 : memref<!tpu.dma_semaphore, #tpu.memory_space<semaphore_mem>>) src(%arg14 : memref<80x32xf32, #tpu.memory_space<vmem>>) dst(%dma_wait3A_370 : memref<10000x32xf32, #tpu.memory_space<vmem_shared>>)
    %barrier3A_371 = arith.constant 0 : index
    tpu.barrier barrier_id(%barrier3A_371)
    %mul3A_372 = arith.constant 625 : i32
    %mul3A_373 = arith.muli %arg1, %mul3A_372 : i32
    "tpu.region"() ({
      %run_scoped3A = tpu.sem_alloc : memref<!tpu.dma_semaphore, #tpu.memory_space<semaphore_mem>>
      %dma_start3A_405 = arith.constant 0 : i32
      %dma_start3A_406 = tpu.memref_slice %arg22[%mul3A_373, %dma_start3A_405] : memref<10000x32xf32, #tpu.memory_space<vmem_shared>> -> memref<625x32xf32, #tpu.memory_space<vmem_shared>>
      %dma_start3A_407 = arith.constant 0 : i32
      %dma_start3A_408 = tpu.memref_slice %arg22[%mul3A_373, %dma_start3A_407] : memref<10000x32xf32, #tpu.memory_space<vmem_shared>> -> memref<625x32xf32, #tpu.memory_space<vmem_shared>>
      tpu.enqueue_dma source(%dma_start3A_408 : memref<625x32xf32, #tpu.memory_space<vmem_shared>>) target(%arg18 : memref<625x32xf32, #tpu.memory_space<vmem>>) target_semaphore(%run_scoped3A : memref<!tpu.dma_semaphore, #tpu.memory_space<semaphore_mem>>)
      %dma_wait3A_409 = arith.constant 0 : i32
      %dma_wait3A_410 = tpu.memref_slice %arg22[%mul3A_373, %dma_wait3A_409] : memref<10000x32xf32, #tpu.memory_space<vmem_shared>> -> memref<625x32xf32, #tpu.memory_space<vmem_shared>>
      %dma_wait3A_411 = arith.constant 0 : i32
      %dma_wait3A_412 = tpu.memref_slice %arg22[%mul3A_373, %dma_wait3A_411] : memref<10000x32xf32, #tpu.memory_space<vmem_shared>> -> memref<625x32xf32, #tpu.memory_space<vmem_shared>>
      tpu.wait_dma2 semaphore(%run_scoped3A : memref<!tpu.dma_semaphore, #tpu.memory_space<semaphore_mem>>) src(%dma_wait3A_412 : memref<625x32xf32, #tpu.memory_space<vmem_shared>>) dst(%arg18 : memref<625x32xf32, #tpu.memory_space<vmem>>)
      tpu.yield
    }) : () -> ()
    "tpu.region"() ({
      %run_scoped3A = tpu.sem_alloc : memref<!tpu.dma_semaphore, #tpu.memory_space<semaphore_mem>>
      %dma_start3A_405 = arith.constant 0 : i32
      %dma_start3A_406 = tpu.memref_slice %arg19[%dma_start3A_405] : memref<640xf32, #tpu.memory_space<vmem>> -> memref<625xf32, #tpu.memory_space<vmem>>
      %dma_start3A_407 = arith.constant 0 : i32
      %dma_start3A_408 = tpu.memref_slice %arg5[%arg1, %dma_start3A_407] : memref<16x625xf32, #tpu.memory_space<hbm>> -> memref<1x625xf32, #tpu.memory_space<hbm>>
      %dma_start3A_409 = tpu.memref_squeeze %dma_start3A_408 : memref<1x625xf32, #tpu.memory_space<hbm>> -> memref<625xf32, #tpu.memory_space<hbm>>
      %dma_start3A_410 = arith.constant 0 : i32
      %dma_start3A_411 = tpu.memref_slice %arg19[%dma_start3A_410] : memref<640xf32, #tpu.memory_space<vmem>> -> memref<625xf32, #tpu.memory_space<vmem>>
      %dma_start3A_412 = arith.constant 0 : i32
      %dma_start3A_413 = tpu.memref_slice %arg5[%arg1, %dma_start3A_412] : memref<16x625xf32, #tpu.memory_space<hbm>> -> memref<1x625xf32, #tpu.memory_space<hbm>>
      %dma_start3A_414 = tpu.memref_squeeze %dma_start3A_413 : memref<1x625xf32, #tpu.memory_space<hbm>> -> memref<625xf32, #tpu.memory_space<hbm>>
      tpu.enqueue_dma source(%dma_start3A_414 : memref<625xf32, #tpu.memory_space<hbm>>) target(%dma_start3A_411 : memref<625xf32, #tpu.memory_space<vmem>>) target_semaphore(%run_scoped3A : memref<!tpu.dma_semaphore, #tpu.memory_space<semaphore_mem>>)
      %dma_wait3A_415 = arith.constant 0 : i32
      %dma_wait3A_416 = tpu.memref_slice %arg19[%dma_wait3A_415] : memref<640xf32, #tpu.memory_space<vmem>> -> memref<625xf32, #tpu.memory_space<vmem>>
      %dma_wait3A_417 = arith.constant 0 : i32
      %dma_wait3A_418 = tpu.memref_slice %arg5[%arg1, %dma_wait3A_417] : memref<16x625xf32, #tpu.memory_space<hbm>> -> memref<1x625xf32, #tpu.memory_space<hbm>>
      %dma_wait3A_419 = tpu.memref_squeeze %dma_wait3A_418 : memref<1x625xf32, #tpu.memory_space<hbm>> -> memref<625xf32, #tpu.memory_space<hbm>>
      %dma_wait3A_420 = arith.constant 0 : i32
      %dma_wait3A_421 = tpu.memref_slice %arg19[%dma_wait3A_420] : memref<640xf32, #tpu.memory_space<vmem>> -> memref<625xf32, #tpu.memory_space<vmem>>
      %dma_wait3A_422 = arith.constant 0 : i32
      %dma_wait3A_423 = tpu.memref_slice %arg5[%arg1, %dma_wait3A_422] : memref<16x625xf32, #tpu.memory_space<hbm>> -> memref<1x625xf32, #tpu.memory_space<hbm>>
      %dma_wait3A_424 = tpu.memref_squeeze %dma_wait3A_423 : memref<1x625xf32, #tpu.memory_space<hbm>> -> memref<625xf32, #tpu.memory_space<hbm>>
      tpu.wait_dma2 semaphore(%run_scoped3A : memref<!tpu.dma_semaphore, #tpu.memory_space<semaphore_mem>>) src(%dma_wait3A_424 : memref<625xf32, #tpu.memory_space<hbm>>) dst(%dma_wait3A_421 : memref<625xf32, #tpu.memory_space<vmem>>)
      tpu.yield
    }) : () -> ()
    "tpu.region"() ({
      %run_scoped3A = tpu.sem_alloc : memref<!tpu.dma_semaphore, #tpu.memory_space<semaphore_mem>>
      %dma_start3A_405 = arith.constant 0 : i32
      %dma_start3A_406 = tpu.memref_slice %arg20[%dma_start3A_405] : memref<640xi32, #tpu.memory_space<vmem>> -> memref<625xi32, #tpu.memory_space<vmem>>
      %dma_start3A_407 = arith.constant 0 : i32
      %dma_start3A_408 = tpu.memref_slice %arg6[%arg1, %dma_start3A_407] : memref<16x625xi32, #tpu.memory_space<hbm>> -> memref<1x625xi32, #tpu.memory_space<hbm>>
      %dma_start3A_409 = tpu.memref_squeeze %dma_start3A_408 : memref<1x625xi32, #tpu.memory_space<hbm>> -> memref<625xi32, #tpu.memory_space<hbm>>
      %dma_start3A_410 = arith.constant 0 : i32
      %dma_start3A_411 = tpu.memref_slice %arg20[%dma_start3A_410] : memref<640xi32, #tpu.memory_space<vmem>> -> memref<625xi32, #tpu.memory_space<vmem>>
      %dma_start3A_412 = arith.constant 0 : i32
      %dma_start3A_413 = tpu.memref_slice %arg6[%arg1, %dma_start3A_412] : memref<16x625xi32, #tpu.memory_space<hbm>> -> memref<1x625xi32, #tpu.memory_space<hbm>>
      %dma_start3A_414 = tpu.memref_squeeze %dma_start3A_413 : memref<1x625xi32, #tpu.memory_space<hbm>> -> memref<625xi32, #tpu.memory_space<hbm>>
      tpu.enqueue_dma source(%dma_start3A_414 : memref<625xi32, #tpu.memory_space<hbm>>) target(%dma_start3A_411 : memref<625xi32, #tpu.memory_space<vmem>>) target_semaphore(%run_scoped3A : memref<!tpu.dma_semaphore, #tpu.memory_space<semaphore_mem>>)
      %dma_wait3A_415 = arith.constant 0 : i32
      %dma_wait3A_416 = tpu.memref_slice %arg20[%dma_wait3A_415] : memref<640xi32, #tpu.memory_space<vmem>> -> memref<625xi32, #tpu.memory_space<vmem>>
      %dma_wait3A_417 = arith.constant 0 : i32
      %dma_wait3A_418 = tpu.memref_slice %arg6[%arg1, %dma_wait3A_417] : memref<16x625xi32, #tpu.memory_space<hbm>> -> memref<1x625xi32, #tpu.memory_space<hbm>>
      %dma_wait3A_419 = tpu.memref_squeeze %dma_wait3A_418 : memref<1x625xi32, #tpu.memory_space<hbm>> -> memref<625xi32, #tpu.memory_space<hbm>>
      %dma_wait3A_420 = arith.constant 0 : i32
      %dma_wait3A_421 = tpu.memref_slice %arg20[%dma_wait3A_420] : memref<640xi32, #tpu.memory_space<vmem>> -> memref<625xi32, #tpu.memory_space<vmem>>
      %dma_wait3A_422 = arith.constant 0 : i32
      %dma_wait3A_423 = tpu.memref_slice %arg6[%arg1, %dma_wait3A_422] : memref<16x625xi32, #tpu.memory_space<hbm>> -> memref<1x625xi32, #tpu.memory_space<hbm>>
      %dma_wait3A_424 = tpu.memref_squeeze %dma_wait3A_423 : memref<1x625xi32, #tpu.memory_space<hbm>> -> memref<625xi32, #tpu.memory_space<hbm>>
      tpu.wait_dma2 semaphore(%run_scoped3A : memref<!tpu.dma_semaphore, #tpu.memory_space<semaphore_mem>>) src(%dma_wait3A_424 : memref<625xi32, #tpu.memory_space<hbm>>) dst(%dma_wait3A_421 : memref<625xi32, #tpu.memory_space<vmem>>)
      tpu.yield
    }) : () -> ()
    %scan3A_374 = arith.constant 0 : i32
    %scan3A_375 = arith.constant 128 : i32
    %scan3A_376 = arith.addi %scan3A_374, %scan3A_375 : i32
    %scan3A_377 = arith.constant 1 : i32
    scf.for %scan3A_405 = %scan3A_374 to %scan3A_376 step %scan3A_377  : i32 {
      %mul3A_406 = arith.constant 16 : i32
      %mul3A_407 = arith.muli %scan3A_405, %mul3A_406 : i32
      %add3A_408 = arith.constant 0 : i32
      %add3A_409 = arith.addi %add3A_408, %mul3A_407 : i32
      %broadcast_in_dim3A_410 = arith.constant 0.000000e+00 : f32
      %broadcast_in_dim3A_411 = vector.broadcast %broadcast_in_dim3A_410 : f32 to vector<16xf32>
      %swap3A = arith.index_cast %add3A_409 : i32 to index
      %swap3A_412 = tpu.vector_load %arg21[%swap3A] {strides = array<i32>} : memref<2048xf32, #tpu.memory_space<vmem>>, vector<16xf32>,
      tpu.vector_store %arg21[%swap3A], %broadcast_in_dim3A_411 {strides = array<i32>} : memref<2048xf32, #tpu.memory_space<vmem>>, vector<16xf32>,
    }
    %scan3A_378 = arith.constant 128 : i32
    %iota3A = tpu.iota {dimensions = array<i32: 0>} : vector<16xi32>
    %scan3A_379 = arith.constant 0 : i32
    %scan3A_380 = arith.constant 39 : i32
    %scan3A_381 = arith.addi %scan3A_379, %scan3A_380 : i32
    %scan3A_382 = arith.constant 1 : i32
    scf.for %scan3A_405 = %scan3A_379 to %scan3A_381 step %scan3A_382  : i32 {
      %mul3A_406 = arith.constant 16 : i32
      %mul3A_407 = arith.muli %scan3A_405, %mul3A_406 : i32
      %add3A_408 = arith.constant 0 : i32
      %add3A_409 = arith.addi %add3A_408, %mul3A_407 : i32
      %get3A_410 = arith.index_cast %add3A_409 : i32 to index
      %get3A_411 = tpu.vector_load %arg20[%get3A_410] {strides = array<i32>} : memref<640xi32, #tpu.memory_space<vmem>>, vector<16xi32>,
      %get3A_412 = arith.index_cast %add3A_409 : i32 to index
      %get3A_413 = tpu.vector_load %arg19[%get3A_412] {strides = array<i32>} : memref<640xf32, #tpu.memory_space<vmem>>, vector<16xf32>,
      %add3A_414 = arith.constant 0 : i32
      %add3A_415 = arith.addi %add3A_409, %add3A_414 : i32
      %slice3A_416 = vector.extract_strided_slice %get3A_411 {offsets = [0], sizes = [1], strides = [1]} : vector<16xi32> to vector<1xi32>
      %squeeze3A_417 = vector.extract %slice3A_416[0] : i32 from vector<1xi32>
      %slice3A_418 = vector.extract_strided_slice %get3A_413 {offsets = [0], sizes = [1], strides = [1]} : vector<16xf32> to vector<1xf32>
      %squeeze3A_419 = vector.extract %slice3A_418[0] : f32 from vector<1xf32>
      %broadcast_in_dim3A_420 = vector.broadcast %add3A_415 : i32 to vector<16xi32>
      %mul3A_421 = arith.constant 32 : i32
      %mul3A_422 = arith.muli %squeeze3A_417, %mul3A_421 : i32
      %add3A_423 = vector.broadcast %mul3A_422 : i32 to vector<16xi32>
      %add3A_424 = arith.addi %iota3A, %add3A_423 : vector<16xi32>
      %gather3A_425 = tpu.vector_load_idx %arg18[%broadcast_in_dim3A_420, %iota3A] : memref<625x32xf32, #tpu.memory_space<vmem>>[vector<16xi32>, vector<16xi32>], vector<16xf32>,
      %add3A_426 = arith.constant 16 : i32
      %add3A_427 = vector.broadcast %add3A_426 : i32 to vector<16xi32>
      %add3A_428 = arith.addi %iota3A, %add3A_427 : vector<16xi32>
      %gather3A_429 = tpu.vector_load_idx %arg18[%broadcast_in_dim3A_420, %add3A_428] : memref<625x32xf32, #tpu.memory_space<vmem>>[vector<16xi32>, vector<16xi32>], vector<16xf32>,
      %mul3A_430 = vector.broadcast %squeeze3A_419 : f32 to vector<16xf32>
      %mul3A_431 = arith.mulf %gather3A_425, %mul3A_430 : vector<16xf32>
      tpu.vector_store_idx %arg21[%add3A_424], %mul3A_431 {add = true} : memref<2048xf32, #tpu.memory_space<vmem>>[vector<16xi32>], vector<16xf32>,
      %add3A_432 = arith.constant 16 : i32
      %add3A_433 = vector.broadcast %add3A_432 : i32 to vector<16xi32>
      %add3A_434 = arith.addi %add3A_424, %add3A_433 : vector<16xi32>
      %mul3A_435 = vector.broadcast %squeeze3A_419 : f32 to vector<16xf32>
      %mul3A_436 = arith.mulf %gather3A_429, %mul3A_435 : vector<16xf32>
      tpu.vector_store_idx %arg21[%add3A_434], %mul3A_436 {add = true} : memref<2048xf32, #tpu.memory_space<vmem>>[vector<16xi32>], vector<16xf32>,
      %add3A_437 = arith.constant 1 : i32
      %add3A_438 = arith.addi %add3A_409, %add3A_437 : i32
      %slice3A_439 = vector.extract_strided_slice %get3A_411 {offsets = [1], sizes = [1], strides = [1]} : vector<16xi32> to vector<1xi32>
      %squeeze3A_440 = vector.extract %slice3A_439[0] : i32 from vector<1xi32>
      %slice3A_441 = vector.extract_strided_slice %get3A_413 {offsets = [1], sizes = [1], strides = [1]} : vector<16xf32> to vector<1xf32>
      %squeeze3A_442 = vector.extract %slice3A_441[0] : f32 from vector<1xf32>
      %broadcast_in_dim3A_443 = vector.broadcast %add3A_438 : i32 to vector<16xi32>
      %mul3A_444 = arith.constant 32 : i32
      %mul3A_445 = arith.muli %squeeze3A_440, %mul3A_444 : i32
      %add3A_446 = vector.broadcast %mul3A_445 : i32 to vector<16xi32>
      %add3A_447 = arith.addi %iota3A, %add3A_446 : vector<16xi32>
      %gather3A_448 = tpu.vector_load_idx %arg18[%broadcast_in_dim3A_443, %iota3A] : memref<625x32xf32, #tpu.memory_space<vmem>>[vector<16xi32>, vector<16xi32>], vector<16xf32>,
      %add3A_449 = arith.constant 16 : i32
      %add3A_450 = vector.broadcast %add3A_449 : i32 to vector<16xi32>
      %add3A_451 = arith.addi %iota3A, %add3A_450 : vector<16xi32>
      %gather3A_452 = tpu.vector_load_idx %arg18[%broadcast_in_dim3A_443, %add3A_451] : memref<625x32xf32, #tpu.memory_space<vmem>>[vector<16xi32>, vector<16xi32>], vector<16xf32>,
      %mul3A_453 = vector.broadcast %squeeze3A_442 : f32 to vector<16xf32>
      %mul3A_454 = arith.mulf %gather3A_448, %mul3A_453 : vector<16xf32>
      tpu.vector_store_idx %arg21[%add3A_447], %mul3A_454 {add = true} : memref<2048xf32, #tpu.memory_space<vmem>>[vector<16xi32>], vector<16xf32>,
      %add3A_455 = arith.constant 16 : i32
      %add3A_456 = vector.broadcast %add3A_455 : i32 to vector<16xi32>
      %add3A_457 = arith.addi %add3A_447, %add3A_456 : vector<16xi32>
      %mul3A_458 = vector.broadcast %squeeze3A_442 : f32 to vector<16xf32>
      %mul3A_459 = arith.mulf %gather3A_452, %mul3A_458 : vector<16xf32>
      tpu.vector_store_idx %arg21[%add3A_457], %mul3A_459 {add = true} : memref<2048xf32, #tpu.memory_space<vmem>>[vector<16xi32>], vector<16xf32>,
      %add3A_460 = arith.constant 2 : i32
      %add3A_461 = arith.addi %add3A_409, %add3A_460 : i32
      %slice3A_462 = vector.extract_strided_slice %get3A_411 {offsets = [2], sizes = [1], strides = [1]} : vector<16xi32> to vector<1xi32>
      %squeeze3A_463 = vector.extract %slice3A_462[0] : i32 from vector<1xi32>
      %slice3A_464 = vector.extract_strided_slice %get3A_413 {offsets = [2], sizes = [1], strides = [1]} : vector<16xf32> to vector<1xf32>
      %squeeze3A_465 = vector.extract %slice3A_464[0] : f32 from vector<1xf32>
      %broadcast_in_dim3A_466 = vector.broadcast %add3A_461 : i32 to vector<16xi32>
      %mul3A_467 = arith.constant 32 : i32
      %mul3A_468 = arith.muli %squeeze3A_463, %mul3A_467 : i32
      %add3A_469 = vector.broadcast %mul3A_468 : i32 to vector<16xi32>
      %add3A_470 = arith.addi %iota3A, %add3A_469 : vector<16xi32>
      %gather3A_471 = tpu.vector_load_idx %arg18[%broadcast_in_dim3A_466, %iota3A] : memref<625x32xf32, #tpu.memory_space<vmem>>[vector<16xi32>, vector<16xi32>], vector<16xf32>,
      %add3A_472 = arith.constant 16 : i32
      %add3A_473 = vector.broadcast %add3A_472 : i32 to vector<16xi32>
      %add3A_474 = arith.addi %iota3A, %add3A_473 : vector<16xi32>
      %gather3A_475 = tpu.vector_load_idx %arg18[%broadcast_in_dim3A_466, %add3A_474] : memref<625x32xf32, #tpu.memory_space<vmem>>[vector<16xi32>, vector<16xi32>], vector<16xf32>,
      %mul3A_476 = vector.broadcast %squeeze3A_465 : f32 to vector<16xf32>
      %mul3A_477 = arith.mulf %gather3A_471, %mul3A_476 : vector<16xf32>
      tpu.vector_store_idx %arg21[%add3A_470], %mul3A_477 {add = true} : memref<2048xf32, #tpu.memory_space<vmem>>[vector<16xi32>], vector<16xf32>,
      %add3A_478 = arith.constant 16 : i32
      %add3A_479 = vector.broadcast %add3A_478 : i32 to vector<16xi32>
      %add3A_480 = arith.addi %add3A_470, %add3A_479 : vector<16xi32>
      %mul3A_481 = vector.broadcast %squeeze3A_465 : f32 to vector<16xf32>
      %mul3A_482 = arith.mulf %gather3A_475, %mul3A_481 : vector<16xf32>
      tpu.vector_store_idx %arg21[%add3A_480], %mul3A_482 {add = true} : memref<2048xf32, #tpu.memory_space<vmem>>[vector<16xi32>], vector<16xf32>,
      %add3A_483 = arith.constant 3 : i32
      %add3A_484 = arith.addi %add3A_409, %add3A_483 : i32
      %slice3A_485 = vector.extract_strided_slice %get3A_411 {offsets = [3], sizes = [1], strides = [1]} : vector<16xi32> to vector<1xi32>
      %squeeze3A_486 = vector.extract %slice3A_485[0] : i32 from vector<1xi32>
      %slice3A_487 = vector.extract_strided_slice %get3A_413 {offsets = [3], sizes = [1], strides = [1]} : vector<16xf32> to vector<1xf32>
      %squeeze3A_488 = vector.extract %slice3A_487[0] : f32 from vector<1xf32>
      %broadcast_in_dim3A_489 = vector.broadcast %add3A_484 : i32 to vector<16xi32>
      %mul3A_490 = arith.constant 32 : i32
      %mul3A_491 = arith.muli %squeeze3A_486, %mul3A_490 : i32
      %add3A_492 = vector.broadcast %mul3A_491 : i32 to vector<16xi32>
      %add3A_493 = arith.addi %iota3A, %add3A_492 : vector<16xi32>
      %gather3A_494 = tpu.vector_load_idx %arg18[%broadcast_in_dim3A_489, %iota3A] : memref<625x32xf32, #tpu.memory_space<vmem>>[vector<16xi32>, vector<16xi32>], vector<16xf32>,
      %add3A_495 = arith.constant 16 : i32
      %add3A_496 = vector.broadcast %add3A_495 : i32 to vector<16xi32>
      %add3A_497 = arith.addi %iota3A, %add3A_496 : vector<16xi32>
      %gather3A_498 = tpu.vector_load_idx %arg18[%broadcast_in_dim3A_489, %add3A_497] : memref<625x32xf32, #tpu.memory_space<vmem>>[vector<16xi32>, vector<16xi32>], vector<16xf32>,
      %mul3A_499 = vector.broadcast %squeeze3A_488 : f32 to vector<16xf32>
      %mul3A_500 = arith.mulf %gather3A_494, %mul3A_499 : vector<16xf32>
      tpu.vector_store_idx %arg21[%add3A_493], %mul3A_500 {add = true} : memref<2048xf32, #tpu.memory_space<vmem>>[vector<16xi32>], vector<16xf32>,
      %add3A_501 = arith.constant 16 : i32
      %add3A_502 = vector.broadcast %add3A_501 : i32 to vector<16xi32>
      %add3A_503 = arith.addi %add3A_493, %add3A_502 : vector<16xi32>
      %mul3A_504 = vector.broadcast %squeeze3A_488 : f32 to vector<16xf32>
      %mul3A_505 = arith.mulf %gather3A_498, %mul3A_504 : vector<16xf32>
      tpu.vector_store_idx %arg21[%add3A_503], %mul3A_505 {add = true} : memref<2048xf32, #tpu.memory_space<vmem>>[vector<16xi32>], vector<16xf32>,
      %add3A_506 = arith.constant 4 : i32
      %add3A_507 = arith.addi %add3A_409, %add3A_506 : i32
      %slice3A_508 = vector.extract_strided_slice %get3A_411 {offsets = [4], sizes = [1], strides = [1]} : vector<16xi32> to vector<1xi32>
      %squeeze3A_509 = vector.extract %slice3A_508[0] : i32 from vector<1xi32>
      %slice3A_510 = vector.extract_strided_slice %get3A_413 {offsets = [4], sizes = [1], strides = [1]} : vector<16xf32> to vector<1xf32>
      %squeeze3A_511 = vector.extract %slice3A_510[0] : f32 from vector<1xf32>
      %broadcast_in_dim3A_512 = vector.broadcast %add3A_507 : i32 to vector<16xi32>
      %mul3A_513 = arith.constant 32 : i32
      %mul3A_514 = arith.muli %squeeze3A_509, %mul3A_513 : i32
      %add3A_515 = vector.broadcast %mul3A_514 : i32 to vector<16xi32>
      %add3A_516 = arith.addi %iota3A, %add3A_515 : vector<16xi32>
      %gather3A_517 = tpu.vector_load_idx %arg18[%broadcast_in_dim3A_512, %iota3A] : memref<625x32xf32, #tpu.memory_space<vmem>>[vector<16xi32>, vector<16xi32>], vector<16xf32>,
      %add3A_518 = arith.constant 16 : i32
      %add3A_519 = vector.broadcast %add3A_518 : i32 to vector<16xi32>
      %add3A_520 = arith.addi %iota3A, %add3A_519 : vector<16xi32>
      %gather3A_521 = tpu.vector_load_idx %arg18[%broadcast_in_dim3A_512, %add3A_520] : memref<625x32xf32, #tpu.memory_space<vmem>>[vector<16xi32>, vector<16xi32>], vector<16xf32>,
      %mul3A_522 = vector.broadcast %squeeze3A_511 : f32 to vector<16xf32>
      %mul3A_523 = arith.mulf %gather3A_517, %mul3A_522 : vector<16xf32>
      tpu.vector_store_idx %arg21[%add3A_516], %mul3A_523 {add = true} : memref<2048xf32, #tpu.memory_space<vmem>>[vector<16xi32>], vector<16xf32>,
      %add3A_524 = arith.constant 16 : i32
      %add3A_525 = vector.broadcast %add3A_524 : i32 to vector<16xi32>
      %add3A_526 = arith.addi %add3A_516, %add3A_525 : vector<16xi32>
      %mul3A_527 = vector.broadcast %squeeze3A_511 : f32 to vector<16xf32>
      %mul3A_528 = arith.mulf %gather3A_521, %mul3A_527 : vector<16xf32>
      tpu.vector_store_idx %arg21[%add3A_526], %mul3A_528 {add = true} : memref<2048xf32, #tpu.memory_space<vmem>>[vector<16xi32>], vector<16xf32>,
      %add3A_529 = arith.constant 5 : i32
      %add3A_530 = arith.addi %add3A_409, %add3A_529 : i32
      %slice3A_531 = vector.extract_strided_slice %get3A_411 {offsets = [5], sizes = [1], strides = [1]} : vector<16xi32> to vector<1xi32>
      %squeeze3A_532 = vector.extract %slice3A_531[0] : i32 from vector<1xi32>
      %slice3A_533 = vector.extract_strided_slice %get3A_413 {offsets = [5], sizes = [1], strides = [1]} : vector<16xf32> to vector<1xf32>
      %squeeze3A_534 = vector.extract %slice3A_533[0] : f32 from vector<1xf32>
      %broadcast_in_dim3A_535 = vector.broadcast %add3A_530 : i32 to vector<16xi32>
      %mul3A_536 = arith.constant 32 : i32
      %mul3A_537 = arith.muli %squeeze3A_532, %mul3A_536 : i32
      %add3A_538 = vector.broadcast %mul3A_537 : i32 to vector<16xi32>
      %add3A_539 = arith.addi %iota3A, %add3A_538 : vector<16xi32>
      %gather3A_540 = tpu.vector_load_idx %arg18[%broadcast_in_dim3A_535, %iota3A] : memref<625x32xf32, #tpu.memory_space<vmem>>[vector<16xi32>, vector<16xi32>], vector<16xf32>,
      %add3A_541 = arith.constant 16 : i32
      %add3A_542 = vector.broadcast %add3A_541 : i32 to vector<16xi32>
      %add3A_543 = arith.addi %iota3A, %add3A_542 : vector<16xi32>
      %gather3A_544 = tpu.vector_load_idx %arg18[%broadcast_in_dim3A_535, %add3A_543] : memref<625x32xf32, #tpu.memory_space<vmem>>[vector<16xi32>, vector<16xi32>], vector<16xf32>,
      %mul3A_545 = vector.broadcast %squeeze3A_534 : f32 to vector<16xf32>
      %mul3A_546 = arith.mulf %gather3A_540, %mul3A_545 : vector<16xf32>
      tpu.vector_store_idx %arg21[%add3A_539], %mul3A_546 {add = true} : memref<2048xf32, #tpu.memory_space<vmem>>[vector<16xi32>], vector<16xf32>,
      %add3A_547 = arith.constant 16 : i32
      %add3A_548 = vector.broadcast %add3A_547 : i32 to vector<16xi32>
      %add3A_549 = arith.addi %add3A_539, %add3A_548 : vector<16xi32>
      %mul3A_550 = vector.broadcast %squeeze3A_534 : f32 to vector<16xf32>
      %mul3A_551 = arith.mulf %gather3A_544, %mul3A_550 : vector<16xf32>
      tpu.vector_store_idx %arg21[%add3A_549], %mul3A_551 {add = true} : memref<2048xf32, #tpu.memory_space<vmem>>[vector<16xi32>], vector<16xf32>,
      %add3A_552 = arith.constant 6 : i32
      %add3A_553 = arith.addi %add3A_409, %add3A_552 : i32
      %slice3A_554 = vector.extract_strided_slice %get3A_411 {offsets = [6], sizes = [1], strides = [1]} : vector<16xi32> to vector<1xi32>
      %squeeze3A_555 = vector.extract %slice3A_554[0] : i32 from vector<1xi32>
      %slice3A_556 = vector.extract_strided_slice %get3A_413 {offsets = [6], sizes = [1], strides = [1]} : vector<16xf32> to vector<1xf32>
      %squeeze3A_557 = vector.extract %slice3A_556[0] : f32 from vector<1xf32>
      %broadcast_in_dim3A_558 = vector.broadcast %add3A_553 : i32 to vector<16xi32>
      %mul3A_559 = arith.constant 32 : i32
      %mul3A_560 = arith.muli %squeeze3A_555, %mul3A_559 : i32
      %add3A_561 = vector.broadcast %mul3A_560 : i32 to vector<16xi32>
      %add3A_562 = arith.addi %iota3A, %add3A_561 : vector<16xi32>
      %gather3A_563 = tpu.vector_load_idx %arg18[%broadcast_in_dim3A_558, %iota3A] : memref<625x32xf32, #tpu.memory_space<vmem>>[vector<16xi32>, vector<16xi32>], vector<16xf32>,
      %add3A_564 = arith.constant 16 : i32
      %add3A_565 = vector.broadcast %add3A_564 : i32 to vector<16xi32>
      %add3A_566 = arith.addi %iota3A, %add3A_565 : vector<16xi32>
      %gather3A_567 = tpu.vector_load_idx %arg18[%broadcast_in_dim3A_558, %add3A_566] : memref<625x32xf32, #tpu.memory_space<vmem>>[vector<16xi32>, vector<16xi32>], vector<16xf32>,
      %mul3A_568 = vector.broadcast %squeeze3A_557 : f32 to vector<16xf32>
      %mul3A_569 = arith.mulf %gather3A_563, %mul3A_568 : vector<16xf32>
      tpu.vector_store_idx %arg21[%add3A_562], %mul3A_569 {add = true} : memref<2048xf32, #tpu.memory_space<vmem>>[vector<16xi32>], vector<16xf32>,
      %add3A_570 = arith.constant 16 : i32
      %add3A_571 = vector.broadcast %add3A_570 : i32 to vector<16xi32>
      %add3A_572 = arith.addi %add3A_562, %add3A_571 : vector<16xi32>
      %mul3A_573 = vector.broadcast %squeeze3A_557 : f32 to vector<16xf32>
      %mul3A_574 = arith.mulf %gather3A_567, %mul3A_573 : vector<16xf32>
      tpu.vector_store_idx %arg21[%add3A_572], %mul3A_574 {add = true} : memref<2048xf32, #tpu.memory_space<vmem>>[vector<16xi32>], vector<16xf32>,
      %add3A_575 = arith.constant 7 : i32
      %add3A_576 = arith.addi %add3A_409, %add3A_575 : i32
      %slice3A_577 = vector.extract_strided_slice %get3A_411 {offsets = [7], sizes = [1], strides = [1]} : vector<16xi32> to vector<1xi32>
      %squeeze3A_578 = vector.extract %slice3A_577[0] : i32 from vector<1xi32>
      %slice3A_579 = vector.extract_strided_slice %get3A_413 {offsets = [7], sizes = [1], strides = [1]} : vector<16xf32> to vector<1xf32>
      %squeeze3A_580 = vector.extract %slice3A_579[0] : f32 from vector<1xf32>
      %broadcast_in_dim3A_581 = vector.broadcast %add3A_576 : i32 to vector<16xi32>
      %mul3A_582 = arith.constant 32 : i32
      %mul3A_583 = arith.muli %squeeze3A_578, %mul3A_582 : i32
      %add3A_584 = vector.broadcast %mul3A_583 : i32 to vector<16xi32>
      %add3A_585 = arith.addi %iota3A, %add3A_584 : vector<16xi32>
      %gather3A_586 = tpu.vector_load_idx %arg18[%broadcast_in_dim3A_581, %iota3A] : memref<625x32xf32, #tpu.memory_space<vmem>>[vector<16xi32>, vector<16xi32>], vector<16xf32>,
      %add3A_587 = arith.constant 16 : i32
      %add3A_588 = vector.broadcast %add3A_587 : i32 to vector<16xi32>
      %add3A_589 = arith.addi %iota3A, %add3A_588 : vector<16xi32>
      %gather3A_590 = tpu.vector_load_idx %arg18[%broadcast_in_dim3A_581, %add3A_589] : memref<625x32xf32, #tpu.memory_space<vmem>>[vector<16xi32>, vector<16xi32>], vector<16xf32>,
      %mul3A_591 = vector.broadcast %squeeze3A_580 : f32 to vector<16xf32>
      %mul3A_592 = arith.mulf %gather3A_586, %mul3A_591 : vector<16xf32>
      tpu.vector_store_idx %arg21[%add3A_585], %mul3A_592 {add = true} : memref<2048xf32, #tpu.memory_space<vmem>>[vector<16xi32>], vector<16xf32>,
      %add3A_593 = arith.constant 16 : i32
      %add3A_594 = vector.broadcast %add3A_593 : i32 to vector<16xi32>
      %add3A_595 = arith.addi %add3A_585, %add3A_594 : vector<16xi32>
      %mul3A_596 = vector.broadcast %squeeze3A_580 : f32 to vector<16xf32>
      %mul3A_597 = arith.mulf %gather3A_590, %mul3A_596 : vector<16xf32>
      tpu.vector_store_idx %arg21[%add3A_595], %mul3A_597 {add = true} : memref<2048xf32, #tpu.memory_space<vmem>>[vector<16xi32>], vector<16xf32>,
      %add3A_598 = arith.constant 8 : i32
      %add3A_599 = arith.addi %add3A_409, %add3A_598 : i32
      %slice3A_600 = vector.extract_strided_slice %get3A_411 {offsets = [8], sizes = [1], strides = [1]} : vector<16xi32> to vector<1xi32>
      %squeeze3A_601 = vector.extract %slice3A_600[0] : i32 from vector<1xi32>
      %slice3A_602 = vector.extract_strided_slice %get3A_413 {offsets = [8], sizes = [1], strides = [1]} : vector<16xf32> to vector<1xf32>
      %squeeze3A_603 = vector.extract %slice3A_602[0] : f32 from vector<1xf32>
      %broadcast_in_dim3A_604 = vector.broadcast %add3A_599 : i32 to vector<16xi32>
      %mul3A_605 = arith.constant 32 : i32
      %mul3A_606 = arith.muli %squeeze3A_601, %mul3A_605 : i32
      %add3A_607 = vector.broadcast %mul3A_606 : i32 to vector<16xi32>
      %add3A_608 = arith.addi %iota3A, %add3A_607 : vector<16xi32>
      %gather3A_609 = tpu.vector_load_idx %arg18[%broadcast_in_dim3A_604, %iota3A] : memref<625x32xf32, #tpu.memory_space<vmem>>[vector<16xi32>, vector<16xi32>], vector<16xf32>,
      %add3A_610 = arith.constant 16 : i32
      %add3A_611 = vector.broadcast %add3A_610 : i32 to vector<16xi32>
      %add3A_612 = arith.addi %iota3A, %add3A_611 : vector<16xi32>
      %gather3A_613 = tpu.vector_load_idx %arg18[%broadcast_in_dim3A_604, %add3A_612] : memref<625x32xf32, #tpu.memory_space<vmem>>[vector<16xi32>, vector<16xi32>], vector<16xf32>,
      %mul3A_614 = vector.broadcast %squeeze3A_603 : f32 to vector<16xf32>
      %mul3A_615 = arith.mulf %gather3A_609, %mul3A_614 : vector<16xf32>
      tpu.vector_store_idx %arg21[%add3A_608], %mul3A_615 {add = true} : memref<2048xf32, #tpu.memory_space<vmem>>[vector<16xi32>], vector<16xf32>,
      %add3A_616 = arith.constant 16 : i32
      %add3A_617 = vector.broadcast %add3A_616 : i32 to vector<16xi32>
      %add3A_618 = arith.addi %add3A_608, %add3A_617 : vector<16xi32>
      %mul3A_619 = vector.broadcast %squeeze3A_603 : f32 to vector<16xf32>
      %mul3A_620 = arith.mulf %gather3A_613, %mul3A_619 : vector<16xf32>
      tpu.vector_store_idx %arg21[%add3A_618], %mul3A_620 {add = true} : memref<2048xf32, #tpu.memory_space<vmem>>[vector<16xi32>], vector<16xf32>,
      %add3A_621 = arith.constant 9 : i32
      %add3A_622 = arith.addi %add3A_409, %add3A_621 : i32
      %slice3A_623 = vector.extract_strided_slice %get3A_411 {offsets = [9], sizes = [1], strides = [1]} : vector<16xi32> to vector<1xi32>
      %squeeze3A_624 = vector.extract %slice3A_623[0] : i32 from vector<1xi32>
      %slice3A_625 = vector.extract_strided_slice %get3A_413 {offsets = [9], sizes = [1], strides = [1]} : vector<16xf32> to vector<1xf32>
      %squeeze3A_626 = vector.extract %slice3A_625[0] : f32 from vector<1xf32>
      %broadcast_in_dim3A_627 = vector.broadcast %add3A_622 : i32 to vector<16xi32>
      %mul3A_628 = arith.constant 32 : i32
      %mul3A_629 = arith.muli %squeeze3A_624, %mul3A_628 : i32
      %add3A_630 = vector.broadcast %mul3A_629 : i32 to vector<16xi32>
      %add3A_631 = arith.addi %iota3A, %add3A_630 : vector<16xi32>
      %gather3A_632 = tpu.vector_load_idx %arg18[%broadcast_in_dim3A_627, %iota3A] : memref<625x32xf32, #tpu.memory_space<vmem>>[vector<16xi32>, vector<16xi32>], vector<16xf32>,
      %add3A_633 = arith.constant 16 : i32
      %add3A_634 = vector.broadcast %add3A_633 : i32 to vector<16xi32>
      %add3A_635 = arith.addi %iota3A, %add3A_634 : vector<16xi32>
      %gather3A_636 = tpu.vector_load_idx %arg18[%broadcast_in_dim3A_627, %add3A_635] : memref<625x32xf32, #tpu.memory_space<vmem>>[vector<16xi32>, vector<16xi32>], vector<16xf32>,
      %mul3A_637 = vector.broadcast %squeeze3A_626 : f32 to vector<16xf32>
      %mul3A_638 = arith.mulf %gather3A_632, %mul3A_637 : vector<16xf32>
      tpu.vector_store_idx %arg21[%add3A_631], %mul3A_638 {add = true} : memref<2048xf32, #tpu.memory_space<vmem>>[vector<16xi32>], vector<16xf32>,
      %add3A_639 = arith.constant 16 : i32
      %add3A_640 = vector.broadcast %add3A_639 : i32 to vector<16xi32>
      %add3A_641 = arith.addi %add3A_631, %add3A_640 : vector<16xi32>
      %mul3A_642 = vector.broadcast %squeeze3A_626 : f32 to vector<16xf32>
      %mul3A_643 = arith.mulf %gather3A_636, %mul3A_642 : vector<16xf32>
      tpu.vector_store_idx %arg21[%add3A_641], %mul3A_643 {add = true} : memref<2048xf32, #tpu.memory_space<vmem>>[vector<16xi32>], vector<16xf32>,
      %add3A_644 = arith.constant 10 : i32
      %add3A_645 = arith.addi %add3A_409, %add3A_644 : i32
      %slice3A_646 = vector.extract_strided_slice %get3A_411 {offsets = [10], sizes = [1], strides = [1]} : vector<16xi32> to vector<1xi32>
      %squeeze3A_647 = vector.extract %slice3A_646[0] : i32 from vector<1xi32>
      %slice3A_648 = vector.extract_strided_slice %get3A_413 {offsets = [10], sizes = [1], strides = [1]} : vector<16xf32> to vector<1xf32>
      %squeeze3A_649 = vector.extract %slice3A_648[0] : f32 from vector<1xf32>
      %broadcast_in_dim3A_650 = vector.broadcast %add3A_645 : i32 to vector<16xi32>
      %mul3A_651 = arith.constant 32 : i32
      %mul3A_652 = arith.muli %squeeze3A_647, %mul3A_651 : i32
      %add3A_653 = vector.broadcast %mul3A_652 : i32 to vector<16xi32>
      %add3A_654 = arith.addi %iota3A, %add3A_653 : vector<16xi32>
      %gather3A_655 = tpu.vector_load_idx %arg18[%broadcast_in_dim3A_650, %iota3A] : memref<625x32xf32, #tpu.memory_space<vmem>>[vector<16xi32>, vector<16xi32>], vector<16xf32>,
      %add3A_656 = arith.constant 16 : i32
      %add3A_657 = vector.broadcast %add3A_656 : i32 to vector<16xi32>
      %add3A_658 = arith.addi %iota3A, %add3A_657 : vector<16xi32>
      %gather3A_659 = tpu.vector_load_idx %arg18[%broadcast_in_dim3A_650, %add3A_658] : memref<625x32xf32, #tpu.memory_space<vmem>>[vector<16xi32>, vector<16xi32>], vector<16xf32>,
      %mul3A_660 = vector.broadcast %squeeze3A_649 : f32 to vector<16xf32>
      %mul3A_661 = arith.mulf %gather3A_655, %mul3A_660 : vector<16xf32>
      tpu.vector_store_idx %arg21[%add3A_654], %mul3A_661 {add = true} : memref<2048xf32, #tpu.memory_space<vmem>>[vector<16xi32>], vector<16xf32>,
      %add3A_662 = arith.constant 16 : i32
      %add3A_663 = vector.broadcast %add3A_662 : i32 to vector<16xi32>
      %add3A_664 = arith.addi %add3A_654, %add3A_663 : vector<16xi32>
      %mul3A_665 = vector.broadcast %squeeze3A_649 : f32 to vector<16xf32>
      %mul3A_666 = arith.mulf %gather3A_659, %mul3A_665 : vector<16xf32>
      tpu.vector_store_idx %arg21[%add3A_664], %mul3A_666 {add = true} : memref<2048xf32, #tpu.memory_space<vmem>>[vector<16xi32>], vector<16xf32>,
      %add3A_667 = arith.constant 11 : i32
      %add3A_668 = arith.addi %add3A_409, %add3A_667 : i32
      %slice3A_669 = vector.extract_strided_slice %get3A_411 {offsets = [11], sizes = [1], strides = [1]} : vector<16xi32> to vector<1xi32>
      %squeeze3A_670 = vector.extract %slice3A_669[0] : i32 from vector<1xi32>
      %slice3A_671 = vector.extract_strided_slice %get3A_413 {offsets = [11], sizes = [1], strides = [1]} : vector<16xf32> to vector<1xf32>
      %squeeze3A_672 = vector.extract %slice3A_671[0] : f32 from vector<1xf32>
      %broadcast_in_dim3A_673 = vector.broadcast %add3A_668 : i32 to vector<16xi32>
      %mul3A_674 = arith.constant 32 : i32
      %mul3A_675 = arith.muli %squeeze3A_670, %mul3A_674 : i32
      %add3A_676 = vector.broadcast %mul3A_675 : i32 to vector<16xi32>
      %add3A_677 = arith.addi %iota3A, %add3A_676 : vector<16xi32>
      %gather3A_678 = tpu.vector_load_idx %arg18[%broadcast_in_dim3A_673, %iota3A] : memref<625x32xf32, #tpu.memory_space<vmem>>[vector<16xi32>, vector<16xi32>], vector<16xf32>,
      %add3A_679 = arith.constant 16 : i32
      %add3A_680 = vector.broadcast %add3A_679 : i32 to vector<16xi32>
      %add3A_681 = arith.addi %iota3A, %add3A_680 : vector<16xi32>
      %gather3A_682 = tpu.vector_load_idx %arg18[%broadcast_in_dim3A_673, %add3A_681] : memref<625x32xf32, #tpu.memory_space<vmem>>[vector<16xi32>, vector<16xi32>], vector<16xf32>,
      %mul3A_683 = vector.broadcast %squeeze3A_672 : f32 to vector<16xf32>
      %mul3A_684 = arith.mulf %gather3A_678, %mul3A_683 : vector<16xf32>
      tpu.vector_store_idx %arg21[%add3A_677], %mul3A_684 {add = true} : memref<2048xf32, #tpu.memory_space<vmem>>[vector<16xi32>], vector<16xf32>,
      %add3A_685 = arith.constant 16 : i32
      %add3A_686 = vector.broadcast %add3A_685 : i32 to vector<16xi32>
      %add3A_687 = arith.addi %add3A_677, %add3A_686 : vector<16xi32>
      %mul3A_688 = vector.broadcast %squeeze3A_672 : f32 to vector<16xf32>
      %mul3A_689 = arith.mulf %gather3A_682, %mul3A_688 : vector<16xf32>
      tpu.vector_store_idx %arg21[%add3A_687], %mul3A_689 {add = true} : memref<2048xf32, #tpu.memory_space<vmem>>[vector<16xi32>], vector<16xf32>,
      %add3A_690 = arith.constant 12 : i32
      %add3A_691 = arith.addi %add3A_409, %add3A_690 : i32
      %slice3A_692 = vector.extract_strided_slice %get3A_411 {offsets = [12], sizes = [1], strides = [1]} : vector<16xi32> to vector<1xi32>
      %squeeze3A_693 = vector.extract %slice3A_692[0] : i32 from vector<1xi32>
      %slice3A_694 = vector.extract_strided_slice %get3A_413 {offsets = [12], sizes = [1], strides = [1]} : vector<16xf32> to vector<1xf32>
      %squeeze3A_695 = vector.extract %slice3A_694[0] : f32 from vector<1xf32>
      %broadcast_in_dim3A_696 = vector.broadcast %add3A_691 : i32 to vector<16xi32>
      %mul3A_697 = arith.constant 32 : i32
      %mul3A_698 = arith.muli %squeeze3A_693, %mul3A_697 : i32
      %add3A_699 = vector.broadcast %mul3A_698 : i32 to vector<16xi32>
      %add3A_700 = arith.addi %iota3A, %add3A_699 : vector<16xi32>
      %gather3A_701 = tpu.vector_load_idx %arg18[%broadcast_in_dim3A_696, %iota3A] : memref<625x32xf32, #tpu.memory_space<vmem>>[vector<16xi32>, vector<16xi32>], vector<16xf32>,
      %add3A_702 = arith.constant 16 : i32
      %add3A_703 = vector.broadcast %add3A_702 : i32 to vector<16xi32>
      %add3A_704 = arith.addi %iota3A, %add3A_703 : vector<16xi32>
      %gather3A_705 = tpu.vector_load_idx %arg18[%broadcast_in_dim3A_696, %add3A_704] : memref<625x32xf32, #tpu.memory_space<vmem>>[vector<16xi32>, vector<16xi32>], vector<16xf32>,
      %mul3A_706 = vector.broadcast %squeeze3A_695 : f32 to vector<16xf32>
      %mul3A_707 = arith.mulf %gather3A_701, %mul3A_706 : vector<16xf32>
      tpu.vector_store_idx %arg21[%add3A_700], %mul3A_707 {add = true} : memref<2048xf32, #tpu.memory_space<vmem>>[vector<16xi32>], vector<16xf32>,
      %add3A_708 = arith.constant 16 : i32
      %add3A_709 = vector.broadcast %add3A_708 : i32 to vector<16xi32>
      %add3A_710 = arith.addi %add3A_700, %add3A_709 : vector<16xi32>
      %mul3A_711 = vector.broadcast %squeeze3A_695 : f32 to vector<16xf32>
      %mul3A_712 = arith.mulf %gather3A_705, %mul3A_711 : vector<16xf32>
      tpu.vector_store_idx %arg21[%add3A_710], %mul3A_712 {add = true} : memref<2048xf32, #tpu.memory_space<vmem>>[vector<16xi32>], vector<16xf32>,
      %add3A_713 = arith.constant 13 : i32
      %add3A_714 = arith.addi %add3A_409, %add3A_713 : i32
      %slice3A_715 = vector.extract_strided_slice %get3A_411 {offsets = [13], sizes = [1], strides = [1]} : vector<16xi32> to vector<1xi32>
      %squeeze3A_716 = vector.extract %slice3A_715[0] : i32 from vector<1xi32>
      %slice3A_717 = vector.extract_strided_slice %get3A_413 {offsets = [13], sizes = [1], strides = [1]} : vector<16xf32> to vector<1xf32>
      %squeeze3A_718 = vector.extract %slice3A_717[0] : f32 from vector<1xf32>
      %broadcast_in_dim3A_719 = vector.broadcast %add3A_714 : i32 to vector<16xi32>
      %mul3A_720 = arith.constant 32 : i32
      %mul3A_721 = arith.muli %squeeze3A_716, %mul3A_720 : i32
      %add3A_722 = vector.broadcast %mul3A_721 : i32 to vector<16xi32>
      %add3A_723 = arith.addi %iota3A, %add3A_722 : vector<16xi32>
      %gather3A_724 = tpu.vector_load_idx %arg18[%broadcast_in_dim3A_719, %iota3A] : memref<625x32xf32, #tpu.memory_space<vmem>>[vector<16xi32>, vector<16xi32>], vector<16xf32>,
      %add3A_725 = arith.constant 16 : i32
      %add3A_726 = vector.broadcast %add3A_725 : i32 to vector<16xi32>
      %add3A_727 = arith.addi %iota3A, %add3A_726 : vector<16xi32>
      %gather3A_728 = tpu.vector_load_idx %arg18[%broadcast_in_dim3A_719, %add3A_727] : memref<625x32xf32, #tpu.memory_space<vmem>>[vector<16xi32>, vector<16xi32>], vector<16xf32>,
      %mul3A_729 = vector.broadcast %squeeze3A_718 : f32 to vector<16xf32>
      %mul3A_730 = arith.mulf %gather3A_724, %mul3A_729 : vector<16xf32>
      tpu.vector_store_idx %arg21[%add3A_723], %mul3A_730 {add = true} : memref<2048xf32, #tpu.memory_space<vmem>>[vector<16xi32>], vector<16xf32>,
      %add3A_731 = arith.constant 16 : i32
      %add3A_732 = vector.broadcast %add3A_731 : i32 to vector<16xi32>
      %add3A_733 = arith.addi %add3A_723, %add3A_732 : vector<16xi32>
      %mul3A_734 = vector.broadcast %squeeze3A_718 : f32 to vector<16xf32>
      %mul3A_735 = arith.mulf %gather3A_728, %mul3A_734 : vector<16xf32>
      tpu.vector_store_idx %arg21[%add3A_733], %mul3A_735 {add = true} : memref<2048xf32, #tpu.memory_space<vmem>>[vector<16xi32>], vector<16xf32>,
      %add3A_736 = arith.constant 14 : i32
      %add3A_737 = arith.addi %add3A_409, %add3A_736 : i32
      %slice3A_738 = vector.extract_strided_slice %get3A_411 {offsets = [14], sizes = [1], strides = [1]} : vector<16xi32> to vector<1xi32>
      %squeeze3A_739 = vector.extract %slice3A_738[0] : i32 from vector<1xi32>
      %slice3A_740 = vector.extract_strided_slice %get3A_413 {offsets = [14], sizes = [1], strides = [1]} : vector<16xf32> to vector<1xf32>
      %squeeze3A_741 = vector.extract %slice3A_740[0] : f32 from vector<1xf32>
      %broadcast_in_dim3A_742 = vector.broadcast %add3A_737 : i32 to vector<16xi32>
      %mul3A_743 = arith.constant 32 : i32
      %mul3A_744 = arith.muli %squeeze3A_739, %mul3A_743 : i32
      %add3A_745 = vector.broadcast %mul3A_744 : i32 to vector<16xi32>
      %add3A_746 = arith.addi %iota3A, %add3A_745 : vector<16xi32>
      %gather3A_747 = tpu.vector_load_idx %arg18[%broadcast_in_dim3A_742, %iota3A] : memref<625x32xf32, #tpu.memory_space<vmem>>[vector<16xi32>, vector<16xi32>], vector<16xf32>,
      %add3A_748 = arith.constant 16 : i32
      %add3A_749 = vector.broadcast %add3A_748 : i32 to vector<16xi32>
      %add3A_750 = arith.addi %iota3A, %add3A_749 : vector<16xi32>
      %gather3A_751 = tpu.vector_load_idx %arg18[%broadcast_in_dim3A_742, %add3A_750] : memref<625x32xf32, #tpu.memory_space<vmem>>[vector<16xi32>, vector<16xi32>], vector<16xf32>,
      %mul3A_752 = vector.broadcast %squeeze3A_741 : f32 to vector<16xf32>
      %mul3A_753 = arith.mulf %gather3A_747, %mul3A_752 : vector<16xf32>
      tpu.vector_store_idx %arg21[%add3A_746], %mul3A_753 {add = true} : memref<2048xf32, #tpu.memory_space<vmem>>[vector<16xi32>], vector<16xf32>,
      %add3A_754 = arith.constant 16 : i32
      %add3A_755 = vector.broadcast %add3A_754 : i32 to vector<16xi32>
      %add3A_756 = arith.addi %add3A_746, %add3A_755 : vector<16xi32>
      %mul3A_757 = vector.broadcast %squeeze3A_741 : f32 to vector<16xf32>
      %mul3A_758 = arith.mulf %gather3A_751, %mul3A_757 : vector<16xf32>
      tpu.vector_store_idx %arg21[%add3A_756], %mul3A_758 {add = true} : memref<2048xf32, #tpu.memory_space<vmem>>[vector<16xi32>], vector<16xf32>,
      %add3A_759 = arith.constant 15 : i32
      %add3A_760 = arith.addi %add3A_409, %add3A_759 : i32
      %slice3A_761 = vector.extract_strided_slice %get3A_411 {offsets = [15], sizes = [1], strides = [1]} : vector<16xi32> to vector<1xi32>
      %squeeze3A_762 = vector.extract %slice3A_761[0] : i32 from vector<1xi32>
      %slice3A_763 = vector.extract_strided_slice %get3A_413 {offsets = [15], sizes = [1], strides = [1]} : vector<16xf32> to vector<1xf32>
      %squeeze3A_764 = vector.extract %slice3A_763[0] : f32 from vector<1xf32>
      %broadcast_in_dim3A_765 = vector.broadcast %add3A_760 : i32 to vector<16xi32>
      %mul3A_766 = arith.constant 32 : i32
      %mul3A_767 = arith.muli %squeeze3A_762, %mul3A_766 : i32
      %add3A_768 = vector.broadcast %mul3A_767 : i32 to vector<16xi32>
      %add3A_769 = arith.addi %iota3A, %add3A_768 : vector<16xi32>
      %gather3A_770 = tpu.vector_load_idx %arg18[%broadcast_in_dim3A_765, %iota3A] : memref<625x32xf32, #tpu.memory_space<vmem>>[vector<16xi32>, vector<16xi32>], vector<16xf32>,
      %add3A_771 = arith.constant 16 : i32
      %add3A_772 = vector.broadcast %add3A_771 : i32 to vector<16xi32>
      %add3A_773 = arith.addi %iota3A, %add3A_772 : vector<16xi32>
      %gather3A_774 = tpu.vector_load_idx %arg18[%broadcast_in_dim3A_765, %add3A_773] : memref<625x32xf32, #tpu.memory_space<vmem>>[vector<16xi32>, vector<16xi32>], vector<16xf32>,
      %mul3A_775 = vector.broadcast %squeeze3A_764 : f32 to vector<16xf32>
      %mul3A_776 = arith.mulf %gather3A_770, %mul3A_775 : vector<16xf32>
      tpu.vector_store_idx %arg21[%add3A_769], %mul3A_776 {add = true} : memref<2048xf32, #tpu.memory_space<vmem>>[vector<16xi32>], vector<16xf32>,
      %add3A_777 = arith.constant 16 : i32
      %add3A_778 = vector.broadcast %add3A_777 : i32 to vector<16xi32>
      %add3A_779 = arith.addi %add3A_769, %add3A_778 : vector<16xi32>
      %mul3A_780 = vector.broadcast %squeeze3A_764 : f32 to vector<16xf32>
      %mul3A_781 = arith.mulf %gather3A_774, %mul3A_780 : vector<16xf32>
      tpu.vector_store_idx %arg21[%add3A_779], %mul3A_781 {add = true} : memref<2048xf32, #tpu.memory_space<vmem>>[vector<16xi32>], vector<16xf32>,
    }
    %scan3A_383 = arith.constant 39 : i32
    %get3A = arith.constant 624 : index
    %get3A_384 = tpu.vector_load %arg20[%get3A] {strides = array<i32>} : memref<640xi32, #tpu.memory_space<vmem>>, vector<16xi32>,
    %get3A_385 = arith.constant 624 : index
    %get3A_386 = tpu.vector_load %arg19[%get3A_385] {strides = array<i32>} : memref<640xf32, #tpu.memory_space<vmem>>, vector<16xf32>,
    %slice3A = vector.extract_strided_slice %get3A_384 {offsets = [0], sizes = [1], strides = [1]} : vector<16xi32> to vector<1xi32>
    %squeeze3A = vector.extract %slice3A[0] : i32 from vector<1xi32>
    %slice3A_387 = vector.extract_strided_slice %get3A_386 {offsets = [0], sizes = [1], strides = [1]} : vector<16xf32> to vector<1xf32>
    %squeeze3A_388 = vector.extract %slice3A_387[0] : f32 from vector<1xf32>
    %broadcast_in_dim3A = arith.constant 624 : i32
    %broadcast_in_dim3A_389 = vector.broadcast %broadcast_in_dim3A : i32 to vector<16xi32>
    %mul3A_390 = arith.constant 32 : i32
    %mul3A_391 = arith.muli %squeeze3A, %mul3A_390 : i32
    %add3A_392 = vector.broadcast %mul3A_391 : i32 to vector<16xi32>
    %add3A_393 = arith.addi %iota3A, %add3A_392 : vector<16xi32>
    %gather3A = tpu.vector_load_idx %arg18[%broadcast_in_dim3A_389, %iota3A] : memref<625x32xf32, #tpu.memory_space<vmem>>[vector<16xi32>, vector<16xi32>], vector<16xf32>,
    %add3A_394 = arith.constant 16 : i32
    %add3A_395 = vector.broadcast %add3A_394 : i32 to vector<16xi32>
    %add3A_396 = arith.addi %iota3A, %add3A_395 : vector<16xi32>
    %gather3A_397 = tpu.vector_load_idx %arg18[%broadcast_in_dim3A_389, %add3A_396] : memref<625x32xf32, #tpu.memory_space<vmem>>[vector<16xi32>, vector<16xi32>], vector<16xf32>,
    %mul3A_398 = vector.broadcast %squeeze3A_388 : f32 to vector<16xf32>
    %mul3A_399 = arith.mulf %gather3A, %mul3A_398 : vector<16xf32>
    tpu.vector_store_idx %arg21[%add3A_393], %mul3A_399 {add = true} : memref<2048xf32, #tpu.memory_space<vmem>>[vector<16xi32>], vector<16xf32>,
    %add3A_400 = arith.constant 16 : i32
    %add3A_401 = vector.broadcast %add3A_400 : i32 to vector<16xi32>
    %add3A_402 = arith.addi %add3A_393, %add3A_401 : vector<16xi32>
    %mul3A_403 = vector.broadcast %squeeze3A_388 : f32 to vector<16xf32>
    %mul3A_404 = arith.mulf %gather3A_397, %mul3A_403 : vector<16xf32>
    tpu.vector_store_idx %arg21[%add3A_402], %mul3A_404 {add = true} : memref<2048xf32, #tpu.memory_space<vmem>>[vector<16xi32>], vector<16xf32>,
    "tpu.region"() ({
      %run_scoped3A = tpu.sem_alloc : memref<!tpu.dma_semaphore, #tpu.memory_space<semaphore_mem>>
      %dma_start3A_405 = arith.constant 0 : i32
      %dma_start3A_406 = tpu.memref_slice %arg7[%arg0, %arg1, %dma_start3A_405] : memref<2x16x2048xf32, #tpu.memory_space<hbm>> -> memref<1x1x2048xf32, #tpu.memory_space<hbm>>
      %dma_start3A_407 = tpu.memref_squeeze %dma_start3A_406 : memref<1x1x2048xf32, #tpu.memory_space<hbm>> -> memref<2048xf32, #tpu.memory_space<hbm>>
      %dma_start3A_408 = arith.constant 0 : i32
      %dma_start3A_409 = tpu.memref_slice %arg7[%arg0, %arg1, %dma_start3A_408] : memref<2x16x2048xf32, #tpu.memory_space<hbm>> -> memref<1x1x2048xf32, #tpu.memory_space<hbm>>
      %dma_start3A_410 = tpu.memref_squeeze %dma_start3A_409 : memref<1x1x2048xf32, #tpu.memory_space<hbm>> -> memref<2048xf32, #tpu.memory_space<hbm>>
      tpu.enqueue_dma source(%arg21 : memref<2048xf32, #tpu.memory_space<vmem>>) target(%dma_start3A_410 : memref<2048xf32, #tpu.memory_space<hbm>>) target_semaphore(%run_scoped3A : memref<!tpu.dma_semaphore, #tpu.memory_space<semaphore_mem>>)
      %dma_wait3A_411 = arith.constant 0 : i32
      %dma_wait3A_412 = tpu.memref_slice %arg7[%arg0, %arg1, %dma_wait3A_411] : memref<2x16x2048xf32, #tpu.memory_space<hbm>> -> memref<1x1x2048xf32, #tpu.memory_space<hbm>>
      %dma_wait3A_413 = tpu.memref_squeeze %dma_wait3A_412 : memref<1x1x2048xf32, #tpu.memory_space<hbm>> -> memref<2048xf32, #tpu.memory_space<hbm>>
      %dma_wait3A_414 = arith.constant 0 : i32
      %dma_wait3A_415 = tpu.memref_slice %arg7[%arg0, %arg1, %dma_wait3A_414] : memref<2x16x2048xf32, #tpu.memory_space<hbm>> -> memref<1x1x2048xf32, #tpu.memory_space<hbm>>
      %dma_wait3A_416 = tpu.memref_squeeze %dma_wait3A_415 : memref<1x1x2048xf32, #tpu.memory_space<hbm>> -> memref<2048xf32, #tpu.memory_space<hbm>>
      tpu.wait_dma2 semaphore(%run_scoped3A : memref<!tpu.dma_semaphore, #tpu.memory_space<semaphore_mem>>) src(%arg21 : memref<2048xf32, #tpu.memory_space<vmem>>) dst(%dma_wait3A_416 : memref<2048xf32, #tpu.memory_space<hbm>>)
      tpu.yield
    }) : () -> ()
    return
  }
}

#map = affine_map<(d0, d1) -> (0, 0)>
#map1 = affine_map<(d0, d1) -> (0, 0, 0, 0)>
#map2 = affine_map<(d0, d1) -> (0, 0, 0)>
module attributes {stable_mosaic.version = 14 : i64} {
  func.func @k(%arg0: i32, %arg1: i32, %arg2: memref<20000x64xf32, #tpu.memory_space<hbm>>, %arg3: memref<2x16x125x80xi32, #tpu.memory_space<hbm>>, %arg4: memref<16x125x80xi32, #tpu.memory_space<hbm>>, %arg5: memref<20000x64xf32, #tpu.memory_space<hbm>>, %arg6: memref<125x80xi32, #tpu.memory_space<vmem>>, %arg7: memref<125x80xi32, #tpu.memory_space<vmem>>, %arg8: memref<80x64xf32, #tpu.memory_space<vmem>>, %arg9: memref<80x64xf32, #tpu.memory_space<vmem>>, %arg10: memref<80x64xf32, #tpu.memory_space<vmem>>, %arg11: memref<80x64xf32, #tpu.memory_space<vmem>>, %arg12: memref<80x64xf32, #tpu.memory_space<vmem>>, %arg13: memref<80x64xf32, #tpu.memory_space<vmem>>, %arg14: memref<80x64xf32, #tpu.memory_space<vmem>>, %arg15: memref<80x64xf32, #tpu.memory_space<vmem>>, %arg16: memref<10000x64xf32, #tpu.memory_space<vmem_shared>>, %arg17: memref<!tpu.dma_semaphore, #tpu.memory_space<semaphore_mem>>, %arg18: memref<!tpu.dma_semaphore, #tpu.memory_space<semaphore_mem>>, %arg19: memref<!tpu.dma_semaphore, #tpu.memory_space<semaphore_mem>>, %arg20: memref<!tpu.dma_semaphore, #tpu.memory_space<semaphore_mem>>, %arg21: memref<!tpu.dma_semaphore, #tpu.memory_space<semaphore_mem>>, %arg22: memref<!tpu.dma_semaphore, #tpu.memory_space<semaphore_mem>>, %arg23: memref<!tpu.dma_semaphore, #tpu.memory_space<semaphore_mem>>, %arg24: memref<!tpu.dma_semaphore, #tpu.memory_space<semaphore_mem>>, %arg25: memref<!tpu.dma_semaphore, #tpu.memory_space<semaphore_mem>>, %arg26: memref<!tpu.dma_semaphore, #tpu.memory_space<semaphore_mem>>, %arg27: memref<!tpu.dma_semaphore, #tpu.memory_space<semaphore_mem>>, %arg28: memref<!tpu.dma_semaphore, #tpu.memory_space<semaphore_mem>>, %arg29: memref<!tpu.dma_semaphore, #tpu.memory_space<semaphore_mem>>, %arg30: memref<!tpu.dma_semaphore, #tpu.memory_space<semaphore_mem>>, %arg31: memref<!tpu.dma_semaphore, #tpu.memory_space<semaphore_mem>>, %arg32: memref<!tpu.dma_semaphore, #tpu.memory_space<semaphore_mem>>) attributes {dimension_semantics = [#tpu.dimension_semantics<core_parallel>, #tpu.dimension_semantics<subcore_parallel>], iteration_bounds = array<i64: 2, 16>, scalar_prefetch = 0 : i64, scratch_operands = 27 : i64, tpu.core_type = #tpu.core_type<sc_vector_subcore>, window_params = [{transform_indices = #map}, {transform_indices = #map1}, {transform_indices = #map2}, {transform_indices = #map}]} {
    "tpu.region"() ({
      %run_scoped3A = tpu.sem_alloc : memref<!tpu.dma_semaphore, #tpu.memory_space<semaphore_mem>>
      %dma_start3A_379 = arith.constant 0 : i32
      %dma_start3A_380 = arith.constant 0 : i32
      %dma_start3A_381 = tpu.memref_slice %arg3[%arg0, %arg1, %dma_start3A_379, %dma_start3A_380] : memref<2x16x125x80xi32, #tpu.memory_space<hbm>> -> memref<1x1x125x80xi32, #tpu.memory_space<hbm>>
      %dma_start3A_382 = tpu.memref_squeeze %dma_start3A_381 : memref<1x1x125x80xi32, #tpu.memory_space<hbm>> -> memref<125x80xi32, #tpu.memory_space<hbm>>
      %dma_start3A_383 = arith.constant 0 : i32
      %dma_start3A_384 = arith.constant 0 : i32
      %dma_start3A_385 = tpu.memref_slice %arg3[%arg0, %arg1, %dma_start3A_383, %dma_start3A_384] : memref<2x16x125x80xi32, #tpu.memory_space<hbm>> -> memref<1x1x125x80xi32, #tpu.memory_space<hbm>>
      %dma_start3A_386 = tpu.memref_squeeze %dma_start3A_385 : memref<1x1x125x80xi32, #tpu.memory_space<hbm>> -> memref<125x80xi32, #tpu.memory_space<hbm>>
      tpu.enqueue_dma source(%dma_start3A_386 : memref<125x80xi32, #tpu.memory_space<hbm>>) target(%arg6 : memref<125x80xi32, #tpu.memory_space<vmem>>) target_semaphore(%run_scoped3A : memref<!tpu.dma_semaphore, #tpu.memory_space<semaphore_mem>>)
      %dma_wait3A_387 = arith.constant 0 : i32
      %dma_wait3A_388 = arith.constant 0 : i32
      %dma_wait3A_389 = tpu.memref_slice %arg3[%arg0, %arg1, %dma_wait3A_387, %dma_wait3A_388] : memref<2x16x125x80xi32, #tpu.memory_space<hbm>> -> memref<1x1x125x80xi32, #tpu.memory_space<hbm>>
      %dma_wait3A_390 = tpu.memref_squeeze %dma_wait3A_389 : memref<1x1x125x80xi32, #tpu.memory_space<hbm>> -> memref<125x80xi32, #tpu.memory_space<hbm>>
      %dma_wait3A_391 = arith.constant 0 : i32
      %dma_wait3A_392 = arith.constant 0 : i32
      %dma_wait3A_393 = tpu.memref_slice %arg3[%arg0, %arg1, %dma_wait3A_391, %dma_wait3A_392] : memref<2x16x125x80xi32, #tpu.memory_space<hbm>> -> memref<1x1x125x80xi32, #tpu.memory_space<hbm>>
      %dma_wait3A_394 = tpu.memref_squeeze %dma_wait3A_393 : memref<1x1x125x80xi32, #tpu.memory_space<hbm>> -> memref<125x80xi32, #tpu.memory_space<hbm>>
      tpu.wait_dma2 semaphore(%run_scoped3A : memref<!tpu.dma_semaphore, #tpu.memory_space<semaphore_mem>>) src(%dma_wait3A_394 : memref<125x80xi32, #tpu.memory_space<hbm>>) dst(%arg6 : memref<125x80xi32, #tpu.memory_space<vmem>>)
      tpu.yield
    }) : () -> ()
    "tpu.region"() ({
      %run_scoped3A = tpu.sem_alloc : memref<!tpu.dma_semaphore, #tpu.memory_space<semaphore_mem>>
      %dma_start3A_379 = arith.constant 0 : i32
      %dma_start3A_380 = arith.constant 0 : i32
      %dma_start3A_381 = tpu.memref_slice %arg4[%arg1, %dma_start3A_379, %dma_start3A_380] : memref<16x125x80xi32, #tpu.memory_space<hbm>> -> memref<1x125x80xi32, #tpu.memory_space<hbm>>
      %dma_start3A_382 = tpu.memref_squeeze %dma_start3A_381 : memref<1x125x80xi32, #tpu.memory_space<hbm>> -> memref<125x80xi32, #tpu.memory_space<hbm>>
      %dma_start3A_383 = arith.constant 0 : i32
      %dma_start3A_384 = arith.constant 0 : i32
      %dma_start3A_385 = tpu.memref_slice %arg4[%arg1, %dma_start3A_383, %dma_start3A_384] : memref<16x125x80xi32, #tpu.memory_space<hbm>> -> memref<1x125x80xi32, #tpu.memory_space<hbm>>
      %dma_start3A_386 = tpu.memref_squeeze %dma_start3A_385 : memref<1x125x80xi32, #tpu.memory_space<hbm>> -> memref<125x80xi32, #tpu.memory_space<hbm>>
      tpu.enqueue_dma source(%dma_start3A_386 : memref<125x80xi32, #tpu.memory_space<hbm>>) target(%arg7 : memref<125x80xi32, #tpu.memory_space<vmem>>) target_semaphore(%run_scoped3A : memref<!tpu.dma_semaphore, #tpu.memory_space<semaphore_mem>>)
      %dma_wait3A_387 = arith.constant 0 : i32
      %dma_wait3A_388 = arith.constant 0 : i32
      %dma_wait3A_389 = tpu.memref_slice %arg4[%arg1, %dma_wait3A_387, %dma_wait3A_388] : memref<16x125x80xi32, #tpu.memory_space<hbm>> -> memref<1x125x80xi32, #tpu.memory_space<hbm>>
      %dma_wait3A_390 = tpu.memref_squeeze %dma_wait3A_389 : memref<1x125x80xi32, #tpu.memory_space<hbm>> -> memref<125x80xi32, #tpu.memory_space<hbm>>
      %dma_wait3A_391 = arith.constant 0 : i32
      %dma_wait3A_392 = arith.constant 0 : i32
      %dma_wait3A_393 = tpu.memref_slice %arg4[%arg1, %dma_wait3A_391, %dma_wait3A_392] : memref<16x125x80xi32, #tpu.memory_space<hbm>> -> memref<1x125x80xi32, #tpu.memory_space<hbm>>
      %dma_wait3A_394 = tpu.memref_squeeze %dma_wait3A_393 : memref<1x125x80xi32, #tpu.memory_space<hbm>> -> memref<125x80xi32, #tpu.memory_space<hbm>>
      tpu.wait_dma2 semaphore(%run_scoped3A : memref<!tpu.dma_semaphore, #tpu.memory_space<semaphore_mem>>) src(%dma_wait3A_394 : memref<125x80xi32, #tpu.memory_space<hbm>>) dst(%arg7 : memref<125x80xi32, #tpu.memory_space<vmem>>)
      tpu.yield
    }) : () -> ()
    %mul3A = arith.constant 10000 : i32
    %mul3A_0 = arith.muli %arg0, %mul3A : i32
    %mul3A_1 = arith.constant 625 : i32
    %mul3A_2 = arith.muli %arg1, %mul3A_1 : i32
    %add3A = arith.addi %mul3A_0, %mul3A_2 : i32
    %mul3A_3 = arith.constant 625 : i32
    %mul3A_4 = arith.muli %arg1, %mul3A_3 : i32
    "tpu.region"() ({
      %run_scoped3A = tpu.sem_alloc : memref<!tpu.dma_semaphore, #tpu.memory_space<semaphore_mem>>
      %dma_start3A_379 = arith.constant 0 : i32
      %dma_start3A_380 = tpu.memref_slice %arg16[%mul3A_4, %dma_start3A_379] : memref<10000x64xf32, #tpu.memory_space<vmem_shared>> -> memref<625x64xf32, #tpu.memory_space<vmem_shared>>
      %dma_start3A_381 = arith.constant 0 : i32
      %dma_start3A_382 = tpu.memref_slice %arg2[%add3A, %dma_start3A_381] : memref<20000x64xf32, #tpu.memory_space<hbm>> -> memref<625x64xf32, #tpu.memory_space<hbm>>
      tpu.enqueue_dma source(%dma_start3A_382 : memref<625x64xf32, #tpu.memory_space<hbm>>) target(%dma_start3A_380 : memref<625x64xf32, #tpu.memory_space<vmem_shared>>) target_semaphore(%run_scoped3A : memref<!tpu.dma_semaphore, #tpu.memory_space<semaphore_mem>>)
      %dma_wait3A_383 = arith.constant 0 : i32
      %dma_wait3A_384 = tpu.memref_slice %arg16[%mul3A_4, %dma_wait3A_383] : memref<10000x64xf32, #tpu.memory_space<vmem_shared>> -> memref<625x64xf32, #tpu.memory_space<vmem_shared>>
      %dma_wait3A_385 = arith.constant 0 : i32
      %dma_wait3A_386 = tpu.memref_slice %arg2[%add3A, %dma_wait3A_385] : memref<20000x64xf32, #tpu.memory_space<hbm>> -> memref<625x64xf32, #tpu.memory_space<hbm>>
      tpu.wait_dma2 semaphore(%run_scoped3A : memref<!tpu.dma_semaphore, #tpu.memory_space<semaphore_mem>>) src(%dma_wait3A_386 : memref<625x64xf32, #tpu.memory_space<hbm>>) dst(%dma_wait3A_384 : memref<625x64xf32, #tpu.memory_space<vmem_shared>>)
      tpu.yield
    }) : () -> ()
    %barrier3A = arith.constant 0 : index
    tpu.barrier barrier_id(%barrier3A)
    %dma_start3A = arith.constant 0 : i32
    %dma_start3A_5 = arith.constant 0 : i32
    %dma_start3A_6 = tpu.memref_slice %arg6[%dma_start3A, %dma_start3A_5] : memref<125x80xi32, #tpu.memory_space<vmem>> -> memref<1x80xi32, #tpu.memory_space<vmem>>
    %dma_start3A_7 = tpu.memref_squeeze %dma_start3A_6 : memref<1x80xi32, #tpu.memory_space<vmem>> -> memref<80xi32, #tpu.memory_space<vmem>>
    %dma_start3A_8 = arith.constant 0 : i32
    %dma_start3A_9 = arith.constant 0 : i32
    %dma_start3A_10 = tpu.memref_slice %arg2[%dma_start3A_8, %dma_start3A_9] : memref<20000x64xf32, #tpu.memory_space<hbm>> -> memref<20000x64xf32, #tpu.memory_space<hbm>>
    tpu.enqueue_indirect_dma source(%dma_start3A_10 : memref<20000x64xf32, #tpu.memory_space<hbm>>) target(%arg8 : memref<80x64xf32, #tpu.memory_space<vmem>>) offsets(%dma_start3A_7 : memref<80xi32, #tpu.memory_space<vmem>>) semaphore(%arg17 : memref<!tpu.dma_semaphore, #tpu.memory_space<semaphore_mem>>)
    %dma_start3A_11 = arith.constant 1 : i32
    %dma_start3A_12 = arith.constant 0 : i32
    %dma_start3A_13 = tpu.memref_slice %arg6[%dma_start3A_11, %dma_start3A_12] : memref<125x80xi32, #tpu.memory_space<vmem>> -> memref<1x80xi32, #tpu.memory_space<vmem>>
    %dma_start3A_14 = tpu.memref_squeeze %dma_start3A_13 : memref<1x80xi32, #tpu.memory_space<vmem>> -> memref<80xi32, #tpu.memory_space<vmem>>
    %dma_start3A_15 = arith.constant 0 : i32
    %dma_start3A_16 = arith.constant 0 : i32
    %dma_start3A_17 = tpu.memref_slice %arg2[%dma_start3A_15, %dma_start3A_16] : memref<20000x64xf32, #tpu.memory_space<hbm>> -> memref<20000x64xf32, #tpu.memory_space<hbm>>
    tpu.enqueue_indirect_dma source(%dma_start3A_17 : memref<20000x64xf32, #tpu.memory_space<hbm>>) target(%arg9 : memref<80x64xf32, #tpu.memory_space<vmem>>) offsets(%dma_start3A_14 : memref<80xi32, #tpu.memory_space<vmem>>) semaphore(%arg18 : memref<!tpu.dma_semaphore, #tpu.memory_space<semaphore_mem>>)
    %dma_start3A_18 = arith.constant 2 : i32
    %dma_start3A_19 = arith.constant 0 : i32
    %dma_start3A_20 = tpu.memref_slice %arg6[%dma_start3A_18, %dma_start3A_19] : memref<125x80xi32, #tpu.memory_space<vmem>> -> memref<1x80xi32, #tpu.memory_space<vmem>>
    %dma_start3A_21 = tpu.memref_squeeze %dma_start3A_20 : memref<1x80xi32, #tpu.memory_space<vmem>> -> memref<80xi32, #tpu.memory_space<vmem>>
    %dma_start3A_22 = arith.constant 0 : i32
    %dma_start3A_23 = arith.constant 0 : i32
    %dma_start3A_24 = tpu.memref_slice %arg2[%dma_start3A_22, %dma_start3A_23] : memref<20000x64xf32, #tpu.memory_space<hbm>> -> memref<20000x64xf32, #tpu.memory_space<hbm>>
    tpu.enqueue_indirect_dma source(%dma_start3A_24 : memref<20000x64xf32, #tpu.memory_space<hbm>>) target(%arg10 : memref<80x64xf32, #tpu.memory_space<vmem>>) offsets(%dma_start3A_21 : memref<80xi32, #tpu.memory_space<vmem>>) semaphore(%arg19 : memref<!tpu.dma_semaphore, #tpu.memory_space<semaphore_mem>>)
    %dma_start3A_25 = arith.constant 3 : i32
    %dma_start3A_26 = arith.constant 0 : i32
    %dma_start3A_27 = tpu.memref_slice %arg6[%dma_start3A_25, %dma_start3A_26] : memref<125x80xi32, #tpu.memory_space<vmem>> -> memref<1x80xi32, #tpu.memory_space<vmem>>
    %dma_start3A_28 = tpu.memref_squeeze %dma_start3A_27 : memref<1x80xi32, #tpu.memory_space<vmem>> -> memref<80xi32, #tpu.memory_space<vmem>>
    %dma_start3A_29 = arith.constant 0 : i32
    %dma_start3A_30 = arith.constant 0 : i32
    %dma_start3A_31 = tpu.memref_slice %arg2[%dma_start3A_29, %dma_start3A_30] : memref<20000x64xf32, #tpu.memory_space<hbm>> -> memref<20000x64xf32, #tpu.memory_space<hbm>>
    tpu.enqueue_indirect_dma source(%dma_start3A_31 : memref<20000x64xf32, #tpu.memory_space<hbm>>) target(%arg11 : memref<80x64xf32, #tpu.memory_space<vmem>>) offsets(%dma_start3A_28 : memref<80xi32, #tpu.memory_space<vmem>>) semaphore(%arg20 : memref<!tpu.dma_semaphore, #tpu.memory_space<semaphore_mem>>)
    %dma_wait3A = arith.constant 0 : i32
    %dma_wait3A_32 = arith.constant 0 : i32
    %dma_wait3A_33 = tpu.memref_slice %arg6[%dma_wait3A, %dma_wait3A_32] : memref<125x80xi32, #tpu.memory_space<vmem>> -> memref<1x80xi32, #tpu.memory_space<vmem>>
    %dma_wait3A_34 = tpu.memref_squeeze %dma_wait3A_33 : memref<1x80xi32, #tpu.memory_space<vmem>> -> memref<80xi32, #tpu.memory_space<vmem>>
    %dma_wait3A_35 = arith.constant 0 : i32
    %dma_wait3A_36 = arith.constant 0 : i32
    %dma_wait3A_37 = tpu.memref_slice %arg2[%dma_wait3A_35, %dma_wait3A_36] : memref<20000x64xf32, #tpu.memory_space<hbm>> -> memref<20000x64xf32, #tpu.memory_space<hbm>>
    tpu.wait_indirect_dma semaphore(%arg17 : memref<!tpu.dma_semaphore, #tpu.memory_space<semaphore_mem>>) src(%dma_wait3A_37 : memref<20000x64xf32, #tpu.memory_space<hbm>>) dst(%arg8 : memref<80x64xf32, #tpu.memory_space<vmem>>)
    %dma_start3A_38 = arith.constant 0 : i32
    %dma_start3A_39 = arith.constant 0 : i32
    %dma_start3A_40 = tpu.memref_slice %arg7[%dma_start3A_38, %dma_start3A_39] : memref<125x80xi32, #tpu.memory_space<vmem>> -> memref<1x80xi32, #tpu.memory_space<vmem>>
    %dma_start3A_41 = tpu.memref_squeeze %dma_start3A_40 : memref<1x80xi32, #tpu.memory_space<vmem>> -> memref<80xi32, #tpu.memory_space<vmem>>
    %dma_start3A_42 = arith.constant 0 : i32
    %dma_start3A_43 = arith.constant 0 : i32
    %dma_start3A_44 = tpu.memref_slice %arg16[%dma_start3A_42, %dma_start3A_43] : memref<10000x64xf32, #tpu.memory_space<vmem_shared>> -> memref<10000x64xf32, #tpu.memory_space<vmem_shared>>
    tpu.enqueue_indirect_dma source(%arg8 : memref<80x64xf32, #tpu.memory_space<vmem>>) target(%dma_start3A_44 : memref<10000x64xf32, #tpu.memory_space<vmem_shared>>) offsets(%dma_start3A_41 : memref<80xi32, #tpu.memory_space<vmem>>) semaphore(%arg25 : memref<!tpu.dma_semaphore, #tpu.memory_space<semaphore_mem>>) {add = true}
    %dma_start3A_45 = arith.constant 4 : i32
    %dma_start3A_46 = arith.constant 0 : i32
    %dma_start3A_47 = tpu.memref_slice %arg6[%dma_start3A_45, %dma_start3A_46] : memref<125x80xi32, #tpu.memory_space<vmem>> -> memref<1x80xi32, #tpu.memory_space<vmem>>
    %dma_start3A_48 = tpu.memref_squeeze %dma_start3A_47 : memref<1x80xi32, #tpu.memory_space<vmem>> -> memref<80xi32, #tpu.memory_space<vmem>>
    %dma_start3A_49 = arith.constant 0 : i32
    %dma_start3A_50 = arith.constant 0 : i32
    %dma_start3A_51 = tpu.memref_slice %arg2[%dma_start3A_49, %dma_start3A_50] : memref<20000x64xf32, #tpu.memory_space<hbm>> -> memref<20000x64xf32, #tpu.memory_space<hbm>>
    tpu.enqueue_indirect_dma source(%dma_start3A_51 : memref<20000x64xf32, #tpu.memory_space<hbm>>) target(%arg12 : memref<80x64xf32, #tpu.memory_space<vmem>>) offsets(%dma_start3A_48 : memref<80xi32, #tpu.memory_space<vmem>>) semaphore(%arg21 : memref<!tpu.dma_semaphore, #tpu.memory_space<semaphore_mem>>)
    %dma_wait3A_52 = arith.constant 1 : i32
    %dma_wait3A_53 = arith.constant 0 : i32
    %dma_wait3A_54 = tpu.memref_slice %arg6[%dma_wait3A_52, %dma_wait3A_53] : memref<125x80xi32, #tpu.memory_space<vmem>> -> memref<1x80xi32, #tpu.memory_space<vmem>>
    %dma_wait3A_55 = tpu.memref_squeeze %dma_wait3A_54 : memref<1x80xi32, #tpu.memory_space<vmem>> -> memref<80xi32, #tpu.memory_space<vmem>>
    %dma_wait3A_56 = arith.constant 0 : i32
    %dma_wait3A_57 = arith.constant 0 : i32
    %dma_wait3A_58 = tpu.memref_slice %arg2[%dma_wait3A_56, %dma_wait3A_57] : memref<20000x64xf32, #tpu.memory_space<hbm>> -> memref<20000x64xf32, #tpu.memory_space<hbm>>
    tpu.wait_indirect_dma semaphore(%arg18 : memref<!tpu.dma_semaphore, #tpu.memory_space<semaphore_mem>>) src(%dma_wait3A_58 : memref<20000x64xf32, #tpu.memory_space<hbm>>) dst(%arg9 : memref<80x64xf32, #tpu.memory_space<vmem>>)
    %dma_start3A_59 = arith.constant 1 : i32
    %dma_start3A_60 = arith.constant 0 : i32
    %dma_start3A_61 = tpu.memref_slice %arg7[%dma_start3A_59, %dma_start3A_60] : memref<125x80xi32, #tpu.memory_space<vmem>> -> memref<1x80xi32, #tpu.memory_space<vmem>>
    %dma_start3A_62 = tpu.memref_squeeze %dma_start3A_61 : memref<1x80xi32, #tpu.memory_space<vmem>> -> memref<80xi32, #tpu.memory_space<vmem>>
    %dma_start3A_63 = arith.constant 0 : i32
    %dma_start3A_64 = arith.constant 0 : i32
    %dma_start3A_65 = tpu.memref_slice %arg16[%dma_start3A_63, %dma_start3A_64] : memref<10000x64xf32, #tpu.memory_space<vmem_shared>> -> memref<10000x64xf32, #tpu.memory_space<vmem_shared>>
    tpu.enqueue_indirect_dma source(%arg9 : memref<80x64xf32, #tpu.memory_space<vmem>>) target(%dma_start3A_65 : memref<10000x64xf32, #tpu.memory_space<vmem_shared>>) offsets(%dma_start3A_62 : memref<80xi32, #tpu.memory_space<vmem>>) semaphore(%arg26 : memref<!tpu.dma_semaphore, #tpu.memory_space<semaphore_mem>>) {add = true}
    %dma_start3A_66 = arith.constant 5 : i32
    %dma_start3A_67 = arith.constant 0 : i32
    %dma_start3A_68 = tpu.memref_slice %arg6[%dma_start3A_66, %dma_start3A_67] : memref<125x80xi32, #tpu.memory_space<vmem>> -> memref<1x80xi32, #tpu.memory_space<vmem>>
    %dma_start3A_69 = tpu.memref_squeeze %dma_start3A_68 : memref<1x80xi32, #tpu.memory_space<vmem>> -> memref<80xi32, #tpu.memory_space<vmem>>
    %dma_start3A_70 = arith.constant 0 : i32
    %dma_start3A_71 = arith.constant 0 : i32
    %dma_start3A_72 = tpu.memref_slice %arg2[%dma_start3A_70, %dma_start3A_71] : memref<20000x64xf32, #tpu.memory_space<hbm>> -> memref<20000x64xf32, #tpu.memory_space<hbm>>
    tpu.enqueue_indirect_dma source(%dma_start3A_72 : memref<20000x64xf32, #tpu.memory_space<hbm>>) target(%arg13 : memref<80x64xf32, #tpu.memory_space<vmem>>) offsets(%dma_start3A_69 : memref<80xi32, #tpu.memory_space<vmem>>) semaphore(%arg22 : memref<!tpu.dma_semaphore, #tpu.memory_space<semaphore_mem>>)
    %dma_wait3A_73 = arith.constant 2 : i32
    %dma_wait3A_74 = arith.constant 0 : i32
    %dma_wait3A_75 = tpu.memref_slice %arg6[%dma_wait3A_73, %dma_wait3A_74] : memref<125x80xi32, #tpu.memory_space<vmem>> -> memref<1x80xi32, #tpu.memory_space<vmem>>
    %dma_wait3A_76 = tpu.memref_squeeze %dma_wait3A_75 : memref<1x80xi32, #tpu.memory_space<vmem>> -> memref<80xi32, #tpu.memory_space<vmem>>
    %dma_wait3A_77 = arith.constant 0 : i32
    %dma_wait3A_78 = arith.constant 0 : i32
    %dma_wait3A_79 = tpu.memref_slice %arg2[%dma_wait3A_77, %dma_wait3A_78] : memref<20000x64xf32, #tpu.memory_space<hbm>> -> memref<20000x64xf32, #tpu.memory_space<hbm>>
    tpu.wait_indirect_dma semaphore(%arg19 : memref<!tpu.dma_semaphore, #tpu.memory_space<semaphore_mem>>) src(%dma_wait3A_79 : memref<20000x64xf32, #tpu.memory_space<hbm>>) dst(%arg10 : memref<80x64xf32, #tpu.memory_space<vmem>>)
    %dma_start3A_80 = arith.constant 2 : i32
    %dma_start3A_81 = arith.constant 0 : i32
    %dma_start3A_82 = tpu.memref_slice %arg7[%dma_start3A_80, %dma_start3A_81] : memref<125x80xi32, #tpu.memory_space<vmem>> -> memref<1x80xi32, #tpu.memory_space<vmem>>
    %dma_start3A_83 = tpu.memref_squeeze %dma_start3A_82 : memref<1x80xi32, #tpu.memory_space<vmem>> -> memref<80xi32, #tpu.memory_space<vmem>>
    %dma_start3A_84 = arith.constant 0 : i32
    %dma_start3A_85 = arith.constant 0 : i32
    %dma_start3A_86 = tpu.memref_slice %arg16[%dma_start3A_84, %dma_start3A_85] : memref<10000x64xf32, #tpu.memory_space<vmem_shared>> -> memref<10000x64xf32, #tpu.memory_space<vmem_shared>>
    tpu.enqueue_indirect_dma source(%arg10 : memref<80x64xf32, #tpu.memory_space<vmem>>) target(%dma_start3A_86 : memref<10000x64xf32, #tpu.memory_space<vmem_shared>>) offsets(%dma_start3A_83 : memref<80xi32, #tpu.memory_space<vmem>>) semaphore(%arg27 : memref<!tpu.dma_semaphore, #tpu.memory_space<semaphore_mem>>) {add = true}
    %dma_start3A_87 = arith.constant 6 : i32
    %dma_start3A_88 = arith.constant 0 : i32
    %dma_start3A_89 = tpu.memref_slice %arg6[%dma_start3A_87, %dma_start3A_88] : memref<125x80xi32, #tpu.memory_space<vmem>> -> memref<1x80xi32, #tpu.memory_space<vmem>>
    %dma_start3A_90 = tpu.memref_squeeze %dma_start3A_89 : memref<1x80xi32, #tpu.memory_space<vmem>> -> memref<80xi32, #tpu.memory_space<vmem>>
    %dma_start3A_91 = arith.constant 0 : i32
    %dma_start3A_92 = arith.constant 0 : i32
    %dma_start3A_93 = tpu.memref_slice %arg2[%dma_start3A_91, %dma_start3A_92] : memref<20000x64xf32, #tpu.memory_space<hbm>> -> memref<20000x64xf32, #tpu.memory_space<hbm>>
    tpu.enqueue_indirect_dma source(%dma_start3A_93 : memref<20000x64xf32, #tpu.memory_space<hbm>>) target(%arg14 : memref<80x64xf32, #tpu.memory_space<vmem>>) offsets(%dma_start3A_90 : memref<80xi32, #tpu.memory_space<vmem>>) semaphore(%arg23 : memref<!tpu.dma_semaphore, #tpu.memory_space<semaphore_mem>>)
    %dma_wait3A_94 = arith.constant 3 : i32
    %dma_wait3A_95 = arith.constant 0 : i32
    %dma_wait3A_96 = tpu.memref_slice %arg6[%dma_wait3A_94, %dma_wait3A_95] : memref<125x80xi32, #tpu.memory_space<vmem>> -> memref<1x80xi32, #tpu.memory_space<vmem>>
    %dma_wait3A_97 = tpu.memref_squeeze %dma_wait3A_96 : memref<1x80xi32, #tpu.memory_space<vmem>> -> memref<80xi32, #tpu.memory_space<vmem>>
    %dma_wait3A_98 = arith.constant 0 : i32
    %dma_wait3A_99 = arith.constant 0 : i32
    %dma_wait3A_100 = tpu.memref_slice %arg2[%dma_wait3A_98, %dma_wait3A_99] : memref<20000x64xf32, #tpu.memory_space<hbm>> -> memref<20000x64xf32, #tpu.memory_space<hbm>>
    tpu.wait_indirect_dma semaphore(%arg20 : memref<!tpu.dma_semaphore, #tpu.memory_space<semaphore_mem>>) src(%dma_wait3A_100 : memref<20000x64xf32, #tpu.memory_space<hbm>>) dst(%arg11 : memref<80x64xf32, #tpu.memory_space<vmem>>)
    %dma_start3A_101 = arith.constant 3 : i32
    %dma_start3A_102 = arith.constant 0 : i32
    %dma_start3A_103 = tpu.memref_slice %arg7[%dma_start3A_101, %dma_start3A_102] : memref<125x80xi32, #tpu.memory_space<vmem>> -> memref<1x80xi32, #tpu.memory_space<vmem>>
    %dma_start3A_104 = tpu.memref_squeeze %dma_start3A_103 : memref<1x80xi32, #tpu.memory_space<vmem>> -> memref<80xi32, #tpu.memory_space<vmem>>
    %dma_start3A_105 = arith.constant 0 : i32
    %dma_start3A_106 = arith.constant 0 : i32
    %dma_start3A_107 = tpu.memref_slice %arg16[%dma_start3A_105, %dma_start3A_106] : memref<10000x64xf32, #tpu.memory_space<vmem_shared>> -> memref<10000x64xf32, #tpu.memory_space<vmem_shared>>
    tpu.enqueue_indirect_dma source(%arg11 : memref<80x64xf32, #tpu.memory_space<vmem>>) target(%dma_start3A_107 : memref<10000x64xf32, #tpu.memory_space<vmem_shared>>) offsets(%dma_start3A_104 : memref<80xi32, #tpu.memory_space<vmem>>) semaphore(%arg28 : memref<!tpu.dma_semaphore, #tpu.memory_space<semaphore_mem>>) {add = true}
    %dma_start3A_108 = arith.constant 7 : i32
    %dma_start3A_109 = arith.constant 0 : i32
    %dma_start3A_110 = tpu.memref_slice %arg6[%dma_start3A_108, %dma_start3A_109] : memref<125x80xi32, #tpu.memory_space<vmem>> -> memref<1x80xi32, #tpu.memory_space<vmem>>
    %dma_start3A_111 = tpu.memref_squeeze %dma_start3A_110 : memref<1x80xi32, #tpu.memory_space<vmem>> -> memref<80xi32, #tpu.memory_space<vmem>>
    %dma_start3A_112 = arith.constant 0 : i32
    %dma_start3A_113 = arith.constant 0 : i32
    %dma_start3A_114 = tpu.memref_slice %arg2[%dma_start3A_112, %dma_start3A_113] : memref<20000x64xf32, #tpu.memory_space<hbm>> -> memref<20000x64xf32, #tpu.memory_space<hbm>>
    tpu.enqueue_indirect_dma source(%dma_start3A_114 : memref<20000x64xf32, #tpu.memory_space<hbm>>) target(%arg15 : memref<80x64xf32, #tpu.memory_space<vmem>>) offsets(%dma_start3A_111 : memref<80xi32, #tpu.memory_space<vmem>>) semaphore(%arg24 : memref<!tpu.dma_semaphore, #tpu.memory_space<semaphore_mem>>)
    %scan3A = arith.constant 0 : i32
    %scan3A_115 = arith.constant 14 : i32
    %scan3A_116 = arith.addi %scan3A, %scan3A_115 : i32
    %scan3A_117 = arith.constant 1 : i32
    scf.for %scan3A_379 = %scan3A to %scan3A_116 step %scan3A_117  : i32 {
      %mul3A_380 = arith.constant 8 : i32
      %mul3A_381 = arith.muli %scan3A_379, %mul3A_380 : i32
      %add3A_382 = arith.constant 4 : i32
      %add3A_383 = arith.addi %add3A_382, %mul3A_381 : i32
      %add3A_384 = arith.constant 0 : i32
      %add3A_385 = arith.addi %add3A_383, %add3A_384 : i32
      %dma_wait3A_386 = arith.constant 0 : i32
      %dma_wait3A_387 = tpu.memref_slice %arg6[%add3A_385, %dma_wait3A_386] : memref<125x80xi32, #tpu.memory_space<vmem>> -> memref<1x80xi32, #tpu.memory_space<vmem>>
      %dma_wait3A_388 = tpu.memref_squeeze %dma_wait3A_387 : memref<1x80xi32, #tpu.memory_space<vmem>> -> memref<80xi32, #tpu.memory_space<vmem>>
      %dma_wait3A_389 = arith.constant 0 : i32
      %dma_wait3A_390 = arith.constant 0 : i32
      %dma_wait3A_391 = tpu.memref_slice %arg2[%dma_wait3A_389, %dma_wait3A_390] : memref<20000x64xf32, #tpu.memory_space<hbm>> -> memref<20000x64xf32, #tpu.memory_space<hbm>>
      tpu.wait_indirect_dma semaphore(%arg21 : memref<!tpu.dma_semaphore, #tpu.memory_space<semaphore_mem>>) src(%dma_wait3A_391 : memref<20000x64xf32, #tpu.memory_space<hbm>>) dst(%arg12 : memref<80x64xf32, #tpu.memory_space<vmem>>)
      %dma_start3A_392 = arith.constant 0 : i32
      %dma_start3A_393 = tpu.memref_slice %arg7[%add3A_385, %dma_start3A_392] : memref<125x80xi32, #tpu.memory_space<vmem>> -> memref<1x80xi32, #tpu.memory_space<vmem>>
      %dma_start3A_394 = tpu.memref_squeeze %dma_start3A_393 : memref<1x80xi32, #tpu.memory_space<vmem>> -> memref<80xi32, #tpu.memory_space<vmem>>
      %dma_start3A_395 = arith.constant 0 : i32
      %dma_start3A_396 = arith.constant 0 : i32
      %dma_start3A_397 = tpu.memref_slice %arg16[%dma_start3A_395, %dma_start3A_396] : memref<10000x64xf32, #tpu.memory_space<vmem_shared>> -> memref<10000x64xf32, #tpu.memory_space<vmem_shared>>
      tpu.enqueue_indirect_dma source(%arg12 : memref<80x64xf32, #tpu.memory_space<vmem>>) target(%dma_start3A_397 : memref<10000x64xf32, #tpu.memory_space<vmem_shared>>) offsets(%dma_start3A_394 : memref<80xi32, #tpu.memory_space<vmem>>) semaphore(%arg29 : memref<!tpu.dma_semaphore, #tpu.memory_space<semaphore_mem>>) {add = true}
      %sub3A = arith.constant 4 : i32
      %sub3A_398 = arith.subi %add3A_385, %sub3A : i32
      %dma_wait3A_399 = arith.constant 0 : i32
      %dma_wait3A_400 = tpu.memref_slice %arg7[%sub3A_398, %dma_wait3A_399] : memref<125x80xi32, #tpu.memory_space<vmem>> -> memref<1x80xi32, #tpu.memory_space<vmem>>
      %dma_wait3A_401 = tpu.memref_squeeze %dma_wait3A_400 : memref<1x80xi32, #tpu.memory_space<vmem>> -> memref<80xi32, #tpu.memory_space<vmem>>
      %dma_wait3A_402 = arith.constant 0 : i32
      %dma_wait3A_403 = arith.constant 0 : i32
      %dma_wait3A_404 = tpu.memref_slice %arg16[%dma_wait3A_402, %dma_wait3A_403] : memref<10000x64xf32, #tpu.memory_space<vmem_shared>> -> memref<10000x64xf32, #tpu.memory_space<vmem_shared>>
      tpu.wait_indirect_dma semaphore(%arg25 : memref<!tpu.dma_semaphore, #tpu.memory_space<semaphore_mem>>) src(%arg8 : memref<80x64xf32, #tpu.memory_space<vmem>>) dst(%dma_wait3A_404 : memref<10000x64xf32, #tpu.memory_space<vmem_shared>>)
      %add3A_405 = arith.constant 4 : i32
      %add3A_406 = arith.addi %add3A_385, %add3A_405 : i32
      %dma_start3A_407 = arith.constant 0 : i32
      %dma_start3A_408 = tpu.memref_slice %arg6[%add3A_406, %dma_start3A_407] : memref<125x80xi32, #tpu.memory_space<vmem>> -> memref<1x80xi32, #tpu.memory_space<vmem>>
      %dma_start3A_409 = tpu.memref_squeeze %dma_start3A_408 : memref<1x80xi32, #tpu.memory_space<vmem>> -> memref<80xi32, #tpu.memory_space<vmem>>
      %dma_start3A_410 = arith.constant 0 : i32
      %dma_start3A_411 = arith.constant 0 : i32
      %dma_start3A_412 = tpu.memref_slice %arg2[%dma_start3A_410, %dma_start3A_411] : memref<20000x64xf32, #tpu.memory_space<hbm>> -> memref<20000x64xf32, #tpu.memory_space<hbm>>
      tpu.enqueue_indirect_dma source(%dma_start3A_412 : memref<20000x64xf32, #tpu.memory_space<hbm>>) target(%arg8 : memref<80x64xf32, #tpu.memory_space<vmem>>) offsets(%dma_start3A_409 : memref<80xi32, #tpu.memory_space<vmem>>) semaphore(%arg17 : memref<!tpu.dma_semaphore, #tpu.memory_space<semaphore_mem>>)
      %add3A_413 = arith.constant 1 : i32
      %add3A_414 = arith.addi %add3A_383, %add3A_413 : i32
      %dma_wait3A_415 = arith.constant 0 : i32
      %dma_wait3A_416 = tpu.memref_slice %arg6[%add3A_414, %dma_wait3A_415] : memref<125x80xi32, #tpu.memory_space<vmem>> -> memref<1x80xi32, #tpu.memory_space<vmem>>
      %dma_wait3A_417 = tpu.memref_squeeze %dma_wait3A_416 : memref<1x80xi32, #tpu.memory_space<vmem>> -> memref<80xi32, #tpu.memory_space<vmem>>
      %dma_wait3A_418 = arith.constant 0 : i32
      %dma_wait3A_419 = arith.constant 0 : i32
      %dma_wait3A_420 = tpu.memref_slice %arg2[%dma_wait3A_418, %dma_wait3A_419] : memref<20000x64xf32, #tpu.memory_space<hbm>> -> memref<20000x64xf32, #tpu.memory_space<hbm>>
      tpu.wait_indirect_dma semaphore(%arg22 : memref<!tpu.dma_semaphore, #tpu.memory_space<semaphore_mem>>) src(%dma_wait3A_420 : memref<20000x64xf32, #tpu.memory_space<hbm>>) dst(%arg13 : memref<80x64xf32, #tpu.memory_space<vmem>>)
      %dma_start3A_421 = arith.constant 0 : i32
      %dma_start3A_422 = tpu.memref_slice %arg7[%add3A_414, %dma_start3A_421] : memref<125x80xi32, #tpu.memory_space<vmem>> -> memref<1x80xi32, #tpu.memory_space<vmem>>
      %dma_start3A_423 = tpu.memref_squeeze %dma_start3A_422 : memref<1x80xi32, #tpu.memory_space<vmem>> -> memref<80xi32, #tpu.memory_space<vmem>>
      %dma_start3A_424 = arith.constant 0 : i32
      %dma_start3A_425 = arith.constant 0 : i32
      %dma_start3A_426 = tpu.memref_slice %arg16[%dma_start3A_424, %dma_start3A_425] : memref<10000x64xf32, #tpu.memory_space<vmem_shared>> -> memref<10000x64xf32, #tpu.memory_space<vmem_shared>>
      tpu.enqueue_indirect_dma source(%arg13 : memref<80x64xf32, #tpu.memory_space<vmem>>) target(%dma_start3A_426 : memref<10000x64xf32, #tpu.memory_space<vmem_shared>>) offsets(%dma_start3A_423 : memref<80xi32, #tpu.memory_space<vmem>>) semaphore(%arg30 : memref<!tpu.dma_semaphore, #tpu.memory_space<semaphore_mem>>) {add = true}
      %sub3A_427 = arith.constant 4 : i32
      %sub3A_428 = arith.subi %add3A_414, %sub3A_427 : i32
      %dma_wait3A_429 = arith.constant 0 : i32
      %dma_wait3A_430 = tpu.memref_slice %arg7[%sub3A_428, %dma_wait3A_429] : memref<125x80xi32, #tpu.memory_space<vmem>> -> memref<1x80xi32, #tpu.memory_space<vmem>>
      %dma_wait3A_431 = tpu.memref_squeeze %dma_wait3A_430 : memref<1x80xi32, #tpu.memory_space<vmem>> -> memref<80xi32, #tpu.memory_space<vmem>>
      %dma_wait3A_432 = arith.constant 0 : i32
      %dma_wait3A_433 = arith.constant 0 : i32
      %dma_wait3A_434 = tpu.memref_slice %arg16[%dma_wait3A_432, %dma_wait3A_433] : memref<10000x64xf32, #tpu.memory_space<vmem_shared>> -> memref<10000x64xf32, #tpu.memory_space<vmem_shared>>
      tpu.wait_indirect_dma semaphore(%arg26 : memref<!tpu.dma_semaphore, #tpu.memory_space<semaphore_mem>>) src(%arg9 : memref<80x64xf32, #tpu.memory_space<vmem>>) dst(%dma_wait3A_434 : memref<10000x64xf32, #tpu.memory_space<vmem_shared>>)
      %add3A_435 = arith.constant 4 : i32
      %add3A_436 = arith.addi %add3A_414, %add3A_435 : i32
      %dma_start3A_437 = arith.constant 0 : i32
      %dma_start3A_438 = tpu.memref_slice %arg6[%add3A_436, %dma_start3A_437] : memref<125x80xi32, #tpu.memory_space<vmem>> -> memref<1x80xi32, #tpu.memory_space<vmem>>
      %dma_start3A_439 = tpu.memref_squeeze %dma_start3A_438 : memref<1x80xi32, #tpu.memory_space<vmem>> -> memref<80xi32, #tpu.memory_space<vmem>>
      %dma_start3A_440 = arith.constant 0 : i32
      %dma_start3A_441 = arith.constant 0 : i32
      %dma_start3A_442 = tpu.memref_slice %arg2[%dma_start3A_440, %dma_start3A_441] : memref<20000x64xf32, #tpu.memory_space<hbm>> -> memref<20000x64xf32, #tpu.memory_space<hbm>>
      tpu.enqueue_indirect_dma source(%dma_start3A_442 : memref<20000x64xf32, #tpu.memory_space<hbm>>) target(%arg9 : memref<80x64xf32, #tpu.memory_space<vmem>>) offsets(%dma_start3A_439 : memref<80xi32, #tpu.memory_space<vmem>>) semaphore(%arg18 : memref<!tpu.dma_semaphore, #tpu.memory_space<semaphore_mem>>)
      %add3A_443 = arith.constant 2 : i32
      %add3A_444 = arith.addi %add3A_383, %add3A_443 : i32
      %dma_wait3A_445 = arith.constant 0 : i32
      %dma_wait3A_446 = tpu.memref_slice %arg6[%add3A_444, %dma_wait3A_445] : memref<125x80xi32, #tpu.memory_space<vmem>> -> memref<1x80xi32, #tpu.memory_space<vmem>>
      %dma_wait3A_447 = tpu.memref_squeeze %dma_wait3A_446 : memref<1x80xi32, #tpu.memory_space<vmem>> -> memref<80xi32, #tpu.memory_space<vmem>>
      %dma_wait3A_448 = arith.constant 0 : i32
      %dma_wait3A_449 = arith.constant 0 : i32
      %dma_wait3A_450 = tpu.memref_slice %arg2[%dma_wait3A_448, %dma_wait3A_449] : memref<20000x64xf32, #tpu.memory_space<hbm>> -> memref<20000x64xf32, #tpu.memory_space<hbm>>
      tpu.wait_indirect_dma semaphore(%arg23 : memref<!tpu.dma_semaphore, #tpu.memory_space<semaphore_mem>>) src(%dma_wait3A_450 : memref<20000x64xf32, #tpu.memory_space<hbm>>) dst(%arg14 : memref<80x64xf32, #tpu.memory_space<vmem>>)
      %dma_start3A_451 = arith.constant 0 : i32
      %dma_start3A_452 = tpu.memref_slice %arg7[%add3A_444, %dma_start3A_451] : memref<125x80xi32, #tpu.memory_space<vmem>> -> memref<1x80xi32, #tpu.memory_space<vmem>>
      %dma_start3A_453 = tpu.memref_squeeze %dma_start3A_452 : memref<1x80xi32, #tpu.memory_space<vmem>> -> memref<80xi32, #tpu.memory_space<vmem>>
      %dma_start3A_454 = arith.constant 0 : i32
      %dma_start3A_455 = arith.constant 0 : i32
      %dma_start3A_456 = tpu.memref_slice %arg16[%dma_start3A_454, %dma_start3A_455] : memref<10000x64xf32, #tpu.memory_space<vmem_shared>> -> memref<10000x64xf32, #tpu.memory_space<vmem_shared>>
      tpu.enqueue_indirect_dma source(%arg14 : memref<80x64xf32, #tpu.memory_space<vmem>>) target(%dma_start3A_456 : memref<10000x64xf32, #tpu.memory_space<vmem_shared>>) offsets(%dma_start3A_453 : memref<80xi32, #tpu.memory_space<vmem>>) semaphore(%arg31 : memref<!tpu.dma_semaphore, #tpu.memory_space<semaphore_mem>>) {add = true}
      %sub3A_457 = arith.constant 4 : i32
      %sub3A_458 = arith.subi %add3A_444, %sub3A_457 : i32
      %dma_wait3A_459 = arith.constant 0 : i32
      %dma_wait3A_460 = tpu.memref_slice %arg7[%sub3A_458, %dma_wait3A_459] : memref<125x80xi32, #tpu.memory_space<vmem>> -> memref<1x80xi32, #tpu.memory_space<vmem>>
      %dma_wait3A_461 = tpu.memref_squeeze %dma_wait3A_460 : memref<1x80xi32, #tpu.memory_space<vmem>> -> memref<80xi32, #tpu.memory_space<vmem>>
      %dma_wait3A_462 = arith.constant 0 : i32
      %dma_wait3A_463 = arith.constant 0 : i32
      %dma_wait3A_464 = tpu.memref_slice %arg16[%dma_wait3A_462, %dma_wait3A_463] : memref<10000x64xf32, #tpu.memory_space<vmem_shared>> -> memref<10000x64xf32, #tpu.memory_space<vmem_shared>>
      tpu.wait_indirect_dma semaphore(%arg27 : memref<!tpu.dma_semaphore, #tpu.memory_space<semaphore_mem>>) src(%arg10 : memref<80x64xf32, #tpu.memory_space<vmem>>) dst(%dma_wait3A_464 : memref<10000x64xf32, #tpu.memory_space<vmem_shared>>)
      %add3A_465 = arith.constant 4 : i32
      %add3A_466 = arith.addi %add3A_444, %add3A_465 : i32
      %dma_start3A_467 = arith.constant 0 : i32
      %dma_start3A_468 = tpu.memref_slice %arg6[%add3A_466, %dma_start3A_467] : memref<125x80xi32, #tpu.memory_space<vmem>> -> memref<1x80xi32, #tpu.memory_space<vmem>>
      %dma_start3A_469 = tpu.memref_squeeze %dma_start3A_468 : memref<1x80xi32, #tpu.memory_space<vmem>> -> memref<80xi32, #tpu.memory_space<vmem>>
      %dma_start3A_470 = arith.constant 0 : i32
      %dma_start3A_471 = arith.constant 0 : i32
      %dma_start3A_472 = tpu.memref_slice %arg2[%dma_start3A_470, %dma_start3A_471] : memref<20000x64xf32, #tpu.memory_space<hbm>> -> memref<20000x64xf32, #tpu.memory_space<hbm>>
      tpu.enqueue_indirect_dma source(%dma_start3A_472 : memref<20000x64xf32, #tpu.memory_space<hbm>>) target(%arg10 : memref<80x64xf32, #tpu.memory_space<vmem>>) offsets(%dma_start3A_469 : memref<80xi32, #tpu.memory_space<vmem>>) semaphore(%arg19 : memref<!tpu.dma_semaphore, #tpu.memory_space<semaphore_mem>>)
      %add3A_473 = arith.constant 3 : i32
      %add3A_474 = arith.addi %add3A_383, %add3A_473 : i32
      %dma_wait3A_475 = arith.constant 0 : i32
      %dma_wait3A_476 = tpu.memref_slice %arg6[%add3A_474, %dma_wait3A_475] : memref<125x80xi32, #tpu.memory_space<vmem>> -> memref<1x80xi32, #tpu.memory_space<vmem>>
      %dma_wait3A_477 = tpu.memref_squeeze %dma_wait3A_476 : memref<1x80xi32, #tpu.memory_space<vmem>> -> memref<80xi32, #tpu.memory_space<vmem>>
      %dma_wait3A_478 = arith.constant 0 : i32
      %dma_wait3A_479 = arith.constant 0 : i32
      %dma_wait3A_480 = tpu.memref_slice %arg2[%dma_wait3A_478, %dma_wait3A_479] : memref<20000x64xf32, #tpu.memory_space<hbm>> -> memref<20000x64xf32, #tpu.memory_space<hbm>>
      tpu.wait_indirect_dma semaphore(%arg24 : memref<!tpu.dma_semaphore, #tpu.memory_space<semaphore_mem>>) src(%dma_wait3A_480 : memref<20000x64xf32, #tpu.memory_space<hbm>>) dst(%arg15 : memref<80x64xf32, #tpu.memory_space<vmem>>)
      %dma_start3A_481 = arith.constant 0 : i32
      %dma_start3A_482 = tpu.memref_slice %arg7[%add3A_474, %dma_start3A_481] : memref<125x80xi32, #tpu.memory_space<vmem>> -> memref<1x80xi32, #tpu.memory_space<vmem>>
      %dma_start3A_483 = tpu.memref_squeeze %dma_start3A_482 : memref<1x80xi32, #tpu.memory_space<vmem>> -> memref<80xi32, #tpu.memory_space<vmem>>
      %dma_start3A_484 = arith.constant 0 : i32
      %dma_start3A_485 = arith.constant 0 : i32
      %dma_start3A_486 = tpu.memref_slice %arg16[%dma_start3A_484, %dma_start3A_485] : memref<10000x64xf32, #tpu.memory_space<vmem_shared>> -> memref<10000x64xf32, #tpu.memory_space<vmem_shared>>
      tpu.enqueue_indirect_dma source(%arg15 : memref<80x64xf32, #tpu.memory_space<vmem>>) target(%dma_start3A_486 : memref<10000x64xf32, #tpu.memory_space<vmem_shared>>) offsets(%dma_start3A_483 : memref<80xi32, #tpu.memory_space<vmem>>) semaphore(%arg32 : memref<!tpu.dma_semaphore, #tpu.memory_space<semaphore_mem>>) {add = true}
      %sub3A_487 = arith.constant 4 : i32
      %sub3A_488 = arith.subi %add3A_474, %sub3A_487 : i32
      %dma_wait3A_489 = arith.constant 0 : i32
      %dma_wait3A_490 = tpu.memref_slice %arg7[%sub3A_488, %dma_wait3A_489] : memref<125x80xi32, #tpu.memory_space<vmem>> -> memref<1x80xi32, #tpu.memory_space<vmem>>
      %dma_wait3A_491 = tpu.memref_squeeze %dma_wait3A_490 : memref<1x80xi32, #tpu.memory_space<vmem>> -> memref<80xi32, #tpu.memory_space<vmem>>
      %dma_wait3A_492 = arith.constant 0 : i32
      %dma_wait3A_493 = arith.constant 0 : i32
      %dma_wait3A_494 = tpu.memref_slice %arg16[%dma_wait3A_492, %dma_wait3A_493] : memref<10000x64xf32, #tpu.memory_space<vmem_shared>> -> memref<10000x64xf32, #tpu.memory_space<vmem_shared>>
      tpu.wait_indirect_dma semaphore(%arg28 : memref<!tpu.dma_semaphore, #tpu.memory_space<semaphore_mem>>) src(%arg11 : memref<80x64xf32, #tpu.memory_space<vmem>>) dst(%dma_wait3A_494 : memref<10000x64xf32, #tpu.memory_space<vmem_shared>>)
      %add3A_495 = arith.constant 4 : i32
      %add3A_496 = arith.addi %add3A_474, %add3A_495 : i32
      %dma_start3A_497 = arith.constant 0 : i32
      %dma_start3A_498 = tpu.memref_slice %arg6[%add3A_496, %dma_start3A_497] : memref<125x80xi32, #tpu.memory_space<vmem>> -> memref<1x80xi32, #tpu.memory_space<vmem>>
      %dma_start3A_499 = tpu.memref_squeeze %dma_start3A_498 : memref<1x80xi32, #tpu.memory_space<vmem>> -> memref<80xi32, #tpu.memory_space<vmem>>
      %dma_start3A_500 = arith.constant 0 : i32
      %dma_start3A_501 = arith.constant 0 : i32
      %dma_start3A_502 = tpu.memref_slice %arg2[%dma_start3A_500, %dma_start3A_501] : memref<20000x64xf32, #tpu.memory_space<hbm>> -> memref<20000x64xf32, #tpu.memory_space<hbm>>
      tpu.enqueue_indirect_dma source(%dma_start3A_502 : memref<20000x64xf32, #tpu.memory_space<hbm>>) target(%arg11 : memref<80x64xf32, #tpu.memory_space<vmem>>) offsets(%dma_start3A_499 : memref<80xi32, #tpu.memory_space<vmem>>) semaphore(%arg20 : memref<!tpu.dma_semaphore, #tpu.memory_space<semaphore_mem>>)
      %add3A_503 = arith.constant 4 : i32
      %add3A_504 = arith.addi %add3A_383, %add3A_503 : i32
      %dma_wait3A_505 = arith.constant 0 : i32
      %dma_wait3A_506 = tpu.memref_slice %arg6[%add3A_504, %dma_wait3A_505] : memref<125x80xi32, #tpu.memory_space<vmem>> -> memref<1x80xi32, #tpu.memory_space<vmem>>
      %dma_wait3A_507 = tpu.memref_squeeze %dma_wait3A_506 : memref<1x80xi32, #tpu.memory_space<vmem>> -> memref<80xi32, #tpu.memory_space<vmem>>
      %dma_wait3A_508 = arith.constant 0 : i32
      %dma_wait3A_509 = arith.constant 0 : i32
      %dma_wait3A_510 = tpu.memref_slice %arg2[%dma_wait3A_508, %dma_wait3A_509] : memref<20000x64xf32, #tpu.memory_space<hbm>> -> memref<20000x64xf32, #tpu.memory_space<hbm>>
      tpu.wait_indirect_dma semaphore(%arg17 : memref<!tpu.dma_semaphore, #tpu.memory_space<semaphore_mem>>) src(%dma_wait3A_510 : memref<20000x64xf32, #tpu.memory_space<hbm>>) dst(%arg8 : memref<80x64xf32, #tpu.memory_space<vmem>>)
      %dma_start3A_511 = arith.constant 0 : i32
      %dma_start3A_512 = tpu.memref_slice %arg7[%add3A_504, %dma_start3A_511] : memref<125x80xi32, #tpu.memory_space<vmem>> -> memref<1x80xi32, #tpu.memory_space<vmem>>
      %dma_start3A_513 = tpu.memref_squeeze %dma_start3A_512 : memref<1x80xi32, #tpu.memory_space<vmem>> -> memref<80xi32, #tpu.memory_space<vmem>>
      %dma_start3A_514 = arith.constant 0 : i32
      %dma_start3A_515 = arith.constant 0 : i32
      %dma_start3A_516 = tpu.memref_slice %arg16[%dma_start3A_514, %dma_start3A_515] : memref<10000x64xf32, #tpu.memory_space<vmem_shared>> -> memref<10000x64xf32, #tpu.memory_space<vmem_shared>>
      tpu.enqueue_indirect_dma source(%arg8 : memref<80x64xf32, #tpu.memory_space<vmem>>) target(%dma_start3A_516 : memref<10000x64xf32, #tpu.memory_space<vmem_shared>>) offsets(%dma_start3A_513 : memref<80xi32, #tpu.memory_space<vmem>>) semaphore(%arg25 : memref<!tpu.dma_semaphore, #tpu.memory_space<semaphore_mem>>) {add = true}
      %sub3A_517 = arith.constant 4 : i32
      %sub3A_518 = arith.subi %add3A_504, %sub3A_517 : i32
      %dma_wait3A_519 = arith.constant 0 : i32
      %dma_wait3A_520 = tpu.memref_slice %arg7[%sub3A_518, %dma_wait3A_519] : memref<125x80xi32, #tpu.memory_space<vmem>> -> memref<1x80xi32, #tpu.memory_space<vmem>>
      %dma_wait3A_521 = tpu.memref_squeeze %dma_wait3A_520 : memref<1x80xi32, #tpu.memory_space<vmem>> -> memref<80xi32, #tpu.memory_space<vmem>>
      %dma_wait3A_522 = arith.constant 0 : i32
      %dma_wait3A_523 = arith.constant 0 : i32
      %dma_wait3A_524 = tpu.memref_slice %arg16[%dma_wait3A_522, %dma_wait3A_523] : memref<10000x64xf32, #tpu.memory_space<vmem_shared>> -> memref<10000x64xf32, #tpu.memory_space<vmem_shared>>
      tpu.wait_indirect_dma semaphore(%arg29 : memref<!tpu.dma_semaphore, #tpu.memory_space<semaphore_mem>>) src(%arg12 : memref<80x64xf32, #tpu.memory_space<vmem>>) dst(%dma_wait3A_524 : memref<10000x64xf32, #tpu.memory_space<vmem_shared>>)
      %add3A_525 = arith.constant 4 : i32
      %add3A_526 = arith.addi %add3A_504, %add3A_525 : i32
      %dma_start3A_527 = arith.constant 0 : i32
      %dma_start3A_528 = tpu.memref_slice %arg6[%add3A_526, %dma_start3A_527] : memref<125x80xi32, #tpu.memory_space<vmem>> -> memref<1x80xi32, #tpu.memory_space<vmem>>
      %dma_start3A_529 = tpu.memref_squeeze %dma_start3A_528 : memref<1x80xi32, #tpu.memory_space<vmem>> -> memref<80xi32, #tpu.memory_space<vmem>>
      %dma_start3A_530 = arith.constant 0 : i32
      %dma_start3A_531 = arith.constant 0 : i32
      %dma_start3A_532 = tpu.memref_slice %arg2[%dma_start3A_530, %dma_start3A_531] : memref<20000x64xf32, #tpu.memory_space<hbm>> -> memref<20000x64xf32, #tpu.memory_space<hbm>>
      tpu.enqueue_indirect_dma source(%dma_start3A_532 : memref<20000x64xf32, #tpu.memory_space<hbm>>) target(%arg12 : memref<80x64xf32, #tpu.memory_space<vmem>>) offsets(%dma_start3A_529 : memref<80xi32, #tpu.memory_space<vmem>>) semaphore(%arg21 : memref<!tpu.dma_semaphore, #tpu.memory_space<semaphore_mem>>)
      %add3A_533 = arith.constant 5 : i32
      %add3A_534 = arith.addi %add3A_383, %add3A_533 : i32
      %dma_wait3A_535 = arith.constant 0 : i32
      %dma_wait3A_536 = tpu.memref_slice %arg6[%add3A_534, %dma_wait3A_535] : memref<125x80xi32, #tpu.memory_space<vmem>> -> memref<1x80xi32, #tpu.memory_space<vmem>>
      %dma_wait3A_537 = tpu.memref_squeeze %dma_wait3A_536 : memref<1x80xi32, #tpu.memory_space<vmem>> -> memref<80xi32, #tpu.memory_space<vmem>>
      %dma_wait3A_538 = arith.constant 0 : i32
      %dma_wait3A_539 = arith.constant 0 : i32
      %dma_wait3A_540 = tpu.memref_slice %arg2[%dma_wait3A_538, %dma_wait3A_539] : memref<20000x64xf32, #tpu.memory_space<hbm>> -> memref<20000x64xf32, #tpu.memory_space<hbm>>
      tpu.wait_indirect_dma semaphore(%arg18 : memref<!tpu.dma_semaphore, #tpu.memory_space<semaphore_mem>>) src(%dma_wait3A_540 : memref<20000x64xf32, #tpu.memory_space<hbm>>) dst(%arg9 : memref<80x64xf32, #tpu.memory_space<vmem>>)
      %dma_start3A_541 = arith.constant 0 : i32
      %dma_start3A_542 = tpu.memref_slice %arg7[%add3A_534, %dma_start3A_541] : memref<125x80xi32, #tpu.memory_space<vmem>> -> memref<1x80xi32, #tpu.memory_space<vmem>>
      %dma_start3A_543 = tpu.memref_squeeze %dma_start3A_542 : memref<1x80xi32, #tpu.memory_space<vmem>> -> memref<80xi32, #tpu.memory_space<vmem>>
      %dma_start3A_544 = arith.constant 0 : i32
      %dma_start3A_545 = arith.constant 0 : i32
      %dma_start3A_546 = tpu.memref_slice %arg16[%dma_start3A_544, %dma_start3A_545] : memref<10000x64xf32, #tpu.memory_space<vmem_shared>> -> memref<10000x64xf32, #tpu.memory_space<vmem_shared>>
      tpu.enqueue_indirect_dma source(%arg9 : memref<80x64xf32, #tpu.memory_space<vmem>>) target(%dma_start3A_546 : memref<10000x64xf32, #tpu.memory_space<vmem_shared>>) offsets(%dma_start3A_543 : memref<80xi32, #tpu.memory_space<vmem>>) semaphore(%arg26 : memref<!tpu.dma_semaphore, #tpu.memory_space<semaphore_mem>>) {add = true}
      %sub3A_547 = arith.constant 4 : i32
      %sub3A_548 = arith.subi %add3A_534, %sub3A_547 : i32
      %dma_wait3A_549 = arith.constant 0 : i32
      %dma_wait3A_550 = tpu.memref_slice %arg7[%sub3A_548, %dma_wait3A_549] : memref<125x80xi32, #tpu.memory_space<vmem>> -> memref<1x80xi32, #tpu.memory_space<vmem>>
      %dma_wait3A_551 = tpu.memref_squeeze %dma_wait3A_550 : memref<1x80xi32, #tpu.memory_space<vmem>> -> memref<80xi32, #tpu.memory_space<vmem>>
      %dma_wait3A_552 = arith.constant 0 : i32
      %dma_wait3A_553 = arith.constant 0 : i32
      %dma_wait3A_554 = tpu.memref_slice %arg16[%dma_wait3A_552, %dma_wait3A_553] : memref<10000x64xf32, #tpu.memory_space<vmem_shared>> -> memref<10000x64xf32, #tpu.memory_space<vmem_shared>>
      tpu.wait_indirect_dma semaphore(%arg30 : memref<!tpu.dma_semaphore, #tpu.memory_space<semaphore_mem>>) src(%arg13 : memref<80x64xf32, #tpu.memory_space<vmem>>) dst(%dma_wait3A_554 : memref<10000x64xf32, #tpu.memory_space<vmem_shared>>)
      %add3A_555 = arith.constant 4 : i32
      %add3A_556 = arith.addi %add3A_534, %add3A_555 : i32
      %dma_start3A_557 = arith.constant 0 : i32
      %dma_start3A_558 = tpu.memref_slice %arg6[%add3A_556, %dma_start3A_557] : memref<125x80xi32, #tpu.memory_space<vmem>> -> memref<1x80xi32, #tpu.memory_space<vmem>>
      %dma_start3A_559 = tpu.memref_squeeze %dma_start3A_558 : memref<1x80xi32, #tpu.memory_space<vmem>> -> memref<80xi32, #tpu.memory_space<vmem>>
      %dma_start3A_560 = arith.constant 0 : i32
      %dma_start3A_561 = arith.constant 0 : i32
      %dma_start3A_562 = tpu.memref_slice %arg2[%dma_start3A_560, %dma_start3A_561] : memref<20000x64xf32, #tpu.memory_space<hbm>> -> memref<20000x64xf32, #tpu.memory_space<hbm>>
      tpu.enqueue_indirect_dma source(%dma_start3A_562 : memref<20000x64xf32, #tpu.memory_space<hbm>>) target(%arg13 : memref<80x64xf32, #tpu.memory_space<vmem>>) offsets(%dma_start3A_559 : memref<80xi32, #tpu.memory_space<vmem>>) semaphore(%arg22 : memref<!tpu.dma_semaphore, #tpu.memory_space<semaphore_mem>>)
      %add3A_563 = arith.constant 6 : i32
      %add3A_564 = arith.addi %add3A_383, %add3A_563 : i32
      %dma_wait3A_565 = arith.constant 0 : i32
      %dma_wait3A_566 = tpu.memref_slice %arg6[%add3A_564, %dma_wait3A_565] : memref<125x80xi32, #tpu.memory_space<vmem>> -> memref<1x80xi32, #tpu.memory_space<vmem>>
      %dma_wait3A_567 = tpu.memref_squeeze %dma_wait3A_566 : memref<1x80xi32, #tpu.memory_space<vmem>> -> memref<80xi32, #tpu.memory_space<vmem>>
      %dma_wait3A_568 = arith.constant 0 : i32
      %dma_wait3A_569 = arith.constant 0 : i32
      %dma_wait3A_570 = tpu.memref_slice %arg2[%dma_wait3A_568, %dma_wait3A_569] : memref<20000x64xf32, #tpu.memory_space<hbm>> -> memref<20000x64xf32, #tpu.memory_space<hbm>>
      tpu.wait_indirect_dma semaphore(%arg19 : memref<!tpu.dma_semaphore, #tpu.memory_space<semaphore_mem>>) src(%dma_wait3A_570 : memref<20000x64xf32, #tpu.memory_space<hbm>>) dst(%arg10 : memref<80x64xf32, #tpu.memory_space<vmem>>)
      %dma_start3A_571 = arith.constant 0 : i32
      %dma_start3A_572 = tpu.memref_slice %arg7[%add3A_564, %dma_start3A_571] : memref<125x80xi32, #tpu.memory_space<vmem>> -> memref<1x80xi32, #tpu.memory_space<vmem>>
      %dma_start3A_573 = tpu.memref_squeeze %dma_start3A_572 : memref<1x80xi32, #tpu.memory_space<vmem>> -> memref<80xi32, #tpu.memory_space<vmem>>
      %dma_start3A_574 = arith.constant 0 : i32
      %dma_start3A_575 = arith.constant 0 : i32
      %dma_start3A_576 = tpu.memref_slice %arg16[%dma_start3A_574, %dma_start3A_575] : memref<10000x64xf32, #tpu.memory_space<vmem_shared>> -> memref<10000x64xf32, #tpu.memory_space<vmem_shared>>
      tpu.enqueue_indirect_dma source(%arg10 : memref<80x64xf32, #tpu.memory_space<vmem>>) target(%dma_start3A_576 : memref<10000x64xf32, #tpu.memory_space<vmem_shared>>) offsets(%dma_start3A_573 : memref<80xi32, #tpu.memory_space<vmem>>) semaphore(%arg27 : memref<!tpu.dma_semaphore, #tpu.memory_space<semaphore_mem>>) {add = true}
      %sub3A_577 = arith.constant 4 : i32
      %sub3A_578 = arith.subi %add3A_564, %sub3A_577 : i32
      %dma_wait3A_579 = arith.constant 0 : i32
      %dma_wait3A_580 = tpu.memref_slice %arg7[%sub3A_578, %dma_wait3A_579] : memref<125x80xi32, #tpu.memory_space<vmem>> -> memref<1x80xi32, #tpu.memory_space<vmem>>
      %dma_wait3A_581 = tpu.memref_squeeze %dma_wait3A_580 : memref<1x80xi32, #tpu.memory_space<vmem>> -> memref<80xi32, #tpu.memory_space<vmem>>
      %dma_wait3A_582 = arith.constant 0 : i32
      %dma_wait3A_583 = arith.constant 0 : i32
      %dma_wait3A_584 = tpu.memref_slice %arg16[%dma_wait3A_582, %dma_wait3A_583] : memref<10000x64xf32, #tpu.memory_space<vmem_shared>> -> memref<10000x64xf32, #tpu.memory_space<vmem_shared>>
      tpu.wait_indirect_dma semaphore(%arg31 : memref<!tpu.dma_semaphore, #tpu.memory_space<semaphore_mem>>) src(%arg14 : memref<80x64xf32, #tpu.memory_space<vmem>>) dst(%dma_wait3A_584 : memref<10000x64xf32, #tpu.memory_space<vmem_shared>>)
      %add3A_585 = arith.constant 4 : i32
      %add3A_586 = arith.addi %add3A_564, %add3A_585 : i32
      %dma_start3A_587 = arith.constant 0 : i32
      %dma_start3A_588 = tpu.memref_slice %arg6[%add3A_586, %dma_start3A_587] : memref<125x80xi32, #tpu.memory_space<vmem>> -> memref<1x80xi32, #tpu.memory_space<vmem>>
      %dma_start3A_589 = tpu.memref_squeeze %dma_start3A_588 : memref<1x80xi32, #tpu.memory_space<vmem>> -> memref<80xi32, #tpu.memory_space<vmem>>
      %dma_start3A_590 = arith.constant 0 : i32
      %dma_start3A_591 = arith.constant 0 : i32
      %dma_start3A_592 = tpu.memref_slice %arg2[%dma_start3A_590, %dma_start3A_591] : memref<20000x64xf32, #tpu.memory_space<hbm>> -> memref<20000x64xf32, #tpu.memory_space<hbm>>
      tpu.enqueue_indirect_dma source(%dma_start3A_592 : memref<20000x64xf32, #tpu.memory_space<hbm>>) target(%arg14 : memref<80x64xf32, #tpu.memory_space<vmem>>) offsets(%dma_start3A_589 : memref<80xi32, #tpu.memory_space<vmem>>) semaphore(%arg23 : memref<!tpu.dma_semaphore, #tpu.memory_space<semaphore_mem>>)
      %add3A_593 = arith.constant 7 : i32
      %add3A_594 = arith.addi %add3A_383, %add3A_593 : i32
      %dma_wait3A_595 = arith.constant 0 : i32
      %dma_wait3A_596 = tpu.memref_slice %arg6[%add3A_594, %dma_wait3A_595] : memref<125x80xi32, #tpu.memory_space<vmem>> -> memref<1x80xi32, #tpu.memory_space<vmem>>
      %dma_wait3A_597 = tpu.memref_squeeze %dma_wait3A_596 : memref<1x80xi32, #tpu.memory_space<vmem>> -> memref<80xi32, #tpu.memory_space<vmem>>
      %dma_wait3A_598 = arith.constant 0 : i32
      %dma_wait3A_599 = arith.constant 0 : i32
      %dma_wait3A_600 = tpu.memref_slice %arg2[%dma_wait3A_598, %dma_wait3A_599] : memref<20000x64xf32, #tpu.memory_space<hbm>> -> memref<20000x64xf32, #tpu.memory_space<hbm>>
      tpu.wait_indirect_dma semaphore(%arg20 : memref<!tpu.dma_semaphore, #tpu.memory_space<semaphore_mem>>) src(%dma_wait3A_600 : memref<20000x64xf32, #tpu.memory_space<hbm>>) dst(%arg11 : memref<80x64xf32, #tpu.memory_space<vmem>>)
      %dma_start3A_601 = arith.constant 0 : i32
      %dma_start3A_602 = tpu.memref_slice %arg7[%add3A_594, %dma_start3A_601] : memref<125x80xi32, #tpu.memory_space<vmem>> -> memref<1x80xi32, #tpu.memory_space<vmem>>
      %dma_start3A_603 = tpu.memref_squeeze %dma_start3A_602 : memref<1x80xi32, #tpu.memory_space<vmem>> -> memref<80xi32, #tpu.memory_space<vmem>>
      %dma_start3A_604 = arith.constant 0 : i32
      %dma_start3A_605 = arith.constant 0 : i32
      %dma_start3A_606 = tpu.memref_slice %arg16[%dma_start3A_604, %dma_start3A_605] : memref<10000x64xf32, #tpu.memory_space<vmem_shared>> -> memref<10000x64xf32, #tpu.memory_space<vmem_shared>>
      tpu.enqueue_indirect_dma source(%arg11 : memref<80x64xf32, #tpu.memory_space<vmem>>) target(%dma_start3A_606 : memref<10000x64xf32, #tpu.memory_space<vmem_shared>>) offsets(%dma_start3A_603 : memref<80xi32, #tpu.memory_space<vmem>>) semaphore(%arg28 : memref<!tpu.dma_semaphore, #tpu.memory_space<semaphore_mem>>) {add = true}
      %sub3A_607 = arith.constant 4 : i32
      %sub3A_608 = arith.subi %add3A_594, %sub3A_607 : i32
      %dma_wait3A_609 = arith.constant 0 : i32
      %dma_wait3A_610 = tpu.memref_slice %arg7[%sub3A_608, %dma_wait3A_609] : memref<125x80xi32, #tpu.memory_space<vmem>> -> memref<1x80xi32, #tpu.memory_space<vmem>>
      %dma_wait3A_611 = tpu.memref_squeeze %dma_wait3A_610 : memref<1x80xi32, #tpu.memory_space<vmem>> -> memref<80xi32, #tpu.memory_space<vmem>>
      %dma_wait3A_612 = arith.constant 0 : i32
      %dma_wait3A_613 = arith.constant 0 : i32
      %dma_wait3A_614 = tpu.memref_slice %arg16[%dma_wait3A_612, %dma_wait3A_613] : memref<10000x64xf32, #tpu.memory_space<vmem_shared>> -> memref<10000x64xf32, #tpu.memory_space<vmem_shared>>
      tpu.wait_indirect_dma semaphore(%arg32 : memref<!tpu.dma_semaphore, #tpu.memory_space<semaphore_mem>>) src(%arg15 : memref<80x64xf32, #tpu.memory_space<vmem>>) dst(%dma_wait3A_614 : memref<10000x64xf32, #tpu.memory_space<vmem_shared>>)
      %add3A_615 = arith.constant 4 : i32
      %add3A_616 = arith.addi %add3A_594, %add3A_615 : i32
      %dma_start3A_617 = arith.constant 0 : i32
      %dma_start3A_618 = tpu.memref_slice %arg6[%add3A_616, %dma_start3A_617] : memref<125x80xi32, #tpu.memory_space<vmem>> -> memref<1x80xi32, #tpu.memory_space<vmem>>
      %dma_start3A_619 = tpu.memref_squeeze %dma_start3A_618 : memref<1x80xi32, #tpu.memory_space<vmem>> -> memref<80xi32, #tpu.memory_space<vmem>>
      %dma_start3A_620 = arith.constant 0 : i32
      %dma_start3A_621 = arith.constant 0 : i32
      %dma_start3A_622 = tpu.memref_slice %arg2[%dma_start3A_620, %dma_start3A_621] : memref<20000x64xf32, #tpu.memory_space<hbm>> -> memref<20000x64xf32, #tpu.memory_space<hbm>>
      tpu.enqueue_indirect_dma source(%dma_start3A_622 : memref<20000x64xf32, #tpu.memory_space<hbm>>) target(%arg15 : memref<80x64xf32, #tpu.memory_space<vmem>>) offsets(%dma_start3A_619 : memref<80xi32, #tpu.memory_space<vmem>>) semaphore(%arg24 : memref<!tpu.dma_semaphore, #tpu.memory_space<semaphore_mem>>)
    }
    %scan3A_118 = arith.constant 14 : i32
    %dma_wait3A_119 = arith.constant 116 : i32
    %dma_wait3A_120 = arith.constant 0 : i32
    %dma_wait3A_121 = tpu.memref_slice %arg6[%dma_wait3A_119, %dma_wait3A_120] : memref<125x80xi32, #tpu.memory_space<vmem>> -> memref<1x80xi32, #tpu.memory_space<vmem>>
    %dma_wait3A_122 = tpu.memref_squeeze %dma_wait3A_121 : memref<1x80xi32, #tpu.memory_space<vmem>> -> memref<80xi32, #tpu.memory_space<vmem>>
    %dma_wait3A_123 = arith.constant 0 : i32
    %dma_wait3A_124 = arith.constant 0 : i32
    %dma_wait3A_125 = tpu.memref_slice %arg2[%dma_wait3A_123, %dma_wait3A_124] : memref<20000x64xf32, #tpu.memory_space<hbm>> -> memref<20000x64xf32, #tpu.memory_space<hbm>>
    tpu.wait_indirect_dma semaphore(%arg21 : memref<!tpu.dma_semaphore, #tpu.memory_space<semaphore_mem>>) src(%dma_wait3A_125 : memref<20000x64xf32, #tpu.memory_space<hbm>>) dst(%arg12 : memref<80x64xf32, #tpu.memory_space<vmem>>)
    %dma_start3A_126 = arith.constant 116 : i32
    %dma_start3A_127 = arith.constant 0 : i32
    %dma_start3A_128 = tpu.memref_slice %arg7[%dma_start3A_126, %dma_start3A_127] : memref<125x80xi32, #tpu.memory_space<vmem>> -> memref<1x80xi32, #tpu.memory_space<vmem>>
    %dma_start3A_129 = tpu.memref_squeeze %dma_start3A_128 : memref<1x80xi32, #tpu.memory_space<vmem>> -> memref<80xi32, #tpu.memory_space<vmem>>
    %dma_start3A_130 = arith.constant 0 : i32
    %dma_start3A_131 = arith.constant 0 : i32
    %dma_start3A_132 = tpu.memref_slice %arg16[%dma_start3A_130, %dma_start3A_131] : memref<10000x64xf32, #tpu.memory_space<vmem_shared>> -> memref<10000x64xf32, #tpu.memory_space<vmem_shared>>
    tpu.enqueue_indirect_dma source(%arg12 : memref<80x64xf32, #tpu.memory_space<vmem>>) target(%dma_start3A_132 : memref<10000x64xf32, #tpu.memory_space<vmem_shared>>) offsets(%dma_start3A_129 : memref<80xi32, #tpu.memory_space<vmem>>) semaphore(%arg29 : memref<!tpu.dma_semaphore, #tpu.memory_space<semaphore_mem>>) {add = true}
    %dma_wait3A_133 = arith.constant 112 : i32
    %dma_wait3A_134 = arith.constant 0 : i32
    %dma_wait3A_135 = tpu.memref_slice %arg7[%dma_wait3A_133, %dma_wait3A_134] : memref<125x80xi32, #tpu.memory_space<vmem>> -> memref<1x80xi32, #tpu.memory_space<vmem>>
    %dma_wait3A_136 = tpu.memref_squeeze %dma_wait3A_135 : memref<1x80xi32, #tpu.memory_space<vmem>> -> memref<80xi32, #tpu.memory_space<vmem>>
    %dma_wait3A_137 = arith.constant 0 : i32
    %dma_wait3A_138 = arith.constant 0 : i32
    %dma_wait3A_139 = tpu.memref_slice %arg16[%dma_wait3A_137, %dma_wait3A_138] : memref<10000x64xf32, #tpu.memory_space<vmem_shared>> -> memref<10000x64xf32, #tpu.memory_space<vmem_shared>>
    tpu.wait_indirect_dma semaphore(%arg25 : memref<!tpu.dma_semaphore, #tpu.memory_space<semaphore_mem>>) src(%arg8 : memref<80x64xf32, #tpu.memory_space<vmem>>) dst(%dma_wait3A_139 : memref<10000x64xf32, #tpu.memory_space<vmem_shared>>)
    %dma_start3A_140 = arith.constant 120 : i32
    %dma_start3A_141 = arith.constant 0 : i32
    %dma_start3A_142 = tpu.memref_slice %arg6[%dma_start3A_140, %dma_start3A_141] : memref<125x80xi32, #tpu.memory_space<vmem>> -> memref<1x80xi32, #tpu.memory_space<vmem>>
    %dma_start3A_143 = tpu.memref_squeeze %dma_start3A_142 : memref<1x80xi32, #tpu.memory_space<vmem>> -> memref<80xi32, #tpu.memory_space<vmem>>
    %dma_start3A_144 = arith.constant 0 : i32
    %dma_start3A_145 = arith.constant 0 : i32
    %dma_start3A_146 = tpu.memref_slice %arg2[%dma_start3A_144, %dma_start3A_145] : memref<20000x64xf32, #tpu.memory_space<hbm>> -> memref<20000x64xf32, #tpu.memory_space<hbm>>
    tpu.enqueue_indirect_dma source(%dma_start3A_146 : memref<20000x64xf32, #tpu.memory_space<hbm>>) target(%arg8 : memref<80x64xf32, #tpu.memory_space<vmem>>) offsets(%dma_start3A_143 : memref<80xi32, #tpu.memory_space<vmem>>) semaphore(%arg17 : memref<!tpu.dma_semaphore, #tpu.memory_space<semaphore_mem>>)
    %dma_wait3A_147 = arith.constant 117 : i32
    %dma_wait3A_148 = arith.constant 0 : i32
    %dma_wait3A_149 = tpu.memref_slice %arg6[%dma_wait3A_147, %dma_wait3A_148] : memref<125x80xi32, #tpu.memory_space<vmem>> -> memref<1x80xi32, #tpu.memory_space<vmem>>
    %dma_wait3A_150 = tpu.memref_squeeze %dma_wait3A_149 : memref<1x80xi32, #tpu.memory_space<vmem>> -> memref<80xi32, #tpu.memory_space<vmem>>
    %dma_wait3A_151 = arith.constant 0 : i32
    %dma_wait3A_152 = arith.constant 0 : i32
    %dma_wait3A_153 = tpu.memref_slice %arg2[%dma_wait3A_151, %dma_wait3A_152] : memref<20000x64xf32, #tpu.memory_space<hbm>> -> memref<20000x64xf32, #tpu.memory_space<hbm>>
    tpu.wait_indirect_dma semaphore(%arg22 : memref<!tpu.dma_semaphore, #tpu.memory_space<semaphore_mem>>) src(%dma_wait3A_153 : memref<20000x64xf32, #tpu.memory_space<hbm>>) dst(%arg13 : memref<80x64xf32, #tpu.memory_space<vmem>>)
    %dma_start3A_154 = arith.constant 117 : i32
    %dma_start3A_155 = arith.constant 0 : i32
    %dma_start3A_156 = tpu.memref_slice %arg7[%dma_start3A_154, %dma_start3A_155] : memref<125x80xi32, #tpu.memory_space<vmem>> -> memref<1x80xi32, #tpu.memory_space<vmem>>
    %dma_start3A_157 = tpu.memref_squeeze %dma_start3A_156 : memref<1x80xi32, #tpu.memory_space<vmem>> -> memref<80xi32, #tpu.memory_space<vmem>>
    %dma_start3A_158 = arith.constant 0 : i32
    %dma_start3A_159 = arith.constant 0 : i32
    %dma_start3A_160 = tpu.memref_slice %arg16[%dma_start3A_158, %dma_start3A_159] : memref<10000x64xf32, #tpu.memory_space<vmem_shared>> -> memref<10000x64xf32, #tpu.memory_space<vmem_shared>>
    tpu.enqueue_indirect_dma source(%arg13 : memref<80x64xf32, #tpu.memory_space<vmem>>) target(%dma_start3A_160 : memref<10000x64xf32, #tpu.memory_space<vmem_shared>>) offsets(%dma_start3A_157 : memref<80xi32, #tpu.memory_space<vmem>>) semaphore(%arg30 : memref<!tpu.dma_semaphore, #tpu.memory_space<semaphore_mem>>) {add = true}
    %dma_wait3A_161 = arith.constant 113 : i32
    %dma_wait3A_162 = arith.constant 0 : i32
    %dma_wait3A_163 = tpu.memref_slice %arg7[%dma_wait3A_161, %dma_wait3A_162] : memref<125x80xi32, #tpu.memory_space<vmem>> -> memref<1x80xi32, #tpu.memory_space<vmem>>
    %dma_wait3A_164 = tpu.memref_squeeze %dma_wait3A_163 : memref<1x80xi32, #tpu.memory_space<vmem>> -> memref<80xi32, #tpu.memory_space<vmem>>
    %dma_wait3A_165 = arith.constant 0 : i32
    %dma_wait3A_166 = arith.constant 0 : i32
    %dma_wait3A_167 = tpu.memref_slice %arg16[%dma_wait3A_165, %dma_wait3A_166] : memref<10000x64xf32, #tpu.memory_space<vmem_shared>> -> memref<10000x64xf32, #tpu.memory_space<vmem_shared>>
    tpu.wait_indirect_dma semaphore(%arg26 : memref<!tpu.dma_semaphore, #tpu.memory_space<semaphore_mem>>) src(%arg9 : memref<80x64xf32, #tpu.memory_space<vmem>>) dst(%dma_wait3A_167 : memref<10000x64xf32, #tpu.memory_space<vmem_shared>>)
    %dma_start3A_168 = arith.constant 121 : i32
    %dma_start3A_169 = arith.constant 0 : i32
    %dma_start3A_170 = tpu.memref_slice %arg6[%dma_start3A_168, %dma_start3A_169] : memref<125x80xi32, #tpu.memory_space<vmem>> -> memref<1x80xi32, #tpu.memory_space<vmem>>
    %dma_start3A_171 = tpu.memref_squeeze %dma_start3A_170 : memref<1x80xi32, #tpu.memory_space<vmem>> -> memref<80xi32, #tpu.memory_space<vmem>>
    %dma_start3A_172 = arith.constant 0 : i32
    %dma_start3A_173 = arith.constant 0 : i32
    %dma_start3A_174 = tpu.memref_slice %arg2[%dma_start3A_172, %dma_start3A_173] : memref<20000x64xf32, #tpu.memory_space<hbm>> -> memref<20000x64xf32, #tpu.memory_space<hbm>>
    tpu.enqueue_indirect_dma source(%dma_start3A_174 : memref<20000x64xf32, #tpu.memory_space<hbm>>) target(%arg9 : memref<80x64xf32, #tpu.memory_space<vmem>>) offsets(%dma_start3A_171 : memref<80xi32, #tpu.memory_space<vmem>>) semaphore(%arg18 : memref<!tpu.dma_semaphore, #tpu.memory_space<semaphore_mem>>)
    %dma_wait3A_175 = arith.constant 118 : i32
    %dma_wait3A_176 = arith.constant 0 : i32
    %dma_wait3A_177 = tpu.memref_slice %arg6[%dma_wait3A_175, %dma_wait3A_176] : memref<125x80xi32, #tpu.memory_space<vmem>> -> memref<1x80xi32, #tpu.memory_space<vmem>>
    %dma_wait3A_178 = tpu.memref_squeeze %dma_wait3A_177 : memref<1x80xi32, #tpu.memory_space<vmem>> -> memref<80xi32, #tpu.memory_space<vmem>>
    %dma_wait3A_179 = arith.constant 0 : i32
    %dma_wait3A_180 = arith.constant 0 : i32
    %dma_wait3A_181 = tpu.memref_slice %arg2[%dma_wait3A_179, %dma_wait3A_180] : memref<20000x64xf32, #tpu.memory_space<hbm>> -> memref<20000x64xf32, #tpu.memory_space<hbm>>
    tpu.wait_indirect_dma semaphore(%arg23 : memref<!tpu.dma_semaphore, #tpu.memory_space<semaphore_mem>>) src(%dma_wait3A_181 : memref<20000x64xf32, #tpu.memory_space<hbm>>) dst(%arg14 : memref<80x64xf32, #tpu.memory_space<vmem>>)
    %dma_start3A_182 = arith.constant 118 : i32
    %dma_start3A_183 = arith.constant 0 : i32
    %dma_start3A_184 = tpu.memref_slice %arg7[%dma_start3A_182, %dma_start3A_183] : memref<125x80xi32, #tpu.memory_space<vmem>> -> memref<1x80xi32, #tpu.memory_space<vmem>>
    %dma_start3A_185 = tpu.memref_squeeze %dma_start3A_184 : memref<1x80xi32, #tpu.memory_space<vmem>> -> memref<80xi32, #tpu.memory_space<vmem>>
    %dma_start3A_186 = arith.constant 0 : i32
    %dma_start3A_187 = arith.constant 0 : i32
    %dma_start3A_188 = tpu.memref_slice %arg16[%dma_start3A_186, %dma_start3A_187] : memref<10000x64xf32, #tpu.memory_space<vmem_shared>> -> memref<10000x64xf32, #tpu.memory_space<vmem_shared>>
    tpu.enqueue_indirect_dma source(%arg14 : memref<80x64xf32, #tpu.memory_space<vmem>>) target(%dma_start3A_188 : memref<10000x64xf32, #tpu.memory_space<vmem_shared>>) offsets(%dma_start3A_185 : memref<80xi32, #tpu.memory_space<vmem>>) semaphore(%arg31 : memref<!tpu.dma_semaphore, #tpu.memory_space<semaphore_mem>>) {add = true}
    %dma_wait3A_189 = arith.constant 114 : i32
    %dma_wait3A_190 = arith.constant 0 : i32
    %dma_wait3A_191 = tpu.memref_slice %arg7[%dma_wait3A_189, %dma_wait3A_190] : memref<125x80xi32, #tpu.memory_space<vmem>> -> memref<1x80xi32, #tpu.memory_space<vmem>>
    %dma_wait3A_192 = tpu.memref_squeeze %dma_wait3A_191 : memref<1x80xi32, #tpu.memory_space<vmem>> -> memref<80xi32, #tpu.memory_space<vmem>>
    %dma_wait3A_193 = arith.constant 0 : i32
    %dma_wait3A_194 = arith.constant 0 : i32
    %dma_wait3A_195 = tpu.memref_slice %arg16[%dma_wait3A_193, %dma_wait3A_194] : memref<10000x64xf32, #tpu.memory_space<vmem_shared>> -> memref<10000x64xf32, #tpu.memory_space<vmem_shared>>
    tpu.wait_indirect_dma semaphore(%arg27 : memref<!tpu.dma_semaphore, #tpu.memory_space<semaphore_mem>>) src(%arg10 : memref<80x64xf32, #tpu.memory_space<vmem>>) dst(%dma_wait3A_195 : memref<10000x64xf32, #tpu.memory_space<vmem_shared>>)
    %dma_start3A_196 = arith.constant 122 : i32
    %dma_start3A_197 = arith.constant 0 : i32
    %dma_start3A_198 = tpu.memref_slice %arg6[%dma_start3A_196, %dma_start3A_197] : memref<125x80xi32, #tpu.memory_space<vmem>> -> memref<1x80xi32, #tpu.memory_space<vmem>>
    %dma_start3A_199 = tpu.memref_squeeze %dma_start3A_198 : memref<1x80xi32, #tpu.memory_space<vmem>> -> memref<80xi32, #tpu.memory_space<vmem>>
    %dma_start3A_200 = arith.constant 0 : i32
    %dma_start3A_201 = arith.constant 0 : i32
    %dma_start3A_202 = tpu.memref_slice %arg2[%dma_start3A_200, %dma_start3A_201] : memref<20000x64xf32, #tpu.memory_space<hbm>> -> memref<20000x64xf32, #tpu.memory_space<hbm>>
    tpu.enqueue_indirect_dma source(%dma_start3A_202 : memref<20000x64xf32, #tpu.memory_space<hbm>>) target(%arg10 : memref<80x64xf32, #tpu.memory_space<vmem>>) offsets(%dma_start3A_199 : memref<80xi32, #tpu.memory_space<vmem>>) semaphore(%arg19 : memref<!tpu.dma_semaphore, #tpu.memory_space<semaphore_mem>>)
    %dma_wait3A_203 = arith.constant 119 : i32
    %dma_wait3A_204 = arith.constant 0 : i32
    %dma_wait3A_205 = tpu.memref_slice %arg6[%dma_wait3A_203, %dma_wait3A_204] : memref<125x80xi32, #tpu.memory_space<vmem>> -> memref<1x80xi32, #tpu.memory_space<vmem>>
    %dma_wait3A_206 = tpu.memref_squeeze %dma_wait3A_205 : memref<1x80xi32, #tpu.memory_space<vmem>> -> memref<80xi32, #tpu.memory_space<vmem>>
    %dma_wait3A_207 = arith.constant 0 : i32
    %dma_wait3A_208 = arith.constant 0 : i32
    %dma_wait3A_209 = tpu.memref_slice %arg2[%dma_wait3A_207, %dma_wait3A_208] : memref<20000x64xf32, #tpu.memory_space<hbm>> -> memref<20000x64xf32, #tpu.memory_space<hbm>>
    tpu.wait_indirect_dma semaphore(%arg24 : memref<!tpu.dma_semaphore, #tpu.memory_space<semaphore_mem>>) src(%dma_wait3A_209 : memref<20000x64xf32, #tpu.memory_space<hbm>>) dst(%arg15 : memref<80x64xf32, #tpu.memory_space<vmem>>)
    %dma_start3A_210 = arith.constant 119 : i32
    %dma_start3A_211 = arith.constant 0 : i32
    %dma_start3A_212 = tpu.memref_slice %arg7[%dma_start3A_210, %dma_start3A_211] : memref<125x80xi32, #tpu.memory_space<vmem>> -> memref<1x80xi32, #tpu.memory_space<vmem>>
    %dma_start3A_213 = tpu.memref_squeeze %dma_start3A_212 : memref<1x80xi32, #tpu.memory_space<vmem>> -> memref<80xi32, #tpu.memory_space<vmem>>
    %dma_start3A_214 = arith.constant 0 : i32
    %dma_start3A_215 = arith.constant 0 : i32
    %dma_start3A_216 = tpu.memref_slice %arg16[%dma_start3A_214, %dma_start3A_215] : memref<10000x64xf32, #tpu.memory_space<vmem_shared>> -> memref<10000x64xf32, #tpu.memory_space<vmem_shared>>
    tpu.enqueue_indirect_dma source(%arg15 : memref<80x64xf32, #tpu.memory_space<vmem>>) target(%dma_start3A_216 : memref<10000x64xf32, #tpu.memory_space<vmem_shared>>) offsets(%dma_start3A_213 : memref<80xi32, #tpu.memory_space<vmem>>) semaphore(%arg32 : memref<!tpu.dma_semaphore, #tpu.memory_space<semaphore_mem>>) {add = true}
    %dma_wait3A_217 = arith.constant 115 : i32
    %dma_wait3A_218 = arith.constant 0 : i32
    %dma_wait3A_219 = tpu.memref_slice %arg7[%dma_wait3A_217, %dma_wait3A_218] : memref<125x80xi32, #tpu.memory_space<vmem>> -> memref<1x80xi32, #tpu.memory_space<vmem>>
    %dma_wait3A_220 = tpu.memref_squeeze %dma_wait3A_219 : memref<1x80xi32, #tpu.memory_space<vmem>> -> memref<80xi32, #tpu.memory_space<vmem>>
    %dma_wait3A_221 = arith.constant 0 : i32
    %dma_wait3A_222 = arith.constant 0 : i32
    %dma_wait3A_223 = tpu.memref_slice %arg16[%dma_wait3A_221, %dma_wait3A_222] : memref<10000x64xf32, #tpu.memory_space<vmem_shared>> -> memref<10000x64xf32, #tpu.memory_space<vmem_shared>>
    tpu.wait_indirect_dma semaphore(%arg28 : memref<!tpu.dma_semaphore, #tpu.memory_space<semaphore_mem>>) src(%arg11 : memref<80x64xf32, #tpu.memory_space<vmem>>) dst(%dma_wait3A_223 : memref<10000x64xf32, #tpu.memory_space<vmem_shared>>)
    %dma_start3A_224 = arith.constant 123 : i32
    %dma_start3A_225 = arith.constant 0 : i32
    %dma_start3A_226 = tpu.memref_slice %arg6[%dma_start3A_224, %dma_start3A_225] : memref<125x80xi32, #tpu.memory_space<vmem>> -> memref<1x80xi32, #tpu.memory_space<vmem>>
    %dma_start3A_227 = tpu.memref_squeeze %dma_start3A_226 : memref<1x80xi32, #tpu.memory_space<vmem>> -> memref<80xi32, #tpu.memory_space<vmem>>
    %dma_start3A_228 = arith.constant 0 : i32
    %dma_start3A_229 = arith.constant 0 : i32
    %dma_start3A_230 = tpu.memref_slice %arg2[%dma_start3A_228, %dma_start3A_229] : memref<20000x64xf32, #tpu.memory_space<hbm>> -> memref<20000x64xf32, #tpu.memory_space<hbm>>
    tpu.enqueue_indirect_dma source(%dma_start3A_230 : memref<20000x64xf32, #tpu.memory_space<hbm>>) target(%arg11 : memref<80x64xf32, #tpu.memory_space<vmem>>) offsets(%dma_start3A_227 : memref<80xi32, #tpu.memory_space<vmem>>) semaphore(%arg20 : memref<!tpu.dma_semaphore, #tpu.memory_space<semaphore_mem>>)
    %dma_wait3A_231 = arith.constant 120 : i32
    %dma_wait3A_232 = arith.constant 0 : i32
    %dma_wait3A_233 = tpu.memref_slice %arg6[%dma_wait3A_231, %dma_wait3A_232] : memref<125x80xi32, #tpu.memory_space<vmem>> -> memref<1x80xi32, #tpu.memory_space<vmem>>
    %dma_wait3A_234 = tpu.memref_squeeze %dma_wait3A_233 : memref<1x80xi32, #tpu.memory_space<vmem>> -> memref<80xi32, #tpu.memory_space<vmem>>
    %dma_wait3A_235 = arith.constant 0 : i32
    %dma_wait3A_236 = arith.constant 0 : i32
    %dma_wait3A_237 = tpu.memref_slice %arg2[%dma_wait3A_235, %dma_wait3A_236] : memref<20000x64xf32, #tpu.memory_space<hbm>> -> memref<20000x64xf32, #tpu.memory_space<hbm>>
    tpu.wait_indirect_dma semaphore(%arg17 : memref<!tpu.dma_semaphore, #tpu.memory_space<semaphore_mem>>) src(%dma_wait3A_237 : memref<20000x64xf32, #tpu.memory_space<hbm>>) dst(%arg8 : memref<80x64xf32, #tpu.memory_space<vmem>>)
    %dma_start3A_238 = arith.constant 120 : i32
    %dma_start3A_239 = arith.constant 0 : i32
    %dma_start3A_240 = tpu.memref_slice %arg7[%dma_start3A_238, %dma_start3A_239] : memref<125x80xi32, #tpu.memory_space<vmem>> -> memref<1x80xi32, #tpu.memory_space<vmem>>
    %dma_start3A_241 = tpu.memref_squeeze %dma_start3A_240 : memref<1x80xi32, #tpu.memory_space<vmem>> -> memref<80xi32, #tpu.memory_space<vmem>>
    %dma_start3A_242 = arith.constant 0 : i32
    %dma_start3A_243 = arith.constant 0 : i32
    %dma_start3A_244 = tpu.memref_slice %arg16[%dma_start3A_242, %dma_start3A_243] : memref<10000x64xf32, #tpu.memory_space<vmem_shared>> -> memref<10000x64xf32, #tpu.memory_space<vmem_shared>>
    tpu.enqueue_indirect_dma source(%arg8 : memref<80x64xf32, #tpu.memory_space<vmem>>) target(%dma_start3A_244 : memref<10000x64xf32, #tpu.memory_space<vmem_shared>>) offsets(%dma_start3A_241 : memref<80xi32, #tpu.memory_space<vmem>>) semaphore(%arg25 : memref<!tpu.dma_semaphore, #tpu.memory_space<semaphore_mem>>) {add = true}
    %dma_wait3A_245 = arith.constant 116 : i32
    %dma_wait3A_246 = arith.constant 0 : i32
    %dma_wait3A_247 = tpu.memref_slice %arg7[%dma_wait3A_245, %dma_wait3A_246] : memref<125x80xi32, #tpu.memory_space<vmem>> -> memref<1x80xi32, #tpu.memory_space<vmem>>
    %dma_wait3A_248 = tpu.memref_squeeze %dma_wait3A_247 : memref<1x80xi32, #tpu.memory_space<vmem>> -> memref<80xi32, #tpu.memory_space<vmem>>
    %dma_wait3A_249 = arith.constant 0 : i32
    %dma_wait3A_250 = arith.constant 0 : i32
    %dma_wait3A_251 = tpu.memref_slice %arg16[%dma_wait3A_249, %dma_wait3A_250] : memref<10000x64xf32, #tpu.memory_space<vmem_shared>> -> memref<10000x64xf32, #tpu.memory_space<vmem_shared>>
    tpu.wait_indirect_dma semaphore(%arg29 : memref<!tpu.dma_semaphore, #tpu.memory_space<semaphore_mem>>) src(%arg12 : memref<80x64xf32, #tpu.memory_space<vmem>>) dst(%dma_wait3A_251 : memref<10000x64xf32, #tpu.memory_space<vmem_shared>>)
    %dma_start3A_252 = arith.constant 124 : i32
    %dma_start3A_253 = arith.constant 0 : i32
    %dma_start3A_254 = tpu.memref_slice %arg6[%dma_start3A_252, %dma_start3A_253] : memref<125x80xi32, #tpu.memory_space<vmem>> -> memref<1x80xi32, #tpu.memory_space<vmem>>
    %dma_start3A_255 = tpu.memref_squeeze %dma_start3A_254 : memref<1x80xi32, #tpu.memory_space<vmem>> -> memref<80xi32, #tpu.memory_space<vmem>>
    %dma_start3A_256 = arith.constant 0 : i32
    %dma_start3A_257 = arith.constant 0 : i32
    %dma_start3A_258 = tpu.memref_slice %arg2[%dma_start3A_256, %dma_start3A_257] : memref<20000x64xf32, #tpu.memory_space<hbm>> -> memref<20000x64xf32, #tpu.memory_space<hbm>>
    tpu.enqueue_indirect_dma source(%dma_start3A_258 : memref<20000x64xf32, #tpu.memory_space<hbm>>) target(%arg12 : memref<80x64xf32, #tpu.memory_space<vmem>>) offsets(%dma_start3A_255 : memref<80xi32, #tpu.memory_space<vmem>>) semaphore(%arg21 : memref<!tpu.dma_semaphore, #tpu.memory_space<semaphore_mem>>)
    %dma_wait3A_259 = arith.constant 121 : i32
    %dma_wait3A_260 = arith.constant 0 : i32
    %dma_wait3A_261 = tpu.memref_slice %arg6[%dma_wait3A_259, %dma_wait3A_260] : memref<125x80xi32, #tpu.memory_space<vmem>> -> memref<1x80xi32, #tpu.memory_space<vmem>>
    %dma_wait3A_262 = tpu.memref_squeeze %dma_wait3A_261 : memref<1x80xi32, #tpu.memory_space<vmem>> -> memref<80xi32, #tpu.memory_space<vmem>>
    %dma_wait3A_263 = arith.constant 0 : i32
    %dma_wait3A_264 = arith.constant 0 : i32
    %dma_wait3A_265 = tpu.memref_slice %arg2[%dma_wait3A_263, %dma_wait3A_264] : memref<20000x64xf32, #tpu.memory_space<hbm>> -> memref<20000x64xf32, #tpu.memory_space<hbm>>
    tpu.wait_indirect_dma semaphore(%arg18 : memref<!tpu.dma_semaphore, #tpu.memory_space<semaphore_mem>>) src(%dma_wait3A_265 : memref<20000x64xf32, #tpu.memory_space<hbm>>) dst(%arg9 : memref<80x64xf32, #tpu.memory_space<vmem>>)
    %dma_start3A_266 = arith.constant 121 : i32
    %dma_start3A_267 = arith.constant 0 : i32
    %dma_start3A_268 = tpu.memref_slice %arg7[%dma_start3A_266, %dma_start3A_267] : memref<125x80xi32, #tpu.memory_space<vmem>> -> memref<1x80xi32, #tpu.memory_space<vmem>>
    %dma_start3A_269 = tpu.memref_squeeze %dma_start3A_268 : memref<1x80xi32, #tpu.memory_space<vmem>> -> memref<80xi32, #tpu.memory_space<vmem>>
    %dma_start3A_270 = arith.constant 0 : i32
    %dma_start3A_271 = arith.constant 0 : i32
    %dma_start3A_272 = tpu.memref_slice %arg16[%dma_start3A_270, %dma_start3A_271] : memref<10000x64xf32, #tpu.memory_space<vmem_shared>> -> memref<10000x64xf32, #tpu.memory_space<vmem_shared>>
    tpu.enqueue_indirect_dma source(%arg9 : memref<80x64xf32, #tpu.memory_space<vmem>>) target(%dma_start3A_272 : memref<10000x64xf32, #tpu.memory_space<vmem_shared>>) offsets(%dma_start3A_269 : memref<80xi32, #tpu.memory_space<vmem>>) semaphore(%arg26 : memref<!tpu.dma_semaphore, #tpu.memory_space<semaphore_mem>>) {add = true}
    %dma_wait3A_273 = arith.constant 117 : i32
    %dma_wait3A_274 = arith.constant 0 : i32
    %dma_wait3A_275 = tpu.memref_slice %arg7[%dma_wait3A_273, %dma_wait3A_274] : memref<125x80xi32, #tpu.memory_space<vmem>> -> memref<1x80xi32, #tpu.memory_space<vmem>>
    %dma_wait3A_276 = tpu.memref_squeeze %dma_wait3A_275 : memref<1x80xi32, #tpu.memory_space<vmem>> -> memref<80xi32, #tpu.memory_space<vmem>>
    %dma_wait3A_277 = arith.constant 0 : i32
    %dma_wait3A_278 = arith.constant 0 : i32
    %dma_wait3A_279 = tpu.memref_slice %arg16[%dma_wait3A_277, %dma_wait3A_278] : memref<10000x64xf32, #tpu.memory_space<vmem_shared>> -> memref<10000x64xf32, #tpu.memory_space<vmem_shared>>
    tpu.wait_indirect_dma semaphore(%arg30 : memref<!tpu.dma_semaphore, #tpu.memory_space<semaphore_mem>>) src(%arg13 : memref<80x64xf32, #tpu.memory_space<vmem>>) dst(%dma_wait3A_279 : memref<10000x64xf32, #tpu.memory_space<vmem_shared>>)
    %dma_wait3A_280 = arith.constant 122 : i32
    %dma_wait3A_281 = arith.constant 0 : i32
    %dma_wait3A_282 = tpu.memref_slice %arg6[%dma_wait3A_280, %dma_wait3A_281] : memref<125x80xi32, #tpu.memory_space<vmem>> -> memref<1x80xi32, #tpu.memory_space<vmem>>
    %dma_wait3A_283 = tpu.memref_squeeze %dma_wait3A_282 : memref<1x80xi32, #tpu.memory_space<vmem>> -> memref<80xi32, #tpu.memory_space<vmem>>
    %dma_wait3A_284 = arith.constant 0 : i32
    %dma_wait3A_285 = arith.constant 0 : i32
    %dma_wait3A_286 = tpu.memref_slice %arg2[%dma_wait3A_284, %dma_wait3A_285] : memref<20000x64xf32, #tpu.memory_space<hbm>> -> memref<20000x64xf32, #tpu.memory_space<hbm>>
    tpu.wait_indirect_dma semaphore(%arg19 : memref<!tpu.dma_semaphore, #tpu.memory_space<semaphore_mem>>) src(%dma_wait3A_286 : memref<20000x64xf32, #tpu.memory_space<hbm>>) dst(%arg10 : memref<80x64xf32, #tpu.memory_space<vmem>>)
    %dma_start3A_287 = arith.constant 122 : i32
    %dma_start3A_288 = arith.constant 0 : i32
    %dma_start3A_289 = tpu.memref_slice %arg7[%dma_start3A_287, %dma_start3A_288] : memref<125x80xi32, #tpu.memory_space<vmem>> -> memref<1x80xi32, #tpu.memory_space<vmem>>
    %dma_start3A_290 = tpu.memref_squeeze %dma_start3A_289 : memref<1x80xi32, #tpu.memory_space<vmem>> -> memref<80xi32, #tpu.memory_space<vmem>>
    %dma_start3A_291 = arith.constant 0 : i32
    %dma_start3A_292 = arith.constant 0 : i32
    %dma_start3A_293 = tpu.memref_slice %arg16[%dma_start3A_291, %dma_start3A_292] : memref<10000x64xf32, #tpu.memory_space<vmem_shared>> -> memref<10000x64xf32, #tpu.memory_space<vmem_shared>>
    tpu.enqueue_indirect_dma source(%arg10 : memref<80x64xf32, #tpu.memory_space<vmem>>) target(%dma_start3A_293 : memref<10000x64xf32, #tpu.memory_space<vmem_shared>>) offsets(%dma_start3A_290 : memref<80xi32, #tpu.memory_space<vmem>>) semaphore(%arg27 : memref<!tpu.dma_semaphore, #tpu.memory_space<semaphore_mem>>) {add = true}
    %dma_wait3A_294 = arith.constant 118 : i32
    %dma_wait3A_295 = arith.constant 0 : i32
    %dma_wait3A_296 = tpu.memref_slice %arg7[%dma_wait3A_294, %dma_wait3A_295] : memref<125x80xi32, #tpu.memory_space<vmem>> -> memref<1x80xi32, #tpu.memory_space<vmem>>
    %dma_wait3A_297 = tpu.memref_squeeze %dma_wait3A_296 : memref<1x80xi32, #tpu.memory_space<vmem>> -> memref<80xi32, #tpu.memory_space<vmem>>
    %dma_wait3A_298 = arith.constant 0 : i32
    %dma_wait3A_299 = arith.constant 0 : i32
    %dma_wait3A_300 = tpu.memref_slice %arg16[%dma_wait3A_298, %dma_wait3A_299] : memref<10000x64xf32, #tpu.memory_space<vmem_shared>> -> memref<10000x64xf32, #tpu.memory_space<vmem_shared>>
    tpu.wait_indirect_dma semaphore(%arg31 : memref<!tpu.dma_semaphore, #tpu.memory_space<semaphore_mem>>) src(%arg14 : memref<80x64xf32, #tpu.memory_space<vmem>>) dst(%dma_wait3A_300 : memref<10000x64xf32, #tpu.memory_space<vmem_shared>>)
    %dma_wait3A_301 = arith.constant 123 : i32
    %dma_wait3A_302 = arith.constant 0 : i32
    %dma_wait3A_303 = tpu.memref_slice %arg6[%dma_wait3A_301, %dma_wait3A_302] : memref<125x80xi32, #tpu.memory_space<vmem>> -> memref<1x80xi32, #tpu.memory_space<vmem>>
    %dma_wait3A_304 = tpu.memref_squeeze %dma_wait3A_303 : memref<1x80xi32, #tpu.memory_space<vmem>> -> memref<80xi32, #tpu.memory_space<vmem>>
    %dma_wait3A_305 = arith.constant 0 : i32
    %dma_wait3A_306 = arith.constant 0 : i32
    %dma_wait3A_307 = tpu.memref_slice %arg2[%dma_wait3A_305, %dma_wait3A_306] : memref<20000x64xf32, #tpu.memory_space<hbm>> -> memref<20000x64xf32, #tpu.memory_space<hbm>>
    tpu.wait_indirect_dma semaphore(%arg20 : memref<!tpu.dma_semaphore, #tpu.memory_space<semaphore_mem>>) src(%dma_wait3A_307 : memref<20000x64xf32, #tpu.memory_space<hbm>>) dst(%arg11 : memref<80x64xf32, #tpu.memory_space<vmem>>)
    %dma_start3A_308 = arith.constant 123 : i32
    %dma_start3A_309 = arith.constant 0 : i32
    %dma_start3A_310 = tpu.memref_slice %arg7[%dma_start3A_308, %dma_start3A_309] : memref<125x80xi32, #tpu.memory_space<vmem>> -> memref<1x80xi32, #tpu.memory_space<vmem>>
    %dma_start3A_311 = tpu.memref_squeeze %dma_start3A_310 : memref<1x80xi32, #tpu.memory_space<vmem>> -> memref<80xi32, #tpu.memory_space<vmem>>
    %dma_start3A_312 = arith.constant 0 : i32
    %dma_start3A_313 = arith.constant 0 : i32
    %dma_start3A_314 = tpu.memref_slice %arg16[%dma_start3A_312, %dma_start3A_313] : memref<10000x64xf32, #tpu.memory_space<vmem_shared>> -> memref<10000x64xf32, #tpu.memory_space<vmem_shared>>
    tpu.enqueue_indirect_dma source(%arg11 : memref<80x64xf32, #tpu.memory_space<vmem>>) target(%dma_start3A_314 : memref<10000x64xf32, #tpu.memory_space<vmem_shared>>) offsets(%dma_start3A_311 : memref<80xi32, #tpu.memory_space<vmem>>) semaphore(%arg28 : memref<!tpu.dma_semaphore, #tpu.memory_space<semaphore_mem>>) {add = true}
    %dma_wait3A_315 = arith.constant 119 : i32
    %dma_wait3A_316 = arith.constant 0 : i32
    %dma_wait3A_317 = tpu.memref_slice %arg7[%dma_wait3A_315, %dma_wait3A_316] : memref<125x80xi32, #tpu.memory_space<vmem>> -> memref<1x80xi32, #tpu.memory_space<vmem>>
    %dma_wait3A_318 = tpu.memref_squeeze %dma_wait3A_317 : memref<1x80xi32, #tpu.memory_space<vmem>> -> memref<80xi32, #tpu.memory_space<vmem>>
    %dma_wait3A_319 = arith.constant 0 : i32
    %dma_wait3A_320 = arith.constant 0 : i32
    %dma_wait3A_321 = tpu.memref_slice %arg16[%dma_wait3A_319, %dma_wait3A_320] : memref<10000x64xf32, #tpu.memory_space<vmem_shared>> -> memref<10000x64xf32, #tpu.memory_space<vmem_shared>>
    tpu.wait_indirect_dma semaphore(%arg32 : memref<!tpu.dma_semaphore, #tpu.memory_space<semaphore_mem>>) src(%arg15 : memref<80x64xf32, #tpu.memory_space<vmem>>) dst(%dma_wait3A_321 : memref<10000x64xf32, #tpu.memory_space<vmem_shared>>)
    %dma_wait3A_322 = arith.constant 124 : i32
    %dma_wait3A_323 = arith.constant 0 : i32
    %dma_wait3A_324 = tpu.memref_slice %arg6[%dma_wait3A_322, %dma_wait3A_323] : memref<125x80xi32, #tpu.memory_space<vmem>> -> memref<1x80xi32, #tpu.memory_space<vmem>>
    %dma_wait3A_325 = tpu.memref_squeeze %dma_wait3A_324 : memref<1x80xi32, #tpu.memory_space<vmem>> -> memref<80xi32, #tpu.memory_space<vmem>>
    %dma_wait3A_326 = arith.constant 0 : i32
    %dma_wait3A_327 = arith.constant 0 : i32
    %dma_wait3A_328 = tpu.memref_slice %arg2[%dma_wait3A_326, %dma_wait3A_327] : memref<20000x64xf32, #tpu.memory_space<hbm>> -> memref<20000x64xf32, #tpu.memory_space<hbm>>
    tpu.wait_indirect_dma semaphore(%arg21 : memref<!tpu.dma_semaphore, #tpu.memory_space<semaphore_mem>>) src(%dma_wait3A_328 : memref<20000x64xf32, #tpu.memory_space<hbm>>) dst(%arg12 : memref<80x64xf32, #tpu.memory_space<vmem>>)
    %dma_start3A_329 = arith.constant 124 : i32
    %dma_start3A_330 = arith.constant 0 : i32
    %dma_start3A_331 = tpu.memref_slice %arg7[%dma_start3A_329, %dma_start3A_330] : memref<125x80xi32, #tpu.memory_space<vmem>> -> memref<1x80xi32, #tpu.memory_space<vmem>>
    %dma_start3A_332 = tpu.memref_squeeze %dma_start3A_331 : memref<1x80xi32, #tpu.memory_space<vmem>> -> memref<80xi32, #tpu.memory_space<vmem>>
    %dma_start3A_333 = arith.constant 0 : i32
    %dma_start3A_334 = arith.constant 0 : i32
    %dma_start3A_335 = tpu.memref_slice %arg16[%dma_start3A_333, %dma_start3A_334] : memref<10000x64xf32, #tpu.memory_space<vmem_shared>> -> memref<10000x64xf32, #tpu.memory_space<vmem_shared>>
    tpu.enqueue_indirect_dma source(%arg12 : memref<80x64xf32, #tpu.memory_space<vmem>>) target(%dma_start3A_335 : memref<10000x64xf32, #tpu.memory_space<vmem_shared>>) offsets(%dma_start3A_332 : memref<80xi32, #tpu.memory_space<vmem>>) semaphore(%arg29 : memref<!tpu.dma_semaphore, #tpu.memory_space<semaphore_mem>>) {add = true}
    %dma_wait3A_336 = arith.constant 120 : i32
    %dma_wait3A_337 = arith.constant 0 : i32
    %dma_wait3A_338 = tpu.memref_slice %arg7[%dma_wait3A_336, %dma_wait3A_337] : memref<125x80xi32, #tpu.memory_space<vmem>> -> memref<1x80xi32, #tpu.memory_space<vmem>>
    %dma_wait3A_339 = tpu.memref_squeeze %dma_wait3A_338 : memref<1x80xi32, #tpu.memory_space<vmem>> -> memref<80xi32, #tpu.memory_space<vmem>>
    %dma_wait3A_340 = arith.constant 0 : i32
    %dma_wait3A_341 = arith.constant 0 : i32
    %dma_wait3A_342 = tpu.memref_slice %arg16[%dma_wait3A_340, %dma_wait3A_341] : memref<10000x64xf32, #tpu.memory_space<vmem_shared>> -> memref<10000x64xf32, #tpu.memory_space<vmem_shared>>
    tpu.wait_indirect_dma semaphore(%arg25 : memref<!tpu.dma_semaphore, #tpu.memory_space<semaphore_mem>>) src(%arg8 : memref<80x64xf32, #tpu.memory_space<vmem>>) dst(%dma_wait3A_342 : memref<10000x64xf32, #tpu.memory_space<vmem_shared>>)
    %dma_wait3A_343 = arith.constant 121 : i32
    %dma_wait3A_344 = arith.constant 0 : i32
    %dma_wait3A_345 = tpu.memref_slice %arg7[%dma_wait3A_343, %dma_wait3A_344] : memref<125x80xi32, #tpu.memory_space<vmem>> -> memref<1x80xi32, #tpu.memory_space<vmem>>
    %dma_wait3A_346 = tpu.memref_squeeze %dma_wait3A_345 : memref<1x80xi32, #tpu.memory_space<vmem>> -> memref<80xi32, #tpu.memory_space<vmem>>
    %dma_wait3A_347 = arith.constant 0 : i32
    %dma_wait3A_348 = arith.constant 0 : i32
    %dma_wait3A_349 = tpu.memref_slice %arg16[%dma_wait3A_347, %dma_wait3A_348] : memref<10000x64xf32, #tpu.memory_space<vmem_shared>> -> memref<10000x64xf32, #tpu.memory_space<vmem_shared>>
    tpu.wait_indirect_dma semaphore(%arg26 : memref<!tpu.dma_semaphore, #tpu.memory_space<semaphore_mem>>) src(%arg9 : memref<80x64xf32, #tpu.memory_space<vmem>>) dst(%dma_wait3A_349 : memref<10000x64xf32, #tpu.memory_space<vmem_shared>>)
    %dma_wait3A_350 = arith.constant 122 : i32
    %dma_wait3A_351 = arith.constant 0 : i32
    %dma_wait3A_352 = tpu.memref_slice %arg7[%dma_wait3A_350, %dma_wait3A_351] : memref<125x80xi32, #tpu.memory_space<vmem>> -> memref<1x80xi32, #tpu.memory_space<vmem>>
    %dma_wait3A_353 = tpu.memref_squeeze %dma_wait3A_352 : memref<1x80xi32, #tpu.memory_space<vmem>> -> memref<80xi32, #tpu.memory_space<vmem>>
    %dma_wait3A_354 = arith.constant 0 : i32
    %dma_wait3A_355 = arith.constant 0 : i32
    %dma_wait3A_356 = tpu.memref_slice %arg16[%dma_wait3A_354, %dma_wait3A_355] : memref<10000x64xf32, #tpu.memory_space<vmem_shared>> -> memref<10000x64xf32, #tpu.memory_space<vmem_shared>>
    tpu.wait_indirect_dma semaphore(%arg27 : memref<!tpu.dma_semaphore, #tpu.memory_space<semaphore_mem>>) src(%arg10 : memref<80x64xf32, #tpu.memory_space<vmem>>) dst(%dma_wait3A_356 : memref<10000x64xf32, #tpu.memory_space<vmem_shared>>)
    %dma_wait3A_357 = arith.constant 123 : i32
    %dma_wait3A_358 = arith.constant 0 : i32
    %dma_wait3A_359 = tpu.memref_slice %arg7[%dma_wait3A_357, %dma_wait3A_358] : memref<125x80xi32, #tpu.memory_space<vmem>> -> memref<1x80xi32, #tpu.memory_space<vmem>>
    %dma_wait3A_360 = tpu.memref_squeeze %dma_wait3A_359 : memref<1x80xi32, #tpu.memory_space<vmem>> -> memref<80xi32, #tpu.memory_space<vmem>>
    %dma_wait3A_361 = arith.constant 0 : i32
    %dma_wait3A_362 = arith.constant 0 : i32
    %dma_wait3A_363 = tpu.memref_slice %arg16[%dma_wait3A_361, %dma_wait3A_362] : memref<10000x64xf32, #tpu.memory_space<vmem_shared>> -> memref<10000x64xf32, #tpu.memory_space<vmem_shared>>
    tpu.wait_indirect_dma semaphore(%arg28 : memref<!tpu.dma_semaphore, #tpu.memory_space<semaphore_mem>>) src(%arg11 : memref<80x64xf32, #tpu.memory_space<vmem>>) dst(%dma_wait3A_363 : memref<10000x64xf32, #tpu.memory_space<vmem_shared>>)
    %dma_wait3A_364 = arith.constant 124 : i32
    %dma_wait3A_365 = arith.constant 0 : i32
    %dma_wait3A_366 = tpu.memref_slice %arg7[%dma_wait3A_364, %dma_wait3A_365] : memref<125x80xi32, #tpu.memory_space<vmem>> -> memref<1x80xi32, #tpu.memory_space<vmem>>
    %dma_wait3A_367 = tpu.memref_squeeze %dma_wait3A_366 : memref<1x80xi32, #tpu.memory_space<vmem>> -> memref<80xi32, #tpu.memory_space<vmem>>
    %dma_wait3A_368 = arith.constant 0 : i32
    %dma_wait3A_369 = arith.constant 0 : i32
    %dma_wait3A_370 = tpu.memref_slice %arg16[%dma_wait3A_368, %dma_wait3A_369] : memref<10000x64xf32, #tpu.memory_space<vmem_shared>> -> memref<10000x64xf32, #tpu.memory_space<vmem_shared>>
    tpu.wait_indirect_dma semaphore(%arg29 : memref<!tpu.dma_semaphore, #tpu.memory_space<semaphore_mem>>) src(%arg12 : memref<80x64xf32, #tpu.memory_space<vmem>>) dst(%dma_wait3A_370 : memref<10000x64xf32, #tpu.memory_space<vmem_shared>>)
    %barrier3A_371 = arith.constant 0 : index
    tpu.barrier barrier_id(%barrier3A_371)
    %mul3A_372 = arith.constant 625 : i32
    %mul3A_373 = arith.muli %arg1, %mul3A_372 : i32
    %mul3A_374 = arith.constant 10000 : i32
    %mul3A_375 = arith.muli %arg0, %mul3A_374 : i32
    %mul3A_376 = arith.constant 625 : i32
    %mul3A_377 = arith.muli %arg1, %mul3A_376 : i32
    %add3A_378 = arith.addi %mul3A_375, %mul3A_377 : i32
    "tpu.region"() ({
      %run_scoped3A = tpu.sem_alloc : memref<!tpu.dma_semaphore, #tpu.memory_space<semaphore_mem>>
      %dma_start3A_379 = arith.constant 0 : i32
      %dma_start3A_380 = tpu.memref_slice %arg5[%add3A_378, %dma_start3A_379] : memref<20000x64xf32, #tpu.memory_space<hbm>> -> memref<625x64xf32, #tpu.memory_space<hbm>>
      %dma_start3A_381 = arith.constant 0 : i32
      %dma_start3A_382 = tpu.memref_slice %arg16[%mul3A_373, %dma_start3A_381] : memref<10000x64xf32, #tpu.memory_space<vmem_shared>> -> memref<625x64xf32, #tpu.memory_space<vmem_shared>>
      tpu.enqueue_dma source(%dma_start3A_382 : memref<625x64xf32, #tpu.memory_space<vmem_shared>>) target(%dma_start3A_380 : memref<625x64xf32, #tpu.memory_space<hbm>>) target_semaphore(%run_scoped3A : memref<!tpu.dma_semaphore, #tpu.memory_space<semaphore_mem>>)
      %dma_wait3A_383 = arith.constant 0 : i32
      %dma_wait3A_384 = tpu.memref_slice %arg5[%add3A_378, %dma_wait3A_383] : memref<20000x64xf32, #tpu.memory_space<hbm>> -> memref<625x64xf32, #tpu.memory_space<hbm>>
      %dma_wait3A_385 = arith.constant 0 : i32
      %dma_wait3A_386 = tpu.memref_slice %arg16[%mul3A_373, %dma_wait3A_385] : memref<10000x64xf32, #tpu.memory_space<vmem_shared>> -> memref<625x64xf32, #tpu.memory_space<vmem_shared>>
      tpu.wait_dma2 semaphore(%run_scoped3A : memref<!tpu.dma_semaphore, #tpu.memory_space<semaphore_mem>>) src(%dma_wait3A_386 : memref<625x64xf32, #tpu.memory_space<vmem_shared>>) dst(%dma_wait3A_384 : memref<625x64xf32, #tpu.memory_space<hbm>>)
      tpu.yield
    }) : () -> ()
    return
  }
}

#map = affine_map<(d0, d1) -> (0, 0)>
#map1 = affine_map<(d0, d1) -> (0, 0, 0, 0)>
#map2 = affine_map<(d0, d1) -> (0, 0, 0)>
module attributes {stable_mosaic.version = 14 : i64} {
  func.func @k(%arg0: i32, %arg1: i32, %arg2: memref<20000x128xf32, #tpu.memory_space<hbm>>, %arg3: memref<2x16x125x80xi32, #tpu.memory_space<hbm>>, %arg4: memref<16x125x80xi32, #tpu.memory_space<hbm>>, %arg5: memref<20000x128xf32, #tpu.memory_space<hbm>>, %arg6: memref<125x80xi32, #tpu.memory_space<vmem>>, %arg7: memref<125x80xi32, #tpu.memory_space<vmem>>, %arg8: memref<80x128xf32, #tpu.memory_space<vmem>>, %arg9: memref<80x128xf32, #tpu.memory_space<vmem>>, %arg10: memref<10000x128xf32, #tpu.memory_space<vmem_shared>>, %arg11: memref<!tpu.dma_semaphore, #tpu.memory_space<semaphore_mem>>, %arg12: memref<!tpu.dma_semaphore, #tpu.memory_space<semaphore_mem>>, %arg13: memref<!tpu.dma_semaphore, #tpu.memory_space<semaphore_mem>>, %arg14: memref<!tpu.dma_semaphore, #tpu.memory_space<semaphore_mem>>) attributes {dimension_semantics = [#tpu.dimension_semantics<core_parallel>, #tpu.dimension_semantics<subcore_parallel>], iteration_bounds = array<i64: 2, 16>, scalar_prefetch = 0 : i64, scratch_operands = 9 : i64, tpu.core_type = #tpu.core_type<sc_vector_subcore>, window_params = [{transform_indices = #map}, {transform_indices = #map1}, {transform_indices = #map2}, {transform_indices = #map}]} {
    "tpu.region"() ({
      %run_scoped3A_29 = tpu.sem_alloc : memref<!tpu.dma_semaphore, #tpu.memory_space<semaphore_mem>>
      %dma_start3A_30 = arith.constant 0 : i32
      %dma_start3A_31 = arith.constant 0 : i32
      %dma_start3A_32 = tpu.memref_slice %arg3[%arg0, %arg1, %dma_start3A_30, %dma_start3A_31] : memref<2x16x125x80xi32, #tpu.memory_space<hbm>> -> memref<1x1x125x80xi32, #tpu.memory_space<hbm>>
      %dma_start3A_33 = tpu.memref_squeeze %dma_start3A_32 : memref<1x1x125x80xi32, #tpu.memory_space<hbm>> -> memref<125x80xi32, #tpu.memory_space<hbm>>
      %dma_start3A_34 = arith.constant 0 : i32
      %dma_start3A_35 = arith.constant 0 : i32
      %dma_start3A_36 = tpu.memref_slice %arg3[%arg0, %arg1, %dma_start3A_34, %dma_start3A_35] : memref<2x16x125x80xi32, #tpu.memory_space<hbm>> -> memref<1x1x125x80xi32, #tpu.memory_space<hbm>>
      %dma_start3A_37 = tpu.memref_squeeze %dma_start3A_36 : memref<1x1x125x80xi32, #tpu.memory_space<hbm>> -> memref<125x80xi32, #tpu.memory_space<hbm>>
      tpu.enqueue_dma source(%dma_start3A_37 : memref<125x80xi32, #tpu.memory_space<hbm>>) target(%arg6 : memref<125x80xi32, #tpu.memory_space<vmem>>) target_semaphore(%run_scoped3A_29 : memref<!tpu.dma_semaphore, #tpu.memory_space<semaphore_mem>>)
      %dma_wait3A_38 = arith.constant 0 : i32
      %dma_wait3A_39 = arith.constant 0 : i32
      %dma_wait3A_40 = tpu.memref_slice %arg3[%arg0, %arg1, %dma_wait3A_38, %dma_wait3A_39] : memref<2x16x125x80xi32, #tpu.memory_space<hbm>> -> memref<1x1x125x80xi32, #tpu.memory_space<hbm>>
      %dma_wait3A_41 = tpu.memref_squeeze %dma_wait3A_40 : memref<1x1x125x80xi32, #tpu.memory_space<hbm>> -> memref<125x80xi32, #tpu.memory_space<hbm>>
      %dma_wait3A_42 = arith.constant 0 : i32
      %dma_wait3A_43 = arith.constant 0 : i32
      %dma_wait3A_44 = tpu.memref_slice %arg3[%arg0, %arg1, %dma_wait3A_42, %dma_wait3A_43] : memref<2x16x125x80xi32, #tpu.memory_space<hbm>> -> memref<1x1x125x80xi32, #tpu.memory_space<hbm>>
      %dma_wait3A_45 = tpu.memref_squeeze %dma_wait3A_44 : memref<1x1x125x80xi32, #tpu.memory_space<hbm>> -> memref<125x80xi32, #tpu.memory_space<hbm>>
      tpu.wait_dma2 semaphore(%run_scoped3A_29 : memref<!tpu.dma_semaphore, #tpu.memory_space<semaphore_mem>>) src(%dma_wait3A_45 : memref<125x80xi32, #tpu.memory_space<hbm>>) dst(%arg6 : memref<125x80xi32, #tpu.memory_space<vmem>>)
      tpu.yield
    }) : () -> ()
    "tpu.region"() ({
      %run_scoped3A_29 = tpu.sem_alloc : memref<!tpu.dma_semaphore, #tpu.memory_space<semaphore_mem>>
      %dma_start3A_30 = arith.constant 0 : i32
      %dma_start3A_31 = arith.constant 0 : i32
      %dma_start3A_32 = tpu.memref_slice %arg4[%arg1, %dma_start3A_30, %dma_start3A_31] : memref<16x125x80xi32, #tpu.memory_space<hbm>> -> memref<1x125x80xi32, #tpu.memory_space<hbm>>
      %dma_start3A_33 = tpu.memref_squeeze %dma_start3A_32 : memref<1x125x80xi32, #tpu.memory_space<hbm>> -> memref<125x80xi32, #tpu.memory_space<hbm>>
      %dma_start3A_34 = arith.constant 0 : i32
      %dma_start3A_35 = arith.constant 0 : i32
      %dma_start3A_36 = tpu.memref_slice %arg4[%arg1, %dma_start3A_34, %dma_start3A_35] : memref<16x125x80xi32, #tpu.memory_space<hbm>> -> memref<1x125x80xi32, #tpu.memory_space<hbm>>
      %dma_start3A_37 = tpu.memref_squeeze %dma_start3A_36 : memref<1x125x80xi32, #tpu.memory_space<hbm>> -> memref<125x80xi32, #tpu.memory_space<hbm>>
      tpu.enqueue_dma source(%dma_start3A_37 : memref<125x80xi32, #tpu.memory_space<hbm>>) target(%arg7 : memref<125x80xi32, #tpu.memory_space<vmem>>) target_semaphore(%run_scoped3A_29 : memref<!tpu.dma_semaphore, #tpu.memory_space<semaphore_mem>>)
      %dma_wait3A_38 = arith.constant 0 : i32
      %dma_wait3A_39 = arith.constant 0 : i32
      %dma_wait3A_40 = tpu.memref_slice %arg4[%arg1, %dma_wait3A_38, %dma_wait3A_39] : memref<16x125x80xi32, #tpu.memory_space<hbm>> -> memref<1x125x80xi32, #tpu.memory_space<hbm>>
      %dma_wait3A_41 = tpu.memref_squeeze %dma_wait3A_40 : memref<1x125x80xi32, #tpu.memory_space<hbm>> -> memref<125x80xi32, #tpu.memory_space<hbm>>
      %dma_wait3A_42 = arith.constant 0 : i32
      %dma_wait3A_43 = arith.constant 0 : i32
      %dma_wait3A_44 = tpu.memref_slice %arg4[%arg1, %dma_wait3A_42, %dma_wait3A_43] : memref<16x125x80xi32, #tpu.memory_space<hbm>> -> memref<1x125x80xi32, #tpu.memory_space<hbm>>
      %dma_wait3A_45 = tpu.memref_squeeze %dma_wait3A_44 : memref<1x125x80xi32, #tpu.memory_space<hbm>> -> memref<125x80xi32, #tpu.memory_space<hbm>>
      tpu.wait_dma2 semaphore(%run_scoped3A_29 : memref<!tpu.dma_semaphore, #tpu.memory_space<semaphore_mem>>) src(%dma_wait3A_45 : memref<125x80xi32, #tpu.memory_space<hbm>>) dst(%arg7 : memref<125x80xi32, #tpu.memory_space<vmem>>)
      tpu.yield
    }) : () -> ()
    %mul3A = arith.constant 10000 : i32
    %mul3A_0 = arith.muli %arg0, %mul3A : i32
    %mul3A_1 = arith.constant 625 : i32
    %mul3A_2 = arith.muli %arg1, %mul3A_1 : i32
    %add3A = arith.addi %mul3A_0, %mul3A_2 : i32
    %mul3A_3 = arith.constant 625 : i32
    %mul3A_4 = arith.muli %arg1, %mul3A_3 : i32
    "tpu.region"() ({
      %run_scoped3A_29 = tpu.sem_alloc : memref<!tpu.dma_semaphore, #tpu.memory_space<semaphore_mem>>
      %dma_start3A_30 = arith.constant 0 : i32
      %dma_start3A_31 = tpu.memref_slice %arg10[%mul3A_4, %dma_start3A_30] : memref<10000x128xf32, #tpu.memory_space<vmem_shared>> -> memref<625x128xf32, #tpu.memory_space<vmem_shared>>
      %dma_start3A_32 = arith.constant 0 : i32
      %dma_start3A_33 = tpu.memref_slice %arg2[%add3A, %dma_start3A_32] : memref<20000x128xf32, #tpu.memory_space<hbm>> -> memref<625x128xf32, #tpu.memory_space<hbm>>
      tpu.enqueue_dma source(%dma_start3A_33 : memref<625x128xf32, #tpu.memory_space<hbm>>) target(%dma_start3A_31 : memref<625x128xf32, #tpu.memory_space<vmem_shared>>) target_semaphore(%run_scoped3A_29 : memref<!tpu.dma_semaphore, #tpu.memory_space<semaphore_mem>>)
      %dma_wait3A_34 = arith.constant 0 : i32
      %dma_wait3A_35 = tpu.memref_slice %arg10[%mul3A_4, %dma_wait3A_34] : memref<10000x128xf32, #tpu.memory_space<vmem_shared>> -> memref<625x128xf32, #tpu.memory_space<vmem_shared>>
      %dma_wait3A_36 = arith.constant 0 : i32
      %dma_wait3A_37 = tpu.memref_slice %arg2[%add3A, %dma_wait3A_36] : memref<20000x128xf32, #tpu.memory_space<hbm>> -> memref<625x128xf32, #tpu.memory_space<hbm>>
      tpu.wait_dma2 semaphore(%run_scoped3A_29 : memref<!tpu.dma_semaphore, #tpu.memory_space<semaphore_mem>>) src(%dma_wait3A_37 : memref<625x128xf32, #tpu.memory_space<hbm>>) dst(%dma_wait3A_35 : memref<625x128xf32, #tpu.memory_space<vmem_shared>>)
      tpu.yield
    }) : () -> ()
    %barrier3A = arith.constant 0 : index
    tpu.barrier barrier_id(%barrier3A)
    %dma_start3A = arith.constant 0 : i32
    %dma_start3A_5 = arith.constant 0 : i32
    %dma_start3A_6 = tpu.memref_slice %arg6[%dma_start3A, %dma_start3A_5] : memref<125x80xi32, #tpu.memory_space<vmem>> -> memref<1x80xi32, #tpu.memory_space<vmem>>
    %dma_start3A_7 = tpu.memref_squeeze %dma_start3A_6 : memref<1x80xi32, #tpu.memory_space<vmem>> -> memref<80xi32, #tpu.memory_space<vmem>>
    %dma_start3A_8 = arith.constant 0 : i32
    %dma_start3A_9 = arith.constant 0 : i32
    %dma_start3A_10 = tpu.memref_slice %arg2[%dma_start3A_8, %dma_start3A_9] : memref<20000x128xf32, #tpu.memory_space<hbm>> -> memref<20000x128xf32, #tpu.memory_space<hbm>>
    tpu.enqueue_indirect_dma source(%dma_start3A_10 : memref<20000x128xf32, #tpu.memory_space<hbm>>) target(%arg8 : memref<80x128xf32, #tpu.memory_space<vmem>>) offsets(%dma_start3A_7 : memref<80xi32, #tpu.memory_space<vmem>>) semaphore(%arg11 : memref<!tpu.dma_semaphore, #tpu.memory_space<semaphore_mem>>)
    %scan3A = arith.constant 0 : i32
    %scan3A_11 = arith.constant 62 : i32
    %scan3A_12 = arith.addi %scan3A, %scan3A_11 : i32
    %scan3A_13 = arith.constant 1 : i32
    scf.for %scan3A_29 = %scan3A to %scan3A_12 step %scan3A_13  : i32 {
      %mul3A_30 = arith.constant 2 : i32
      %mul3A_31 = arith.muli %scan3A_29, %mul3A_30 : i32
      %add3A_32 = arith.constant 0 : i32
      %add3A_33 = arith.addi %add3A_32, %mul3A_31 : i32
      %add3A_34 = arith.constant 1 : i32
      %add3A_35 = arith.addi %add3A_33, %add3A_34 : i32
      %dma_start3A_36 = arith.constant 0 : i32
      %dma_start3A_37 = tpu.memref_slice %arg6[%add3A_35, %dma_start3A_36] : memref<125x80xi32, #tpu.memory_space<vmem>> -> memref<1x80xi32, #tpu.memory_space<vmem>>
      %dma_start3A_38 = tpu.memref_squeeze %dma_start3A_37 : memref<1x80xi32, #tpu.memory_space<vmem>> -> memref<80xi32, #tpu.memory_space<vmem>>
      %dma_start3A_39 = arith.constant 0 : i32
      %dma_start3A_40 = arith.constant 0 : i32
      %dma_start3A_41 = tpu.memref_slice %arg2[%dma_start3A_39, %dma_start3A_40] : memref<20000x128xf32, #tpu.memory_space<hbm>> -> memref<20000x128xf32, #tpu.memory_space<hbm>>
      tpu.enqueue_indirect_dma source(%dma_start3A_41 : memref<20000x128xf32, #tpu.memory_space<hbm>>) target(%arg9 : memref<80x128xf32, #tpu.memory_space<vmem>>) offsets(%dma_start3A_38 : memref<80xi32, #tpu.memory_space<vmem>>) semaphore(%arg12 : memref<!tpu.dma_semaphore, #tpu.memory_space<semaphore_mem>>)
      %dma_wait3A_42 = arith.constant 0 : i32
      %dma_wait3A_43 = tpu.memref_slice %arg6[%add3A_33, %dma_wait3A_42] : memref<125x80xi32, #tpu.memory_space<vmem>> -> memref<1x80xi32, #tpu.memory_space<vmem>>
      %dma_wait3A_44 = tpu.memref_squeeze %dma_wait3A_43 : memref<1x80xi32, #tpu.memory_space<vmem>> -> memref<80xi32, #tpu.memory_space<vmem>>
      %dma_wait3A_45 = arith.constant 0 : i32
      %dma_wait3A_46 = arith.constant 0 : i32
      %dma_wait3A_47 = tpu.memref_slice %arg2[%dma_wait3A_45, %dma_wait3A_46] : memref<20000x128xf32, #tpu.memory_space<hbm>> -> memref<20000x128xf32, #tpu.memory_space<hbm>>
      tpu.wait_indirect_dma semaphore(%arg11 : memref<!tpu.dma_semaphore, #tpu.memory_space<semaphore_mem>>) src(%dma_wait3A_47 : memref<20000x128xf32, #tpu.memory_space<hbm>>) dst(%arg8 : memref<80x128xf32, #tpu.memory_space<vmem>>)
      "tpu.region"() ({
        %run_scoped3A_66 = tpu.sem_alloc : memref<!tpu.dma_semaphore, #tpu.memory_space<semaphore_mem>>
        %dma_start3A_67 = arith.constant 0 : i32
        %dma_start3A_68 = tpu.memref_slice %arg7[%add3A_33, %dma_start3A_67] : memref<125x80xi32, #tpu.memory_space<vmem>> -> memref<1x80xi32, #tpu.memory_space<vmem>>
        %dma_start3A_69 = tpu.memref_squeeze %dma_start3A_68 : memref<1x80xi32, #tpu.memory_space<vmem>> -> memref<80xi32, #tpu.memory_space<vmem>>
        %dma_start3A_70 = arith.constant 0 : i32
        %dma_start3A_71 = arith.constant 0 : i32
        %dma_start3A_72 = tpu.memref_slice %arg10[%dma_start3A_70, %dma_start3A_71] : memref<10000x128xf32, #tpu.memory_space<vmem_shared>> -> memref<10000x128xf32, #tpu.memory_space<vmem_shared>>
        tpu.enqueue_indirect_dma source(%arg8 : memref<80x128xf32, #tpu.memory_space<vmem>>) target(%dma_start3A_72 : memref<10000x128xf32, #tpu.memory_space<vmem_shared>>) offsets(%dma_start3A_69 : memref<80xi32, #tpu.memory_space<vmem>>) semaphore(%run_scoped3A_66 : memref<!tpu.dma_semaphore, #tpu.memory_space<semaphore_mem>>) {add = true}
        %dma_wait3A_73 = arith.constant 0 : i32
        %dma_wait3A_74 = tpu.memref_slice %arg7[%add3A_33, %dma_wait3A_73] : memref<125x80xi32, #tpu.memory_space<vmem>> -> memref<1x80xi32, #tpu.memory_space<vmem>>
        %dma_wait3A_75 = tpu.memref_squeeze %dma_wait3A_74 : memref<1x80xi32, #tpu.memory_space<vmem>> -> memref<80xi32, #tpu.memory_space<vmem>>
        %dma_wait3A_76 = arith.constant 0 : i32
        %dma_wait3A_77 = arith.constant 0 : i32
        %dma_wait3A_78 = tpu.memref_slice %arg10[%dma_wait3A_76, %dma_wait3A_77] : memref<10000x128xf32, #tpu.memory_space<vmem_shared>> -> memref<10000x128xf32, #tpu.memory_space<vmem_shared>>
        tpu.wait_indirect_dma semaphore(%run_scoped3A_66 : memref<!tpu.dma_semaphore, #tpu.memory_space<semaphore_mem>>) src(%arg8 : memref<80x128xf32, #tpu.memory_space<vmem>>) dst(%dma_wait3A_78 : memref<10000x128xf32, #tpu.memory_space<vmem_shared>>)
        tpu.yield
      }) : () -> ()
      %add3A_48 = arith.constant 2 : i32
      %add3A_49 = arith.addi %add3A_33, %add3A_48 : i32
      %dma_start3A_50 = arith.constant 0 : i32
      %dma_start3A_51 = tpu.memref_slice %arg6[%add3A_49, %dma_start3A_50] : memref<125x80xi32, #tpu.memory_space<vmem>> -> memref<1x80xi32, #tpu.memory_space<vmem>>
      %dma_start3A_52 = tpu.memref_squeeze %dma_start3A_51 : memref<1x80xi32, #tpu.memory_space<vmem>> -> memref<80xi32, #tpu.memory_space<vmem>>
      %dma_start3A_53 = arith.constant 0 : i32
      %dma_start3A_54 = arith.constant 0 : i32
      %dma_start3A_55 = tpu.memref_slice %arg2[%dma_start3A_53, %dma_start3A_54] : memref<20000x128xf32, #tpu.memory_space<hbm>> -> memref<20000x128xf32, #tpu.memory_space<hbm>>
      tpu.enqueue_indirect_dma source(%dma_start3A_55 : memref<20000x128xf32, #tpu.memory_space<hbm>>) target(%arg8 : memref<80x128xf32, #tpu.memory_space<vmem>>) offsets(%dma_start3A_52 : memref<80xi32, #tpu.memory_space<vmem>>) semaphore(%arg11 : memref<!tpu.dma_semaphore, #tpu.memory_space<semaphore_mem>>)
      %add3A_56 = arith.constant 1 : i32
      %add3A_57 = arith.addi %add3A_33, %add3A_56 : i32
      %dma_wait3A_58 = arith.constant 0 : i32
      %dma_wait3A_59 = tpu.memref_slice %arg6[%add3A_57, %dma_wait3A_58] : memref<125x80xi32, #tpu.memory_space<vmem>> -> memref<1x80xi32, #tpu.memory_space<vmem>>
      %dma_wait3A_60 = tpu.memref_squeeze %dma_wait3A_59 : memref<1x80xi32, #tpu.memory_space<vmem>> -> memref<80xi32, #tpu.memory_space<vmem>>
      %dma_wait3A_61 = arith.constant 0 : i32
      %dma_wait3A_62 = arith.constant 0 : i32
      %dma_wait3A_63 = tpu.memref_slice %arg2[%dma_wait3A_61, %dma_wait3A_62] : memref<20000x128xf32, #tpu.memory_space<hbm>> -> memref<20000x128xf32, #tpu.memory_space<hbm>>
      tpu.wait_indirect_dma semaphore(%arg12 : memref<!tpu.dma_semaphore, #tpu.memory_space<semaphore_mem>>) src(%dma_wait3A_63 : memref<20000x128xf32, #tpu.memory_space<hbm>>) dst(%arg9 : memref<80x128xf32, #tpu.memory_space<vmem>>)
      %add3A_64 = arith.constant 1 : i32
      %add3A_65 = arith.addi %add3A_33, %add3A_64 : i32
      "tpu.region"() ({
        %run_scoped3A_66 = tpu.sem_alloc : memref<!tpu.dma_semaphore, #tpu.memory_space<semaphore_mem>>
        %dma_start3A_67 = arith.constant 0 : i32
        %dma_start3A_68 = tpu.memref_slice %arg7[%add3A_65, %dma_start3A_67] : memref<125x80xi32, #tpu.memory_space<vmem>> -> memref<1x80xi32, #tpu.memory_space<vmem>>
        %dma_start3A_69 = tpu.memref_squeeze %dma_start3A_68 : memref<1x80xi32, #tpu.memory_space<vmem>> -> memref<80xi32, #tpu.memory_space<vmem>>
        %dma_start3A_70 = arith.constant 0 : i32
        %dma_start3A_71 = arith.constant 0 : i32
        %dma_start3A_72 = tpu.memref_slice %arg10[%dma_start3A_70, %dma_start3A_71] : memref<10000x128xf32, #tpu.memory_space<vmem_shared>> -> memref<10000x128xf32, #tpu.memory_space<vmem_shared>>
        tpu.enqueue_indirect_dma source(%arg9 : memref<80x128xf32, #tpu.memory_space<vmem>>) target(%dma_start3A_72 : memref<10000x128xf32, #tpu.memory_space<vmem_shared>>) offsets(%dma_start3A_69 : memref<80xi32, #tpu.memory_space<vmem>>) semaphore(%run_scoped3A_66 : memref<!tpu.dma_semaphore, #tpu.memory_space<semaphore_mem>>) {add = true}
        %dma_wait3A_73 = arith.constant 0 : i32
        %dma_wait3A_74 = tpu.memref_slice %arg7[%add3A_65, %dma_wait3A_73] : memref<125x80xi32, #tpu.memory_space<vmem>> -> memref<1x80xi32, #tpu.memory_space<vmem>>
        %dma_wait3A_75 = tpu.memref_squeeze %dma_wait3A_74 : memref<1x80xi32, #tpu.memory_space<vmem>> -> memref<80xi32, #tpu.memory_space<vmem>>
        %dma_wait3A_76 = arith.constant 0 : i32
        %dma_wait3A_77 = arith.constant 0 : i32
        %dma_wait3A_78 = tpu.memref_slice %arg10[%dma_wait3A_76, %dma_wait3A_77] : memref<10000x128xf32, #tpu.memory_space<vmem_shared>> -> memref<10000x128xf32, #tpu.memory_space<vmem_shared>>
        tpu.wait_indirect_dma semaphore(%run_scoped3A_66 : memref<!tpu.dma_semaphore, #tpu.memory_space<semaphore_mem>>) src(%arg9 : memref<80x128xf32, #tpu.memory_space<vmem>>) dst(%dma_wait3A_78 : memref<10000x128xf32, #tpu.memory_space<vmem_shared>>)
        tpu.yield
      }) : () -> ()
    }
    %scan3A_14 = arith.constant 62 : i32
    %dma_wait3A = arith.constant 124 : i32
    %dma_wait3A_15 = arith.constant 0 : i32
    %dma_wait3A_16 = tpu.memref_slice %arg6[%dma_wait3A, %dma_wait3A_15] : memref<125x80xi32, #tpu.memory_space<vmem>> -> memref<1x80xi32, #tpu.memory_space<vmem>>
    %dma_wait3A_17 = tpu.memref_squeeze %dma_wait3A_16 : memref<1x80xi32, #tpu.memory_space<vmem>> -> memref<80xi32, #tpu.memory_space<vmem>>
    %dma_wait3A_18 = arith.constant 0 : i32
    %dma_wait3A_19 = arith.constant 0 : i32
    %dma_wait3A_20 = tpu.memref_slice %arg2[%dma_wait3A_18, %dma_wait3A_19] : memref<20000x128xf32, #tpu.memory_space<hbm>> -> memref<20000x128xf32, #tpu.memory_space<hbm>>
    tpu.wait_indirect_dma semaphore(%arg11 : memref<!tpu.dma_semaphore, #tpu.memory_space<semaphore_mem>>) src(%dma_wait3A_20 : memref<20000x128xf32, #tpu.memory_space<hbm>>) dst(%arg8 : memref<80x128xf32, #tpu.memory_space<vmem>>)
    %run_scoped3A = arith.constant 124 : i32
    "tpu.region"() ({
      %run_scoped3A_29 = tpu.sem_alloc : memref<!tpu.dma_semaphore, #tpu.memory_space<semaphore_mem>>
      %dma_start3A_30 = arith.constant 0 : i32
      %dma_start3A_31 = tpu.memref_slice %arg7[%run_scoped3A, %dma_start3A_30] : memref<125x80xi32, #tpu.memory_space<vmem>> -> memref<1x80xi32, #tpu.memory_space<vmem>>
      %dma_start3A_32 = tpu.memref_squeeze %dma_start3A_31 : memref<1x80xi32, #tpu.memory_space<vmem>> -> memref<80xi32, #tpu.memory_space<vmem>>
      %dma_start3A_33 = arith.constant 0 : i32
      %dma_start3A_34 = arith.constant 0 : i32
      %dma_start3A_35 = tpu.memref_slice %arg10[%dma_start3A_33, %dma_start3A_34] : memref<10000x128xf32, #tpu.memory_space<vmem_shared>> -> memref<10000x128xf32, #tpu.memory_space<vmem_shared>>
      tpu.enqueue_indirect_dma source(%arg8 : memref<80x128xf32, #tpu.memory_space<vmem>>) target(%dma_start3A_35 : memref<10000x128xf32, #tpu.memory_space<vmem_shared>>) offsets(%dma_start3A_32 : memref<80xi32, #tpu.memory_space<vmem>>) semaphore(%run_scoped3A_29 : memref<!tpu.dma_semaphore, #tpu.memory_space<semaphore_mem>>) {add = true}
      %dma_wait3A_36 = arith.constant 0 : i32
      %dma_wait3A_37 = tpu.memref_slice %arg7[%run_scoped3A, %dma_wait3A_36] : memref<125x80xi32, #tpu.memory_space<vmem>> -> memref<1x80xi32, #tpu.memory_space<vmem>>
      %dma_wait3A_38 = tpu.memref_squeeze %dma_wait3A_37 : memref<1x80xi32, #tpu.memory_space<vmem>> -> memref<80xi32, #tpu.memory_space<vmem>>
      %dma_wait3A_39 = arith.constant 0 : i32
      %dma_wait3A_40 = arith.constant 0 : i32
      %dma_wait3A_41 = tpu.memref_slice %arg10[%dma_wait3A_39, %dma_wait3A_40] : memref<10000x128xf32, #tpu.memory_space<vmem_shared>> -> memref<10000x128xf32, #tpu.memory_space<vmem_shared>>
      tpu.wait_indirect_dma semaphore(%run_scoped3A_29 : memref<!tpu.dma_semaphore, #tpu.memory_space<semaphore_mem>>) src(%arg8 : memref<80x128xf32, #tpu.memory_space<vmem>>) dst(%dma_wait3A_41 : memref<10000x128xf32, #tpu.memory_space<vmem_shared>>)
      tpu.yield
    }) : () -> ()
    %barrier3A_21 = arith.constant 0 : index
    tpu.barrier barrier_id(%barrier3A_21)
    %mul3A_22 = arith.constant 625 : i32
    %mul3A_23 = arith.muli %arg1, %mul3A_22 : i32
    %mul3A_24 = arith.constant 10000 : i32
    %mul3A_25 = arith.muli %arg0, %mul3A_24 : i32
    %mul3A_26 = arith.constant 625 : i32
    %mul3A_27 = arith.muli %arg1, %mul3A_26 : i32
    %add3A_28 = arith.addi %mul3A_25, %mul3A_27 : i32
    "tpu.region"() ({
      %run_scoped3A_29 = tpu.sem_alloc : memref<!tpu.dma_semaphore, #tpu.memory_space<semaphore_mem>>
      %dma_start3A_30 = arith.constant 0 : i32
      %dma_start3A_31 = tpu.memref_slice %arg5[%add3A_28, %dma_start3A_30] : memref<20000x128xf32, #tpu.memory_space<hbm>> -> memref<625x128xf32, #tpu.memory_space<hbm>>
      %dma_start3A_32 = arith.constant 0 : i32
      %dma_start3A_33 = tpu.memref_slice %arg10[%mul3A_23, %dma_start3A_32] : memref<10000x128xf32, #tpu.memory_space<vmem_shared>> -> memref<625x128xf32, #tpu.memory_space<vmem_shared>>
      tpu.enqueue_dma source(%dma_start3A_33 : memref<625x128xf32, #tpu.memory_space<vmem_shared>>) target(%dma_start3A_31 : memref<625x128xf32, #tpu.memory_space<hbm>>) target_semaphore(%run_scoped3A_29 : memref<!tpu.dma_semaphore, #tpu.memory_space<semaphore_mem>>)
      %dma_wait3A_34 = arith.constant 0 : i32
      %dma_wait3A_35 = tpu.memref_slice %arg5[%add3A_28, %dma_wait3A_34] : memref<20000x128xf32, #tpu.memory_space<hbm>> -> memref<625x128xf32, #tpu.memory_space<hbm>>
      %dma_wait3A_36 = arith.constant 0 : i32
      %dma_wait3A_37 = tpu.memref_slice %arg10[%mul3A_23, %dma_wait3A_36] : memref<10000x128xf32, #tpu.memory_space<vmem_shared>> -> memref<625x128xf32, #tpu.memory_space<vmem_shared>>
      tpu.wait_dma2 semaphore(%run_scoped3A_29 : memref<!tpu.dma_semaphore, #tpu.memory_space<semaphore_mem>>) src(%dma_wait3A_37 : memref<625x128xf32, #tpu.memory_space<vmem_shared>>) dst(%dma_wait3A_35 : memref<625x128xf32, #tpu.memory_space<hbm>>)
      tpu.yield
    }) : () -> ()
    return
  }
}

module attributes {stable_mosaic.version = 14 : i64} {
  func.func @body(%arg0: i32, %arg1: memref<2000x512xf32, #tpu.memory_space<vmem>>, %arg2: memref<512x256xf32, #tpu.memory_space<vmem>>, %arg3: memref<1x1x2000xf32, #tpu.memory_space<vmem>>, %arg4: memref<1x1x2000xf32, #tpu.memory_space<vmem>>, %arg5: memref<2x2000x128xf32, #tpu.memory_space<vmem>>, %arg6: memref<1x1x2000xf32, #tpu.memory_space<vmem>>) attributes {dimension_semantics = [#tpu.dimension_semantics<arbitrary>], iteration_bounds = array<i64: 5>, scalar_prefetch = 0 : i64, scratch_operands = 0 : i64, tpu.core_type = #tpu.core_type<tc>, window_params = [{transform_indices = @transform_0, window_bounds = array<i64: 2000, 512>}, {pipeline_mode = #tpu.pipeline_mode<synchronous>, transform_indices = @transform_1, window_bounds = array<i64: 512, 256>}, {transform_indices = @transform_2, window_bounds = array<i64: 1, 1, 2000>}, {transform_indices = @transform_3, window_bounds = array<i64: 1, 1, 2000>}, {transform_indices = @transform_4, window_bounds = array<i64: 2, 2000, 128>}, {transform_indices = @transform_5, window_bounds = array<i64: 1, 1, 2000>}]} {
    %get3A = arith.constant 0 : index
    %get3A_0 = arith.constant 0 : index
    %get3A_1 = arith.constant 0 : index
    %get3A_2 = vector.load %arg3[%get3A, %get3A_0, %get3A_1] : memref<1x1x2000xf32, #tpu.memory_space<vmem>>, vector<1x1x2000xf32>
    %get3A_3 = vector.shape_cast %get3A_2 : vector<1x1x2000xf32> to vector<2000xf32>
    %get3A_4 = arith.constant 0 : index
    %get3A_5 = arith.constant 0 : index
    %get3A_6 = arith.constant 0 : index
    %get3A_7 = vector.load %arg4[%get3A_4, %get3A_5, %get3A_6] : memref<1x1x2000xf32, #tpu.memory_space<vmem>>, vector<1x1x2000xf32>
    %get3A_8 = vector.shape_cast %get3A_7 : vector<1x1x2000xf32> to vector<2000xf32>
    %add3A = arith.addf %get3A_3, %get3A_8 : vector<2000xf32>
    %rsqrt3A = math.rsqrt %add3A : vector<2000xf32>
    %swap3A = arith.constant 0 : index
    %swap3A_9 = arith.constant 0 : index
    %swap3A_10 = arith.constant 0 : index
    %swap3A_11 = vector.load %arg6[%swap3A, %swap3A_9, %swap3A_10] : memref<1x1x2000xf32, #tpu.memory_space<vmem>>, vector<1x1x2000xf32>
    %swap3A_12 = vector.shape_cast %swap3A_11 : vector<1x1x2000xf32> to vector<2000xf32>
    %swap3A_13 = vector.shape_cast %rsqrt3A : vector<2000xf32> to vector<1x1x2000xf32>
    tpu.vector_store %arg6[%swap3A, %swap3A_9, %swap3A_10], %swap3A_13 {strides = array<i32>} : memref<1x1x2000xf32, #tpu.memory_space<vmem>>, vector<1x1x2000xf32>,
    %get3A_14 = arith.constant 0 : index
    %get3A_15 = arith.constant 0 : index
    %get3A_16 = vector.load %arg1[%get3A_14, %get3A_15] : memref<2000x512xf32, #tpu.memory_space<vmem>>, vector<2000x512xf32>
    %get3A_17 = arith.constant 0 : index
    %get3A_18 = arith.constant 0 : index
    %get3A_19 = vector.load %arg2[%get3A_17, %get3A_18] : memref<512x256xf32, #tpu.memory_space<vmem>>, vector<512x256xf32>
    %dot_general3A = arith.constant dense<0.000000e+00> : vector<2000x256xf32>
    %dot_general3A_20 = tpu.matmul %get3A_16, %get3A_19, %dot_general3A {dimension_numbers = #tpu.dot_dimension_numbers<[1], [0], [0], [1], [0, 0, 1, 1], [], []>, transpose_lhs_hint = false} : vector<2000x512xf32>, vector<512x256xf32>, vector<2000x256xf32> -> vector<2000x256xf32>
    %broadcast_in_dim3A = vector.shape_cast %rsqrt3A : vector<2000xf32> to vector<2000x1xf32>
    %mul3A = vector.broadcast %broadcast_in_dim3A : vector<2000x1xf32> to vector<2000x256xf32>
    %mul3A_21 = arith.mulf %dot_general3A_20, %mul3A : vector<2000x256xf32>
    %slice3A = vector.extract_strided_slice %mul3A_21 {offsets = [0, 0], sizes = [2000, 128], strides = [1, 1]} : vector<2000x256xf32> to vector<2000x128xf32>
    %swap3A_22 = arith.constant 0 : index
    %swap3A_23 = arith.constant 0 : index
    %swap3A_24 = arith.constant 0 : index
    %swap3A_25 = vector.load %arg5[%swap3A_22, %swap3A_23, %swap3A_24] : memref<2x2000x128xf32, #tpu.memory_space<vmem>>, vector<1x2000x128xf32>
    %swap3A_26 = vector.shape_cast %swap3A_25 : vector<1x2000x128xf32> to vector<2000x128xf32>
    %swap3A_27 = vector.shape_cast %slice3A : vector<2000x128xf32> to vector<1x2000x128xf32>
    tpu.vector_store %arg5[%swap3A_22, %swap3A_23, %swap3A_24], %swap3A_27 {strides = array<i32>} : memref<2x2000x128xf32, #tpu.memory_space<vmem>>, vector<1x2000x128xf32>,
    %slice3A_28 = vector.extract_strided_slice %mul3A_21 {offsets = [0, 128], sizes = [2000, 128], strides = [1, 1]} : vector<2000x256xf32> to vector<2000x128xf32>
    %swap3A_29 = arith.constant 1 : index
    %swap3A_30 = arith.constant 0 : index
    %swap3A_31 = arith.constant 0 : index
    %swap3A_32 = vector.load %arg5[%swap3A_29, %swap3A_30, %swap3A_31] : memref<2x2000x128xf32, #tpu.memory_space<vmem>>, vector<1x2000x128xf32>
    %swap3A_33 = vector.shape_cast %swap3A_32 : vector<1x2000x128xf32> to vector<2000x128xf32>
    %swap3A_34 = vector.shape_cast %slice3A_28 : vector<2000x128xf32> to vector<1x2000x128xf32>
    tpu.vector_store %arg5[%swap3A_29, %swap3A_30, %swap3A_31], %swap3A_34 {strides = array<i32>} : memref<2x2000x128xf32, #tpu.memory_space<vmem>>, vector<1x2000x128xf32>,
    return
  }
  func.func @transform_0(%arg0: i32) -> (i32, i32) {
    %c0_i32 = arith.constant 0 : i32
    %c0_i32_0 = arith.constant 0 : i32
    return %arg0, %c0_i32 : i32, i32
  }
  func.func @transform_1(%arg0: i32) -> (i32, i32) {
    %c0_i32 = arith.constant 0 : i32
    %c0_i32_0 = arith.constant 0 : i32
    %c0_i32_1 = arith.constant 0 : i32
    return %c0_i32, %c0_i32_0 : i32, i32
  }
  func.func @transform_2(%arg0: i32) -> (i32, i32, i32) {
    %c0_i32 = arith.constant 0 : i32
    %c0_i32_0 = arith.constant 0 : i32
    %c0_i32_1 = arith.constant 0 : i32
    return %arg0, %c0_i32, %c0_i32_0 : i32, i32, i32
  }
  func.func @transform_3(%arg0: i32) -> (i32, i32, i32) {
    %c0_i32 = arith.constant 0 : i32
    %c0_i32_0 = arith.constant 0 : i32
    %c0_i32_1 = arith.constant 0 : i32
    return %arg0, %c0_i32, %c0_i32_0 : i32, i32, i32
  }
  func.func @transform_4(%arg0: i32) -> (i32, i32, i32) {
    %c0_i32 = arith.constant 0 : i32
    %c0_i32_0 = arith.constant 0 : i32
    %c0_i32_1 = arith.constant 0 : i32
    return %c0_i32, %arg0, %c0_i32_0 : i32, i32, i32
  }
  func.func @transform_5(%arg0: i32) -> (i32, i32, i32) {
    %c0_i32 = arith.constant 0 : i32
    %c0_i32_0 = arith.constant 0 : i32
    %c0_i32_1 = arith.constant 0 : i32
    return %arg0, %c0_i32, %c0_i32_0 : i32, i32, i32
  }
}

module attributes {stable_mosaic.version = 14 : i64} {
  func.func @body(%arg0: i32, %arg1: memref<2x2000x128xf32, #tpu.memory_space<vmem>>, %arg2: memref<1x1x2000xf32, #tpu.memory_space<vmem>>, %arg3: memref<256xf32, #tpu.memory_space<vmem>>, %arg4: memref<256x128xf32, #tpu.memory_space<vmem>>, %arg5: memref<2x2000x64xf32, #tpu.memory_space<vmem>>) attributes {dimension_semantics = [#tpu.dimension_semantics<arbitrary>], iteration_bounds = array<i64: 5>, scalar_prefetch = 0 : i64, scratch_operands = 0 : i64, tpu.core_type = #tpu.core_type<tc>, window_params = [{transform_indices = @transform_0, window_bounds = array<i64: 2, 2000, 128>}, {transform_indices = @transform_1, window_bounds = array<i64: 1, 1, 2000>}, {pipeline_mode = #tpu.pipeline_mode<synchronous>, transform_indices = @transform_2, window_bounds = array<i64: 256>}, {pipeline_mode = #tpu.pipeline_mode<synchronous>, transform_indices = @transform_3, window_bounds = array<i64: 256, 128>}, {transform_indices = @transform_4, window_bounds = array<i64: 2, 2000, 64>}]} {
    %get3A = arith.constant 0 : index
    %get3A_0 = arith.constant 0 : index
    %get3A_1 = arith.constant 0 : index
    %get3A_2 = vector.load %arg1[%get3A, %get3A_0, %get3A_1] : memref<2x2000x128xf32, #tpu.memory_space<vmem>>, vector<1x2000x128xf32>
    %get3A_3 = vector.shape_cast %get3A_2 : vector<1x2000x128xf32> to vector<2000x128xf32>
    %get3A_4 = arith.constant 1 : index
    %get3A_5 = arith.constant 0 : index
    %get3A_6 = arith.constant 0 : index
    %get3A_7 = vector.load %arg1[%get3A_4, %get3A_5, %get3A_6] : memref<2x2000x128xf32, #tpu.memory_space<vmem>>, vector<1x2000x128xf32>
    %get3A_8 = vector.shape_cast %get3A_7 : vector<1x2000x128xf32> to vector<2000x128xf32>
    %concatenate3A = tpu.concatenate %get3A_3, %get3A_8 in 1 : vector<2000x128xf32>, vector<2000x128xf32> -> vector<2000x256xf32>
    %get3A_9 = arith.constant 0 : index
    %get3A_10 = arith.constant 0 : index
    %get3A_11 = arith.constant 0 : index
    %get3A_12 = vector.load %arg2[%get3A_9, %get3A_10, %get3A_11] : memref<1x1x2000xf32, #tpu.memory_space<vmem>>, vector<1x1x2000xf32>
    %get3A_13 = vector.shape_cast %get3A_12 : vector<1x1x2000xf32> to vector<2000xf32>
    %broadcast_in_dim3A = vector.shape_cast %get3A_13 : vector<2000xf32> to vector<2000x1xf32>
    %mul3A = vector.broadcast %broadcast_in_dim3A : vector<2000x1xf32> to vector<2000x256xf32>
    %mul3A_14 = arith.mulf %concatenate3A, %mul3A : vector<2000x256xf32>
    %get3A_15 = arith.constant 0 : index
    %get3A_16 = vector.load %arg3[%get3A_15] : memref<256xf32, #tpu.memory_space<vmem>>, vector<256xf32>
    %broadcast_in_dim3A_17 = vector.shape_cast %get3A_16 : vector<256xf32> to vector<1x256xf32>
    %add3A = vector.broadcast %broadcast_in_dim3A_17 : vector<1x256xf32> to vector<2000x256xf32>
    %add3A_18 = arith.addf %mul3A_14, %add3A : vector<2000x256xf32>
    %max3A = arith.constant 0.000000e+00 : f32
    %max3A_19 = vector.broadcast %max3A : f32 to vector<2000x256xf32>
    %max3A_20 = arith.maximumf %add3A_18, %max3A_19 : vector<2000x256xf32>
    %get3A_21 = arith.constant 0 : index
    %get3A_22 = arith.constant 0 : index
    %get3A_23 = vector.load %arg4[%get3A_21, %get3A_22] : memref<256x128xf32, #tpu.memory_space<vmem>>, vector<256x128xf32>
    %dot_general3A = arith.constant dense<0.000000e+00> : vector<2000x128xf32>
    %dot_general3A_24 = tpu.matmul %max3A_20, %get3A_23, %dot_general3A {dimension_numbers = #tpu.dot_dimension_numbers<[1], [0], [0], [1], [0, 0, 1, 1], [], []>, transpose_lhs_hint = false} : vector<2000x256xf32>, vector<256x128xf32>, vector<2000x128xf32> -> vector<2000x128xf32>
    %broadcast_in_dim3A_25 = vector.shape_cast %get3A_13 : vector<2000xf32> to vector<2000x1xf32>
    %mul3A_26 = vector.broadcast %broadcast_in_dim3A_25 : vector<2000x1xf32> to vector<2000x128xf32>
    %mul3A_27 = arith.mulf %dot_general3A_24, %mul3A_26 : vector<2000x128xf32>
    %slice3A = vector.extract_strided_slice %mul3A_27 {offsets = [0, 0], sizes = [2000, 64], strides = [1, 1]} : vector<2000x128xf32> to vector<2000x64xf32>
    %swap3A = arith.constant 0 : index
    %swap3A_28 = arith.constant 0 : index
    %swap3A_29 = arith.constant 0 : index
    %swap3A_30 = vector.load %arg5[%swap3A, %swap3A_28, %swap3A_29] : memref<2x2000x64xf32, #tpu.memory_space<vmem>>, vector<1x2000x64xf32>
    %swap3A_31 = vector.shape_cast %swap3A_30 : vector<1x2000x64xf32> to vector<2000x64xf32>
    %swap3A_32 = vector.shape_cast %slice3A : vector<2000x64xf32> to vector<1x2000x64xf32>
    tpu.vector_store %arg5[%swap3A, %swap3A_28, %swap3A_29], %swap3A_32 {strides = array<i32>} : memref<2x2000x64xf32, #tpu.memory_space<vmem>>, vector<1x2000x64xf32>,
    %slice3A_33 = vector.extract_strided_slice %mul3A_27 {offsets = [0, 64], sizes = [2000, 64], strides = [1, 1]} : vector<2000x128xf32> to vector<2000x64xf32>
    %swap3A_34 = arith.constant 1 : index
    %swap3A_35 = arith.constant 0 : index
    %swap3A_36 = arith.constant 0 : index
    %swap3A_37 = vector.load %arg5[%swap3A_34, %swap3A_35, %swap3A_36] : memref<2x2000x64xf32, #tpu.memory_space<vmem>>, vector<1x2000x64xf32>
    %swap3A_38 = vector.shape_cast %swap3A_37 : vector<1x2000x64xf32> to vector<2000x64xf32>
    %swap3A_39 = vector.shape_cast %slice3A_33 : vector<2000x64xf32> to vector<1x2000x64xf32>
    tpu.vector_store %arg5[%swap3A_34, %swap3A_35, %swap3A_36], %swap3A_39 {strides = array<i32>} : memref<2x2000x64xf32, #tpu.memory_space<vmem>>, vector<1x2000x64xf32>,
    return
  }
  func.func @transform_0(%arg0: i32) -> (i32, i32, i32) {
    %c0_i32 = arith.constant 0 : i32
    %c0_i32_0 = arith.constant 0 : i32
    %c0_i32_1 = arith.constant 0 : i32
    return %c0_i32, %arg0, %c0_i32_0 : i32, i32, i32
  }
  func.func @transform_1(%arg0: i32) -> (i32, i32, i32) {
    %c0_i32 = arith.constant 0 : i32
    %c0_i32_0 = arith.constant 0 : i32
    %c0_i32_1 = arith.constant 0 : i32
    return %arg0, %c0_i32, %c0_i32_0 : i32, i32, i32
  }
  func.func @transform_2(%arg0: i32) -> i32 {
    %c0_i32 = arith.constant 0 : i32
    %c0_i32_0 = arith.constant 0 : i32
    return %c0_i32 : i32
  }
  func.func @transform_3(%arg0: i32) -> (i32, i32) {
    %c0_i32 = arith.constant 0 : i32
    %c0_i32_0 = arith.constant 0 : i32
    %c0_i32_1 = arith.constant 0 : i32
    return %c0_i32, %c0_i32_0 : i32, i32
  }
  func.func @transform_4(%arg0: i32) -> (i32, i32, i32) {
    %c0_i32 = arith.constant 0 : i32
    %c0_i32_0 = arith.constant 0 : i32
    %c0_i32_1 = arith.constant 0 : i32
    return %c0_i32, %arg0, %c0_i32_0 : i32, i32, i32
  }
}

module attributes {stable_mosaic.version = 14 : i64} {
  func.func @body(%arg0: i32, %arg1: memref<2x2000x64xf32, #tpu.memory_space<vmem>>, %arg2: memref<1x1x2000xf32, #tpu.memory_space<vmem>>, %arg3: memref<128xf32, #tpu.memory_space<vmem>>, %arg4: memref<128x64xf32, #tpu.memory_space<vmem>>, %arg5: memref<2x2000x32xf32, #tpu.memory_space<vmem>>) attributes {dimension_semantics = [#tpu.dimension_semantics<arbitrary>], iteration_bounds = array<i64: 5>, scalar_prefetch = 0 : i64, scratch_operands = 0 : i64, tpu.core_type = #tpu.core_type<tc>, window_params = [{transform_indices = @transform_0, window_bounds = array<i64: 2, 2000, 64>}, {transform_indices = @transform_1, window_bounds = array<i64: 1, 1, 2000>}, {pipeline_mode = #tpu.pipeline_mode<synchronous>, transform_indices = @transform_2, window_bounds = array<i64: 128>}, {pipeline_mode = #tpu.pipeline_mode<synchronous>, transform_indices = @transform_3, window_bounds = array<i64: 128, 64>}, {transform_indices = @transform_4, window_bounds = array<i64: 2, 2000, 32>}]} {
    %get3A = arith.constant 0 : index
    %get3A_0 = arith.constant 0 : index
    %get3A_1 = arith.constant 0 : index
    %get3A_2 = vector.load %arg1[%get3A, %get3A_0, %get3A_1] : memref<2x2000x64xf32, #tpu.memory_space<vmem>>, vector<1x2000x64xf32>
    %get3A_3 = vector.shape_cast %get3A_2 : vector<1x2000x64xf32> to vector<2000x64xf32>
    %get3A_4 = arith.constant 1 : index
    %get3A_5 = arith.constant 0 : index
    %get3A_6 = arith.constant 0 : index
    %get3A_7 = vector.load %arg1[%get3A_4, %get3A_5, %get3A_6] : memref<2x2000x64xf32, #tpu.memory_space<vmem>>, vector<1x2000x64xf32>
    %get3A_8 = vector.shape_cast %get3A_7 : vector<1x2000x64xf32> to vector<2000x64xf32>
    %concatenate3A = tpu.concatenate %get3A_3, %get3A_8 in 1 : vector<2000x64xf32>, vector<2000x64xf32> -> vector<2000x128xf32>
    %get3A_9 = arith.constant 0 : index
    %get3A_10 = arith.constant 0 : index
    %get3A_11 = arith.constant 0 : index
    %get3A_12 = vector.load %arg2[%get3A_9, %get3A_10, %get3A_11] : memref<1x1x2000xf32, #tpu.memory_space<vmem>>, vector<1x1x2000xf32>
    %get3A_13 = vector.shape_cast %get3A_12 : vector<1x1x2000xf32> to vector<2000xf32>
    %broadcast_in_dim3A = vector.shape_cast %get3A_13 : vector<2000xf32> to vector<2000x1xf32>
    %mul3A = vector.broadcast %broadcast_in_dim3A : vector<2000x1xf32> to vector<2000x128xf32>
    %mul3A_14 = arith.mulf %concatenate3A, %mul3A : vector<2000x128xf32>
    %get3A_15 = arith.constant 0 : index
    %get3A_16 = vector.load %arg3[%get3A_15] : memref<128xf32, #tpu.memory_space<vmem>>, vector<128xf32>
    %broadcast_in_dim3A_17 = vector.shape_cast %get3A_16 : vector<128xf32> to vector<1x128xf32>
    %add3A = vector.broadcast %broadcast_in_dim3A_17 : vector<1x128xf32> to vector<2000x128xf32>
    %add3A_18 = arith.addf %mul3A_14, %add3A : vector<2000x128xf32>
    %max3A = arith.constant 0.000000e+00 : f32
    %max3A_19 = vector.broadcast %max3A : f32 to vector<2000x128xf32>
    %max3A_20 = arith.maximumf %add3A_18, %max3A_19 : vector<2000x128xf32>
    %get3A_21 = arith.constant 0 : index
    %get3A_22 = arith.constant 0 : index
    %get3A_23 = vector.load %arg4[%get3A_21, %get3A_22] : memref<128x64xf32, #tpu.memory_space<vmem>>, vector<128x64xf32>
    %dot_general3A = arith.constant dense<0.000000e+00> : vector<2000x64xf32>
    %dot_general3A_24 = tpu.matmul %max3A_20, %get3A_23, %dot_general3A {dimension_numbers = #tpu.dot_dimension_numbers<[1], [0], [0], [1], [0, 0, 1, 1], [], []>, transpose_lhs_hint = false} : vector<2000x128xf32>, vector<128x64xf32>, vector<2000x64xf32> -> vector<2000x64xf32>
    %broadcast_in_dim3A_25 = vector.shape_cast %get3A_13 : vector<2000xf32> to vector<2000x1xf32>
    %mul3A_26 = vector.broadcast %broadcast_in_dim3A_25 : vector<2000x1xf32> to vector<2000x64xf32>
    %mul3A_27 = arith.mulf %dot_general3A_24, %mul3A_26 : vector<2000x64xf32>
    %slice3A = vector.extract_strided_slice %mul3A_27 {offsets = [0, 0], sizes = [2000, 32], strides = [1, 1]} : vector<2000x64xf32> to vector<2000x32xf32>
    %swap3A = arith.constant 0 : index
    %swap3A_28 = arith.constant 0 : index
    %swap3A_29 = arith.constant 0 : index
    %swap3A_30 = vector.load %arg5[%swap3A, %swap3A_28, %swap3A_29] : memref<2x2000x32xf32, #tpu.memory_space<vmem>>, vector<1x2000x32xf32>
    %swap3A_31 = vector.shape_cast %swap3A_30 : vector<1x2000x32xf32> to vector<2000x32xf32>
    %swap3A_32 = vector.shape_cast %slice3A : vector<2000x32xf32> to vector<1x2000x32xf32>
    tpu.vector_store %arg5[%swap3A, %swap3A_28, %swap3A_29], %swap3A_32 {strides = array<i32>} : memref<2x2000x32xf32, #tpu.memory_space<vmem>>, vector<1x2000x32xf32>,
    %slice3A_33 = vector.extract_strided_slice %mul3A_27 {offsets = [0, 32], sizes = [2000, 32], strides = [1, 1]} : vector<2000x64xf32> to vector<2000x32xf32>
    %swap3A_34 = arith.constant 1 : index
    %swap3A_35 = arith.constant 0 : index
    %swap3A_36 = arith.constant 0 : index
    %swap3A_37 = vector.load %arg5[%swap3A_34, %swap3A_35, %swap3A_36] : memref<2x2000x32xf32, #tpu.memory_space<vmem>>, vector<1x2000x32xf32>
    %swap3A_38 = vector.shape_cast %swap3A_37 : vector<1x2000x32xf32> to vector<2000x32xf32>
    %swap3A_39 = vector.shape_cast %slice3A_33 : vector<2000x32xf32> to vector<1x2000x32xf32>
    tpu.vector_store %arg5[%swap3A_34, %swap3A_35, %swap3A_36], %swap3A_39 {strides = array<i32>} : memref<2x2000x32xf32, #tpu.memory_space<vmem>>, vector<1x2000x32xf32>,
    return
  }
  func.func @transform_0(%arg0: i32) -> (i32, i32, i32) {
    %c0_i32 = arith.constant 0 : i32
    %c0_i32_0 = arith.constant 0 : i32
    %c0_i32_1 = arith.constant 0 : i32
    return %c0_i32, %arg0, %c0_i32_0 : i32, i32, i32
  }
  func.func @transform_1(%arg0: i32) -> (i32, i32, i32) {
    %c0_i32 = arith.constant 0 : i32
    %c0_i32_0 = arith.constant 0 : i32
    %c0_i32_1 = arith.constant 0 : i32
    return %arg0, %c0_i32, %c0_i32_0 : i32, i32, i32
  }
  func.func @transform_2(%arg0: i32) -> i32 {
    %c0_i32 = arith.constant 0 : i32
    %c0_i32_0 = arith.constant 0 : i32
    return %c0_i32 : i32
  }
  func.func @transform_3(%arg0: i32) -> (i32, i32) {
    %c0_i32 = arith.constant 0 : i32
    %c0_i32_0 = arith.constant 0 : i32
    %c0_i32_1 = arith.constant 0 : i32
    return %c0_i32, %c0_i32_0 : i32, i32
  }
  func.func @transform_4(%arg0: i32) -> (i32, i32, i32) {
    %c0_i32 = arith.constant 0 : i32
    %c0_i32_0 = arith.constant 0 : i32
    %c0_i32_1 = arith.constant 0 : i32
    return %c0_i32, %arg0, %c0_i32_0 : i32, i32, i32
  }
}

module attributes {stable_mosaic.version = 14 : i64} {
  func.func @body(%arg0: memref<2x16x64x32xf32, #tpu.memory_space<vmem>>, %arg1: memref<10000xi32, #tpu.memory_space<vmem>>, %arg2: memref<64xf32, #tpu.memory_space<vmem>>, %arg3: memref<64x2xf32, #tpu.memory_space<vmem>>, %arg4: memref<2xf32, #tpu.memory_space<vmem>>, %arg5: memref<64x2xf32, #tpu.memory_space<vmem>>) attributes {dimension_semantics = [], scalar_prefetch = 0 : i64, scratch_operands = 0 : i64, tpu.core_type = #tpu.core_type<tc>} {
    %get3A = arith.constant 0 : index
    %get3A_0 = arith.constant 0 : index
    %get3A_1 = arith.constant 0 : index
    %get3A_2 = arith.constant 0 : index
    %get3A_3 = vector.load %arg0[%get3A, %get3A_0, %get3A_1, %get3A_2] : memref<2x16x64x32xf32, #tpu.memory_space<vmem>>, vector<1x16x64x32xf32>
    %get3A_4 = vector.shape_cast %get3A_3 : vector<1x16x64x32xf32> to vector<16x64x32xf32>
    %reduce_sum3A = arith.constant dense<0.000000e+00> : vector<64x32xf32>
    %reduce_sum3A_5 = vector.multi_reduction <add>, %get3A_4, %reduce_sum3A [0] : vector<16x64x32xf32> to vector<64x32xf32>
    %get3A_6 = arith.constant 1 : index
    %get3A_7 = arith.constant 0 : index
    %get3A_8 = arith.constant 0 : index
    %get3A_9 = arith.constant 0 : index
    %get3A_10 = vector.load %arg0[%get3A_6, %get3A_7, %get3A_8, %get3A_9] : memref<2x16x64x32xf32, #tpu.memory_space<vmem>>, vector<1x16x64x32xf32>
    %get3A_11 = vector.shape_cast %get3A_10 : vector<1x16x64x32xf32> to vector<16x64x32xf32>
    %reduce_sum3A_12 = arith.constant dense<0.000000e+00> : vector<64x32xf32>
    %reduce_sum3A_13 = vector.multi_reduction <add>, %get3A_11, %reduce_sum3A_12 [0] : vector<16x64x32xf32> to vector<64x32xf32>
    %concatenate3A = tpu.concatenate %reduce_sum3A_5, %reduce_sum3A_13 in 1 : vector<64x32xf32>, vector<64x32xf32> -> vector<64x64xf32>
    %iota3A = tpu.iota {dimensions = array<i32: 0>} : vector<64x10000xi32>
    %get3A_14 = arith.constant 0 : index
    %get3A_15 = vector.load %arg1[%get3A_14] : memref<10000xi32, #tpu.memory_space<vmem>>, vector<10000xi32>
    %broadcast_in_dim3A = vector.shape_cast %get3A_15 : vector<10000xi32> to vector<1x10000xi32>
    %eq3A = vector.broadcast %broadcast_in_dim3A : vector<1x10000xi32> to vector<64x10000xi32>
    %eq3A_16 = arith.cmpi eq, %iota3A, %eq3A : vector<64x10000xi32>
    %convert_element_type3A = arith.extui %eq3A_16 : vector<64x10000xi1> to vector<64x10000xi32>
    %convert_element_type3A_17 = arith.sitofp %convert_element_type3A : vector<64x10000xi32> to vector<64x10000xf32>
    %reduce_sum3A_18 = arith.constant dense<0.000000e+00> : vector<64xf32>
    %reduce_sum3A_19 = vector.multi_reduction <add>, %convert_element_type3A_17, %reduce_sum3A_18 [1] : vector<64x10000xf32> to vector<64xf32>
    %max3A = arith.constant 1.000000e+00 : f32
    %max3A_20 = vector.broadcast %max3A : f32 to vector<64xf32>
    %max3A_21 = arith.maximumf %reduce_sum3A_19, %max3A_20 : vector<64xf32>
    %broadcast_in_dim3A_22 = vector.shape_cast %max3A_21 : vector<64xf32> to vector<64x1xf32>
    %div3A = vector.broadcast %broadcast_in_dim3A_22 : vector<64x1xf32> to vector<64x64xf32>
    %div3A_23 = arith.divf %concatenate3A, %div3A : vector<64x64xf32>
    %get3A_24 = arith.constant 0 : index
    %get3A_25 = vector.load %arg2[%get3A_24] : memref<64xf32, #tpu.memory_space<vmem>>, vector<64xf32>
    %broadcast_in_dim3A_26 = vector.shape_cast %get3A_25 : vector<64xf32> to vector<1x64xf32>
    %add3A = vector.broadcast %broadcast_in_dim3A_26 : vector<1x64xf32> to vector<64x64xf32>
    %add3A_27 = arith.addf %div3A_23, %add3A : vector<64x64xf32>
    %get3A_28 = arith.constant 0 : index
    %get3A_29 = arith.constant 0 : index
    %get3A_30 = vector.load %arg3[%get3A_28, %get3A_29] : memref<64x2xf32, #tpu.memory_space<vmem>>, vector<64x2xf32>
    %dot_general3A = arith.constant dense<0.000000e+00> : vector<64x2xf32>
    %dot_general3A_31 = tpu.matmul %add3A_27, %get3A_30, %dot_general3A {dimension_numbers = #tpu.dot_dimension_numbers<[1], [0], [0], [1], [0, 0, 1, 1], [], []>, transpose_lhs_hint = false} : vector<64x64xf32>, vector<64x2xf32>, vector<64x2xf32> -> vector<64x2xf32>
    %get3A_32 = arith.constant 0 : index
    %get3A_33 = vector.load %arg4[%get3A_32] : memref<2xf32, #tpu.memory_space<vmem>>, vector<2xf32>
    %broadcast_in_dim3A_34 = vector.shape_cast %get3A_33 : vector<2xf32> to vector<1x2xf32>
    %add3A_35 = vector.broadcast %broadcast_in_dim3A_34 : vector<1x2xf32> to vector<64x2xf32>
    %add3A_36 = arith.addf %dot_general3A_31, %add3A_35 : vector<64x2xf32>
    %swap3A = arith.constant 0 : index
    %swap3A_37 = arith.constant 0 : index
    %swap3A_38 = vector.load %arg5[%swap3A, %swap3A_37] : memref<64x2xf32, #tpu.memory_space<vmem>>, vector<64x2xf32>
    tpu.vector_store %arg5[%swap3A, %swap3A_37], %add3A_36 {strides = array<i32>} : memref<64x2xf32, #tpu.memory_space<vmem>>, vector<64x2xf32>,
    return
  }
}

</mosaic_0001>

<sc_bundles>
// kernel: kernel.10.cloned.1.call-start
scs
__scs_entry_jumppad:
0x0: {  	(pc) =	sbr.rel $0x88, $3  }
0x1: {  	(tag) =	ssettag $0x0;
	lr =	simm.s32 $0x1  }
0x2: {  	[smem:$0x3F96] =	sst lr;
	_ =	strace $0xD0000000  }
0x3: {  	_ = 	snop  }
0x4: {  	_ = 	snop  }
0x5: {  	_ = 	snop  }
0x6: {  	_ = 	snop  }
0x7: {  	_ = 	snop  }
__scs_overlays_trampoline_lowered:
0x8: {  	[smem:$0x3FA5] =	sst s0  }
0x9: {  	[smem:$0x3FA6] =	sst s1  }
0xa: {  	[smem:$0x3FA7] =	sst s2  }
0xb: {  	[smem:$0x3FA8] =	sst s3  }
0xc: {  	[smem:$0x3FA9] =	sst s4  }
0xd: {  	[smem:$0x3FAA] =	sst s5  }
0xe: {  	[smem:$0x3FAB] =	sst s6  }
0xf: {  	[smem:$0x3FAC] =	sst s7  }
0x10: {  	[smem:$0x3FAD] =	sst s8  }
0x11: {  	[smem:$0x3FAE] =	sst s9;
	s0 =	simm.s32 @!p0 $0x0  }
0x12: {  	s1 =	sld [smem:$0x3F94];
	s0 =	simm.s32 @p0 $0x1  }
0x13: {  	[smem:$0x3FAF] =	sst s0;
	s0 =	simm.s32 @!p1 $0x0  }
0x14: {  	s2 =	sld [smem:$0x3F93];
	s0 =	simm.s32 @p1 $0x1  }
0x15: {  	[smem:$0x3FB0] =	sst s0;
	s0 =	simm.s32 @!p2 $0x0  }
0x16: {  	s3 =	sld [smem:$0x3FDB];
	s0 =	simm.s32 @p2 $0x1  }
0x17: {  	s4 =	simm.s32 $0x1BF5;
	[smem:$0x3FB2] =	sst s0  }
0x18: {  	s0 =	sld [smem:$0x3F95];
	_ =	swait.ge [sflag:s4], $0x0  }
0x19: {  	s7 =	sld [smem:$0x3F96]  }
0x1a: {  	s8 =	sadd.s32 $0xFFFFE003, lr  }
0x1b: {  	s9 =	sadd.s32 $0xFFFFFEF7, lr;
	s5 =	simm.s32 $0xFFFFFFFF;
	p2 =	slt.u32 s8, $0xFFFFF086  }
0x1c: {  	p1 =	slt.u32 s9, $0xF7A;
	s5 =	simm.s32 @!p2 $0x0  }
0x1d: {  	s5 =	simm.s32 @p1 $0x1;
	p0 =	seq.s32 s7, s2  }
0x1e: {  	s7 =	smul.u32 @!p0 $0xF7A, s2;
	p2 =	seq.s32 @!p0 s5, $0x0  }
0x1f: {  	s9 =	smul.u32 $0xF7A, s1;
	s8 =	simm.s32 @!p0 $0x1BF5;
	p2 =	por !p2, p0  }
0x20: {  	[sflag:s8] =	ssyncset.s32 @!p0 $0xFFFFF086;
	s6 =	sadd.s32 @!p0 s3, s7;
	s7 =	simm.s32 @!p0 $0x108  }
0x21: {  	s3 =	sadd.s32 s3, s9;
	s6 =	sadd.s32 @!p0 $0x88, s6;
	s7 =	simm.s32 @p2 $0x1082  }
0x22: {  	[simem:s7], [sflag:s8] =	dma.local @!p0 [hbm:s6], $0xF7A  }
0x23: {  	s9 =	sor.u32 $0xD0000000, s2;
	s6 =	simm.s32 $0x108;
	_ =	swait.ge @!p0 [sflag:s8], $0x0  }
0x24: {  	s3 =	sadd.s32 $0x88, s3;
	s6 =	simm.s32 @!p1 $0x1082;
	[sflag:s4] =	ssyncset.s32 $0xFFFFF086  }
0x25: {  	[simem:s6], [sflag:s4] =	dma.local [hbm:s3], $0xF7A  }
0x26: {  	[smem:$0x3F96] =	sst s1;
	(tag) =	ssettag s2;
	_ =	strace s9  }
0x27: {  	s1 =	sld [smem:$0x3FA6]  }
0x28: {  	s2 =	sld [smem:$0x3FA7]  }
0x29: {  	s4 =	sld [smem:$0x3FA9]  }
0x2a: {  	p0 =	seq.s32 s5, $0x0;
	s5 =	sld [smem:$0x3FAA]  }
0x2b: {  	s6 =	sld [smem:$0x3FAB]  }
0x2c: {  	s7 =	sld [smem:$0x3FAC]  }
0x2d: {  	s3 =	simm.s32 $0x108;
	s8 =	sld [smem:$0x3FAD]  }
0x2e: {  	s3 =	simm.s32 @!p0 $0x1082;
	s9 =	sld [smem:$0x3FAE]  }
0x2f: {  	lr =	sadd.s32 s0, s3;
	s0 =	sld [smem:$0x3FA5]  }
0x30: {  	s3 =	sld [smem:$0x3FA8]  }
0x31: {  	[smem:$0x3FB1] =	sst s10  }
0x32: {  	s10 =	sld [smem:$0x3FAF];
	_ =	sdelay $0x3  }
0x33: {  	p0 =	seq.s32 s10, $0x1;
	s10 =	sld [smem:$0x3FB1];
	_ =	sdelay $0x3  }
0x34: {  	[smem:$0x3FB1] =	sst s10  }
0x35: {  	s10 =	sld [smem:$0x3FB0];
	_ =	sdelay $0x3  }
0x36: {  	p1 =	seq.s32 s10, $0x1;
	s10 =	sld [smem:$0x3FB1];
	_ =	sdelay $0x3  }
0x37: {  	[smem:$0x3FB1] =	sst s10  }
0x38: {  	s10 =	sld [smem:$0x3FB2]  }
0x39: {  	_ = 	snop;
	(pc) =	sbr.ind lr, $3  }
0x3a: {  	_ = 	snop  }
0x3b: {  	_ = 	snop  }
0x3c: {  	p2 =	seq.s32 s10, $0x1;
	s10 =	sld [smem:$0x3FB1]  }
0x3d: {  	_ =	shalt  }
0x3e: {  	_ =	shalt  }
0x3f: {  	_ =	shalt  }
0x40: {  	_ =	shalt  }
0x41: {  	_ =	shalt  }
0x42: {  	_ =	shalt  }
0x43: {  	_ =	shalt  }
0x44: {  	_ =	shalt  }
0x45: {  	_ =	shalt  }
0x46: {  	_ =	shalt  }
0x47: {  	_ =	shalt  }
0x48: {  	_ =	shalt  }
0x49: {  	_ =	shalt  }
0x4a: {  	_ =	shalt  }
0x4b: {  	_ =	shalt  }
0x4c: {  	_ =	shalt  }
0x4d: {  	_ =	shalt  }
0x4e: {  	_ =	shalt  }
0x4f: {  	_ =	shalt  }
0x50: {  	_ =	shalt  }
0x51: {  	_ =	shalt  }
0x52: {  	_ =	shalt  }
0x53: {  	_ =	shalt  }
0x54: {  	_ =	shalt  }
0x55: {  	_ =	shalt  }
0x56: {  	_ =	shalt  }
0x57: {  	_ =	shalt  }
0x58: {  	_ =	shalt  }
0x59: {  	_ =	shalt  }
0x5a: {  	_ =	shalt  }
0x5b: {  	_ =	shalt  }
0x5c: {  	_ =	shalt  }
0x5d: {  	_ =	shalt  }
0x5e: {  	_ =	shalt  }
0x5f: {  	_ =	shalt  }
0x60: {  	_ =	shalt  }
0x61: {  	_ =	shalt  }
0x62: {  	_ =	shalt  }
0x63: {  	_ =	shalt  }
0x64: {  	_ =	shalt  }
0x65: {  	_ =	shalt  }
0x66: {  	_ =	shalt  }
0x67: {  	_ =	shalt  }
0x68: {  	_ =	shalt  }
0x69: {  	_ =	shalt  }
0x6a: {  	_ =	shalt  }
0x6b: {  	_ =	shalt  }
0x6c: {  	_ =	shalt  }
0x6d: {  	_ =	shalt  }
0x6e: {  	_ =	shalt  }
0x6f: {  	_ =	shalt  }
0x70: {  	_ =	shalt  }
0x71: {  	_ =	shalt  }
0x72: {  	_ =	shalt  }
0x73: {  	_ =	shalt  }
0x74: {  	_ =	shalt  }
0x75: {  	_ =	shalt  }
0x76: {  	_ =	shalt  }
0x77: {  	_ =	shalt  }
0x78: {  	_ =	shalt  }
0x79: {  	_ =	shalt  }
0x7a: {  	_ =	shalt  }
0x7b: {  	_ =	shalt  }
0x7c: {  	_ =	shalt  }
0x7d: {  	_ =	shalt  }
0x7e: {  	_ =	shalt  }
0x7f: {  	_ =	shalt  }
0x80: {  	_ =	shalt  }
0x81: {  	_ =	shalt  }
0x82: {  	_ =	shalt  }
0x83: {  	_ =	shalt  }
0x84: {  	_ =	shalt  }
0x85: {  	_ =	shalt  }
0x86: {  	_ =	shalt  }
0x87: {  	_ =	shalt  }
.Lfunc_end0:
.L_simem_size_0:
called_computation_lowered:
.L_overlay_start_0:
0x88: {  	s2 =	sld [smem:$0x3FD9]  }
0x89: {  	s3 =	sld [smem:$0x3FFE];
	_ =	sdelay $0x1  }
0x8a: {  	s1 =	srdreg.scid  }
0x8b: {  	s0 =	sand.u32 $0x1, s1  }
0x8c: {  	s16 =	sshll.u32 s0, $0xA;
	s2 =	sadd.s32 s3, s2  }
0x8d: {  	s2 =	sadd.s32 s2, s16  }
0x8e: {  	[smem:$0x3FBD] =	sst s2  }
0x8f: {  	_ = 	snop  }
0x90: {  	(tm) =	ssettm $0x1  }
0x91: {  	s17 =	sld [smem:$0x3FFB];
	_ =	sdelay $0x3  }
0x92: {  	_ =	strace s17  }
0x93: {  	s2 =	sld [smem:$0x3FFC];
	_ =	sdelay $0x3  }
0x94: {  	_ =	strace s2  }
0x95: {  	s2 =	sld [smem:$0x3FFD];
	_ =	sdelay $0x3  }
0x96: {  	_ =	strace s2  }
0x97: {  	_ =	strace $0x8FFFFFFF  }
0x98: {  	s18 =	sld [smem:$0x3FDB];
	_ =	sdelay $0x1  }
0x99: {  	s19 =	simm.s32 $_scs_section_size  }
0x9a: {  	s4 =	simm.s32 $_size__tile_overlayer_lowered;
	s5 =	simm.s32 $_tile_overlayer_lowered  }
0x9b: {  	s22 =	simm.s32 $0x1BFF;
	s21 =	sshll.u32 s5, $0x1;
	s2 =	sadd.s32 s19, s18  }
0x9c: {  	s6 =	simm.s32 $0x0;
	s20 =	sshll.u32 s4, $0x1;
	s4 =	sadd.s32 s21, s2  }
0x9d: {  	[timem:s6], [sflag:s22] =	dma.local [hbm:s4], s20  }
0x9e: {  	_ =	swait.ge [sflag:s22], s20  }
0x9f: {  	s3 =	ssub.s32 $0x0, s20;
	[sflag:s22] =	ssyncset.done $0x0  }
0xa0: {  	[sflag:s22] =	ssyncadd.s32 s3;
	_ =	sdelay $0x1  }
0xa1: {  	s23 =	simm.s32 $0x1B8B  }
0xa2: {  	_ =	swait.ge [sflag:s23], $0x1  }
0xa3: {  	[sflag:s23] =	ssyncset.done $0x0  }
0xa4: {  	s25 =	simm.s32 $0x1B8E;
	s24 =	sld [smem:$0x3FFE];
	[sflag:s23] =	ssyncadd.s32 $0xFFFFFFFF  }
0xa5: {  	s26 =	simm.s32 $execute0_lowered;
	[smem:$0x3FD2] =	sst s25  }
0xa6: {  	s4 =	sshll.u32 s26, $0x1;
	_ =	strace $0x80000046;
	[dreg:$0x1] =	wrdreg $0xFFFFFFFF  }
0xa7: {  	s28 =	simm.s32 $_size_execute0_lowered;
	s2 =	sadd.s32 s2, s4;
	[dreg:$0x0] =	wrdreg $0x0  }
0xa8: {  	s4 =	sshll.u32 s28, $0x1;
	[dreg:$0x2] =	wrdreg s2  }
0xa9: {  	[dreg:$0x3] =	wrdreg s4  }
0xaa: {  	[dreg:$0x4] =	wrdreg $0xC0  }
0xab: {  	_ =	task [dreg:s6], $0x5FFFF  }
0xac: {  	[dreg:$0x1] =	wrdreg $0xFFFFFFFF  }
0xad: {  	[dreg:$0x0] =	wrdreg $0x60  }
0xae: {  	[dreg:$0x2] =	wrdreg s24  }
0xaf: {  	[dreg:$0x3] =	wrdreg $0x43000  }
0xb0: {  	[dreg:$0x4] =	wrdreg $0x9  }
0xb1: {  	_ =	task.clear_ibuf [dreg:s6], $0x5FFFF;
	_ =	strace $0x90000046  }
0xb2: {  	s29 =	simm.s32 $0x9;
	_ =	strace $0x80000048  }
0xb3: {  	_ =	swait.ge [sflag:s29], $0x1  }
0xb4: {  	[sflag:s29] =	ssyncadd.s32 $0xFFFFFFFF  }
0xb5: {  	_ =	strace $0x90000048  }
0xb6: {  	_ =	sfence  }
0xb7: {  	s30 =	sld [smem:$0x0];
	_ =	sdelay $0x2  }
0xb8: {  	s31 =	sshll.u32 s1, $0xD;
	s1 =	sshrl.u32 s1, $0x2  }
0xb9: {  	s3 =	sand.u32 $0x4000, s31;
	s1 =	sadd.s32 s1, s30  }
0xba: {  	s0 =	sor.u32 s3, s0;
	s1 =	sshll.u32 s1, $0x11  }
0xbb: {  	s0 =	sor.u32 s1, s0  }
0xbc: {  	s0 =	sadd.s32 $0x8F2B, s0  }
0xbd: {  	[sflag:s0] =	ssyncadd.remote.s32 $0x1  }
0xbe: {  	_ =	sfence.sel $0xFFFF  }
0xbf: {  	[dreg:$0x0] =	wrdreg $0xFFFFFFFF;
	(pc) =	sbr.abs _section_cstart, $3  }
0xc0: {  	[dreg:$0x1] =	wrdreg $0xFFFFFFFF  }
0xc1: {  	_ =	task.clear_ibuf [dreg:s6], $0x2FFFF;
	_ =	strace $0x9FFFFFFF  }
0xc2: {  	(tm) =	ssettm $0x7FFFFFFF  }
0xc3: {  	_ =	shalt  }
tec
execute0_lowered:
.L_overlay_start_1:
0x0: {  	(tag) =	ssettag $0x1  }
0x1: {  	s4 =	rddreg [dreg:$0x0]  }
0x2: {  	s2 =	rddreg [dreg:$0x1]  }
0x3: {  	s0 =	rddreg [dreg:$0x2];
	s1 =	stileid.u32  }
0x4: {  	s5 =	srdreg.scid;
	s3 =	simm.s32 $0x0;
	s14 =	simm.f32 $1.000000000e+00  }
0x5: {  	s10 =	simm.s32 $0x28;
	s11 =	simm.s32 $0x4280;
	s15 =	simm.s32 $0x10  }
0x6: {  	s16 =	simm.s32 $0x0;
	s5 =	sand.u32 $0x1, s5;
	s6 =	smul.u32 $0x500, s1  }
0x7: {  	[smem:$0x7FF] =	sst s3;
	s8 =	sshll.u32 s1, $0xB;
	s9 =	smul.u32 $0xA00, s1  }
0x8: {  	s12 =	sshll.u32 s1, $0x6;
	s7 =	sshll.u32 s5, $0x7;
	_ =	strace $0x80000047  }
0x9: {  	s26 =	sadd.s32 s8, s4;
	s28 =	ssub.s32 $0x2, s5;
	p0 =	seq.s32 s5, $0x0  }
0xa: {  	s30 =	sshll.u32 s5, $0xF;
	s12 =	sor.u32 $0x1C01, s12;
	s6 =	sor.u32 s7, s6  }
0xb: {  	s29 =	sshrl.u32 s28, $0x1;
	s31 =	sshrl.u32 s9, $0x2;
	s14 =	simm.s32 @!p0 $0x0  }
0xc: {  	s9 =	simm.s32 $0x4000;
	s6 =	sshrl.u32 s6, $0x3;
	s8 =	ssub.s32 s28, s29  }
0xd: {  	s5 =	sadd.s32 s31, s2;
	v0 =	vmov s14;
	s14 =	simm.s32 $0x20;
	s6 =	sadd.s32 s6, s4  }
0xe: {  	s4 =	sadd.s32 s30, s26;
	s7 =	smax.u32 s8, $0x1;
	s8 =	simm.s32 $0x1  }
0xf: {  	v1 =	vimm.f32 $1.000000000e+00;
	s13 =	sshrl.u32 s5, $0x3;
	s4 =	sadd.s32 $0x6200, s4;
	s6 =	sadd.s32 $0x16200, s6  }
.LBB2_1:
0x10: {  	[tilespmem:$0x4000] =	vst v0  }
0x11: {  	[tilespmem:$0x4010] =	vst v0  }
0x12: {  	[tilespmem:$0x4020] =	vst v0  }
0x13: {  	[tilespmem:$0x4030] =	vst v0  }
0x14: {  	[tilespmem:$0x4040] =	vst v0  }
0x15: {  	[tilespmem:$0x4050] =	vst v0  }
0x16: {  	[tilespmem:$0x4060] =	vst v0  }
0x17: {  	[tilespmem:$0x4070] =	vst v0  }
0x18: {  	[tilespmem:$0x4080] =	vst v0  }
0x19: {  	[tilespmem:$0x4090] =	vst v0  }
0x1a: {  	[tilespmem:$0x40A0] =	vst v0  }
0x1b: {  	[tilespmem:$0x40B0] =	vst v0  }
0x1c: {  	[tilespmem:$0x40C0] =	vst v0  }
0x1d: {  	[tilespmem:$0x40D0] =	vst v0  }
0x1e: {  	[tilespmem:$0x40E0] =	vst v0  }
0x1f: {  	[tilespmem:$0x40F0] =	vst v0  }
0x20: {  	[tilespmem:$0x4100] =	vst v0  }
0x21: {  	[tilespmem:$0x4110] =	vst v0  }
0x22: {  	[tilespmem:$0x4120] =	vst v0  }
0x23: {  	[tilespmem:$0x4130] =	vst v0  }
0x24: {  	[tilespmem:$0x4140] =	vst v0  }
0x25: {  	[tilespmem:$0x4150] =	vst v0  }
0x26: {  	[tilespmem:$0x4160] =	vst v0  }
0x27: {  	[tilespmem:$0x4170] =	vst v0  }
0x28: {  	[tilespmem:$0x4180] =	vst v0  }
0x29: {  	[tilespmem:$0x4190] =	vst v0  }
0x2a: {  	[tilespmem:$0x41A0] =	vst v0  }
0x2b: {  	[tilespmem:$0x41B0] =	vst v0  }
0x2c: {  	[tilespmem:$0x41C0] =	vst v0  }
0x2d: {  	[tilespmem:$0x41D0] =	vst v0  }
0x2e: {  	[tilespmem:$0x41E0] =	vst v0  }
0x2f: {  	[tilespmem:$0x41F0] =	vst v0  }
0x30: {  	[tilespmem:$0x4200] =	vst v0  }
0x31: {  	[tilespmem:$0x4210] =	vst v0  }
0x32: {  	[tilespmem:$0x4220] =	vst v0  }
0x33: {  	[tilespmem:$0x4230] =	vst v0  }
0x34: {  	[tilespmem:$0x4240] =	vst v0  }
0x35: {  	[tilespmem:$0x4250] =	vst v0  }
0x36: {  	[tilespmem:$0x4260] =	vst v0  }
0x37: {  	[tilespmem:$0x4270] =	vst v0  }
0x38: {  	[tilespmem:$0x4280] =	vst v1  }
0x39: {  	[tilespmem:$0x4290] =	vst v1  }
0x3a: {  	[tilespmem:$0x42A0] =	vst v1  }
0x3b: {  	[tilespmem:s3], [sflag:$0x1] =	stream.linear.gather [hbm4b:s4+s3], $0x3E80, $0x38;
	[tilespmem:$0x4580] =	vst v63  }
0x3c: {  	_ =	swait.ge [sflag:s8], $0x3E80  }
0x3d: {  	[sflag:s8] =	ssyncset.done $0x0  }
0x3e: {  	[sflag:s8] =	ssyncadd.s32 $0xFFFFC180  }
0x3f: {  	[spmem:s5] =	stream.linear.scatter [tilespmem:s9], [sflag:$0x1], $0x280, $0x38;
	[tilespmem:$0x4580] =	vst v63  }
0x40: {  	_ =	swait.ge [sflag:s8], $0x280  }
0x41: {  	[sflag:s8] =	ssyncset.done $0x0  }
0x42: {  	[sflag:s8] =	ssyncadd.s32 $0xFFFFFD80  }
0x43: {  	s17 =	simm.s32 $0x0;
	[bflag:$0x0] =	sbarrier.arrive $0xFFFF  }
0x44: {  	[spmem:s2] =	stream.indirect.scatter.add.f32 [tilespmem:s11], [sflag:$0x1], $0x1, s17, s10, $0xb8;
	[tilespmem:$0x4580] =	vst v63  }
0x45: {  	_ =	swait.ge [sflag:s8], $0x28  }
0x46: {  	s17 =	simm.s32 $0x200;
	[sflag:s8] =	ssyncset.done $0x0  }
.LBB2_2:
0x47: {  	s18 =	sshra.s32 s17, $0x2;
	[sflag:s8] =	ssyncadd.s32 $0xFFFFFFD8;
	p0 =	sne.s32 s17, $0xF800  }
0x48: {  	[spmem:s2] =	stream.indirect.scatter.add.f32 [tilespmem:s11], [sflag:$0x1], $0x1, s18, s10, $0xb8;
	[tilespmem:$0x4580] =	vst v63  }
.Ltmp0:
0x49: {  	_ = 	snop;
	(pc) =	sbr.rel @p0 .LBB2_2-.Ltmp0, $4  }
0x4a: {  	_ = 	snop  }
0x4b: {  	s17 =	sadd.s32 $0x200, s17  }
0x4c: {  	_ =	swait.ge [sflag:s8], $0x28  }
0x4d: {  	[sflag:s8] =	ssyncset.done $0x0  }
0x4e: {  	s16 =	sadd.s32 $0x1, s16  }
0x4f: {  	[sflag:s8] =	ssyncadd.s32 $0xFFFFFFD8;
	p0 =	sne.s32 s16, s7  }
.Ltmp1:
0x50: {  	[bflag:$0x0] =	sbarrier.arrive $0xFFFF;
	(pc) =	sbr.rel @p0 .LBB2_1-.Ltmp1, $4  }
0x51: {  	[hbm:s6@s14], [sflag:s12] =	dma.strided [spmem:s13@s15], $0x50, s8, $0x10   }
0x52: {  	_ =	swait.ge [sflag:s8], $0x50  }
0x53: {  	[sflag:s8] =	ssyncset.done $0x0  }
0x54: {  	[sflag:s8] =	ssyncadd.s32 $0xFFFFFFB0  }
0x55: {  	_ =	sfence.sel $0x180000  }
0x56: {  	[bflag:$0x0] =	sbarrier.arrive $0xFFFF  }
0x57: {  	p0 =	sne.s32 s1, $0x0;
	_ =	strace $0x90000047  }
0x58: {  	s0 =	sadd.s32 @!p0 $0x100000, s0;
	[bflag:$0x2] =	sbarrier.arrive $0xFFFF  }
0x59: {  	[sflag:s0] =	ssyncadd.tile.s32 @!p0 $0x1;
	_ =	shalt  }
.Lfunc_end2:
_tile_overlayer_lowered:
.L_overlay_start_2:
0x5a: {  	(tag) =	ssettag $0x2  }
0x5b: {  	s0 =	rddreg [dreg:$0x0];
	s2 =	stileid.u32  }
0x5c: {  	s1 =	rddreg [dreg:$0x1];
	p0 =	sne.s32 s2, $0x0  }
0x5d: {  	s3 =	rddreg [dreg:$0x2];
	[bflag:$0x3] =	sbarrier.arrive $0xFFFF;
	s2 =	simm.s32 @!p0 $0x1C01  }
0x5e: {  	[timem:s3], [sflag:s2] =	dma.local @!p0 [hbm:s0], s1  }
0x5f: {  	s0 =	simm.s32 @!p0 $0x1  }
0x60: {  	_ =	swait.ge @!p0 [sflag:s0], s1  }
0x61: {  	s1 =	ssub.s32 @!p0 $0x0, s1;
	[sflag:s0] =	ssyncset.done @!p0 $0x0  }
0x62: {  	[sflag:s0] =	ssyncadd.s32 @!p0 s1  }
0x63: {  	[bflag:$0x3] =	sbarrier.arrive $0xFFFF  }
0x64: {  	_ =	shalt  }

// kernel: kernel.13.cloned.1.call-start
scs
__scs_entry_jumppad:
0x0: {  	(pc) =	sbr.rel $0x88, $3  }
0x1: {  	(tag) =	ssettag $0x0;
	lr =	simm.s32 $0x1  }
0x2: {  	[smem:$0x3F96] =	sst lr;
	_ =	strace $0xD0000000  }
0x3: {  	_ = 	snop  }
0x4: {  	_ = 	snop  }
0x5: {  	_ = 	snop  }
0x6: {  	_ = 	snop  }
0x7: {  	_ = 	snop  }
__scs_overlays_trampoline_lowered:
0x8: {  	[smem:$0x3FA5] =	sst s0  }
0x9: {  	[smem:$0x3FA6] =	sst s1  }
0xa: {  	[smem:$0x3FA7] =	sst s2  }
0xb: {  	[smem:$0x3FA8] =	sst s3  }
0xc: {  	[smem:$0x3FA9] =	sst s4  }
0xd: {  	[smem:$0x3FAA] =	sst s5  }
0xe: {  	[smem:$0x3FAB] =	sst s6  }
0xf: {  	[smem:$0x3FAC] =	sst s7  }
0x10: {  	[smem:$0x3FAD] =	sst s8  }
0x11: {  	[smem:$0x3FAE] =	sst s9;
	s0 =	simm.s32 @!p0 $0x0  }
0x12: {  	s1 =	sld [smem:$0x3F94];
	s0 =	simm.s32 @p0 $0x1  }
0x13: {  	[smem:$0x3FAF] =	sst s0;
	s0 =	simm.s32 @!p1 $0x0  }
0x14: {  	s2 =	sld [smem:$0x3F93];
	s0 =	simm.s32 @p1 $0x1  }
0x15: {  	[smem:$0x3FB0] =	sst s0;
	s0 =	simm.s32 @!p2 $0x0  }
0x16: {  	s3 =	sld [smem:$0x3FDB];
	s0 =	simm.s32 @p2 $0x1  }
0x17: {  	s4 =	simm.s32 $0x1BF5;
	[smem:$0x3FB2] =	sst s0  }
0x18: {  	s0 =	sld [smem:$0x3F95];
	_ =	swait.ge [sflag:s4], $0x0  }
0x19: {  	s7 =	sld [smem:$0x3F96]  }
0x1a: {  	s8 =	sadd.s32 $0xFFFFE003, lr  }
0x1b: {  	s9 =	sadd.s32 $0xFFFFFEF7, lr;
	s5 =	simm.s32 $0xFFFFFFFF;
	p2 =	slt.u32 s8, $0xFFFFF086  }
0x1c: {  	p1 =	slt.u32 s9, $0xF7A;
	s5 =	simm.s32 @!p2 $0x0  }
0x1d: {  	s5 =	simm.s32 @p1 $0x1;
	p0 =	seq.s32 s7, s2  }
0x1e: {  	s7 =	smul.u32 @!p0 $0xF7A, s2;
	p2 =	seq.s32 @!p0 s5, $0x0  }
0x1f: {  	s9 =	smul.u32 $0xF7A, s1;
	s8 =	simm.s32 @!p0 $0x1BF5;
	p2 =	por !p2, p0  }
0x20: {  	[sflag:s8] =	ssyncset.s32 @!p0 $0xFFFFF086;
	s6 =	sadd.s32 @!p0 s3, s7;
	s7 =	simm.s32 @!p0 $0x108  }
0x21: {  	s3 =	sadd.s32 s3, s9;
	s6 =	sadd.s32 @!p0 $0x88, s6;
	s7 =	simm.s32 @p2 $0x1082  }
0x22: {  	[simem:s7], [sflag:s8] =	dma.local @!p0 [hbm:s6], $0xF7A  }
0x23: {  	s9 =	sor.u32 $0xD0000000, s2;
	s6 =	simm.s32 $0x108;
	_ =	swait.ge @!p0 [sflag:s8], $0x0  }
0x24: {  	s3 =	sadd.s32 $0x88, s3;
	s6 =	simm.s32 @!p1 $0x1082;
	[sflag:s4] =	ssyncset.s32 $0xFFFFF086  }
0x25: {  	[simem:s6], [sflag:s4] =	dma.local [hbm:s3], $0xF7A  }
0x26: {  	[smem:$0x3F96] =	sst s1;
	(tag) =	ssettag s2;
	_ =	strace s9  }
0x27: {  	s1 =	sld [smem:$0x3FA6]  }
0x28: {  	s2 =	sld [smem:$0x3FA7]  }
0x29: {  	s4 =	sld [smem:$0x3FA9]  }
0x2a: {  	p0 =	seq.s32 s5, $0x0;
	s5 =	sld [smem:$0x3FAA]  }
0x2b: {  	s6 =	sld [smem:$0x3FAB]  }
0x2c: {  	s7 =	sld [smem:$0x3FAC]  }
0x2d: {  	s3 =	simm.s32 $0x108;
	s8 =	sld [smem:$0x3FAD]  }
0x2e: {  	s3 =	simm.s32 @!p0 $0x1082;
	s9 =	sld [smem:$0x3FAE]  }
0x2f: {  	lr =	sadd.s32 s0, s3;
	s0 =	sld [smem:$0x3FA5]  }
0x30: {  	s3 =	sld [smem:$0x3FA8]  }
0x31: {  	[smem:$0x3FB1] =	sst s10  }
0x32: {  	s10 =	sld [smem:$0x3FAF];
	_ =	sdelay $0x3  }
0x33: {  	p0 =	seq.s32 s10, $0x1;
	s10 =	sld [smem:$0x3FB1];
	_ =	sdelay $0x3  }
0x34: {  	[smem:$0x3FB1] =	sst s10  }
0x35: {  	s10 =	sld [smem:$0x3FB0];
	_ =	sdelay $0x3  }
0x36: {  	p1 =	seq.s32 s10, $0x1;
	s10 =	sld [smem:$0x3FB1];
	_ =	sdelay $0x3  }
0x37: {  	[smem:$0x3FB1] =	sst s10  }
0x38: {  	s10 =	sld [smem:$0x3FB2]  }
0x39: {  	_ = 	snop;
	(pc) =	sbr.ind lr, $3  }
0x3a: {  	_ = 	snop  }
0x3b: {  	_ = 	snop  }
0x3c: {  	p2 =	seq.s32 s10, $0x1;
	s10 =	sld [smem:$0x3FB1]  }
0x3d: {  	_ =	shalt  }
0x3e: {  	_ =	shalt  }
0x3f: {  	_ =	shalt  }
0x40: {  	_ =	shalt  }
0x41: {  	_ =	shalt  }
0x42: {  	_ =	shalt  }
0x43: {  	_ =	shalt  }
0x44: {  	_ =	shalt  }
0x45: {  	_ =	shalt  }
0x46: {  	_ =	shalt  }
0x47: {  	_ =	shalt  }
0x48: {  	_ =	shalt  }
0x49: {  	_ =	shalt  }
0x4a: {  	_ =	shalt  }
0x4b: {  	_ =	shalt  }
0x4c: {  	_ =	shalt  }
0x4d: {  	_ =	shalt  }
0x4e: {  	_ =	shalt  }
0x4f: {  	_ =	shalt  }
0x50: {  	_ =	shalt  }
0x51: {  	_ =	shalt  }
0x52: {  	_ =	shalt  }
0x53: {  	_ =	shalt  }
0x54: {  	_ =	shalt  }
0x55: {  	_ =	shalt  }
0x56: {  	_ =	shalt  }
0x57: {  	_ =	shalt  }
0x58: {  	_ =	shalt  }
0x59: {  	_ =	shalt  }
0x5a: {  	_ =	shalt  }
0x5b: {  	_ =	shalt  }
0x5c: {  	_ =	shalt  }
0x5d: {  	_ =	shalt  }
0x5e: {  	_ =	shalt  }
0x5f: {  	_ =	shalt  }
0x60: {  	_ =	shalt  }
0x61: {  	_ =	shalt  }
0x62: {  	_ =	shalt  }
0x63: {  	_ =	shalt  }
0x64: {  	_ =	shalt  }
0x65: {  	_ =	shalt  }
0x66: {  	_ =	shalt  }
0x67: {  	_ =	shalt  }
0x68: {  	_ =	shalt  }
0x69: {  	_ =	shalt  }
0x6a: {  	_ =	shalt  }
0x6b: {  	_ =	shalt  }
0x6c: {  	_ =	shalt  }
0x6d: {  	_ =	shalt  }
0x6e: {  	_ =	shalt  }
0x6f: {  	_ =	shalt  }
0x70: {  	_ =	shalt  }
0x71: {  	_ =	shalt  }
0x72: {  	_ =	shalt  }
0x73: {  	_ =	shalt  }
0x74: {  	_ =	shalt  }
0x75: {  	_ =	shalt  }
0x76: {  	_ =	shalt  }
0x77: {  	_ =	shalt  }
0x78: {  	_ =	shalt  }
0x79: {  	_ =	shalt  }
0x7a: {  	_ =	shalt  }
0x7b: {  	_ =	shalt  }
0x7c: {  	_ =	shalt  }
0x7d: {  	_ =	shalt  }
0x7e: {  	_ =	shalt  }
0x7f: {  	_ =	shalt  }
0x80: {  	_ =	shalt  }
0x81: {  	_ =	shalt  }
0x82: {  	_ =	shalt  }
0x83: {  	_ =	shalt  }
0x84: {  	_ =	shalt  }
0x85: {  	_ =	shalt  }
0x86: {  	_ =	shalt  }
0x87: {  	_ =	shalt  }
.Lfunc_end0:
.L_simem_size_0:
called_computation.1_lowered:
.L_overlay_start_0:
0x88: {  	s2 =	sld [smem:$0x3FD9]  }
0x89: {  	s3 =	sld [smem:$0x3FFE];
	_ =	sdelay $0x1  }
0x8a: {  	s1 =	srdreg.scid  }
0x8b: {  	s0 =	sand.u32 $0x1, s1  }
0x8c: {  	s16 =	sshll.u32 s0, $0xA;
	s2 =	sadd.s32 s3, s2  }
0x8d: {  	s2 =	sadd.s32 s2, s16  }
0x8e: {  	[smem:$0x3FBD] =	sst s2  }
0x8f: {  	_ = 	snop  }
0x90: {  	(tm) =	ssettm $0x1  }
0x91: {  	s17 =	sld [smem:$0x3FFB];
	_ =	sdelay $0x3  }
0x92: {  	_ =	strace s17  }
0x93: {  	s2 =	sld [smem:$0x3FFC];
	_ =	sdelay $0x3  }
0x94: {  	_ =	strace s2  }
0x95: {  	s2 =	sld [smem:$0x3FFD];
	_ =	sdelay $0x3  }
0x96: {  	_ =	strace s2  }
0x97: {  	_ =	strace $0x8FFFFFFF  }
0x98: {  	s18 =	sld [smem:$0x3FDB];
	_ =	sdelay $0x1  }
0x99: {  	s19 =	simm.s32 $_scs_section_size  }
0x9a: {  	s4 =	simm.s32 $_size__tile_overlayer_lowered;
	s5 =	simm.s32 $_tile_overlayer_lowered  }
0x9b: {  	s22 =	simm.s32 $0x1BFF;
	s21 =	sshll.u32 s5, $0x1;
	s2 =	sadd.s32 s19, s18  }
0x9c: {  	s6 =	simm.s32 $0x0;
	s20 =	sshll.u32 s4, $0x1;
	s4 =	sadd.s32 s21, s2  }
0x9d: {  	[timem:s6], [sflag:s22] =	dma.local [hbm:s4], s20  }
0x9e: {  	_ =	swait.ge [sflag:s22], s20  }
0x9f: {  	s3 =	ssub.s32 $0x0, s20;
	[sflag:s22] =	ssyncset.done $0x0  }
0xa0: {  	[sflag:s22] =	ssyncadd.s32 s3;
	_ =	sdelay $0x1  }
0xa1: {  	s23 =	simm.s32 $0x1B8B  }
0xa2: {  	_ =	swait.ge [sflag:s23], $0x1  }
0xa3: {  	[sflag:s23] =	ssyncset.done $0x0  }
0xa4: {  	s25 =	simm.s32 $0x1B8E;
	s24 =	sld [smem:$0x3FFE];
	[sflag:s23] =	ssyncadd.s32 $0xFFFFFFFF  }
0xa5: {  	s26 =	simm.s32 $execute0_lowered;
	[smem:$0x3FD2] =	sst s25  }
0xa6: {  	s4 =	sshll.u32 s26, $0x1;
	_ =	strace $0x80000049;
	[dreg:$0x1] =	wrdreg $0xFFFFFFFF  }
0xa7: {  	s28 =	simm.s32 $_size_execute0_lowered;
	s2 =	sadd.s32 s2, s4;
	[dreg:$0x0] =	wrdreg $0x0  }
0xa8: {  	s4 =	sshll.u32 s28, $0x1;
	[dreg:$0x2] =	wrdreg s2  }
0xa9: {  	[dreg:$0x3] =	wrdreg s4  }
0xaa: {  	[dreg:$0x4] =	wrdreg $0xC0  }
0xab: {  	_ =	task [dreg:s6], $0x5FFFF  }
0xac: {  	[dreg:$0x1] =	wrdreg $0xFFFFFFFF  }
0xad: {  	[dreg:$0x0] =	wrdreg $0x60  }
0xae: {  	[dreg:$0x2] =	wrdreg s24  }
0xaf: {  	[dreg:$0x3] =	wrdreg $0x9E200  }
0xb0: {  	[dreg:$0x4] =	wrdreg $0x9  }
0xb1: {  	_ =	task.clear_ibuf [dreg:s6], $0x5FFFF;
	_ =	strace $0x90000049  }
0xb2: {  	s29 =	simm.s32 $0x9;
	_ =	strace $0x8000004B  }
0xb3: {  	_ =	swait.ge [sflag:s29], $0x1  }
0xb4: {  	[sflag:s29] =	ssyncadd.s32 $0xFFFFFFFF  }
0xb5: {  	_ =	strace $0x9000004B  }
0xb6: {  	_ =	sfence  }
0xb7: {  	s30 =	sld [smem:$0x0];
	_ =	sdelay $0x2  }
0xb8: {  	s31 =	sshll.u32 s1, $0xD;
	s1 =	sshrl.u32 s1, $0x2  }
0xb9: {  	s3 =	sand.u32 $0x4000, s31;
	s1 =	sadd.s32 s1, s30  }
0xba: {  	s0 =	sor.u32 s3, s0;
	s1 =	sshll.u32 s1, $0x11  }
0xbb: {  	s0 =	sor.u32 s1, s0  }
0xbc: {  	s0 =	sadd.s32 $0x8F2B, s0  }
0xbd: {  	[sflag:s0] =	ssyncadd.remote.s32 $0x1  }
0xbe: {  	_ =	sfence.sel $0xFFFF  }
0xbf: {  	[dreg:$0x0] =	wrdreg $0xFFFFFFFF;
	(pc) =	sbr.abs _section_cstart, $3  }
0xc0: {  	[dreg:$0x1] =	wrdreg $0xFFFFFFFF  }
0xc1: {  	_ =	task.clear_ibuf [dreg:s6], $0x2FFFF;
	_ =	strace $0x9FFFFFFF  }
0xc2: {  	(tm) =	ssettm $0x7FFFFFFF  }
0xc3: {  	_ =	shalt  }
tec
execute0_lowered:
.L_overlay_start_1:
0x0: {  	(tag) =	ssettag $0x1  }
0x1: {  	s1 =	srdreg.scid  }
0x2: {  	s0 =	stileid.u32;
	s5 =	rddreg [dreg:$0x0]  }
0x3: {  	s2 =	rddreg [dreg:$0x1];
	s3 =	simm.s32 $0x0;
	s14 =	simm.s32 $0x50  }
0x4: {  	s15 =	simm.s32 $0x4E20;
	s16 =	simm.s32 $0x7620;
	s7 =	smul.u32 $0x2710, s0  }
0x5: {  	s17 =	simm.s32 $0x1;
	s18 =	simm.s32 $0x2;
	s10 =	smul.u32 $0x271, s0  }
0x6: {  	s19 =	simm.s32 $0x4DD0;
	s6 =	sand.u32 $0x1, s1;
	s30 =	smul.u32 $0x4E200, s0  }
0x7: {  	s20 =	simm.s32 $0x0;
	s1 =	rddreg [dreg:$0x2];
	s4 =	smul.u32 $0x27100, s6  }
0x8: {  	[smem:$0x7FF] =	sst s3;
	s8 =	smul.u32 $0x2710, s6;
	s6 =	ssub.s32 $0x2, s6  }
0x9: {  	s31 =	sshll.u32 s0, $0x6;
	_ =	strace $0x8000004A;
	s11 =	sshrl.u32 s6, $0x1  }
0xa: {  	s4 =	sadd.s32 s7, s4;
	s7 =	sshrl.u32 s7, $0x3;
	s8 =	sadd.s32 s10, s8  }
0xb: {  	s11 =	ssub.s32 s6, s11;
	s10 =	sshrl.u32 s30, $0x2;
	s9 =	sshrl.u32 s4, $0x3  }
0xc: {  	s4 =	sadd.s32 $0x20A00, s5;
	s7 =	sadd.s32 s7, s5;
	s8 =	sshll.u32 s8, $0x4  }
0xd: {  	s13 =	sadd.s32 s10, s2;
	s10 =	simm.s32 $0x3;
	s9 =	sadd.s32 s9, s5  }
0xe: {  	s12 =	sadd.s32 s8, s5;
	s6 =	sadd.s32 $0x1200, s7;
	s7 =	sadd.s32 s4, s8  }
0xf: {  	s13 =	sshrl.u32 s13, $0x3;
	s5 =	sadd.s32 $0x16C00, s9;
	s8 =	sadd.s32 $0x6EC00, s12  }
0x10: {  	s9 =	smax.u32 s11, $0x1;
	s11 =	simm.s32 $0x2710;
	s12 =	sor.u32 $0x1C03, s31  }
.LBB2_1:
0x11: {  	[tilespmem:s3], [sflag:$0x3] =	stream.linear.gather [hbm4b:s5+s3], $0x2710, $0x38;
	[tilespmem:$0x1D6A0] =	vst v63  }
0x12: {  	_ =	swait.ge [sflag:s10], $0x2710  }
0x13: {  	[sflag:s10] =	ssyncset.done $0x0  }
0x14: {  	[sflag:s10] =	ssyncadd.s32 $0xFFFFD8F0  }
0x15: {  	[tilespmem:s11], [sflag:$0x3] =	stream.linear.gather [hbm4b:s6+s3], $0x2710, $0x38;
	[tilespmem:$0x1D6A0] =	vst v63  }
0x16: {  	_ =	swait.ge [sflag:s10], $0x2710  }
0x17: {  	[sflag:s10] =	ssyncset.done $0x0  }
0x18: {  	[sflag:s10] =	ssyncadd.s32 $0xFFFFD8F0  }
0x19: {  	[spmem:s13], [sflag:s12] =	dma.local [hbm:s7], $0x2710  }
0x1a: {  	_ =	swait.ge [sflag:s10], $0x2710  }
0x1b: {  	[sflag:s10] =	ssyncset.done $0x0  }
0x1c: {  	[sflag:s10] =	ssyncadd.s32 $0xFFFFD8F0  }
0x1d: {  	[bflag:$0x0] =	sbarrier.arrive $0xFFFF  }
0x1e: {  	[tilespmem:s15], [sflag:$0x1] =	stream.indirect.gather [hbm4b:s4+s14], $0x80, s3, s14, $0xb8;
	[tilespmem:$0x1D6A0] =	vst v63  }
0x1f: {  	s21 =	simm.s32 $0x50  }
0x20: {  	[tilespmem:s16], [sflag:$0x2] =	stream.indirect.gather [hbm4b:s4+s14], $0x80, s21, s14, $0xb8;
	[tilespmem:$0x1D6A0] =	vst v63  }
0x21: {  	_ =	swait.ge [sflag:s17], $0x2800  }
0x22: {  	[sflag:s17] =	ssyncset.done $0x0  }
0x23: {  	s29 =	simm.s32 $0x2710;
	[sflag:s17] =	ssyncadd.s32 $0xFFFFD800  }
0x24: {  	[spmem:s2] =	stream.indirect.scatter.add.f32 [tilespmem:s15], [sflag:$0x3], $0x80, s29, s14, $0xb8;
	[tilespmem:$0x1D6A0] =	vst v63  }
0x25: {  	_ =	swait.ge [sflag:s10], $0x2800  }
0x26: {  	[sflag:s10] =	ssyncset.done $0x0  }
0x27: {  	s30 =	simm.s32 $0xA0;
	[sflag:s10] =	ssyncadd.s32 $0xFFFFD800  }
0x28: {  	[tilespmem:s15], [sflag:$0x1] =	stream.indirect.gather [hbm4b:s4+s14], $0x80, s30, s14, $0xb8;
	[tilespmem:$0x1D6A0] =	vst v63  }
0x29: {  	_ =	swait.ge [sflag:s18], $0x2800  }
0x2a: {  	[sflag:s18] =	ssyncset.done $0x0  }
0x2b: {  	s31 =	simm.s32 $0x2760;
	[sflag:s18] =	ssyncadd.s32 $0xFFFFD800  }
0x2c: {  	[spmem:s2] =	stream.indirect.scatter.add.f32 [tilespmem:s16], [sflag:$0x3], $0x80, s31, s14, $0xb8;
	[tilespmem:$0x1D6A0] =	vst v63  }
0x2d: {  	_ =	swait.ge [sflag:s10], $0x2800  }
0x2e: {  	s22 =	simm.s32 $0x500;
	s21 =	simm.s32 $0xA0;
	[sflag:s10] =	ssyncset.done $0x0  }
.LBB2_2:
0x2f: {  	s23 =	sadd.s32 $0x50, s21  }
0x30: {  	[sflag:s10] =	ssyncadd.s32 $0xFFFFD800;
	s24 =	smov.u32 s22;
	s25 =	sadd.s32 $0x280, s22  }
0x31: {  	[tilespmem:s16], [sflag:$0x2] =	stream.indirect.gather [hbm4b:s4+s14], $0x80, s23, s14, $0xb8;
	[tilespmem:$0x1D6A0] =	vst v63  }
0x32: {  	p0 =	sne.s32 s22, $0x9880;
	_ =	swait.ge [sflag:s17], $0x2800  }
0x33: {  	[sflag:s17] =	ssyncset.done $0x0  }
0x34: {  	s22 =	sadd.s32 $0x2710, s21;
	[sflag:s17] =	ssyncadd.s32 $0xFFFFD800  }
0x35: {  	[spmem:s2] =	stream.indirect.scatter.add.f32 [tilespmem:s15], [sflag:$0x3], $0x80, s22, s14, $0xb8;
	[tilespmem:$0x1D6A0] =	vst v63  }
0x36: {  	_ =	swait.ge [sflag:s10], $0x2800  }
0x37: {  	[sflag:s10] =	ssyncset.done $0x0  }
0x38: {  	s22 =	sadd.s32 $0xA0, s21;
	[sflag:s10] =	ssyncadd.s32 $0xFFFFD800  }
0x39: {  	[tilespmem:s15], [sflag:$0x1] =	stream.indirect.gather [hbm4b:s4+s14], $0x80, s22, s14, $0xb8;
	[tilespmem:$0x1D6A0] =	vst v63  }
0x3a: {  	_ =	swait.ge [sflag:s18], $0x2800  }
.Ltmp0:
0x3b: {  	[sflag:s18] =	ssyncset.done $0x0;
	(pc) =	sbr.rel @p0 .LBB2_2-.Ltmp0, $4  }
0x3c: {  	s21 =	sadd.s32 $0x2760, s21;
	[sflag:s18] =	ssyncadd.s32 $0xFFFFD800  }
0x3d: {  	[spmem:s2] =	stream.indirect.scatter.add.f32 [tilespmem:s16], [sflag:$0x3], $0x80, s21, s14, $0xb8;
	[tilespmem:$0x1D6A0] =	vst v63  }
0x3e: {  	_ =	swait.ge [sflag:s10], $0x2800  }
0x3f: {  	s22 =	smov.u32 s25;
	s21 =	sshra.s32 s24, $0x2;
	[sflag:s10] =	ssyncset.done $0x0  }
0x40: {  	s22 =	sadd.s32 $0x50, s21;
	[sflag:s10] =	ssyncadd.s32 $0xFFFFD800  }
0x41: {  	[tilespmem:s16], [sflag:$0x2] =	stream.indirect.gather [hbm4b:s4+s14], $0x80, s22, s14, $0xb8;
	[tilespmem:$0x1D6A0] =	vst v63  }
0x42: {  	_ =	swait.ge [sflag:s17], $0x2800  }
0x43: {  	[sflag:s17] =	ssyncset.done $0x0  }
0x44: {  	s29 =	sadd.s32 $0x2710, s21;
	[sflag:s17] =	ssyncadd.s32 $0xFFFFD800  }
0x45: {  	[spmem:s2] =	stream.indirect.scatter.add.f32 [tilespmem:s15], [sflag:$0x3], $0x80, s29, s14, $0xb8;
	[tilespmem:$0x1D6A0] =	vst v63  }
0x46: {  	_ =	swait.ge [sflag:s10], $0x2800  }
0x47: {  	[sflag:s10] =	ssyncset.done $0x0  }
0x48: {  	s30 =	sadd.s32 $0xA0, s21;
	[sflag:s10] =	ssyncadd.s32 $0xFFFFD800  }
0x49: {  	[tilespmem:s15], [sflag:$0x1] =	stream.indirect.gather [hbm4b:s4+s14], $0x80, s30, s14, $0xb8;
	[tilespmem:$0x1D6A0] =	vst v63  }
0x4a: {  	_ =	swait.ge [sflag:s18], $0x2800  }
0x4b: {  	[sflag:s18] =	ssyncset.done $0x0  }
0x4c: {  	s31 =	sadd.s32 $0x2760, s21;
	[sflag:s18] =	ssyncadd.s32 $0xFFFFD800  }
0x4d: {  	[spmem:s2] =	stream.indirect.scatter.add.f32 [tilespmem:s16], [sflag:$0x3], $0x80, s31, s14, $0xb8;
	[tilespmem:$0x1D6A0] =	vst v63  }
0x4e: {  	_ =	swait.ge [sflag:s10], $0x2800  }
0x4f: {  	[sflag:s10] =	ssyncset.done $0x0  }
0x50: {  	[sflag:s10] =	ssyncadd.s32 $0xFFFFD800  }
0x51: {  	_ =	swait.ge [sflag:s17], $0x2800  }
0x52: {  	[sflag:s17] =	ssyncset.done $0x0  }
0x53: {  	[sflag:s17] =	ssyncadd.s32 $0xFFFFD800  }
0x54: {  	[spmem:s2] =	stream.indirect.scatter.add.f32 [tilespmem:s15], [sflag:$0x3], $0x80, s19, s14, $0xb8;
	[tilespmem:$0x1D6A0] =	vst v63  }
0x55: {  	_ =	swait.ge [sflag:s10], $0x2800  }
0x56: {  	s20 =	sadd.s32 $0x1, s20;
	[sflag:s10] =	ssyncset.done $0x0  }
0x57: {  	p0 =	sne.s32 s20, s9;
	[sflag:s10] =	ssyncadd.s32 $0xFFFFD800  }
.Ltmp1:
0x58: {  	[bflag:$0x0] =	sbarrier.arrive $0xFFFF;
	(pc) =	sbr.rel @p0 .LBB2_1-.Ltmp1, $4  }
0x59: {  	[hbm:s8], [sflag:s12] =	dma.local [spmem:s13], $0x2710  }
0x5a: {  	_ =	swait.ge [sflag:s10], $0x2710  }
0x5b: {  	[sflag:s10] =	ssyncset.done $0x0  }
0x5c: {  	[sflag:s10] =	ssyncadd.s32 $0xFFFFD8F0  }
0x5d: {  	_ =	sfence.sel $0x180000  }
0x5e: {  	[bflag:$0x0] =	sbarrier.arrive $0xFFFF  }
0x5f: {  	p0 =	sne.s32 s0, $0x0;
	_ =	strace $0x9000004A  }
0x60: {  	s0 =	sadd.s32 @!p0 $0x100000, s1;
	[bflag:$0x2] =	sbarrier.arrive $0xFFFF  }
0x61: {  	[sflag:s0] =	ssyncadd.tile.s32 @!p0 $0x1;
	_ =	shalt  }
.Lfunc_end2:
_tile_overlayer_lowered:
.L_overlay_start_2:
0x62: {  	(tag) =	ssettag $0x2  }
0x63: {  	s0 =	rddreg [dreg:$0x0];
	s2 =	stileid.u32  }
0x64: {  	s1 =	rddreg [dreg:$0x1];
	p0 =	sne.s32 s2, $0x0  }
0x65: {  	s3 =	rddreg [dreg:$0x2];
	[bflag:$0x3] =	sbarrier.arrive $0xFFFF;
	s2 =	simm.s32 @!p0 $0x1C03  }
0x66: {  	[timem:s3], [sflag:s2] =	dma.local @!p0 [hbm:s0], s1  }
0x67: {  	s0 =	simm.s32 @!p0 $0x3  }
0x68: {  	_ =	swait.ge @!p0 [sflag:s0], s1  }
0x69: {  	s1 =	ssub.s32 @!p0 $0x0, s1;
	[sflag:s0] =	ssyncset.done @!p0 $0x0  }
0x6a: {  	[sflag:s0] =	ssyncadd.s32 @!p0 s1  }
0x6b: {  	[bflag:$0x3] =	sbarrier.arrive $0xFFFF  }
0x6c: {  	_ =	shalt  }

// kernel: kernel.16.cloned.1.call-start
scs
__scs_entry_jumppad:
0x0: {  	(pc) =	sbr.rel $0x88, $3  }
0x1: {  	(tag) =	ssettag $0x0;
	lr =	simm.s32 $0x1  }
0x2: {  	[smem:$0x3F96] =	sst lr;
	_ =	strace $0xD0000000  }
0x3: {  	_ = 	snop  }
0x4: {  	_ = 	snop  }
0x5: {  	_ = 	snop  }
0x6: {  	_ = 	snop  }
0x7: {  	_ = 	snop  }
__scs_overlays_trampoline_lowered:
0x8: {  	[smem:$0x3FA5] =	sst s0  }
0x9: {  	[smem:$0x3FA6] =	sst s1  }
0xa: {  	[smem:$0x3FA7] =	sst s2  }
0xb: {  	[smem:$0x3FA8] =	sst s3  }
0xc: {  	[smem:$0x3FA9] =	sst s4  }
0xd: {  	[smem:$0x3FAA] =	sst s5  }
0xe: {  	[smem:$0x3FAB] =	sst s6  }
0xf: {  	[smem:$0x3FAC] =	sst s7  }
0x10: {  	[smem:$0x3FAD] =	sst s8  }
0x11: {  	[smem:$0x3FAE] =	sst s9;
	s0 =	simm.s32 @!p0 $0x0  }
0x12: {  	s1 =	sld [smem:$0x3F94];
	s0 =	simm.s32 @p0 $0x1  }
0x13: {  	[smem:$0x3FAF] =	sst s0;
	s0 =	simm.s32 @!p1 $0x0  }
0x14: {  	s2 =	sld [smem:$0x3F93];
	s0 =	simm.s32 @p1 $0x1  }
0x15: {  	[smem:$0x3FB0] =	sst s0;
	s0 =	simm.s32 @!p2 $0x0  }
0x16: {  	s3 =	sld [smem:$0x3FDB];
	s0 =	simm.s32 @p2 $0x1  }
0x17: {  	s4 =	simm.s32 $0x1BF5;
	[smem:$0x3FB2] =	sst s0  }
0x18: {  	s0 =	sld [smem:$0x3F95];
	_ =	swait.ge [sflag:s4], $0x0  }
0x19: {  	s7 =	sld [smem:$0x3F96]  }
0x1a: {  	s8 =	sadd.s32 $0xFFFFE003, lr  }
0x1b: {  	s9 =	sadd.s32 $0xFFFFFEF7, lr;
	s5 =	simm.s32 $0xFFFFFFFF;
	p2 =	slt.u32 s8, $0xFFFFF086  }
0x1c: {  	p1 =	slt.u32 s9, $0xF7A;
	s5 =	simm.s32 @!p2 $0x0  }
0x1d: {  	s5 =	simm.s32 @p1 $0x1;
	p0 =	seq.s32 s7, s2  }
0x1e: {  	s7 =	smul.u32 @!p0 $0xF7A, s2;
	p2 =	seq.s32 @!p0 s5, $0x0  }
0x1f: {  	s9 =	smul.u32 $0xF7A, s1;
	s8 =	simm.s32 @!p0 $0x1BF5;
	p2 =	por !p2, p0  }
0x20: {  	[sflag:s8] =	ssyncset.s32 @!p0 $0xFFFFF086;
	s6 =	sadd.s32 @!p0 s3, s7;
	s7 =	simm.s32 @!p0 $0x108  }
0x21: {  	s3 =	sadd.s32 s3, s9;
	s6 =	sadd.s32 @!p0 $0x88, s6;
	s7 =	simm.s32 @p2 $0x1082  }
0x22: {  	[simem:s7], [sflag:s8] =	dma.local @!p0 [hbm:s6], $0xF7A  }
0x23: {  	s9 =	sor.u32 $0xD0000000, s2;
	s6 =	simm.s32 $0x108;
	_ =	swait.ge @!p0 [sflag:s8], $0x0  }
0x24: {  	s3 =	sadd.s32 $0x88, s3;
	s6 =	simm.s32 @!p1 $0x1082;
	[sflag:s4] =	ssyncset.s32 $0xFFFFF086  }
0x25: {  	[simem:s6], [sflag:s4] =	dma.local [hbm:s3], $0xF7A  }
0x26: {  	[smem:$0x3F96] =	sst s1;
	(tag) =	ssettag s2;
	_ =	strace s9  }
0x27: {  	s1 =	sld [smem:$0x3FA6]  }
0x28: {  	s2 =	sld [smem:$0x3FA7]  }
0x29: {  	s4 =	sld [smem:$0x3FA9]  }
0x2a: {  	p0 =	seq.s32 s5, $0x0;
	s5 =	sld [smem:$0x3FAA]  }
0x2b: {  	s6 =	sld [smem:$0x3FAB]  }
0x2c: {  	s7 =	sld [smem:$0x3FAC]  }
0x2d: {  	s3 =	simm.s32 $0x108;
	s8 =	sld [smem:$0x3FAD]  }
0x2e: {  	s3 =	simm.s32 @!p0 $0x1082;
	s9 =	sld [smem:$0x3FAE]  }
0x2f: {  	lr =	sadd.s32 s0, s3;
	s0 =	sld [smem:$0x3FA5]  }
0x30: {  	s3 =	sld [smem:$0x3FA8]  }
0x31: {  	[smem:$0x3FB1] =	sst s10  }
0x32: {  	s10 =	sld [smem:$0x3FAF];
	_ =	sdelay $0x3  }
0x33: {  	p0 =	seq.s32 s10, $0x1;
	s10 =	sld [smem:$0x3FB1];
	_ =	sdelay $0x3  }
0x34: {  	[smem:$0x3FB1] =	sst s10  }
0x35: {  	s10 =	sld [smem:$0x3FB0];
	_ =	sdelay $0x3  }
0x36: {  	p1 =	seq.s32 s10, $0x1;
	s10 =	sld [smem:$0x3FB1];
	_ =	sdelay $0x3  }
0x37: {  	[smem:$0x3FB1] =	sst s10  }
0x38: {  	s10 =	sld [smem:$0x3FB2]  }
0x39: {  	_ = 	snop;
	(pc) =	sbr.ind lr, $3  }
0x3a: {  	_ = 	snop  }
0x3b: {  	_ = 	snop  }
0x3c: {  	p2 =	seq.s32 s10, $0x1;
	s10 =	sld [smem:$0x3FB1]  }
0x3d: {  	_ =	shalt  }
0x3e: {  	_ =	shalt  }
0x3f: {  	_ =	shalt  }
0x40: {  	_ =	shalt  }
0x41: {  	_ =	shalt  }
0x42: {  	_ =	shalt  }
0x43: {  	_ =	shalt  }
0x44: {  	_ =	shalt  }
0x45: {  	_ =	shalt  }
0x46: {  	_ =	shalt  }
0x47: {  	_ =	shalt  }
0x48: {  	_ =	shalt  }
0x49: {  	_ =	shalt  }
0x4a: {  	_ =	shalt  }
0x4b: {  	_ =	shalt  }
0x4c: {  	_ =	shalt  }
0x4d: {  	_ =	shalt  }
0x4e: {  	_ =	shalt  }
0x4f: {  	_ =	shalt  }
0x50: {  	_ =	shalt  }
0x51: {  	_ =	shalt  }
0x52: {  	_ =	shalt  }
0x53: {  	_ =	shalt  }
0x54: {  	_ =	shalt  }
0x55: {  	_ =	shalt  }
0x56: {  	_ =	shalt  }
0x57: {  	_ =	shalt  }
0x58: {  	_ =	shalt  }
0x59: {  	_ =	shalt  }
0x5a: {  	_ =	shalt  }
0x5b: {  	_ =	shalt  }
0x5c: {  	_ =	shalt  }
0x5d: {  	_ =	shalt  }
0x5e: {  	_ =	shalt  }
0x5f: {  	_ =	shalt  }
0x60: {  	_ =	shalt  }
0x61: {  	_ =	shalt  }
0x62: {  	_ =	shalt  }
0x63: {  	_ =	shalt  }
0x64: {  	_ =	shalt  }
0x65: {  	_ =	shalt  }
0x66: {  	_ =	shalt  }
0x67: {  	_ =	shalt  }
0x68: {  	_ =	shalt  }
0x69: {  	_ =	shalt  }
0x6a: {  	_ =	shalt  }
0x6b: {  	_ =	shalt  }
0x6c: {  	_ =	shalt  }
0x6d: {  	_ =	shalt  }
0x6e: {  	_ =	shalt  }
0x6f: {  	_ =	shalt  }
0x70: {  	_ =	shalt  }
0x71: {  	_ =	shalt  }
0x72: {  	_ =	shalt  }
0x73: {  	_ =	shalt  }
0x74: {  	_ =	shalt  }
0x75: {  	_ =	shalt  }
0x76: {  	_ =	shalt  }
0x77: {  	_ =	shalt  }
0x78: {  	_ =	shalt  }
0x79: {  	_ =	shalt  }
0x7a: {  	_ =	shalt  }
0x7b: {  	_ =	shalt  }
0x7c: {  	_ =	shalt  }
0x7d: {  	_ =	shalt  }
0x7e: {  	_ =	shalt  }
0x7f: {  	_ =	shalt  }
0x80: {  	_ =	shalt  }
0x81: {  	_ =	shalt  }
0x82: {  	_ =	shalt  }
0x83: {  	_ =	shalt  }
0x84: {  	_ =	shalt  }
0x85: {  	_ =	shalt  }
0x86: {  	_ =	shalt  }
0x87: {  	_ =	shalt  }
.Lfunc_end0:
.L_simem_size_0:
called_computation.2_lowered:
.L_overlay_start_0:
0x88: {  	s2 =	sld [smem:$0x3FD9]  }
0x89: {  	s3 =	sld [smem:$0x3FFE];
	_ =	sdelay $0x1  }
0x8a: {  	s1 =	srdreg.scid  }
0x8b: {  	s0 =	sand.u32 $0x1, s1  }
0x8c: {  	s16 =	sshll.u32 s0, $0xA;
	s2 =	sadd.s32 s3, s2  }
0x8d: {  	s2 =	sadd.s32 s2, s16  }
0x8e: {  	[smem:$0x3FBD] =	sst s2  }
0x8f: {  	_ = 	snop  }
0x90: {  	(tm) =	ssettm $0x1  }
0x91: {  	s17 =	sld [smem:$0x3FFB];
	_ =	sdelay $0x3  }
0x92: {  	_ =	strace s17  }
0x93: {  	s2 =	sld [smem:$0x3FFC];
	_ =	sdelay $0x3  }
0x94: {  	_ =	strace s2  }
0x95: {  	s2 =	sld [smem:$0x3FFD];
	_ =	sdelay $0x3  }
0x96: {  	_ =	strace s2  }
0x97: {  	_ =	strace $0x8FFFFFFF  }
0x98: {  	s18 =	sld [smem:$0x3FDB];
	_ =	sdelay $0x1  }
0x99: {  	s19 =	simm.s32 $_scs_section_size  }
0x9a: {  	s4 =	simm.s32 $_size__tile_overlayer_lowered;
	s5 =	simm.s32 $_tile_overlayer_lowered  }
0x9b: {  	s22 =	simm.s32 $0x1BFF;
	s21 =	sshll.u32 s5, $0x1;
	s2 =	sadd.s32 s19, s18  }
0x9c: {  	s6 =	simm.s32 $0x0;
	s20 =	sshll.u32 s4, $0x1;
	s4 =	sadd.s32 s21, s2  }
0x9d: {  	[timem:s6], [sflag:s22] =	dma.local [hbm:s4], s20  }
0x9e: {  	_ =	swait.ge [sflag:s22], s20  }
0x9f: {  	s3 =	ssub.s32 $0x0, s20;
	[sflag:s22] =	ssyncset.done $0x0  }
0xa0: {  	[sflag:s22] =	ssyncadd.s32 s3;
	_ =	sdelay $0x1  }
0xa1: {  	s23 =	simm.s32 $0x1B8B  }
0xa2: {  	_ =	swait.ge [sflag:s23], $0x1  }
0xa3: {  	[sflag:s23] =	ssyncset.done $0x0  }
0xa4: {  	s25 =	simm.s32 $0x1B8E;
	s24 =	sld [smem:$0x3FFE];
	[sflag:s23] =	ssyncadd.s32 $0xFFFFFFFF  }
0xa5: {  	s26 =	simm.s32 $execute0_lowered;
	[smem:$0x3FD2] =	sst s25  }
0xa6: {  	s4 =	sshll.u32 s26, $0x1;
	_ =	strace $0x8000004C;
	[dreg:$0x1] =	wrdreg $0xFFFFFFFF  }
0xa7: {  	s28 =	simm.s32 $_size_execute0_lowered;
	s2 =	sadd.s32 s2, s4;
	[dreg:$0x0] =	wrdreg $0x0  }
0xa8: {  	s4 =	sshll.u32 s28, $0x1;
	[dreg:$0x2] =	wrdreg s2  }
0xa9: {  	[dreg:$0x3] =	wrdreg s4  }
0xaa: {  	[dreg:$0x4] =	wrdreg $0xC0  }
0xab: {  	_ =	task [dreg:s6], $0x5FFFF  }
0xac: {  	[dreg:$0x1] =	wrdreg $0xFFFFFFFF  }
0xad: {  	[dreg:$0x0] =	wrdreg $0x60  }
0xae: {  	[dreg:$0x2] =	wrdreg s24  }
0xaf: {  	[dreg:$0x3] =	wrdreg $0xEE200  }
0xb0: {  	[dreg:$0x4] =	wrdreg $0x9  }
0xb1: {  	_ =	task.clear_ibuf [dreg:s6], $0x5FFFF;
	_ =	strace $0x9000004C  }
0xb2: {  	s29 =	simm.s32 $0x9;
	_ =	strace $0x8000004E  }
0xb3: {  	_ =	swait.ge [sflag:s29], $0x1  }
0xb4: {  	[sflag:s29] =	ssyncadd.s32 $0xFFFFFFFF  }
0xb5: {  	_ =	strace $0x9000004E  }
0xb6: {  	_ =	sfence  }
0xb7: {  	s30 =	sld [smem:$0x0];
	_ =	sdelay $0x2  }
0xb8: {  	s31 =	sshll.u32 s1, $0xD;
	s1 =	sshrl.u32 s1, $0x2  }
0xb9: {  	s3 =	sand.u32 $0x4000, s31;
	s1 =	sadd.s32 s1, s30  }
0xba: {  	s0 =	sor.u32 s3, s0;
	s1 =	sshll.u32 s1, $0x11  }
0xbb: {  	s0 =	sor.u32 s1, s0  }
0xbc: {  	s0 =	sadd.s32 $0x8F2B, s0  }
0xbd: {  	[sflag:s0] =	ssyncadd.remote.s32 $0x1  }
0xbe: {  	_ =	sfence.sel $0xFFFF  }
0xbf: {  	[dreg:$0x0] =	wrdreg $0xFFFFFFFF;
	(pc) =	sbr.abs _section_cstart, $3  }
0xc0: {  	[dreg:$0x1] =	wrdreg $0xFFFFFFFF  }
0xc1: {  	_ =	task.clear_ibuf [dreg:s6], $0x2FFFF;
	_ =	strace $0x9FFFFFFF  }
0xc2: {  	(tm) =	ssettm $0x7FFFFFFF  }
0xc3: {  	_ =	shalt  }
tec
execute0_lowered:
.L_overlay_start_1:
0x0: {  	(tag) =	ssettag $0x1  }
0x1: {  	s0 =	srdreg.scid;
	s1 =	rddreg [dreg:$0x0]  }
0x2: {  	s9 =	stileid.u32;
	s2 =	rddreg [dreg:$0x1]  }
0x3: {  	s5 =	simm.s32 $0x0;
	s13 =	simm.s32 $0x11;
	s14 =	simm.s32 $0x50  }
0x4: {  	s15 =	simm.s32 $0x4E20;
	s16 =	simm.s32 $0x6220;
	s18 =	simm.s32 $0x7620  }
0x5: {  	s20 =	simm.s32 $0x8A20;
	s21 =	simm.s32 $0x1;
	s28 =	simm.s32 $0xB220  }
0x6: {  	s29 =	simm.s32 $0x3;
	s30 =	simm.s32 $0x6;
	s31 =	simm.s32 $0xA  }
0x7: {  	s17 =	simm.s32 $0x7;
	s19 =	simm.s32 $0xB;
	s3 =	smul.u32 $0x2710, s9  }
0x8: {  	s11 =	simm.s32 $0xC;
	s10 =	simm.s32 $0x0;
	s7 =	smul.u32 $0x271, s9  }
0x9: {  	s0 =	sand.u32 $0x1, s0;
	[smem:$0x7FF] =	sst s5;
	s23 =	smul.u32 $0x27100, s9  }
0xa: {  	s25 =	sshll.u32 s9, $0x6;
	s9 =	simm.s32 $0x10;
	s4 =	smul.u32 $0x27100, s0  }
0xb: {  	s22 =	smul.u32 $0x2710, s0;
	_ =	strace $0x8000004D;
	s0 =	ssub.s32 $0x2, s0  }
0xc: {  	s12 =	sor.u32 $0x1C11, s25;
	s25 =	simm.s32 $0x5;
	[dreg:$0x9] =	wrdreg s10  }
0xd: {  	s8 =	sshrl.u32 s0, $0x1;
	[dreg:$0x8] =	wrdreg s12;
	s4 =	sadd.s32 s3, s4  }
0xe: {  	s3 =	sshrl.u32 s3, $0x3;
	s5 =	sadd.s32 s7, s22;
	s0 =	ssub.s32 s0, s8  }
0xf: {  	s7 =	sshrl.u32 s23, $0x2;
	s23 =	simm.s32 $0x9E20;
	s22 =	simm.s32 $0xDA20  }
0x10: {  	s8 =	simm.s32 $0xF;
	s6 =	sshrl.u32 s4, $0x3;
	s4 =	sadd.s32 $0x20A00, s1  }
0x11: {  	s3 =	sadd.s32 s3, s1;
	s5 =	sshll.u32 s5, $0x3;
	s24 =	sadd.s32 s7, s2  }
0x12: {  	s0 =	smax.u32 s0, $0x1;
	s7 =	simm.s32 $0xE;
	s6 =	sadd.s32 s6, s1  }
0x13: {  	s1 =	sadd.s32 s5, s1;
	s3 =	sadd.s32 $0x1200, s3;
	[dreg:$0x7] =	wrdreg s0  }
0x14: {  	s5 =	sadd.s32 s4, s5;
	s26 =	sshrl.u32 s24, $0x3;
	[dreg:$0x4] =	wrdreg s3  }
0x15: {  	s24 =	simm.s32 $0x2;
	s0 =	simm.s32 $0x4;
	[dreg:$0x5] =	wrdreg s5  }
0x16: {  	s6 =	sadd.s32 $0x16C00, s6;
	s1 =	sadd.s32 $0x47C00, s1;
	[dreg:$0xa] =	wrdreg s26  }
0x17: {  	s26 =	simm.s32 $0x9;
	s5 =	simm.s32 $0x8;
	[dreg:$0x3] =	wrdreg s6  }
0x18: {  	[dreg:$0x6] =	wrdreg s1;
	s1 =	simm.s32 $0xC620;
	s6 =	simm.s32 $0xD  }
.LBB2_1:
0x19: {  	s10 =	simm.s32 $0x0;
	s12 =	rddreg [dreg:$0x3]  }
0x1a: {  	[tilespmem:s10], [sflag:$0x11] =	stream.linear.gather [hbm4b:s12+s10], $0x2710, $0x38;
	[tilespmem:$0x18A60] =	vst v63  }
0x1b: {  	_ =	swait.ge [sflag:s13], $0x2710  }
0x1c: {  	s3 =	simm.s32 $0x0;
	[sflag:s13] =	ssyncset.done $0x0  }
0x1d: {  	s10 =	simm.s32 $0x2710;
	s12 =	rddreg [dreg:$0x4];
	[sflag:s13] =	ssyncadd.s32 $0xFFFFD8F0  }
0x1e: {  	[tilespmem:s10], [sflag:$0x11] =	stream.linear.gather [hbm4b:s12+s3], $0x2710, $0x38;
	[tilespmem:$0x18A60] =	vst v63  }
0x1f: {  	_ =	swait.ge [sflag:s13], $0x2710  }
0x20: {  	s12 =	rddreg [dreg:$0x5]  }
0x21: {  	[sflag:s13] =	ssyncset.done $0x0;
	s3 =	rddreg [dreg:$0x8]  }
0x22: {  	s10 =	rddreg [dreg:$0xa];
	[sflag:s13] =	ssyncadd.s32 $0xFFFFD8F0  }
0x23: {  	[spmem:s10], [sflag:s3] =	dma.local [hbm:s12], $0x1388  }
0x24: {  	_ =	swait.ge [sflag:s13], $0x1388  }
0x25: {  	[sflag:s13] =	ssyncset.done $0x0  }
0x26: {  	[sflag:s13] =	ssyncadd.s32 $0xFFFFEC78  }
0x27: {  	s12 =	simm.s32 $0x0;
	[bflag:$0x0] =	sbarrier.arrive $0xFFFF  }
0x28: {  	[tilespmem:s15], [sflag:$0x1] =	stream.indirect.gather [hbm4b:s4+s14], $0x40, s12, s14, $0xb8;
	[tilespmem:$0x18A60] =	vst v63  }
0x29: {  	_ = 	snop  }
0x2a: {  	[tilespmem:s16], [sflag:$0x2] =	stream.indirect.gather [hbm4b:s4+s14], $0x40, s14, s14, $0xb8;
	[tilespmem:$0x18A60] =	vst v63  }
0x2b: {  	s13 =	simm.s32 $0xA0  }
0x2c: {  	[tilespmem:s18], [sflag:$0x3] =	stream.indirect.gather [hbm4b:s4+s14], $0x40, s13, s14, $0xb8;
	[tilespmem:$0x18A60] =	vst v63  }
0x2d: {  	s3 =	simm.s32 $0xF0  }
0x2e: {  	[tilespmem:s20], [sflag:$0x4] =	stream.indirect.gather [hbm4b:s4+s14], $0x40, s3, s14, $0xb8;
	[tilespmem:$0x18A60] =	vst v63  }
0x2f: {  	_ =	swait.ge [sflag:s21], $0x1400  }
0x30: {  	[sflag:s21] =	ssyncset.done $0x0  }
0x31: {  	s12 =	simm.s32 $0x2710;
	[sflag:s21] =	ssyncadd.s32 $0xFFFFEC00  }
0x32: {  	[spmem:s2] =	stream.indirect.scatter.add.f32 [tilespmem:s15], [sflag:$0x9], $0x40, s12, s14, $0xb8;
	[tilespmem:$0x18A60] =	vst v63  }
0x33: {  	s13 =	simm.s32 $0x140  }
0x34: {  	[tilespmem:s23], [sflag:$0x5] =	stream.indirect.gather [hbm4b:s4+s14], $0x40, s13, s14, $0xb8;
	[tilespmem:$0x18A60] =	vst v63  }
0x35: {  	_ =	swait.ge [sflag:s24], $0x1400  }
0x36: {  	[sflag:s24] =	ssyncset.done $0x0  }
0x37: {  	s3 =	simm.s32 $0x2760;
	[sflag:s24] =	ssyncadd.s32 $0xFFFFEC00  }
0x38: {  	[spmem:s2] =	stream.indirect.scatter.add.f32 [tilespmem:s16], [sflag:$0xA], $0x40, s3, s14, $0xb8;
	[tilespmem:$0x18A60] =	vst v63  }
0x39: {  	s12 =	simm.s32 $0x190  }
0x3a: {  	[tilespmem:s28], [sflag:$0x6] =	stream.indirect.gather [hbm4b:s4+s14], $0x40, s12, s14, $0xb8;
	[tilespmem:$0x18A60] =	vst v63  }
0x3b: {  	_ =	swait.ge [sflag:s29], $0x1400  }
0x3c: {  	[sflag:s29] =	ssyncset.done $0x0  }
0x3d: {  	s13 =	simm.s32 $0x27B0;
	[sflag:s29] =	ssyncadd.s32 $0xFFFFEC00  }
0x3e: {  	[spmem:s2] =	stream.indirect.scatter.add.f32 [tilespmem:s18], [sflag:$0xB], $0x40, s13, s14, $0xb8;
	[tilespmem:$0x18A60] =	vst v63  }
0x3f: {  	s3 =	simm.s32 $0x1E0  }
0x40: {  	[tilespmem:s1], [sflag:$0x7] =	stream.indirect.gather [hbm4b:s4+s14], $0x40, s3, s14, $0xb8;
	[tilespmem:$0x18A60] =	vst v63  }
0x41: {  	_ =	swait.ge [sflag:s0], $0x1400  }
0x42: {  	[sflag:s0] =	ssyncset.done $0x0  }
0x43: {  	s12 =	simm.s32 $0x2800;
	[sflag:s0] =	ssyncadd.s32 $0xFFFFEC00  }
0x44: {  	[spmem:s2] =	stream.indirect.scatter.add.f32 [tilespmem:s20], [sflag:$0xC], $0x40, s12, s14, $0xb8;
	[tilespmem:$0x18A60] =	vst v63  }
0x45: {  	s13 =	simm.s32 $0x230  }
0x46: {  	[tilespmem:s22], [sflag:$0x8] =	stream.indirect.gather [hbm4b:s4+s14], $0x40, s13, s14, $0xb8;
	[tilespmem:$0x18A60] =	vst v63  }
0x47: {  	_ =	swait.ge [sflag:s25], $0x1400  }
0x48: {  	[sflag:s25] =	ssyncset.done $0x0  }
0x49: {  	s3 =	simm.s32 $0x2850;
	[sflag:s25] =	ssyncadd.s32 $0xFFFFEC00  }
0x4a: {  	[spmem:s2] =	stream.indirect.scatter.add.f32 [tilespmem:s23], [sflag:$0xD], $0x40, s3, s14, $0xb8;
	[tilespmem:$0x18A60] =	vst v63  }
0x4b: {  	_ =	swait.ge [sflag:s26], $0x1400  }
0x4c: {  	[sflag:s26] =	ssyncset.done $0x0  }
0x4d: {  	s10 =	simm.s32 $0x280;
	[sflag:s26] =	ssyncadd.s32 $0xFFFFEC00  }
0x4e: {  	[tilespmem:s15], [sflag:$0x1] =	stream.indirect.gather [hbm4b:s4+s14], $0x40, s10, s14, $0xb8;
	[tilespmem:$0x18A60] =	vst v63  }
0x4f: {  	_ =	swait.ge [sflag:s30], $0x1400  }
0x50: {  	[sflag:s30] =	ssyncset.done $0x0  }
0x51: {  	s13 =	simm.s32 $0x28A0;
	[sflag:s30] =	ssyncadd.s32 $0xFFFFEC00  }
0x52: {  	[spmem:s2] =	stream.indirect.scatter.add.f32 [tilespmem:s28], [sflag:$0xE], $0x40, s13, s14, $0xb8;
	[tilespmem:$0x18A60] =	vst v63  }
0x53: {  	_ =	swait.ge [sflag:s31], $0x1400  }
0x54: {  	[sflag:s31] =	ssyncset.done $0x0  }
0x55: {  	s3 =	simm.s32 $0x2D0;
	[sflag:s31] =	ssyncadd.s32 $0xFFFFEC00  }
0x56: {  	[tilespmem:s16], [sflag:$0x2] =	stream.indirect.gather [hbm4b:s4+s14], $0x40, s3, s14, $0xb8;
	[tilespmem:$0x18A60] =	vst v63  }
0x57: {  	_ =	swait.ge [sflag:s17], $0x1400  }
0x58: {  	[sflag:s17] =	ssyncset.done $0x0  }
0x59: {  	s10 =	simm.s32 $0x28F0;
	[sflag:s17] =	ssyncadd.s32 $0xFFFFEC00  }
0x5a: {  	[spmem:s2] =	stream.indirect.scatter.add.f32 [tilespmem:s1], [sflag:$0xF], $0x40, s10, s14, $0xb8;
	[tilespmem:$0x18A60] =	vst v63  }
0x5b: {  	_ =	swait.ge [sflag:s19], $0x1400  }
0x5c: {  	[sflag:s19] =	ssyncset.done $0x0  }
0x5d: {  	s13 =	simm.s32 $0x320;
	[sflag:s19] =	ssyncadd.s32 $0xFFFFEC00  }
0x5e: {  	[tilespmem:s18], [sflag:$0x3] =	stream.indirect.gather [hbm4b:s4+s14], $0x40, s13, s14, $0xb8;
	[tilespmem:$0x18A60] =	vst v63  }
0x5f: {  	_ =	swait.ge [sflag:s5], $0x1400  }
0x60: {  	[sflag:s5] =	ssyncset.done $0x0  }
0x61: {  	s3 =	simm.s32 $0x2940;
	[sflag:s5] =	ssyncadd.s32 $0xFFFFEC00  }
0x62: {  	[spmem:s2] =	stream.indirect.scatter.add.f32 [tilespmem:s22], [sflag:$0x10], $0x40, s3, s14, $0xb8;
	[tilespmem:$0x18A60] =	vst v63  }
0x63: {  	_ =	swait.ge [sflag:s11], $0x1400  }
0x64: {  	[sflag:s11] =	ssyncset.done $0x0  }
0x65: {  	s10 =	simm.s32 $0x370;
	[sflag:s11] =	ssyncadd.s32 $0xFFFFEC00  }
0x66: {  	[tilespmem:s20], [sflag:$0x4] =	stream.indirect.gather [hbm4b:s4+s14], $0x40, s10, s14, $0xb8;
	[tilespmem:$0x18A60] =	vst v63  }
0x67: {  	_ =	swait.ge [sflag:s21], $0x1400  }
0x68: {  	[sflag:s21] =	ssyncset.done $0x0  }
0x69: {  	s13 =	simm.s32 $0x2990;
	[sflag:s21] =	ssyncadd.s32 $0xFFFFEC00  }
0x6a: {  	[spmem:s2] =	stream.indirect.scatter.add.f32 [tilespmem:s15], [sflag:$0x9], $0x40, s13, s14, $0xb8;
	[tilespmem:$0x18A60] =	vst v63  }
0x6b: {  	_ =	swait.ge [sflag:s6], $0x1400  }
0x6c: {  	[sflag:s6] =	ssyncset.done $0x0  }
0x6d: {  	s3 =	simm.s32 $0x3C0;
	[sflag:s6] =	ssyncadd.s32 $0xFFFFEC00  }
0x6e: {  	[tilespmem:s23], [sflag:$0x5] =	stream.indirect.gather [hbm4b:s4+s14], $0x40, s3, s14, $0xb8;
	[tilespmem:$0x18A60] =	vst v63  }
0x6f: {  	_ =	swait.ge [sflag:s24], $0x1400  }
0x70: {  	[sflag:s24] =	ssyncset.done $0x0  }
0x71: {  	s10 =	simm.s32 $0x29E0;
	[sflag:s24] =	ssyncadd.s32 $0xFFFFEC00  }
0x72: {  	[spmem:s2] =	stream.indirect.scatter.add.f32 [tilespmem:s16], [sflag:$0xA], $0x40, s10, s14, $0xb8;
	[tilespmem:$0x18A60] =	vst v63  }
0x73: {  	_ =	swait.ge [sflag:s7], $0x1400  }
0x74: {  	[sflag:s7] =	ssyncset.done $0x0  }
0x75: {  	s13 =	simm.s32 $0x410;
	[sflag:s7] =	ssyncadd.s32 $0xFFFFEC00  }
0x76: {  	[tilespmem:s28], [sflag:$0x6] =	stream.indirect.gather [hbm4b:s4+s14], $0x40, s13, s14, $0xb8;
	[tilespmem:$0x18A60] =	vst v63  }
0x77: {  	_ =	swait.ge [sflag:s29], $0x1400  }
0x78: {  	[sflag:s29] =	ssyncset.done $0x0  }
0x79: {  	s3 =	simm.s32 $0x2A30;
	[sflag:s29] =	ssyncadd.s32 $0xFFFFEC00  }
0x7a: {  	[spmem:s2] =	stream.indirect.scatter.add.f32 [tilespmem:s18], [sflag:$0xB], $0x40, s3, s14, $0xb8;
	[tilespmem:$0x18A60] =	vst v63  }
0x7b: {  	_ =	swait.ge [sflag:s8], $0x1400  }
0x7c: {  	[sflag:s8] =	ssyncset.done $0x0  }
0x7d: {  	s10 =	simm.s32 $0x460;
	[sflag:s8] =	ssyncadd.s32 $0xFFFFEC00  }
0x7e: {  	[tilespmem:s1], [sflag:$0x7] =	stream.indirect.gather [hbm4b:s4+s14], $0x40, s10, s14, $0xb8;
	[tilespmem:$0x18A60] =	vst v63  }
0x7f: {  	_ =	swait.ge [sflag:s0], $0x1400  }
0x80: {  	[sflag:s0] =	ssyncset.done $0x0  }
0x81: {  	s13 =	simm.s32 $0x2A80;
	[sflag:s0] =	ssyncadd.s32 $0xFFFFEC00  }
0x82: {  	[spmem:s2] =	stream.indirect.scatter.add.f32 [tilespmem:s20], [sflag:$0xC], $0x40, s13, s14, $0xb8;
	[tilespmem:$0x18A60] =	vst v63  }
0x83: {  	_ =	swait.ge [sflag:s9], $0x1400  }
0x84: {  	[sflag:s9] =	ssyncset.done $0x0  }
0x85: {  	s12 =	simm.s32 $0xA00;
	s13 =	simm.s32 $0x4B0;
	[sflag:s9] =	ssyncadd.s32 $0xFFFFEC00  }
.LBB2_2:
0x86: {  	[tilespmem:s22], [sflag:$0x8] =	stream.indirect.gather [hbm4b:s4+s14], $0x40, s13, s14, $0xb8;
	[tilespmem:$0x18A60] =	vst v63  }
0x87: {  	s13 =	smov.u32 s12  }
0x88: {  	p0 =	sne.s32 s12, $0x8200;
	s12 =	sadd.s32 $0xA00, s12;
	_ =	swait.ge [sflag:s25], $0x1400  }
0x89: {  	s13 =	sshra.s32 s13, $0x2;
	[sflag:s25] =	ssyncset.done $0x0  }
0x8a: {  	s10 =	sadd.s32 $0x2850, s13;
	[sflag:s25] =	ssyncadd.s32 $0xFFFFEC00  }
0x8b: {  	[spmem:s2] =	stream.indirect.scatter.add.f32 [tilespmem:s23], [sflag:$0xD], $0x40, s10, s14, $0xb8;
	[tilespmem:$0x18A60] =	vst v63  }
0x8c: {  	_ =	swait.ge [sflag:s26], $0x1400  }
0x8d: {  	[sflag:s26] =	ssyncset.done $0x0  }
0x8e: {  	s10 =	sadd.s32 $0x280, s13;
	[sflag:s26] =	ssyncadd.s32 $0xFFFFEC00  }
0x8f: {  	[tilespmem:s15], [sflag:$0x1] =	stream.indirect.gather [hbm4b:s4+s14], $0x40, s10, s14, $0xb8;
	[tilespmem:$0x18A60] =	vst v63  }
0x90: {  	_ =	swait.ge [sflag:s30], $0x1400  }
0x91: {  	[sflag:s30] =	ssyncset.done $0x0  }
0x92: {  	s10 =	sadd.s32 $0x28A0, s13;
	[sflag:s30] =	ssyncadd.s32 $0xFFFFEC00  }
0x93: {  	[spmem:s2] =	stream.indirect.scatter.add.f32 [tilespmem:s28], [sflag:$0xE], $0x40, s10, s14, $0xb8;
	[tilespmem:$0x18A60] =	vst v63  }
0x94: {  	_ =	swait.ge [sflag:s31], $0x1400  }
0x95: {  	[sflag:s31] =	ssyncset.done $0x0  }
0x96: {  	s10 =	sadd.s32 $0x2D0, s13;
	[sflag:s31] =	ssyncadd.s32 $0xFFFFEC00  }
0x97: {  	[tilespmem:s16], [sflag:$0x2] =	stream.indirect.gather [hbm4b:s4+s14], $0x40, s10, s14, $0xb8;
	[tilespmem:$0x18A60] =	vst v63  }
0x98: {  	_ =	swait.ge [sflag:s17], $0x1400  }
0x99: {  	[sflag:s17] =	ssyncset.done $0x0  }
0x9a: {  	s10 =	sadd.s32 $0x28F0, s13;
	[sflag:s17] =	ssyncadd.s32 $0xFFFFEC00  }
0x9b: {  	[spmem:s2] =	stream.indirect.scatter.add.f32 [tilespmem:s1], [sflag:$0xF], $0x40, s10, s14, $0xb8;
	[tilespmem:$0x18A60] =	vst v63  }
0x9c: {  	_ =	swait.ge [sflag:s19], $0x1400  }
0x9d: {  	[sflag:s19] =	ssyncset.done $0x0  }
0x9e: {  	s10 =	sadd.s32 $0x320, s13;
	[sflag:s19] =	ssyncadd.s32 $0xFFFFEC00  }
0x9f: {  	[tilespmem:s18], [sflag:$0x3] =	stream.indirect.gather [hbm4b:s4+s14], $0x40, s10, s14, $0xb8;
	[tilespmem:$0x18A60] =	vst v63  }
0xa0: {  	_ =	swait.ge [sflag:s5], $0x1400  }
0xa1: {  	[sflag:s5] =	ssyncset.done $0x0  }
0xa2: {  	s10 =	sadd.s32 $0x2940, s13;
	[sflag:s5] =	ssyncadd.s32 $0xFFFFEC00  }
0xa3: {  	[spmem:s2] =	stream.indirect.scatter.add.f32 [tilespmem:s22], [sflag:$0x10], $0x40, s10, s14, $0xb8;
	[tilespmem:$0x18A60] =	vst v63  }
0xa4: {  	_ =	swait.ge [sflag:s11], $0x1400  }
0xa5: {  	[sflag:s11] =	ssyncset.done $0x0  }
0xa6: {  	s10 =	sadd.s32 $0x370, s13;
	[sflag:s11] =	ssyncadd.s32 $0xFFFFEC00  }
0xa7: {  	[tilespmem:s20], [sflag:$0x4] =	stream.indirect.gather [hbm4b:s4+s14], $0x40, s10, s14, $0xb8;
	[tilespmem:$0x18A60] =	vst v63  }
0xa8: {  	_ =	swait.ge [sflag:s21], $0x1400  }
0xa9: {  	[sflag:s21] =	ssyncset.done $0x0  }
0xaa: {  	s10 =	sadd.s32 $0x2990, s13;
	[sflag:s21] =	ssyncadd.s32 $0xFFFFEC00  }
0xab: {  	[spmem:s2] =	stream.indirect.scatter.add.f32 [tilespmem:s15], [sflag:$0x9], $0x40, s10, s14, $0xb8;
	[tilespmem:$0x18A60] =	vst v63  }
0xac: {  	_ =	swait.ge [sflag:s6], $0x1400  }
0xad: {  	[sflag:s6] =	ssyncset.done $0x0  }
0xae: {  	s10 =	sadd.s32 $0x3C0, s13;
	[sflag:s6] =	ssyncadd.s32 $0xFFFFEC00  }
0xaf: {  	[tilespmem:s23], [sflag:$0x5] =	stream.indirect.gather [hbm4b:s4+s14], $0x40, s10, s14, $0xb8;
	[tilespmem:$0x18A60] =	vst v63  }
0xb0: {  	_ =	swait.ge [sflag:s24], $0x1400  }
0xb1: {  	[sflag:s24] =	ssyncset.done $0x0  }
0xb2: {  	s10 =	sadd.s32 $0x29E0, s13;
	[sflag:s24] =	ssyncadd.s32 $0xFFFFEC00  }
0xb3: {  	[spmem:s2] =	stream.indirect.scatter.add.f32 [tilespmem:s16], [sflag:$0xA], $0x40, s10, s14, $0xb8;
	[tilespmem:$0x18A60] =	vst v63  }
0xb4: {  	_ =	swait.ge [sflag:s7], $0x1400  }
0xb5: {  	[sflag:s7] =	ssyncset.done $0x0  }
0xb6: {  	s10 =	sadd.s32 $0x410, s13;
	[sflag:s7] =	ssyncadd.s32 $0xFFFFEC00  }
0xb7: {  	[tilespmem:s28], [sflag:$0x6] =	stream.indirect.gather [hbm4b:s4+s14], $0x40, s10, s14, $0xb8;
	[tilespmem:$0x18A60] =	vst v63  }
0xb8: {  	_ =	swait.ge [sflag:s29], $0x1400  }
0xb9: {  	[sflag:s29] =	ssyncset.done $0x0  }
0xba: {  	s10 =	sadd.s32 $0x2A30, s13;
	[sflag:s29] =	ssyncadd.s32 $0xFFFFEC00  }
0xbb: {  	[spmem:s2] =	stream.indirect.scatter.add.f32 [tilespmem:s18], [sflag:$0xB], $0x40, s10, s14, $0xb8;
	[tilespmem:$0x18A60] =	vst v63  }
0xbc: {  	_ =	swait.ge [sflag:s8], $0x1400  }
0xbd: {  	[sflag:s8] =	ssyncset.done $0x0  }
0xbe: {  	s10 =	sadd.s32 $0x460, s13;
	[sflag:s8] =	ssyncadd.s32 $0xFFFFEC00  }
0xbf: {  	[tilespmem:s1], [sflag:$0x7] =	stream.indirect.gather [hbm4b:s4+s14], $0x40, s10, s14, $0xb8;
	[tilespmem:$0x18A60] =	vst v63  }
0xc0: {  	_ =	swait.ge [sflag:s0], $0x1400  }
0xc1: {  	[sflag:s0] =	ssyncset.done $0x0  }
.Ltmp0:
0xc2: {  	s10 =	sadd.s32 $0x2A80, s13;
	[sflag:s0] =	ssyncadd.s32 $0xFFFFEC00;
	(pc) =	sbr.rel @p0 .LBB2_2-.Ltmp0, $4  }
0xc3: {  	[spmem:s2] =	stream.indirect.scatter.add.f32 [tilespmem:s20], [sflag:$0xC], $0x40, s10, s14, $0xb8;
	[tilespmem:$0x18A60] =	vst v63  }
0xc4: {  	_ =	swait.ge [sflag:s9], $0x1400  }
0xc5: {  	[sflag:s9] =	ssyncset.done $0x0  }
0xc6: {  	s13 =	sadd.s32 $0x4B0, s13;
	[sflag:s9] =	ssyncadd.s32 $0xFFFFEC00  }
0xc7: {  	[tilespmem:s22], [sflag:$0x8] =	stream.indirect.gather [hbm4b:s4+s14], $0x40, s13, s14, $0xb8;
	[tilespmem:$0x18A60] =	vst v63  }
0xc8: {  	_ =	swait.ge [sflag:s25], $0x1400  }
0xc9: {  	[sflag:s25] =	ssyncset.done $0x0  }
0xca: {  	s10 =	simm.s32 $0x4B50;
	[sflag:s25] =	ssyncadd.s32 $0xFFFFEC00  }
0xcb: {  	[spmem:s2] =	stream.indirect.scatter.add.f32 [tilespmem:s23], [sflag:$0xD], $0x40, s10, s14, $0xb8;
	[tilespmem:$0x18A60] =	vst v63  }
0xcc: {  	_ =	swait.ge [sflag:s26], $0x1400  }
0xcd: {  	[sflag:s26] =	ssyncset.done $0x0  }
0xce: {  	s12 =	simm.s32 $0x2580;
	[sflag:s26] =	ssyncadd.s32 $0xFFFFEC00  }
0xcf: {  	[tilespmem:s15], [sflag:$0x1] =	stream.indirect.gather [hbm4b:s4+s14], $0x40, s12, s14, $0xb8;
	[tilespmem:$0x18A60] =	vst v63  }
0xd0: {  	_ =	swait.ge [sflag:s30], $0x1400  }
0xd1: {  	[sflag:s30] =	ssyncset.done $0x0  }
0xd2: {  	s13 =	simm.s32 $0x4BA0;
	[sflag:s30] =	ssyncadd.s32 $0xFFFFEC00  }
0xd3: {  	[spmem:s2] =	stream.indirect.scatter.add.f32 [tilespmem:s28], [sflag:$0xE], $0x40, s13, s14, $0xb8;
	[tilespmem:$0x18A60] =	vst v63  }
0xd4: {  	_ =	swait.ge [sflag:s31], $0x1400  }
0xd5: {  	[sflag:s31] =	ssyncset.done $0x0  }
0xd6: {  	s3 =	simm.s32 $0x25D0;
	[sflag:s31] =	ssyncadd.s32 $0xFFFFEC00  }
0xd7: {  	[tilespmem:s16], [sflag:$0x2] =	stream.indirect.gather [hbm4b:s4+s14], $0x40, s3, s14, $0xb8;
	[tilespmem:$0x18A60] =	vst v63  }
0xd8: {  	_ =	swait.ge [sflag:s17], $0x1400  }
0xd9: {  	[sflag:s17] =	ssyncset.done $0x0  }
0xda: {  	s12 =	simm.s32 $0x4BF0;
	[sflag:s17] =	ssyncadd.s32 $0xFFFFEC00  }
0xdb: {  	[spmem:s2] =	stream.indirect.scatter.add.f32 [tilespmem:s1], [sflag:$0xF], $0x40, s12, s14, $0xb8;
	[tilespmem:$0x18A60] =	vst v63  }
0xdc: {  	_ =	swait.ge [sflag:s19], $0x1400  }
0xdd: {  	[sflag:s19] =	ssyncset.done $0x0  }
0xde: {  	s13 =	simm.s32 $0x2620;
	[sflag:s19] =	ssyncadd.s32 $0xFFFFEC00  }
0xdf: {  	[tilespmem:s18], [sflag:$0x3] =	stream.indirect.gather [hbm4b:s4+s14], $0x40, s13, s14, $0xb8;
	[tilespmem:$0x18A60] =	vst v63  }
0xe0: {  	_ =	swait.ge [sflag:s5], $0x1400  }
0xe1: {  	[sflag:s5] =	ssyncset.done $0x0  }
0xe2: {  	s3 =	simm.s32 $0x4C40;
	[sflag:s5] =	ssyncadd.s32 $0xFFFFEC00  }
0xe3: {  	[spmem:s2] =	stream.indirect.scatter.add.f32 [tilespmem:s22], [sflag:$0x10], $0x40, s3, s14, $0xb8;
	[tilespmem:$0x18A60] =	vst v63  }
0xe4: {  	_ =	swait.ge [sflag:s11], $0x1400  }
0xe5: {  	[sflag:s11] =	ssyncset.done $0x0  }
0xe6: {  	s12 =	simm.s32 $0x2670;
	[sflag:s11] =	ssyncadd.s32 $0xFFFFEC00  }
0xe7: {  	[tilespmem:s20], [sflag:$0x4] =	stream.indirect.gather [hbm4b:s4+s14], $0x40, s12, s14, $0xb8;
	[tilespmem:$0x18A60] =	vst v63  }
0xe8: {  	_ =	swait.ge [sflag:s21], $0x1400  }
0xe9: {  	[sflag:s21] =	ssyncset.done $0x0  }
0xea: {  	s13 =	simm.s32 $0x4C90;
	[sflag:s21] =	ssyncadd.s32 $0xFFFFEC00  }
0xeb: {  	[spmem:s2] =	stream.indirect.scatter.add.f32 [tilespmem:s15], [sflag:$0x9], $0x40, s13, s14, $0xb8;
	[tilespmem:$0x18A60] =	vst v63  }
0xec: {  	_ =	swait.ge [sflag:s6], $0x1400  }
0xed: {  	[sflag:s6] =	ssyncset.done $0x0  }
0xee: {  	s3 =	simm.s32 $0x26C0;
	[sflag:s6] =	ssyncadd.s32 $0xFFFFEC00  }
0xef: {  	[tilespmem:s23], [sflag:$0x5] =	stream.indirect.gather [hbm4b:s4+s14], $0x40, s3, s14, $0xb8;
	[tilespmem:$0x18A60] =	vst v63  }
0xf0: {  	_ =	swait.ge [sflag:s24], $0x1400  }
0xf1: {  	[sflag:s24] =	ssyncset.done $0x0  }
0xf2: {  	s12 =	simm.s32 $0x4CE0;
	[sflag:s24] =	ssyncadd.s32 $0xFFFFEC00  }
0xf3: {  	[spmem:s2] =	stream.indirect.scatter.add.f32 [tilespmem:s16], [sflag:$0xA], $0x40, s12, s14, $0xb8;
	[tilespmem:$0x18A60] =	vst v63  }
0xf4: {  	_ =	swait.ge [sflag:s7], $0x1400  }
0xf5: {  	[sflag:s7] =	ssyncset.done $0x0  }
0xf6: {  	[sflag:s7] =	ssyncadd.s32 $0xFFFFEC00  }
0xf7: {  	_ =	swait.ge [sflag:s29], $0x1400  }
0xf8: {  	[sflag:s29] =	ssyncset.done $0x0  }
0xf9: {  	s13 =	simm.s32 $0x4D30;
	[sflag:s29] =	ssyncadd.s32 $0xFFFFEC00  }
0xfa: {  	[spmem:s2] =	stream.indirect.scatter.add.f32 [tilespmem:s18], [sflag:$0xB], $0x40, s13, s14, $0xb8;
	[tilespmem:$0x18A60] =	vst v63  }
0xfb: {  	_ =	swait.ge [sflag:s8], $0x1400  }
0xfc: {  	[sflag:s8] =	ssyncset.done $0x0  }
0xfd: {  	[sflag:s8] =	ssyncadd.s32 $0xFFFFEC00  }
0xfe: {  	_ =	swait.ge [sflag:s0], $0x1400  }
0xff: {  	[sflag:s0] =	ssyncset.done $0x0  }
0x100: {  	s3 =	simm.s32 $0x4D80;
	[sflag:s0] =	ssyncadd.s32 $0xFFFFEC00  }
0x101: {  	[spmem:s2] =	stream.indirect.scatter.add.f32 [tilespmem:s20], [sflag:$0xC], $0x40, s3, s14, $0xb8;
	[tilespmem:$0x18A60] =	vst v63  }
0x102: {  	_ =	swait.ge [sflag:s9], $0x1400  }
0x103: {  	[sflag:s9] =	ssyncset.done $0x0  }
0x104: {  	[sflag:s9] =	ssyncadd.s32 $0xFFFFEC00  }
0x105: {  	_ =	swait.ge [sflag:s25], $0x1400  }
0x106: {  	[sflag:s25] =	ssyncset.done $0x0  }
0x107: {  	s12 =	simm.s32 $0x4DD0;
	[sflag:s25] =	ssyncadd.s32 $0xFFFFEC00  }
0x108: {  	[spmem:s2] =	stream.indirect.scatter.add.f32 [tilespmem:s23], [sflag:$0xD], $0x40, s12, s14, $0xb8;
	[tilespmem:$0x18A60] =	vst v63  }
0x109: {  	_ =	swait.ge [sflag:s26], $0x1400  }
0x10a: {  	[sflag:s26] =	ssyncset.done $0x0  }
0x10b: {  	[sflag:s26] =	ssyncadd.s32 $0xFFFFEC00  }
0x10c: {  	_ =	swait.ge [sflag:s31], $0x1400  }
0x10d: {  	[sflag:s31] =	ssyncset.done $0x0  }
0x10e: {  	[sflag:s31] =	ssyncadd.s32 $0xFFFFEC00  }
0x10f: {  	_ =	swait.ge [sflag:s19], $0x1400  }
0x110: {  	[sflag:s19] =	ssyncset.done $0x0  }
0x111: {  	[sflag:s19] =	ssyncadd.s32 $0xFFFFEC00  }
0x112: {  	_ =	swait.ge [sflag:s11], $0x1400  }
0x113: {  	[sflag:s11] =	ssyncset.done $0x0  }
0x114: {  	[sflag:s11] =	ssyncadd.s32 $0xFFFFEC00  }
0x115: {  	_ =	swait.ge [sflag:s6], $0x1400  }
0x116: {  	[sflag:s6] =	ssyncset.done $0x0  }
0x117: {  	[sflag:s6] =	ssyncadd.s32 $0xFFFFEC00  }
0x118: {  	[bflag:$0x0] =	sbarrier.arrive $0xFFFF  }
0x119: {  	s13 =	rddreg [dreg:$0x6]  }
0x11a: {  	s12 =	rddreg [dreg:$0x8]  }
0x11b: {  	s3 =	rddreg [dreg:$0xa]  }
0x11c: {  	[hbm:s13], [sflag:s12] =	dma.local [spmem:s3], $0x1388  }
0x11d: {  	s13 =	simm.s32 $0x11  }
0x11e: {  	_ =	swait.ge [sflag:s13], $0x1388  }
0x11f: {  	s10 =	rddreg [dreg:$0x9]  }
0x120: {  	s12 =	rddreg [dreg:$0x7];
	s3 =	sadd.s32 $0x1, s10  }
0x121: {  	p0 =	sne.s32 s3, s12  }
.Ltmp1:
0x122: {  	_ = 	snop;
	(pc) =	sbr.rel @p0 .LBB2_1-.Ltmp1, $3  }
0x123: {  	_ =	sdelay $0x1  }
0x124: {  	[sflag:s13] =	ssyncset.done $0x0  }
0x125: {  	[sflag:s13] =	ssyncadd.s32 $0xFFFFEC78;
	[dreg:$0x9] =	wrdreg s3  }
0x126: {  	_ =	sfence.sel $0x180000  }
0x127: {  	[bflag:$0x0] =	sbarrier.arrive $0xFFFF  }
0x128: {  	_ =	strace $0x9000004D  }
0x129: {  	s0 =	stileid.u32;
	[bflag:$0x2] =	sbarrier.arrive $0xFFFF  }
0x12a: {  	p0 =	sne.s32 s0, $0x0;
	s0 =	rddreg [dreg:$0x2]  }
0x12b: {  	s0 =	sadd.s32 @!p0 $0x100000, s0  }
0x12c: {  	[sflag:s0] =	ssyncadd.tile.s32 @!p0 $0x1;
	_ =	shalt  }
.Lfunc_end2:
_tile_overlayer_lowered:
.L_overlay_start_2:
0x12d: {  	(tag) =	ssettag $0x2  }
0x12e: {  	s0 =	rddreg [dreg:$0x0];
	s2 =	stileid.u32  }
0x12f: {  	s1 =	rddreg [dreg:$0x1];
	p0 =	sne.s32 s2, $0x0  }
0x130: {  	s3 =	rddreg [dreg:$0x2];
	[bflag:$0x3] =	sbarrier.arrive $0xFFFF;
	s2 =	simm.s32 @!p0 $0x1C11  }
0x131: {  	[timem:s3], [sflag:s2] =	dma.local @!p0 [hbm:s0], s1  }
0x132: {  	s0 =	simm.s32 @!p0 $0x11  }
0x133: {  	_ =	swait.ge @!p0 [sflag:s0], s1  }
0x134: {  	s1 =	ssub.s32 @!p0 $0x0, s1;
	[sflag:s0] =	ssyncset.done @!p0 $0x0  }
0x135: {  	[sflag:s0] =	ssyncadd.s32 @!p0 s1  }
0x136: {  	[bflag:$0x3] =	sbarrier.arrive $0xFFFF  }
0x137: {  	_ =	shalt  }

// kernel: kernel.19.cloned.1.call-start
scs
__scs_entry_jumppad:
0x0: {  	(pc) =	sbr.rel $0x88, $3  }
0x1: {  	(tag) =	ssettag $0x0;
	lr =	simm.s32 $0x1  }
0x2: {  	[smem:$0x3F96] =	sst lr;
	_ =	strace $0xD0000000  }
0x3: {  	_ = 	snop  }
0x4: {  	_ = 	snop  }
0x5: {  	_ = 	snop  }
0x6: {  	_ = 	snop  }
0x7: {  	_ = 	snop  }
__scs_overlays_trampoline_lowered:
0x8: {  	[smem:$0x3FA5] =	sst s0  }
0x9: {  	[smem:$0x3FA6] =	sst s1  }
0xa: {  	[smem:$0x3FA7] =	sst s2  }
0xb: {  	[smem:$0x3FA8] =	sst s3  }
0xc: {  	[smem:$0x3FA9] =	sst s4  }
0xd: {  	[smem:$0x3FAA] =	sst s5  }
0xe: {  	[smem:$0x3FAB] =	sst s6  }
0xf: {  	[smem:$0x3FAC] =	sst s7  }
0x10: {  	[smem:$0x3FAD] =	sst s8  }
0x11: {  	[smem:$0x3FAE] =	sst s9;
	s0 =	simm.s32 @!p0 $0x0  }
0x12: {  	s1 =	sld [smem:$0x3F94];
	s0 =	simm.s32 @p0 $0x1  }
0x13: {  	[smem:$0x3FAF] =	sst s0;
	s0 =	simm.s32 @!p1 $0x0  }
0x14: {  	s2 =	sld [smem:$0x3F93];
	s0 =	simm.s32 @p1 $0x1  }
0x15: {  	[smem:$0x3FB0] =	sst s0;
	s0 =	simm.s32 @!p2 $0x0  }
0x16: {  	s3 =	sld [smem:$0x3FDB];
	s0 =	simm.s32 @p2 $0x1  }
0x17: {  	s4 =	simm.s32 $0x1BF5;
	[smem:$0x3FB2] =	sst s0  }
0x18: {  	s0 =	sld [smem:$0x3F95];
	_ =	swait.ge [sflag:s4], $0x0  }
0x19: {  	s7 =	sld [smem:$0x3F96]  }
0x1a: {  	s8 =	sadd.s32 $0xFFFFE003, lr  }
0x1b: {  	s9 =	sadd.s32 $0xFFFFFEF7, lr;
	s5 =	simm.s32 $0xFFFFFFFF;
	p2 =	slt.u32 s8, $0xFFFFF086  }
0x1c: {  	p1 =	slt.u32 s9, $0xF7A;
	s5 =	simm.s32 @!p2 $0x0  }
0x1d: {  	s5 =	simm.s32 @p1 $0x1;
	p0 =	seq.s32 s7, s2  }
0x1e: {  	s7 =	smul.u32 @!p0 $0xF7A, s2;
	p2 =	seq.s32 @!p0 s5, $0x0  }
0x1f: {  	s9 =	smul.u32 $0xF7A, s1;
	s8 =	simm.s32 @!p0 $0x1BF5;
	p2 =	por !p2, p0  }
0x20: {  	[sflag:s8] =	ssyncset.s32 @!p0 $0xFFFFF086;
	s6 =	sadd.s32 @!p0 s3, s7;
	s7 =	simm.s32 @!p0 $0x108  }
0x21: {  	s3 =	sadd.s32 s3, s9;
	s6 =	sadd.s32 @!p0 $0x88, s6;
	s7 =	simm.s32 @p2 $0x1082  }
0x22: {  	[simem:s7], [sflag:s8] =	dma.local @!p0 [hbm:s6], $0xF7A  }
0x23: {  	s9 =	sor.u32 $0xD0000000, s2;
	s6 =	simm.s32 $0x108;
	_ =	swait.ge @!p0 [sflag:s8], $0x0  }
0x24: {  	s3 =	sadd.s32 $0x88, s3;
	s6 =	simm.s32 @!p1 $0x1082;
	[sflag:s4] =	ssyncset.s32 $0xFFFFF086  }
0x25: {  	[simem:s6], [sflag:s4] =	dma.local [hbm:s3], $0xF7A  }
0x26: {  	[smem:$0x3F96] =	sst s1;
	(tag) =	ssettag s2;
	_ =	strace s9  }
0x27: {  	s1 =	sld [smem:$0x3FA6]  }
0x28: {  	s2 =	sld [smem:$0x3FA7]  }
0x29: {  	s4 =	sld [smem:$0x3FA9]  }
0x2a: {  	p0 =	seq.s32 s5, $0x0;
	s5 =	sld [smem:$0x3FAA]  }
0x2b: {  	s6 =	sld [smem:$0x3FAB]  }
0x2c: {  	s7 =	sld [smem:$0x3FAC]  }
0x2d: {  	s3 =	simm.s32 $0x108;
	s8 =	sld [smem:$0x3FAD]  }
0x2e: {  	s3 =	simm.s32 @!p0 $0x1082;
	s9 =	sld [smem:$0x3FAE]  }
0x2f: {  	lr =	sadd.s32 s0, s3;
	s0 =	sld [smem:$0x3FA5]  }
0x30: {  	s3 =	sld [smem:$0x3FA8]  }
0x31: {  	[smem:$0x3FB1] =	sst s10  }
0x32: {  	s10 =	sld [smem:$0x3FAF];
	_ =	sdelay $0x3  }
0x33: {  	p0 =	seq.s32 s10, $0x1;
	s10 =	sld [smem:$0x3FB1];
	_ =	sdelay $0x3  }
0x34: {  	[smem:$0x3FB1] =	sst s10  }
0x35: {  	s10 =	sld [smem:$0x3FB0];
	_ =	sdelay $0x3  }
0x36: {  	p1 =	seq.s32 s10, $0x1;
	s10 =	sld [smem:$0x3FB1];
	_ =	sdelay $0x3  }
0x37: {  	[smem:$0x3FB1] =	sst s10  }
0x38: {  	s10 =	sld [smem:$0x3FB2]  }
0x39: {  	_ = 	snop;
	(pc) =	sbr.ind lr, $3  }
0x3a: {  	_ = 	snop  }
0x3b: {  	_ = 	snop  }
0x3c: {  	p2 =	seq.s32 s10, $0x1;
	s10 =	sld [smem:$0x3FB1]  }
0x3d: {  	_ =	shalt  }
0x3e: {  	_ =	shalt  }
0x3f: {  	_ =	shalt  }
0x40: {  	_ =	shalt  }
0x41: {  	_ =	shalt  }
0x42: {  	_ =	shalt  }
0x43: {  	_ =	shalt  }
0x44: {  	_ =	shalt  }
0x45: {  	_ =	shalt  }
0x46: {  	_ =	shalt  }
0x47: {  	_ =	shalt  }
0x48: {  	_ =	shalt  }
0x49: {  	_ =	shalt  }
0x4a: {  	_ =	shalt  }
0x4b: {  	_ =	shalt  }
0x4c: {  	_ =	shalt  }
0x4d: {  	_ =	shalt  }
0x4e: {  	_ =	shalt  }
0x4f: {  	_ =	shalt  }
0x50: {  	_ =	shalt  }
0x51: {  	_ =	shalt  }
0x52: {  	_ =	shalt  }
0x53: {  	_ =	shalt  }
0x54: {  	_ =	shalt  }
0x55: {  	_ =	shalt  }
0x56: {  	_ =	shalt  }
0x57: {  	_ =	shalt  }
0x58: {  	_ =	shalt  }
0x59: {  	_ =	shalt  }
0x5a: {  	_ =	shalt  }
0x5b: {  	_ =	shalt  }
0x5c: {  	_ =	shalt  }
0x5d: {  	_ =	shalt  }
0x5e: {  	_ =	shalt  }
0x5f: {  	_ =	shalt  }
0x60: {  	_ =	shalt  }
0x61: {  	_ =	shalt  }
0x62: {  	_ =	shalt  }
0x63: {  	_ =	shalt  }
0x64: {  	_ =	shalt  }
0x65: {  	_ =	shalt  }
0x66: {  	_ =	shalt  }
0x67: {  	_ =	shalt  }
0x68: {  	_ =	shalt  }
0x69: {  	_ =	shalt  }
0x6a: {  	_ =	shalt  }
0x6b: {  	_ =	shalt  }
0x6c: {  	_ =	shalt  }
0x6d: {  	_ =	shalt  }
0x6e: {  	_ =	shalt  }
0x6f: {  	_ =	shalt  }
0x70: {  	_ =	shalt  }
0x71: {  	_ =	shalt  }
0x72: {  	_ =	shalt  }
0x73: {  	_ =	shalt  }
0x74: {  	_ =	shalt  }
0x75: {  	_ =	shalt  }
0x76: {  	_ =	shalt  }
0x77: {  	_ =	shalt  }
0x78: {  	_ =	shalt  }
0x79: {  	_ =	shalt  }
0x7a: {  	_ =	shalt  }
0x7b: {  	_ =	shalt  }
0x7c: {  	_ =	shalt  }
0x7d: {  	_ =	shalt  }
0x7e: {  	_ =	shalt  }
0x7f: {  	_ =	shalt  }
0x80: {  	_ =	shalt  }
0x81: {  	_ =	shalt  }
0x82: {  	_ =	shalt  }
0x83: {  	_ =	shalt  }
0x84: {  	_ =	shalt  }
0x85: {  	_ =	shalt  }
0x86: {  	_ =	shalt  }
0x87: {  	_ =	shalt  }
.Lfunc_end0:
.L_simem_size_0:
called_computation.3_lowered:
.L_overlay_start_0:
0x88: {  	s2 =	sld [smem:$0x3FD9]  }
0x89: {  	s3 =	sld [smem:$0x3FFE];
	_ =	sdelay $0x1  }
0x8a: {  	s1 =	srdreg.scid  }
0x8b: {  	s0 =	sand.u32 $0x1, s1  }
0x8c: {  	s16 =	sshll.u32 s0, $0xA;
	s2 =	sadd.s32 s3, s2  }
0x8d: {  	s2 =	sadd.s32 s2, s16  }
0x8e: {  	[smem:$0x3FBD] =	sst s2  }
0x8f: {  	_ = 	snop  }
0x90: {  	(tm) =	ssettm $0x1  }
0x91: {  	s17 =	sld [smem:$0x3FFB];
	_ =	sdelay $0x3  }
0x92: {  	_ =	strace s17  }
0x93: {  	s2 =	sld [smem:$0x3FFC];
	_ =	sdelay $0x3  }
0x94: {  	_ =	strace s2  }
0x95: {  	s2 =	sld [smem:$0x3FFD];
	_ =	sdelay $0x3  }
0x96: {  	_ =	strace s2  }
0x97: {  	_ =	strace $0x8FFFFFFF  }
0x98: {  	s18 =	sld [smem:$0x3FDB];
	_ =	sdelay $0x1  }
0x99: {  	s19 =	simm.s32 $_scs_section_size  }
0x9a: {  	s4 =	simm.s32 $_size__tile_overlayer_lowered;
	s5 =	simm.s32 $_tile_overlayer_lowered  }
0x9b: {  	s22 =	simm.s32 $0x1BFF;
	s21 =	sshll.u32 s5, $0x1;
	s2 =	sadd.s32 s19, s18  }
0x9c: {  	s6 =	simm.s32 $0x0;
	s20 =	sshll.u32 s4, $0x1;
	s4 =	sadd.s32 s21, s2  }
0x9d: {  	[timem:s6], [sflag:s22] =	dma.local [hbm:s4], s20  }
0x9e: {  	_ =	swait.ge [sflag:s22], s20  }
0x9f: {  	s3 =	ssub.s32 $0x0, s20;
	[sflag:s22] =	ssyncset.done $0x0  }
0xa0: {  	[sflag:s22] =	ssyncadd.s32 s3;
	_ =	sdelay $0x1  }
0xa1: {  	s23 =	simm.s32 $0x1B8B  }
0xa2: {  	_ =	swait.ge [sflag:s23], $0x1  }
0xa3: {  	[sflag:s23] =	ssyncset.done $0x0  }
0xa4: {  	s25 =	simm.s32 $0x1B8E;
	s24 =	sld [smem:$0x3FFE];
	[sflag:s23] =	ssyncadd.s32 $0xFFFFFFFF  }
0xa5: {  	s26 =	simm.s32 $execute0_lowered;
	[smem:$0x3FD2] =	sst s25  }
0xa6: {  	s4 =	sshll.u32 s26, $0x1;
	_ =	strace $0x8000004F;
	[dreg:$0x1] =	wrdreg $0xFFFFFFFF  }
0xa7: {  	s28 =	simm.s32 $_size_execute0_lowered;
	s2 =	sadd.s32 s2, s4;
	[dreg:$0x0] =	wrdreg $0x0  }
0xa8: {  	s4 =	sshll.u32 s28, $0x1;
	[dreg:$0x2] =	wrdreg s2  }
0xa9: {  	[dreg:$0x3] =	wrdreg s4  }
0xaa: {  	[dreg:$0x4] =	wrdreg $0xC0  }
0xab: {  	_ =	task [dreg:s6], $0x5FFFF  }
0xac: {  	[dreg:$0x1] =	wrdreg $0xFFFFFFFF  }
0xad: {  	[dreg:$0x0] =	wrdreg $0x60  }
0xae: {  	[dreg:$0x2] =	wrdreg s24  }
0xaf: {  	[dreg:$0x3] =	wrdreg $0xF9400  }
0xb0: {  	[dreg:$0x4] =	wrdreg $0x9  }
0xb1: {  	_ =	task.clear_ibuf [dreg:s6], $0x5FFFF;
	_ =	strace $0x9000004F  }
0xb2: {  	s29 =	simm.s32 $0x9;
	_ =	strace $0x80000051  }
0xb3: {  	_ =	swait.ge [sflag:s29], $0x1  }
0xb4: {  	[sflag:s29] =	ssyncadd.s32 $0xFFFFFFFF  }
0xb5: {  	_ =	strace $0x90000051  }
0xb6: {  	_ =	sfence  }
0xb7: {  	s30 =	sld [smem:$0x0];
	_ =	sdelay $0x2  }
0xb8: {  	s31 =	sshll.u32 s1, $0xD;
	s1 =	sshrl.u32 s1, $0x2  }
0xb9: {  	s3 =	sand.u32 $0x4000, s31;
	s1 =	sadd.s32 s1, s30  }
0xba: {  	s0 =	sor.u32 s3, s0;
	s1 =	sshll.u32 s1, $0x11  }
0xbb: {  	s0 =	sor.u32 s1, s0  }
0xbc: {  	s0 =	sadd.s32 $0x8F2B, s0  }
0xbd: {  	[sflag:s0] =	ssyncadd.remote.s32 $0x1  }
0xbe: {  	_ =	sfence.sel $0xFFFF  }
0xbf: {  	[dreg:$0x0] =	wrdreg $0xFFFFFFFF;
	(pc) =	sbr.abs _section_cstart, $3  }
0xc0: {  	[dreg:$0x1] =	wrdreg $0xFFFFFFFF  }
0xc1: {  	_ =	task.clear_ibuf [dreg:s6], $0x2FFFF;
	_ =	strace $0x9FFFFFFF  }
0xc2: {  	(tm) =	ssettm $0x7FFFFFFF  }
0xc3: {  	_ =	shalt  }
tec
execute0_lowered:
.L_overlay_start_1:
0x0: {  	(tag) =	ssettag $0x1  }
0x1: {  	s0 =	rddreg [dreg:$0x0];
	s1 =	srdreg.scid  }
0x2: {  	s13 =	stileid.u32;
	s2 =	rddreg [dreg:$0x1]  }
0x3: {  	s14 =	simm.s32 $0x0;
	s17 =	simm.s32 $0x50;
	s18 =	simm.s32 $0x5820  }
0x4: {  	s19 =	simm.s32 $0x6220;
	s28 =	simm.s32 $0x4;
	s29 =	simm.s32 $0x9420  }
0x5: {  	s30 =	simm.s32 $0x5;
	s31 =	simm.s32 $0x9;
	s3 =	smul.u32 $0x2710, s13  }
0x6: {  	s16 =	simm.s32 $0x9E20;
	s15 =	simm.s32 $0xF;
	s6 =	smul.u32 $0x4F, s13  }
0x7: {  	s1 =	sand.u32 $0x1, s1;
	[smem:$0x7FF] =	sst s14;
	s7 =	smul.u32 $0x13880, s13  }
0x8: {  	s4 =	sadd.s32 $0x20A00, s0;
	s10 =	sshll.u32 s13, $0x8;
	s12 =	smul.u32 $0x9C4, s13  }
0x9: {  	s25 =	sshll.u32 s13, $0x6;
	s13 =	simm.s32 $0x4E20;
	s5 =	smul.u32 $0x27100, s1  }
0xa: {  	_ =	strace $0x80000050;
	s8 =	ssub.s32 $0x2, s1;
	s9 =	smul.u32 $0x9C40, s1  }
0xb: {  	s1 =	sshll.u32 s1, $0xC;
	s6 =	sadd.s32 s6, s0;
	s11 =	sshrl.u32 s8, $0x1  }
0xc: {  	s20 =	sshrl.u32 s7, $0x2;
	s7 =	simm.s32 $0xF140;
	s5 =	sadd.s32 s3, s5  }
0xd: {  	s3 =	sshrl.u32 s3, $0x3;
	s8 =	ssub.s32 s8, s11;
	s21 =	sadd.s32 s12, s9  }
0xe: {  	s22 =	sadd.s32 $0x6800, s6;
	s23 =	sadd.s32 $0x6200, s6;
	s6 =	simm.s32 $0xB  }
0xf: {  	s11 =	simm.s32 $0xC;
	s9 =	simm.s32 $0xB;
	s12 =	simm.s32 $0xD  }
0x10: {  	s5 =	sshrl.u32 s5, $0x3;
	s3 =	sadd.s32 s3, s0;
	[dreg:$0x7] =	wrdreg s22  }
0x11: {  	[dreg:$0x8] =	wrdreg s23;
	s24 =	smax.u32 s8, $0x1;
	s22 =	simm.s32 $0x7620  }
0x12: {  	s23 =	simm.s32 $0x2;
	s5 =	sadd.s32 s5, s0;
	s0 =	sadd.s32 s10, s0  }
0x13: {  	s3 =	sadd.s32 $0x1200, s3;
	[dreg:$0xa] =	wrdreg s24;
	s24 =	simm.s32 $0x8020  }
0x14: {  	s10 =	simm.s32 $0xD;
	s5 =	sadd.s32 $0x16C00, s5;
	[dreg:$0x4] =	wrdreg s3  }
0x15: {  	s3 =	sadd.s32 s20, s2;
	s0 =	sadd.s32 s1, s0;
	[dreg:$0x3] =	wrdreg s5  }
0x16: {  	s20 =	simm.s32 $0x6C20;
	s5 =	sadd.s32 s4, s21;
	[dreg:$0x5] =	wrdreg s3  }
0x17: {  	s1 =	simm.s32 $0x0;
	s0 =	sadd.s32 $0x6E00, s0;
	[dreg:$0x6] =	wrdreg s5  }
0x18: {  	v0 =	vlaneseq.u32;
	s26 =	sshrl.u32 s3, $0x3;
	s21 =	simm.s32 $0x1;
	[dreg:$0x9] =	wrdreg s0  }
0x19: {  	v1 =	vimm.f32 $0.0e+00;
	v2 =	vor.u32 $0x10, v0;
	s5 =	simm.s32 $0x11;
	s0 =	sor.u32 $0x1C11, s25;
	[dreg:$0xc] =	wrdreg s26  }
0x1a: {  	v3 =	vor.u32 $0xFFFFFFE8, v0;
	v4 =	vor.u32 $0x4E00, v0;
	v5 =	vor.u32 $0x4E10, v0;
	s25 =	simm.s32 $0x3;
	s26 =	simm.s32 $0x8A20;
	[dreg:$0xb] =	wrdreg s0  }
.LBB2_1:
0x1b: {  	[dreg:$0xd] =	wrdreg s1  }
0x1c: {  	s0 =	rddreg [dreg:$0x3]  }
0x1d: {  	[tilespmem:s14], [sflag:$0x11] =	stream.linear.gather [hbm4b:s0+s14], $0x2710, $0x38;
	[tilespmem:$0x14760] =	vst v63  }
0x1e: {  	_ =	swait.ge [sflag:s5], $0x2710  }
0x1f: {  	[sflag:s5] =	ssyncset.done $0x0  }
0x20: {  	s1 =	simm.s32 $0x2710;
	s3 =	rddreg [dreg:$0x4];
	[sflag:s5] =	ssyncadd.s32 $0xFFFFD8F0  }
0x21: {  	[tilespmem:s1], [sflag:$0x11] =	stream.linear.gather [hbm4b:s3+s14], $0x2710, $0x38;
	[tilespmem:$0x14760] =	vst v63  }
0x22: {  	_ =	swait.ge [sflag:s5], $0x2710  }
0x23: {  	s0 =	rddreg [dreg:$0x6]  }
0x24: {  	[sflag:s5] =	ssyncset.done $0x0;
	s3 =	rddreg [dreg:$0xb]  }
0x25: {  	s8 =	rddreg [dreg:$0xc];
	[sflag:s5] =	ssyncadd.s32 $0xFFFFD8F0  }
0x26: {  	[spmem:s8], [sflag:s3] =	dma.local [hbm:s0], $0x9C4  }
0x27: {  	_ =	swait.ge [sflag:s5], $0x9C4  }
0x28: {  	[sflag:s5] =	ssyncset.done $0x0  }
0x29: {  	[sflag:s5] =	ssyncadd.s32 $0xFFFFF63C  }
0x2a: {  	[bflag:$0x0] =	sbarrier.arrive $0xFFFF  }
0x2b: {  	[tilespmem:s13], [sflag:$0x1] =	stream.indirect.gather [hbm4b:s4+s17], $0x20, s14, s17, $0xb8;
	[tilespmem:$0x14760] =	vst v63  }
0x2c: {  	_ = 	snop  }
0x2d: {  	[tilespmem:s18], [sflag:$0x2] =	stream.indirect.gather [hbm4b:s4+s17], $0x20, s17, s17, $0xb8;
	[tilespmem:$0x14760] =	vst v63  }
0x2e: {  	s8 =	simm.s32 $0xA0  }
0x2f: {  	[tilespmem:s19], [sflag:$0x3] =	stream.indirect.gather [hbm4b:s4+s17], $0x20, s8, s17, $0xb8;
	[tilespmem:$0x14760] =	vst v63  }
0x30: {  	s14 =	simm.s32 $0xF0  }
0x31: {  	[tilespmem:s20], [sflag:$0x4] =	stream.indirect.gather [hbm4b:s4+s17], $0x20, s14, s17, $0xb8;
	[tilespmem:$0x14760] =	vst v63  }
0x32: {  	_ =	swait.ge [sflag:s21], $0xA00  }
0x33: {  	[sflag:s21] =	ssyncset.done $0x0  }
0x34: {  	[sflag:s21] =	ssyncadd.s32 $0xFFFFF600  }
0x35: {  	[spmem:s2] =	stream.indirect.scatter.add.f32 [tilespmem:s13], [sflag:$0x9], $0x20, s1, s17, $0xb8;
	[tilespmem:$0x14760] =	vst v63  }
0x36: {  	s1 =	simm.s32 $0x140  }
0x37: {  	[tilespmem:s22], [sflag:$0x5] =	stream.indirect.gather [hbm4b:s4+s17], $0x20, s1, s17, $0xb8;
	[tilespmem:$0x14760] =	vst v63  }
0x38: {  	_ =	swait.ge [sflag:s23], $0xA00  }
0x39: {  	[sflag:s23] =	ssyncset.done $0x0  }
0x3a: {  	s3 =	simm.s32 $0x2760;
	[sflag:s23] =	ssyncadd.s32 $0xFFFFF600  }
0x3b: {  	[spmem:s2] =	stream.indirect.scatter.add.f32 [tilespmem:s18], [sflag:$0xA], $0x20, s3, s17, $0xb8;
	[tilespmem:$0x14760] =	vst v63  }
0x3c: {  	s5 =	simm.s32 $0x190  }
0x3d: {  	[tilespmem:s24], [sflag:$0x6] =	stream.indirect.gather [hbm4b:s4+s17], $0x20, s5, s17, $0xb8;
	[tilespmem:$0x14760] =	vst v63  }
0x3e: {  	_ =	swait.ge [sflag:s25], $0xA00  }
0x3f: {  	[sflag:s25] =	ssyncset.done $0x0  }
0x40: {  	s8 =	simm.s32 $0x27B0;
	[sflag:s25] =	ssyncadd.s32 $0xFFFFF600  }
0x41: {  	[spmem:s2] =	stream.indirect.scatter.add.f32 [tilespmem:s19], [sflag:$0xB], $0x20, s8, s17, $0xb8;
	[tilespmem:$0x14760] =	vst v63  }
0x42: {  	s14 =	simm.s32 $0x1E0  }
0x43: {  	[tilespmem:s26], [sflag:$0x7] =	stream.indirect.gather [hbm4b:s4+s17], $0x20, s14, s17, $0xb8;
	[tilespmem:$0x14760] =	vst v63  }
0x44: {  	_ =	swait.ge [sflag:s28], $0xA00  }
0x45: {  	[sflag:s28] =	ssyncset.done $0x0  }
0x46: {  	s1 =	simm.s32 $0x2800;
	[sflag:s28] =	ssyncadd.s32 $0xFFFFF600  }
0x47: {  	[spmem:s2] =	stream.indirect.scatter.add.f32 [tilespmem:s20], [sflag:$0xC], $0x20, s1, s17, $0xb8;
	[tilespmem:$0x14760] =	vst v63  }
0x48: {  	s3 =	simm.s32 $0x230  }
0x49: {  	[tilespmem:s29], [sflag:$0x8] =	stream.indirect.gather [hbm4b:s4+s17], $0x20, s3, s17, $0xb8;
	[tilespmem:$0x14760] =	vst v63  }
0x4a: {  	_ =	swait.ge [sflag:s30], $0xA00  }
0x4b: {  	[sflag:s30] =	ssyncset.done $0x0  }
0x4c: {  	s5 =	simm.s32 $0x2850;
	[sflag:s30] =	ssyncadd.s32 $0xFFFFF600  }
0x4d: {  	[spmem:s2] =	stream.indirect.scatter.add.f32 [tilespmem:s22], [sflag:$0xD], $0x20, s5, s17, $0xb8;
	[tilespmem:$0x14760] =	vst v63  }
0x4e: {  	_ =	swait.ge [sflag:s31], $0xA00  }
0x4f: {  	[sflag:s31] =	ssyncset.done $0x0  }
0x50: {  	s8 =	simm.s32 $0x280;
	[sflag:s31] =	ssyncadd.s32 $0xFFFFF600  }
0x51: {  	[tilespmem:s13], [sflag:$0x1] =	stream.indirect.gather [hbm4b:s4+s17], $0x20, s8, s17, $0xb8;
	[tilespmem:$0x14760] =	vst v63  }
0x52: {  	s8 =	simm.s32 $0x6  }
0x53: {  	_ =	swait.ge [sflag:s8], $0xA00  }
0x54: {  	[sflag:s8] =	ssyncset.done $0x0  }
0x55: {  	s14 =	simm.s32 $0x28A0;
	[sflag:s8] =	ssyncadd.s32 $0xFFFFF600  }
0x56: {  	[spmem:s2] =	stream.indirect.scatter.add.f32 [tilespmem:s24], [sflag:$0xE], $0x20, s14, s17, $0xb8;
	[tilespmem:$0x14760] =	vst v63  }
0x57: {  	s14 =	simm.s32 $0xA  }
0x58: {  	_ =	swait.ge [sflag:s14], $0xA00  }
0x59: {  	[sflag:s14] =	ssyncset.done $0x0  }
0x5a: {  	s1 =	simm.s32 $0x2D0;
	s5 =	simm.s32 $0x7;
	[sflag:s14] =	ssyncadd.s32 $0xFFFFF600  }
0x5b: {  	[tilespmem:s18], [sflag:$0x2] =	stream.indirect.gather [hbm4b:s4+s17], $0x20, s1, s17, $0xb8;
	[tilespmem:$0x14760] =	vst v63  }
0x5c: {  	_ =	swait.ge [sflag:s5], $0xA00  }
0x5d: {  	[sflag:s5] =	ssyncset.done $0x0  }
0x5e: {  	s3 =	simm.s32 $0x28F0;
	[sflag:s5] =	ssyncadd.s32 $0xFFFFF600  }
0x5f: {  	[spmem:s2] =	stream.indirect.scatter.add.f32 [tilespmem:s26], [sflag:$0xF], $0x20, s3, s17, $0xb8;
	[tilespmem:$0x14760] =	vst v63  }
0x60: {  	_ =	swait.ge [sflag:s6], $0xA00  }
0x61: {  	[sflag:s6] =	ssyncset.done $0x0  }
0x62: {  	s1 =	simm.s32 $0x320;
	[sflag:s6] =	ssyncadd.s32 $0xFFFFF600;
	s6 =	simm.s32 $0x8  }
0x63: {  	[tilespmem:s19], [sflag:$0x3] =	stream.indirect.gather [hbm4b:s4+s17], $0x20, s1, s17, $0xb8;
	[tilespmem:$0x14760] =	vst v63  }
0x64: {  	_ =	swait.ge [sflag:s6], $0xA00  }
0x65: {  	[sflag:s6] =	ssyncset.done $0x0  }
0x66: {  	s3 =	simm.s32 $0x2940;
	[sflag:s6] =	ssyncadd.s32 $0xFFFFF600  }
0x67: {  	[spmem:s2] =	stream.indirect.scatter.add.f32 [tilespmem:s29], [sflag:$0x10], $0x20, s3, s17, $0xb8;
	[tilespmem:$0x14760] =	vst v63  }
0x68: {  	_ =	swait.ge [sflag:s11], $0xA00  }
0x69: {  	[sflag:s11] =	ssyncset.done $0x0  }
0x6a: {  	s1 =	simm.s32 $0x370;
	[sflag:s11] =	ssyncadd.s32 $0xFFFFF600  }
0x6b: {  	[tilespmem:s20], [sflag:$0x4] =	stream.indirect.gather [hbm4b:s4+s17], $0x20, s1, s17, $0xb8;
	[tilespmem:$0x14760] =	vst v63  }
0x6c: {  	_ =	swait.ge [sflag:s21], $0xA00  }
0x6d: {  	[sflag:s21] =	ssyncset.done $0x0  }
0x6e: {  	s3 =	simm.s32 $0x2990;
	[sflag:s21] =	ssyncadd.s32 $0xFFFFF600  }
0x6f: {  	[spmem:s2] =	stream.indirect.scatter.add.f32 [tilespmem:s13], [sflag:$0x9], $0x20, s3, s17, $0xb8;
	[tilespmem:$0x14760] =	vst v63  }
0x70: {  	_ =	swait.ge [sflag:s10], $0xA00  }
0x71: {  	[sflag:s10] =	ssyncset.done $0x0  }
0x72: {  	[sflag:s10] =	ssyncadd.s32 $0xFFFFF600;
	s10 =	simm.s32 $0x3C0  }
0x73: {  	[tilespmem:s22], [sflag:$0x5] =	stream.indirect.gather [hbm4b:s4+s17], $0x20, s10, s17, $0xb8;
	[tilespmem:$0x14760] =	vst v63  }
0x74: {  	_ =	swait.ge [sflag:s23], $0xA00  }
0x75: {  	[sflag:s23] =	ssyncset.done $0x0  }
0x76: {  	s1 =	simm.s32 $0x29E0;
	s10 =	simm.s32 $0xE;
	[sflag:s23] =	ssyncadd.s32 $0xFFFFF600  }
0x77: {  	[spmem:s2] =	stream.indirect.scatter.add.f32 [tilespmem:s18], [sflag:$0xA], $0x20, s1, s17, $0xb8;
	[tilespmem:$0x14760] =	vst v63  }
0x78: {  	_ =	swait.ge [sflag:s10], $0xA00  }
0x79: {  	[sflag:s10] =	ssyncset.done $0x0  }
0x7a: {  	s3 =	simm.s32 $0x410;
	[sflag:s10] =	ssyncadd.s32 $0xFFFFF600  }
0x7b: {  	[tilespmem:s24], [sflag:$0x6] =	stream.indirect.gather [hbm4b:s4+s17], $0x20, s3, s17, $0xb8;
	[tilespmem:$0x14760] =	vst v63  }
0x7c: {  	_ =	swait.ge [sflag:s25], $0xA00  }
0x7d: {  	[sflag:s25] =	ssyncset.done $0x0  }
0x7e: {  	s1 =	simm.s32 $0x2A30;
	[sflag:s25] =	ssyncadd.s32 $0xFFFFF600  }
0x7f: {  	[spmem:s2] =	stream.indirect.scatter.add.f32 [tilespmem:s19], [sflag:$0xB], $0x20, s1, s17, $0xb8;
	[tilespmem:$0x14760] =	vst v63  }
0x80: {  	_ =	swait.ge [sflag:s15], $0xA00  }
0x81: {  	[sflag:s15] =	ssyncset.done $0x0  }
0x82: {  	s3 =	simm.s32 $0x460;
	[sflag:s15] =	ssyncadd.s32 $0xFFFFF600  }
0x83: {  	[tilespmem:s26], [sflag:$0x7] =	stream.indirect.gather [hbm4b:s4+s17], $0x20, s3, s17, $0xb8;
	[tilespmem:$0x14760] =	vst v63  }
0x84: {  	_ =	swait.ge [sflag:s28], $0xA00  }
0x85: {  	[sflag:s28] =	ssyncset.done $0x0  }
0x86: {  	s1 =	simm.s32 $0x2A80;
	s3 =	simm.s32 $0x10;
	[sflag:s28] =	ssyncadd.s32 $0xFFFFF600  }
0x87: {  	[spmem:s2] =	stream.indirect.scatter.add.f32 [tilespmem:s20], [sflag:$0xC], $0x20, s1, s17, $0xb8;
	[tilespmem:$0x14760] =	vst v63  }
0x88: {  	_ =	swait.ge [sflag:s3], $0xA00  }
0x89: {  	[sflag:s3] =	ssyncset.done $0x0  }
0x8a: {  	s0 =	simm.s32 $0xA00;
	s1 =	simm.s32 $0x4B0;
	[sflag:s3] =	ssyncadd.s32 $0xFFFFF600  }
.LBB2_2:
0x8b: {  	[tilespmem:s29], [sflag:$0x8] =	stream.indirect.gather [hbm4b:s4+s17], $0x20, s1, s17, $0xb8;
	[tilespmem:$0x14760] =	vst v63  }
0x8c: {  	s1 =	smov.u32 s0  }
0x8d: {  	p0 =	sne.s32 s0, $0x8200;
	s0 =	sadd.s32 $0xA00, s0;
	_ =	swait.ge [sflag:s30], $0xA00  }
0x8e: {  	s1 =	sshra.s32 s1, $0x2;
	[sflag:s30] =	ssyncset.done $0x0  }
0x8f: {  	s3 =	sadd.s32 $0x2850, s1;
	[sflag:s30] =	ssyncadd.s32 $0xFFFFF600  }
0x90: {  	[spmem:s2] =	stream.indirect.scatter.add.f32 [tilespmem:s22], [sflag:$0xD], $0x20, s3, s17, $0xb8;
	[tilespmem:$0x14760] =	vst v63  }
0x91: {  	_ =	swait.ge [sflag:s31], $0xA00  }
0x92: {  	[sflag:s31] =	ssyncset.done $0x0  }
0x93: {  	s3 =	sadd.s32 $0x280, s1;
	[sflag:s31] =	ssyncadd.s32 $0xFFFFF600  }
0x94: {  	[tilespmem:s13], [sflag:$0x1] =	stream.indirect.gather [hbm4b:s4+s17], $0x20, s3, s17, $0xb8;
	[tilespmem:$0x14760] =	vst v63  }
0x95: {  	_ =	swait.ge [sflag:s8], $0xA00  }
0x96: {  	[sflag:s8] =	ssyncset.done $0x0  }
0x97: {  	s3 =	sadd.s32 $0x28A0, s1;
	[sflag:s8] =	ssyncadd.s32 $0xFFFFF600  }
0x98: {  	[spmem:s2] =	stream.indirect.scatter.add.f32 [tilespmem:s24], [sflag:$0xE], $0x20, s3, s17, $0xb8;
	[tilespmem:$0x14760] =	vst v63  }
0x99: {  	_ =	swait.ge [sflag:s14], $0xA00  }
0x9a: {  	[sflag:s14] =	ssyncset.done $0x0  }
0x9b: {  	s3 =	sadd.s32 $0x2D0, s1;
	[sflag:s14] =	ssyncadd.s32 $0xFFFFF600  }
0x9c: {  	[tilespmem:s18], [sflag:$0x2] =	stream.indirect.gather [hbm4b:s4+s17], $0x20, s3, s17, $0xb8;
	[tilespmem:$0x14760] =	vst v63  }
0x9d: {  	_ =	swait.ge [sflag:s5], $0xA00  }
0x9e: {  	[sflag:s5] =	ssyncset.done $0x0  }
0x9f: {  	s3 =	sadd.s32 $0x28F0, s1;
	[sflag:s5] =	ssyncadd.s32 $0xFFFFF600  }
0xa0: {  	[spmem:s2] =	stream.indirect.scatter.add.f32 [tilespmem:s26], [sflag:$0xF], $0x20, s3, s17, $0xb8;
	[tilespmem:$0x14760] =	vst v63  }
0xa1: {  	_ =	swait.ge [sflag:s9], $0xA00  }
0xa2: {  	[sflag:s9] =	ssyncset.done $0x0  }
0xa3: {  	s3 =	sadd.s32 $0x320, s1;
	[sflag:s9] =	ssyncadd.s32 $0xFFFFF600  }
0xa4: {  	[tilespmem:s19], [sflag:$0x3] =	stream.indirect.gather [hbm4b:s4+s17], $0x20, s3, s17, $0xb8;
	[tilespmem:$0x14760] =	vst v63  }
0xa5: {  	_ =	swait.ge [sflag:s6], $0xA00  }
0xa6: {  	[sflag:s6] =	ssyncset.done $0x0  }
0xa7: {  	s3 =	sadd.s32 $0x2940, s1;
	[sflag:s6] =	ssyncadd.s32 $0xFFFFF600  }
0xa8: {  	[spmem:s2] =	stream.indirect.scatter.add.f32 [tilespmem:s29], [sflag:$0x10], $0x20, s3, s17, $0xb8;
	[tilespmem:$0x14760] =	vst v63  }
0xa9: {  	_ =	swait.ge [sflag:s11], $0xA00  }
0xaa: {  	[sflag:s11] =	ssyncset.done $0x0  }
0xab: {  	s3 =	sadd.s32 $0x370, s1;
	[sflag:s11] =	ssyncadd.s32 $0xFFFFF600  }
0xac: {  	[tilespmem:s20], [sflag:$0x4] =	stream.indirect.gather [hbm4b:s4+s17], $0x20, s3, s17, $0xb8;
	[tilespmem:$0x14760] =	vst v63  }
0xad: {  	_ =	swait.ge [sflag:s21], $0xA00  }
0xae: {  	[sflag:s21] =	ssyncset.done $0x0  }
0xaf: {  	s3 =	sadd.s32 $0x2990, s1;
	[sflag:s21] =	ssyncadd.s32 $0xFFFFF600  }
0xb0: {  	[spmem:s2] =	stream.indirect.scatter.add.f32 [tilespmem:s13], [sflag:$0x9], $0x20, s3, s17, $0xb8;
	[tilespmem:$0x14760] =	vst v63  }
0xb1: {  	_ =	swait.ge [sflag:s12], $0xA00  }
0xb2: {  	[sflag:s12] =	ssyncset.done $0x0  }
0xb3: {  	s3 =	sadd.s32 $0x3C0, s1;
	[sflag:s12] =	ssyncadd.s32 $0xFFFFF600  }
0xb4: {  	[tilespmem:s22], [sflag:$0x5] =	stream.indirect.gather [hbm4b:s4+s17], $0x20, s3, s17, $0xb8;
	[tilespmem:$0x14760] =	vst v63  }
0xb5: {  	_ =	swait.ge [sflag:s23], $0xA00  }
0xb6: {  	[sflag:s23] =	ssyncset.done $0x0  }
0xb7: {  	s3 =	sadd.s32 $0x29E0, s1;
	[sflag:s23] =	ssyncadd.s32 $0xFFFFF600  }
0xb8: {  	[spmem:s2] =	stream.indirect.scatter.add.f32 [tilespmem:s18], [sflag:$0xA], $0x20, s3, s17, $0xb8;
	[tilespmem:$0x14760] =	vst v63  }
0xb9: {  	_ =	swait.ge [sflag:s10], $0xA00  }
0xba: {  	[sflag:s10] =	ssyncset.done $0x0  }
0xbb: {  	s3 =	sadd.s32 $0x410, s1;
	[sflag:s10] =	ssyncadd.s32 $0xFFFFF600  }
0xbc: {  	[tilespmem:s24], [sflag:$0x6] =	stream.indirect.gather [hbm4b:s4+s17], $0x20, s3, s17, $0xb8;
	[tilespmem:$0x14760] =	vst v63  }
0xbd: {  	_ =	swait.ge [sflag:s25], $0xA00  }
0xbe: {  	[sflag:s25] =	ssyncset.done $0x0  }
0xbf: {  	s3 =	sadd.s32 $0x2A30, s1;
	[sflag:s25] =	ssyncadd.s32 $0xFFFFF600  }
0xc0: {  	[spmem:s2] =	stream.indirect.scatter.add.f32 [tilespmem:s19], [sflag:$0xB], $0x20, s3, s17, $0xb8;
	[tilespmem:$0x14760] =	vst v63  }
0xc1: {  	_ =	swait.ge [sflag:s15], $0xA00  }
0xc2: {  	[sflag:s15] =	ssyncset.done $0x0  }
0xc3: {  	s3 =	sadd.s32 $0x460, s1;
	[sflag:s15] =	ssyncadd.s32 $0xFFFFF600  }
0xc4: {  	[tilespmem:s26], [sflag:$0x7] =	stream.indirect.gather [hbm4b:s4+s17], $0x20, s3, s17, $0xb8;
	[tilespmem:$0x14760] =	vst v63  }
0xc5: {  	_ =	swait.ge [sflag:s28], $0xA00  }
0xc6: {  	[sflag:s28] =	ssyncset.done $0x0  }
0xc7: {  	s3 =	sadd.s32 $0x2A80, s1;
	[sflag:s28] =	ssyncadd.s32 $0xFFFFF600  }
0xc8: {  	[spmem:s2] =	stream.indirect.scatter.add.f32 [tilespmem:s20], [sflag:$0xC], $0x20, s3, s17, $0xb8;
	[tilespmem:$0x14760] =	vst v63  }
.Ltmp0:
0xc9: {  	_ = 	snop;
	(pc) =	sbr.rel @p0 .LBB2_2-.Ltmp0, $4  }
0xca: {  	s3 =	simm.s32 $0x10  }
0xcb: {  	_ =	swait.ge [sflag:s3], $0xA00  }
0xcc: {  	[sflag:s3] =	ssyncset.done $0x0  }
0xcd: {  	s1 =	sadd.s32 $0x4B0, s1;
	[sflag:s3] =	ssyncadd.s32 $0xFFFFF600  }
0xce: {  	[tilespmem:s29], [sflag:$0x8] =	stream.indirect.gather [hbm4b:s4+s17], $0x20, s1, s17, $0xb8;
	[tilespmem:$0x14760] =	vst v63  }
0xcf: {  	_ =	swait.ge [sflag:s30], $0xA00  }
0xd0: {  	[sflag:s30] =	ssyncset.done $0x0  }
0xd1: {  	s0 =	simm.s32 $0x4B50;
	[sflag:s30] =	ssyncadd.s32 $0xFFFFF600  }
0xd2: {  	[spmem:s2] =	stream.indirect.scatter.add.f32 [tilespmem:s22], [sflag:$0xD], $0x20, s0, s17, $0xb8;
	[tilespmem:$0x14760] =	vst v63  }
0xd3: {  	_ =	swait.ge [sflag:s31], $0xA00  }
0xd4: {  	[sflag:s31] =	ssyncset.done $0x0  }
0xd5: {  	s1 =	simm.s32 $0x2580;
	[sflag:s31] =	ssyncadd.s32 $0xFFFFF600  }
0xd6: {  	[tilespmem:s13], [sflag:$0x1] =	stream.indirect.gather [hbm4b:s4+s17], $0x20, s1, s17, $0xb8;
	[tilespmem:$0x14760] =	vst v63  }
0xd7: {  	_ =	swait.ge [sflag:s8], $0xA00  }
0xd8: {  	[sflag:s8] =	ssyncset.done $0x0  }
0xd9: {  	s1 =	simm.s32 $0x4BA0;
	[sflag:s8] =	ssyncadd.s32 $0xFFFFF600  }
0xda: {  	[spmem:s2] =	stream.indirect.scatter.add.f32 [tilespmem:s24], [sflag:$0xE], $0x20, s1, s17, $0xb8;
	[tilespmem:$0x14760] =	vst v63  }
0xdb: {  	_ =	swait.ge [sflag:s14], $0xA00  }
0xdc: {  	[sflag:s14] =	ssyncset.done $0x0  }
0xdd: {  	s8 =	simm.s32 $0x25D0;
	[sflag:s14] =	ssyncadd.s32 $0xFFFFF600  }
0xde: {  	[tilespmem:s18], [sflag:$0x2] =	stream.indirect.gather [hbm4b:s4+s17], $0x20, s8, s17, $0xb8;
	[tilespmem:$0x14760] =	vst v63  }
0xdf: {  	_ =	swait.ge [sflag:s5], $0xA00  }
0xe0: {  	[sflag:s5] =	ssyncset.done $0x0  }
0xe1: {  	s24 =	simm.s32 $0x4BF0;
	[sflag:s5] =	ssyncadd.s32 $0xFFFFF600  }
0xe2: {  	[spmem:s2] =	stream.indirect.scatter.add.f32 [tilespmem:s26], [sflag:$0xF], $0x20, s24, s17, $0xb8;
	[tilespmem:$0x14760] =	vst v63  }
0xe3: {  	_ =	swait.ge [sflag:s9], $0xA00  }
0xe4: {  	[sflag:s9] =	ssyncset.done $0x0  }
0xe5: {  	s26 =	simm.s32 $0x2620;
	[sflag:s9] =	ssyncadd.s32 $0xFFFFF600  }
0xe6: {  	[tilespmem:s19], [sflag:$0x3] =	stream.indirect.gather [hbm4b:s4+s17], $0x20, s26, s17, $0xb8;
	[tilespmem:$0x14760] =	vst v63  }
0xe7: {  	_ =	swait.ge [sflag:s6], $0xA00  }
0xe8: {  	[sflag:s6] =	ssyncset.done $0x0  }
0xe9: {  	s1 =	simm.s32 $0x4C40;
	[sflag:s6] =	ssyncadd.s32 $0xFFFFF600  }
0xea: {  	[spmem:s2] =	stream.indirect.scatter.add.f32 [tilespmem:s29], [sflag:$0x10], $0x20, s1, s17, $0xb8;
	[tilespmem:$0x14760] =	vst v63  }
0xeb: {  	_ =	swait.ge [sflag:s11], $0xA00  }
0xec: {  	[sflag:s11] =	ssyncset.done $0x0  }
0xed: {  	s5 =	simm.s32 $0x2670;
	[sflag:s11] =	ssyncadd.s32 $0xFFFFF600  }
0xee: {  	[tilespmem:s20], [sflag:$0x4] =	stream.indirect.gather [hbm4b:s4+s17], $0x20, s5, s17, $0xb8;
	[tilespmem:$0x14760] =	vst v63  }
0xef: {  	_ =	swait.ge [sflag:s21], $0xA00  }
0xf0: {  	[sflag:s21] =	ssyncset.done $0x0  }
0xf1: {  	s6 =	simm.s32 $0x4C90;
	[sflag:s21] =	ssyncadd.s32 $0xFFFFF600  }
0xf2: {  	[spmem:s2] =	stream.indirect.scatter.add.f32 [tilespmem:s13], [sflag:$0x9], $0x20, s6, s17, $0xb8;
	[tilespmem:$0x14760] =	vst v63  }
0xf3: {  	_ =	swait.ge [sflag:s12], $0xA00  }
0xf4: {  	[sflag:s12] =	ssyncset.done $0x0  }
0xf5: {  	s8 =	simm.s32 $0x26C0;
	[sflag:s12] =	ssyncadd.s32 $0xFFFFF600  }
0xf6: {  	[tilespmem:s22], [sflag:$0x5] =	stream.indirect.gather [hbm4b:s4+s17], $0x20, s8, s17, $0xb8;
	[tilespmem:$0x14760] =	vst v63  }
0xf7: {  	_ =	swait.ge [sflag:s23], $0xA00  }
0xf8: {  	[sflag:s23] =	ssyncset.done $0x0  }
0xf9: {  	s13 =	simm.s32 $0x4CE0;
	[sflag:s23] =	ssyncadd.s32 $0xFFFFF600  }
0xfa: {  	[spmem:s2] =	stream.indirect.scatter.add.f32 [tilespmem:s18], [sflag:$0xA], $0x20, s13, s17, $0xb8;
	[tilespmem:$0x14760] =	vst v63  }
0xfb: {  	_ =	swait.ge [sflag:s10], $0xA00  }
0xfc: {  	[sflag:s10] =	ssyncset.done $0x0  }
0xfd: {  	[sflag:s10] =	ssyncadd.s32 $0xFFFFF600  }
0xfe: {  	_ =	swait.ge [sflag:s25], $0xA00  }
0xff: {  	[sflag:s25] =	ssyncset.done $0x0  }
0x100: {  	s21 =	simm.s32 $0x4D30;
	[sflag:s25] =	ssyncadd.s32 $0xFFFFF600  }
0x101: {  	[spmem:s2] =	stream.indirect.scatter.add.f32 [tilespmem:s19], [sflag:$0xB], $0x20, s21, s17, $0xb8;
	[tilespmem:$0x14760] =	vst v63  }
0x102: {  	_ =	swait.ge [sflag:s15], $0xA00  }
0x103: {  	[sflag:s15] =	ssyncset.done $0x0  }
0x104: {  	[sflag:s15] =	ssyncadd.s32 $0xFFFFF600  }
0x105: {  	_ =	swait.ge [sflag:s28], $0xA00  }
0x106: {  	[sflag:s28] =	ssyncset.done $0x0  }
0x107: {  	s23 =	simm.s32 $0x4D80;
	[sflag:s28] =	ssyncadd.s32 $0xFFFFF600  }
0x108: {  	[spmem:s2] =	stream.indirect.scatter.add.f32 [tilespmem:s20], [sflag:$0xC], $0x20, s23, s17, $0xb8;
	[tilespmem:$0x14760] =	vst v63  }
0x109: {  	_ =	swait.ge [sflag:s3], $0xA00  }
0x10a: {  	[sflag:s3] =	ssyncset.done $0x0  }
0x10b: {  	[sflag:s3] =	ssyncadd.s32 $0xFFFFF600  }
0x10c: {  	_ =	swait.ge [sflag:s30], $0xA00  }
0x10d: {  	[sflag:s30] =	ssyncset.done $0x0  }
0x10e: {  	s24 =	simm.s32 $0x4DD0;
	[sflag:s30] =	ssyncadd.s32 $0xFFFFF600  }
0x10f: {  	[spmem:s2] =	stream.indirect.scatter.add.f32 [tilespmem:s22], [sflag:$0xD], $0x20, s24, s17, $0xb8;
	[tilespmem:$0x14760] =	vst v63  }
0x110: {  	_ =	swait.ge [sflag:s31], $0xA00  }
0x111: {  	[sflag:s31] =	ssyncset.done $0x0  }
0x112: {  	[sflag:s31] =	ssyncadd.s32 $0xFFFFF600  }
0x113: {  	_ =	swait.ge [sflag:s14], $0xA00  }
0x114: {  	[sflag:s14] =	ssyncset.done $0x0  }
0x115: {  	[sflag:s14] =	ssyncadd.s32 $0xFFFFF600  }
0x116: {  	_ =	swait.ge [sflag:s9], $0xA00  }
0x117: {  	[sflag:s9] =	ssyncset.done $0x0  }
0x118: {  	[sflag:s9] =	ssyncadd.s32 $0xFFFFF600  }
0x119: {  	_ =	swait.ge [sflag:s11], $0xA00  }
0x11a: {  	[sflag:s11] =	ssyncset.done $0x0  }
0x11b: {  	[sflag:s11] =	ssyncadd.s32 $0xFFFFF600  }
0x11c: {  	_ =	swait.ge [sflag:s12], $0xA00  }
0x11d: {  	[sflag:s12] =	ssyncset.done $0x0  }
0x11e: {  	[sflag:s12] =	ssyncadd.s32 $0xFFFFF600  }
0x11f: {  	[bflag:$0x0] =	sbarrier.arrive $0xFFFF  }
0x120: {  	s26 =	simm.s32 $0x11;
	s25 =	rddreg [dreg:$0x5]  }
0x121: {  	[tilespmem:s16], [sflag:$0x11] =	stream.linear.gather [spmem:s25], $0x4E20, $0x38;
	[tilespmem:$0x14760] =	vst v63  }
0x122: {  	_ =	swait.ge [sflag:s26], $0x4E20  }
0x123: {  	s0 =	simm.s32 $0x0;
	[sflag:s26] =	ssyncset.done $0x0  }
0x124: {  	s29 =	simm.s32 $0xEC40;
	s28 =	rddreg [dreg:$0x7];
	[sflag:s26] =	ssyncadd.s32 $0xFFFFB1E0  }
0x125: {  	[tilespmem:s29], [sflag:$0x11] =	stream.linear.gather [hbm4b:s28+s0], $0x271, $0x38;
	[tilespmem:$0x14760] =	vst v63  }
0x126: {  	_ =	swait.ge [sflag:s26], $0x271  }
0x127: {  	[sflag:s26] =	ssyncset.done $0x0  }
0x128: {  	s31 =	simm.s32 $0xEEC0;
	s30 =	rddreg [dreg:$0x8];
	[sflag:s26] =	ssyncadd.s32 $0xFFFFFD8F  }
0x129: {  	[tilespmem:s31], [sflag:$0x11] =	stream.linear.gather [hbm4b:s30+s0], $0x271, $0x38;
	[tilespmem:$0x14760] =	vst v63  }
0x12a: {  	_ =	swait.ge [sflag:s26], $0x271  }
0x12b: {  	[sflag:s26] =	ssyncset.done $0x0  }
0x12c: {  	s6 =	simm.s32 $0xB;
	s10 =	simm.s32 $0xD;
	[sflag:s26] =	ssyncadd.s32 $0xFFFFFD8F  }
.LBB2_4:
0x12d: {  	p0 =	sne.s32 s0, $0x1FC0  }
.Ltmp1:
0x12e: {  	_ = 	snop;
	(pc) =	sbr.rel @p0 .LBB2_4-.Ltmp1, $3  }
0x12f: {  	_ =	sdelay $0x1  }
0x130: {  	s1 =	sshra.s32 s0, $0x2  }
0x131: {  	s0 =	sadd.s32 $0x40, s0;
	[tilespmem:s1+$0xF140] =	vst v1  }
0x132: {  	s3 =	simm.s32 $0xEEC0  }
0x133: {  	v7 =	vld [tilespmem:s3+$0x0]  }
0x134: {  	s0 =	simm.s32 $0x0  }
0x135: {  	v8 =	vor.u32 s0, v0  }
0x136: {  	v9 =	vor.u32 s0, v2  }
0x137: {  	s1 =	simm.s32 $0xEC40  }
0x138: {  	v6 =	vld [tilespmem:s1+$0x0];
	v7 =	vshll.u32 v7, $0x5  }
0x139: {  	v10 =	vbroadcast v7, $0x0  }
0x13a: {  	v8 =	vld.idx.msk [tilespmem:v8+s16+$0x0], $0xffff  }
0x13b: {  	v9 =	vld.idx.msk [tilespmem:v9+s16+$0x0], $0xffff;
	v11 =	vor.u32 v0, v10  }
0x13c: {  	v11 =	vand.u32 v3, v11  }
0x13d: {  	s5 =	simm.s32 $0x20;
	v12 =	vbroadcast v6, $0x0;
	v10 =	vor.u32 v2, v10  }
0x13e: {  	v13 =	vor.u32 s5, v0  }
0x13f: {  	v14 =	vor.u32 s5, v2;
	v8 =	vmul.f32 v12, v8  }
0x140: {  	v9 =	vmul.f32 v9, v12  }
0x141: {  	[tilespmem:v11+s7+$0x0] =	vst.idx.add.f32.msk $0xffff, v8  }
0x142: {  	v8 =	vbroadcast v7, $0x1;
	[tilespmem:v10+s7+$0x0] =	vst.idx.add.f32.msk $0xffff, v9  }
0x143: {  	v9 =	vld.idx.msk [tilespmem:v13+s16+$0x0], $0xffff  }
0x144: {  	v48 =	vor.u32 v0, v8;
	v11 =	vld.idx.msk [tilespmem:v14+s16+$0x0], $0xffff  }
0x145: {  	v10 =	vand.u32 v3, v48  }
0x146: {  	s8 =	simm.s32 $0x40;
	v49 =	vbroadcast v6, $0x1;
	v8 =	vor.u32 v2, v8  }
0x147: {  	v50 =	vor.u32 s8, v0  }
0x148: {  	v51 =	vor.u32 s8, v2;
	v9 =	vmul.f32 v9, v49  }
0x149: {  	v11 =	vmul.f32 v11, v49  }
0x14a: {  	[tilespmem:v10+s7+$0x0] =	vst.idx.add.f32.msk $0xffff, v9  }
0x14b: {  	v52 =	vbroadcast v7, $0x2;
	[tilespmem:v8+s7+$0x0] =	vst.idx.add.f32.msk $0xffff, v11  }
0x14c: {  	v8 =	vld.idx.msk [tilespmem:v50+s16+$0x0], $0xffff  }
0x14d: {  	v53 =	vor.u32 v0, v52;
	v11 =	vld.idx.msk [tilespmem:v51+s16+$0x0], $0xffff  }
0x14e: {  	v10 =	vand.u32 v3, v53  }
0x14f: {  	s13 =	simm.s32 $0x60;
	v54 =	vbroadcast v6, $0x2;
	v9 =	vor.u32 v2, v52  }
0x150: {  	v55 =	vor.u32 s13, v0  }
0x151: {  	v56 =	vor.u32 s13, v2;
	v8 =	vmul.f32 v8, v54  }
0x152: {  	v11 =	vmul.f32 v11, v54  }
0x153: {  	[tilespmem:v10+s7+$0x0] =	vst.idx.add.f32.msk $0xffff, v8  }
0x154: {  	v8 =	vbroadcast v7, $0x3;
	[tilespmem:v9+s7+$0x0] =	vst.idx.add.f32.msk $0xffff, v11  }
0x155: {  	v9 =	vld.idx.msk [tilespmem:v55+s16+$0x0], $0xffff  }
0x156: {  	v57 =	vor.u32 v0, v8;
	v11 =	vld.idx.msk [tilespmem:v56+s16+$0x0], $0xffff  }
0x157: {  	v10 =	vand.u32 v3, v57  }
0x158: {  	s14 =	simm.s32 $0x80;
	v58 =	vbroadcast v6, $0x3;
	v8 =	vor.u32 v2, v8  }
0x159: {  	v59 =	vor.u32 s14, v0  }
0x15a: {  	v60 =	vor.u32 s14, v2;
	v9 =	vmul.f32 v9, v58  }
0x15b: {  	v11 =	vmul.f32 v11, v58  }
0x15c: {  	[tilespmem:v10+s7+$0x0] =	vst.idx.add.f32.msk $0xffff, v9  }
0x15d: {  	v61 =	vbroadcast v7, $0x4;
	[tilespmem:v8+s7+$0x0] =	vst.idx.add.f32.msk $0xffff, v11  }
0x15e: {  	v8 =	vld.idx.msk [tilespmem:v59+s16+$0x0], $0xffff  }
0x15f: {  	v62 =	vor.u32 v0, v61;
	v11 =	vld.idx.msk [tilespmem:v60+s16+$0x0], $0xffff  }
0x160: {  	v10 =	vand.u32 v3, v62  }
0x161: {  	s18 =	simm.s32 $0xA0;
	v63 =	vbroadcast v6, $0x4;
	v9 =	vor.u32 v2, v61  }
0x162: {  	v16 =	vor.u32 s18, v0  }
0x163: {  	v17 =	vor.u32 s18, v2;
	v8 =	vmul.f32 v8, v63  }
0x164: {  	v11 =	vmul.f32 v11, v63  }
0x165: {  	[tilespmem:v10+s7+$0x0] =	vst.idx.add.f32.msk $0xffff, v8  }
0x166: {  	v8 =	vbroadcast v7, $0x5;
	[tilespmem:v9+s7+$0x0] =	vst.idx.add.f32.msk $0xffff, v11  }
0x167: {  	v9 =	vld.idx.msk [tilespmem:v16+s16+$0x0], $0xffff  }
0x168: {  	v18 =	vor.u32 v0, v8;
	v11 =	vld.idx.msk [tilespmem:v17+s16+$0x0], $0xffff  }
0x169: {  	v10 =	vand.u32 v3, v18  }
0x16a: {  	s19 =	simm.s32 $0xC0;
	v19 =	vbroadcast v6, $0x5;
	v8 =	vor.u32 v2, v8  }
0x16b: {  	v20 =	vor.u32 s19, v0  }
0x16c: {  	v21 =	vor.u32 s19, v2;
	v9 =	vmul.f32 v9, v19  }
0x16d: {  	v11 =	vmul.f32 v11, v19  }
0x16e: {  	[tilespmem:v10+s7+$0x0] =	vst.idx.add.f32.msk $0xffff, v9  }
0x16f: {  	v22 =	vbroadcast v7, $0x6;
	[tilespmem:v8+s7+$0x0] =	vst.idx.add.f32.msk $0xffff, v11  }
0x170: {  	v8 =	vld.idx.msk [tilespmem:v20+s16+$0x0], $0xffff  }
0x171: {  	v23 =	vor.u32 v0, v22;
	v11 =	vld.idx.msk [tilespmem:v21+s16+$0x0], $0xffff  }
0x172: {  	v10 =	vand.u32 v3, v23  }
0x173: {  	s20 =	simm.s32 $0xE0;
	v24 =	vbroadcast v6, $0x6;
	v9 =	vor.u32 v2, v22  }
0x174: {  	v25 =	vor.u32 s20, v0  }
0x175: {  	v26 =	vor.u32 s20, v2;
	v8 =	vmul.f32 v8, v24  }
0x176: {  	v11 =	vmul.f32 v11, v24  }
0x177: {  	[tilespmem:v10+s7+$0x0] =	vst.idx.add.f32.msk $0xffff, v8  }
0x178: {  	v8 =	vbroadcast v7, $0x7;
	[tilespmem:v9+s7+$0x0] =	vst.idx.add.f32.msk $0xffff, v11  }
0x179: {  	v9 =	vld.idx.msk [tilespmem:v25+s16+$0x0], $0xffff  }
0x17a: {  	v27 =	vor.u32 v0, v8;
	v11 =	vld.idx.msk [tilespmem:v26+s16+$0x0], $0xffff  }
0x17b: {  	v10 =	vand.u32 v3, v27  }
0x17c: {  	s21 =	simm.s32 $0x100;
	v28 =	vbroadcast v6, $0x7;
	v8 =	vor.u32 v2, v8  }
0x17d: {  	v29 =	vor.u32 s21, v0  }
0x17e: {  	v30 =	vor.u32 s21, v2;
	v9 =	vmul.f32 v9, v28  }
0x17f: {  	v11 =	vmul.f32 v11, v28  }
0x180: {  	[tilespmem:v10+s7+$0x0] =	vst.idx.add.f32.msk $0xffff, v9  }
0x181: {  	v31 =	vbroadcast v7, $0x8;
	[tilespmem:v8+s7+$0x0] =	vst.idx.add.f32.msk $0xffff, v11  }
0x182: {  	v8 =	vld.idx.msk [tilespmem:v29+s16+$0x0], $0xffff  }
0x183: {  	v32 =	vor.u32 v0, v31;
	v11 =	vld.idx.msk [tilespmem:v30+s16+$0x0], $0xffff  }
0x184: {  	v10 =	vand.u32 v3, v32  }
0x185: {  	s22 =	simm.s32 $0x120;
	v33 =	vbroadcast v6, $0x8;
	v9 =	vor.u32 v2, v31  }
0x186: {  	v34 =	vor.u32 s22, v0  }
0x187: {  	v35 =	vor.u32 s22, v2;
	v8 =	vmul.f32 v8, v33  }
0x188: {  	v11 =	vmul.f32 v11, v33  }
0x189: {  	[tilespmem:v10+s7+$0x0] =	vst.idx.add.f32.msk $0xffff, v8  }
0x18a: {  	v8 =	vbroadcast v7, $0x9;
	[tilespmem:v9+s7+$0x0] =	vst.idx.add.f32.msk $0xffff, v11  }
0x18b: {  	v9 =	vld.idx.msk [tilespmem:v34+s16+$0x0], $0xffff  }
0x18c: {  	v36 =	vor.u32 v0, v8;
	v11 =	vld.idx.msk [tilespmem:v35+s16+$0x0], $0xffff  }
0x18d: {  	v10 =	vand.u32 v3, v36  }
0x18e: {  	s23 =	simm.s32 $0x140;
	v37 =	vbroadcast v6, $0x9;
	v8 =	vor.u32 v2, v8  }
0x18f: {  	v38 =	vor.u32 s23, v0  }
0x190: {  	v39 =	vor.u32 s23, v2;
	v9 =	vmul.f32 v9, v37  }
0x191: {  	v11 =	vmul.f32 v11, v37  }
0x192: {  	[tilespmem:v10+s7+$0x0] =	vst.idx.add.f32.msk $0xffff, v9  }
0x193: {  	v40 =	vbroadcast v7, $0xA;
	[tilespmem:v8+s7+$0x0] =	vst.idx.add.f32.msk $0xffff, v11  }
0x194: {  	v8 =	vld.idx.msk [tilespmem:v38+s16+$0x0], $0xffff  }
0x195: {  	v41 =	vor.u32 v0, v40;
	v11 =	vld.idx.msk [tilespmem:v39+s16+$0x0], $0xffff  }
0x196: {  	v10 =	vand.u32 v3, v41  }
0x197: {  	s24 =	simm.s32 $0x160;
	v42 =	vbroadcast v6, $0xA;
	v9 =	vor.u32 v2, v40  }
0x198: {  	v43 =	vor.u32 s24, v0  }
0x199: {  	v44 =	vor.u32 s24, v2;
	v8 =	vmul.f32 v8, v42  }
0x19a: {  	v11 =	vmul.f32 v11, v42  }
0x19b: {  	[tilespmem:v10+s7+$0x0] =	vst.idx.add.f32.msk $0xffff, v8  }
0x19c: {  	v8 =	vbroadcast v7, $0xB;
	[tilespmem:v9+s7+$0x0] =	vst.idx.add.f32.msk $0xffff, v11  }
0x19d: {  	v9 =	vld.idx.msk [tilespmem:v43+s16+$0x0], $0xffff  }
0x19e: {  	v45 =	vor.u32 v0, v8;
	v11 =	vld.idx.msk [tilespmem:v44+s16+$0x0], $0xffff  }
0x19f: {  	v10 =	vand.u32 v3, v45  }
0x1a0: {  	s25 =	simm.s32 $0x180;
	v46 =	vbroadcast v6, $0xB;
	v8 =	vor.u32 v2, v8  }
0x1a1: {  	v47 =	vor.u32 s25, v0  }
0x1a2: {  	v48 =	vor.u32 s25, v2;
	v9 =	vmul.f32 v9, v46  }
0x1a3: {  	v11 =	vmul.f32 v11, v46  }
0x1a4: {  	[tilespmem:v10+s7+$0x0] =	vst.idx.add.f32.msk $0xffff, v9  }
0x1a5: {  	v49 =	vbroadcast v7, $0xC;
	[tilespmem:v8+s7+$0x0] =	vst.idx.add.f32.msk $0xffff, v11  }
0x1a6: {  	v8 =	vld.idx.msk [tilespmem:v47+s16+$0x0], $0xffff  }
0x1a7: {  	v50 =	vor.u32 v0, v49;
	v11 =	vld.idx.msk [tilespmem:v48+s16+$0x0], $0xffff  }
0x1a8: {  	v10 =	vand.u32 v3, v50  }
0x1a9: {  	s26 =	simm.s32 $0x1A0;
	v51 =	vbroadcast v6, $0xC;
	v9 =	vor.u32 v2, v49  }
0x1aa: {  	v52 =	vor.u32 s26, v0  }
0x1ab: {  	v53 =	vor.u32 s26, v2;
	v8 =	vmul.f32 v8, v51  }
0x1ac: {  	v11 =	vmul.f32 v11, v51  }
0x1ad: {  	[tilespmem:v10+s7+$0x0] =	vst.idx.add.f32.msk $0xffff, v8  }
0x1ae: {  	v8 =	vbroadcast v7, $0xD;
	[tilespmem:v9+s7+$0x0] =	vst.idx.add.f32.msk $0xffff, v11  }
0x1af: {  	v9 =	vld.idx.msk [tilespmem:v52+s16+$0x0], $0xffff  }
0x1b0: {  	v54 =	vor.u32 v0, v8;
	v11 =	vld.idx.msk [tilespmem:v53+s16+$0x0], $0xffff  }
0x1b1: {  	v10 =	vand.u32 v3, v54  }
0x1b2: {  	s28 =	simm.s32 $0x1C0;
	(v2sf) =	vpush v7, $0xF;
	v55 =	vbroadcast v6, $0xD;
	v8 =	vor.u32 v2, v8  }
0x1b3: {  	v56 =	vor.u32 s28, v0  }
0x1b4: {  	v57 =	vor.u32 s28, v2;
	v9 =	vmul.f32 v9, v55  }
0x1b5: {  	v11 =	vmul.f32 v11, v55  }
0x1b6: {  	[tilespmem:v10+s7+$0x0] =	vst.idx.add.f32.msk $0xffff, v9  }
0x1b7: {  	v7 =	vbroadcast v7, $0xE;
	[tilespmem:v8+s7+$0x0] =	vst.idx.add.f32.msk $0xffff, v11  }
0x1b8: {  	v8 =	vld.idx.msk [tilespmem:v56+s16+$0x0], $0xffff  }
0x1b9: {  	v58 =	vor.u32 v0, v7;
	v10 =	vld.idx.msk [tilespmem:v57+s16+$0x0], $0xffff  }
0x1ba: {  	v9 =	vand.u32 v3, v58  }
0x1bb: {  	s29 =	simm.s32 $0x1E0;
	v59 =	vbroadcast v6, $0xE;
	v7 =	vor.u32 v2, v7  }
0x1bc: {  	v60 =	vor.u32 s29, v0  }
0x1bd: {  	v8 =	vmul.f32 v8, v59  }
0x1be: {  	v61 =	vor.u32 s29, v2;
	v10 =	vmul.f32 v10, v59  }
0x1bf: {  	[tilespmem:v9+s7+$0x0] =	vst.idx.add.f32.msk $0xffff, v8  }
0x1c0: {  	[tilespmem:v7+s7+$0x0] =	vst.idx.add.f32.msk $0xffff, v10  }
0x1c1: {  	s30 =	spop (v2sf);
	v7 =	vld.idx.msk [tilespmem:v60+s16+$0x0], $0xffff  }
0x1c2: {  	v8 =	vor.u32 s30, v0  }
0x1c3: {  	v8 =	vand.u32 v3, v8;
	v9 =	vld.idx.msk [tilespmem:v61+s16+$0x0], $0xffff  }
0x1c4: {  	v62 =	vbroadcast v6, $0xF  }
0x1c5: {  	v6 =	vor.u32 s30, v2  }
0x1c6: {  	v63 =	vmul.f32 v7, v62;
	_ =	sdelay $0x1  }
0x1c7: {  	s31 =	simm.s32 $0x2F;
	s18 =	simm.s32 $0x1F;
	s13 =	simm.s32 $0xEC50;
	v7 =	vmul.f32 v9, v62;
	[tilespmem:v8+s7+$0x0] =	vst.idx.add.f32.msk $0xffff, v63  }
.LBB2_6:
0x1c8: {  	s21 =	sshll.u32 s18, $0x5  }
0x1c9: {  	[tilespmem:v6+s7+$0x0] =	vst.idx.add.f32.msk $0xffff, v7;
	s3 =	sadd.s32 $0x10, s3;
	s18 =	smov.u32 s31;
	s19 =	sadd.s32 $0x10, s31  }
0x1ca: {  	v7 =	vld [tilespmem:s3+$0x0];
	s0 =	sadd.s32 $0xFFFFFE20, s21;
	s8 =	sadd.s32 $0xFFFFFE40, s21;
	s14 =	sadd.s32 $0xFFFFFE60, s21  }
0x1cb: {  	s5 =	sadd.s32 $0xFFFFFE80, s21;
	s29 =	sadd.s32 $0xFFFFFEA0, s21;
	s30 =	sadd.s32 $0xFFFFFEC0, s21;
	v8 =	vor.u32 s0, v0;
	v9 =	vor.u32 s0, v2  }
0x1cc: {  	s20 =	sadd.s32 $0xFFFFFEE0, s21;
	s25 =	sadd.s32 $0xFFFFFF00, s21;
	s1 =	sadd.s32 $0xFFFFFF20, s21  }
0x1cd: {  	s28 =	sadd.s32 $0xFFFFFF40, s21;
	s24 =	sadd.s32 $0xFFFFFF60, s21;
	s0 =	sadd.s32 $0xFFFFFF80, s21  }
0x1ce: {  	s22 =	sadd.s32 $0xFFFFFFA0, s21;
	s26 =	sadd.s32 $0xFFFFFFC0, s21;
	s23 =	sadd.s32 $0xFFFFFFE0, s21  }
0x1cf: {  	p0 =	sne.s32 s31, $0x26F;
	v6 =	vld [tilespmem:s13+$0x0];
	v7 =	vshll.u32 v7, $0x5  }
0x1d0: {  	v10 =	vbroadcast v7, $0x0;
	v8 =	vld.idx.msk [tilespmem:v8+s16+$0x0], $0xffff;
	v26 =	vbroadcast v7, $0x1;
	(v2sf) =	vpush v7, $0xF  }
0x1d1: {  	v27 =	vbroadcast v7, $0x2;
	v28 =	vbroadcast v7, $0x3;
	v9 =	vld.idx.msk [tilespmem:v9+s16+$0x0], $0xffff  }
0x1d2: {  	v30 =	vbroadcast v7, $0x4;
	v11 =	vor.u32 v0, v10;
	v29 =	vor.u32 v0, v26  }
0x1d3: {  	v31 =	vor.u32 v0, v27;
	v32 =	vor.u32 v0, v28;
	v11 =	vand.u32 v3, v11  }
0x1d4: {  	v10 =	vor.u32 v2, v10;
	v33 =	vor.u32 v0, v30;
	v12 =	vbroadcast v6, $0x0  }
0x1d5: {  	v13 =	vor.u32 s8, v0;
	v34 =	vbroadcast v7, $0x5;
	v24 =	vbroadcast v7, $0x6  }
0x1d6: {  	v15 =	vor.u32 s8, v2;
	v22 =	vbroadcast v7, $0x7;
	v8 =	vmul.f32 v12, v8  }
0x1d7: {  	v35 =	vor.u32 v0, v34;
	v25 =	vor.u32 v0, v24;
	v9 =	vmul.f32 v9, v12  }
0x1d8: {  	v20 =	vbroadcast v7, $0x8;
	v18 =	vbroadcast v7, $0x9;
	v23 =	vor.u32 v0, v22;
	[tilespmem:v11+s7+$0x0] =	vst.idx.add.f32.msk $0xffff, v8  }
0x1d9: {  	v16 =	vbroadcast v7, $0xA;
	v14 =	vbroadcast v7, $0xB;
	[tilespmem:v10+s7+$0x0] =	vst.idx.add.f32.msk $0xffff, v9  }
0x1da: {  	v21 =	vor.u32 v0, v20;
	v19 =	vor.u32 v0, v18;
	v12 =	vbroadcast v7, $0xC;
	v36 =	vld.idx.msk [tilespmem:v13+s16+$0x0], $0xffff  }
0x1db: {  	v17 =	vor.u32 v0, v16;
	v10 =	vbroadcast v7, $0xD;
	v37 =	vld.idx.msk [tilespmem:v15+s16+$0x0], $0xffff;
	v15 =	vor.u32 v0, v14  }
0x1dc: {  	v8 =	vbroadcast v7, $0xE;
	v13 =	vor.u32 v0, v12  }
0x1dd: {  	v29 =	vand.u32 v3, v29;
	v11 =	vor.u32 v0, v10  }
0x1de: {  	v26 =	vor.u32 v2, v26;
	v38 =	vbroadcast v6, $0x1;
	v9 =	vor.u32 v0, v8  }
0x1df: {  	v39 =	vor.u32 s14, v0;
	s31 =	spop (v2sf)  }
0x1e0: {  	v40 =	vor.u32 s14, v2;
	v36 =	vmul.f32 v36, v38;
	v7 =	vor.u32 s31, v0  }
0x1e1: {  	v37 =	vmul.f32 v37, v38  }
0x1e2: {  	[tilespmem:v29+s7+$0x0] =	vst.idx.add.f32.msk $0xffff, v36  }
0x1e3: {  	[tilespmem:v26+s7+$0x0] =	vst.idx.add.f32.msk $0xffff, v37  }
0x1e4: {  	v26 =	vld.idx.msk [tilespmem:v39+s16+$0x0], $0xffff  }
0x1e5: {  	v29 =	vld.idx.msk [tilespmem:v40+s16+$0x0], $0xffff;
	_ =	sdelay $0x1  }
0x1e6: {  	v31 =	vand.u32 v3, v31  }
0x1e7: {  	v27 =	vor.u32 v2, v27;
	v36 =	vbroadcast v6, $0x2  }
0x1e8: {  	v37 =	vor.u32 s5, v0  }
0x1e9: {  	v38 =	vor.u32 s5, v2;
	v26 =	vmul.f32 v26, v36  }
0x1ea: {  	v29 =	vmul.f32 v29, v36  }
0x1eb: {  	[tilespmem:v31+s7+$0x0] =	vst.idx.add.f32.msk $0xffff, v26  }
0x1ec: {  	[tilespmem:v27+s7+$0x0] =	vst.idx.add.f32.msk $0xffff, v29  }
0x1ed: {  	v26 =	vld.idx.msk [tilespmem:v37+s16+$0x0], $0xffff  }
0x1ee: {  	v27 =	vld.idx.msk [tilespmem:v38+s16+$0x0], $0xffff;
	_ =	sdelay $0x1  }
0x1ef: {  	v29 =	vand.u32 v3, v32  }
0x1f0: {  	v28 =	vor.u32 v2, v28;
	v31 =	vbroadcast v6, $0x3  }
0x1f1: {  	v32 =	vor.u32 s29, v0  }
0x1f2: {  	v36 =	vor.u32 s29, v2;
	v26 =	vmul.f32 v26, v31  }
0x1f3: {  	v27 =	vmul.f32 v27, v31  }
0x1f4: {  	[tilespmem:v29+s7+$0x0] =	vst.idx.add.f32.msk $0xffff, v26  }
0x1f5: {  	[tilespmem:v28+s7+$0x0] =	vst.idx.add.f32.msk $0xffff, v27  }
0x1f6: {  	v26 =	vld.idx.msk [tilespmem:v32+s16+$0x0], $0xffff  }
0x1f7: {  	v27 =	vld.idx.msk [tilespmem:v36+s16+$0x0], $0xffff;
	_ =	sdelay $0x1  }
0x1f8: {  	v28 =	vand.u32 v3, v33  }
0x1f9: {  	v30 =	vor.u32 v2, v30;
	v29 =	vbroadcast v6, $0x4  }
0x1fa: {  	v31 =	vor.u32 s30, v0  }
0x1fb: {  	v32 =	vor.u32 s30, v2;
	v26 =	vmul.f32 v26, v29  }
0x1fc: {  	v27 =	vmul.f32 v27, v29  }
0x1fd: {  	[tilespmem:v28+s7+$0x0] =	vst.idx.add.f32.msk $0xffff, v26  }
0x1fe: {  	[tilespmem:v30+s7+$0x0] =	vst.idx.add.f32.msk $0xffff, v27  }
0x1ff: {  	v26 =	vld.idx.msk [tilespmem:v31+s16+$0x0], $0xffff  }
0x200: {  	v27 =	vld.idx.msk [tilespmem:v32+s16+$0x0], $0xffff;
	_ =	sdelay $0x1  }
0x201: {  	v28 =	vand.u32 v3, v35  }
0x202: {  	v29 =	vbroadcast v6, $0x5;
	v30 =	vor.u32 v2, v34  }
0x203: {  	v31 =	vor.u32 s20, v0  }
0x204: {  	v32 =	vor.u32 s20, v2;
	v26 =	vmul.f32 v26, v29  }
0x205: {  	v27 =	vmul.f32 v27, v29  }
0x206: {  	[tilespmem:v28+s7+$0x0] =	vst.idx.add.f32.msk $0xffff, v26  }
0x207: {  	[tilespmem:v30+s7+$0x0] =	vst.idx.add.f32.msk $0xffff, v27  }
0x208: {  	v26 =	vld.idx.msk [tilespmem:v31+s16+$0x0], $0xffff  }
0x209: {  	v27 =	vld.idx.msk [tilespmem:v32+s16+$0x0], $0xffff;
	_ =	sdelay $0x1  }
0x20a: {  	v25 =	vand.u32 v3, v25  }
0x20b: {  	v24 =	vor.u32 v2, v24;
	v28 =	vbroadcast v6, $0x6  }
0x20c: {  	v29 =	vor.u32 s25, v0  }
0x20d: {  	v30 =	vor.u32 s25, v2;
	v26 =	vmul.f32 v26, v28  }
0x20e: {  	v27 =	vmul.f32 v27, v28  }
0x20f: {  	[tilespmem:v25+s7+$0x0] =	vst.idx.add.f32.msk $0xffff, v26  }
0x210: {  	[tilespmem:v24+s7+$0x0] =	vst.idx.add.f32.msk $0xffff, v27  }
0x211: {  	v24 =	vld.idx.msk [tilespmem:v29+s16+$0x0], $0xffff  }
0x212: {  	v25 =	vld.idx.msk [tilespmem:v30+s16+$0x0], $0xffff;
	_ =	sdelay $0x1  }
0x213: {  	v23 =	vand.u32 v3, v23  }
0x214: {  	v22 =	vor.u32 v2, v22;
	v26 =	vbroadcast v6, $0x7  }
0x215: {  	v27 =	vor.u32 s1, v0  }
0x216: {  	v28 =	vor.u32 s1, v2;
	v24 =	vmul.f32 v24, v26  }
0x217: {  	v25 =	vmul.f32 v25, v26  }
0x218: {  	[tilespmem:v23+s7+$0x0] =	vst.idx.add.f32.msk $0xffff, v24  }
0x219: {  	[tilespmem:v22+s7+$0x0] =	vst.idx.add.f32.msk $0xffff, v25  }
0x21a: {  	v22 =	vld.idx.msk [tilespmem:v27+s16+$0x0], $0xffff  }
0x21b: {  	v23 =	vld.idx.msk [tilespmem:v28+s16+$0x0], $0xffff;
	_ =	sdelay $0x1  }
0x21c: {  	v21 =	vand.u32 v3, v21  }
0x21d: {  	v20 =	vor.u32 v2, v20;
	v24 =	vbroadcast v6, $0x8  }
0x21e: {  	v25 =	vor.u32 s28, v0  }
0x21f: {  	v26 =	vor.u32 s28, v2;
	v22 =	vmul.f32 v22, v24  }
0x220: {  	v23 =	vmul.f32 v23, v24  }
0x221: {  	[tilespmem:v21+s7+$0x0] =	vst.idx.add.f32.msk $0xffff, v22  }
0x222: {  	[tilespmem:v20+s7+$0x0] =	vst.idx.add.f32.msk $0xffff, v23  }
0x223: {  	v20 =	vld.idx.msk [tilespmem:v25+s16+$0x0], $0xffff  }
0x224: {  	v21 =	vld.idx.msk [tilespmem:v26+s16+$0x0], $0xffff;
	_ =	sdelay $0x1  }
0x225: {  	v19 =	vand.u32 v3, v19  }
0x226: {  	v18 =	vor.u32 v2, v18;
	v22 =	vbroadcast v6, $0x9  }
0x227: {  	v23 =	vor.u32 s24, v0  }
0x228: {  	v24 =	vor.u32 s24, v2;
	v20 =	vmul.f32 v20, v22  }
0x229: {  	v21 =	vmul.f32 v21, v22  }
0x22a: {  	[tilespmem:v19+s7+$0x0] =	vst.idx.add.f32.msk $0xffff, v20  }
0x22b: {  	[tilespmem:v18+s7+$0x0] =	vst.idx.add.f32.msk $0xffff, v21  }
0x22c: {  	v18 =	vld.idx.msk [tilespmem:v23+s16+$0x0], $0xffff  }
0x22d: {  	v19 =	vld.idx.msk [tilespmem:v24+s16+$0x0], $0xffff;
	_ =	sdelay $0x1  }
0x22e: {  	v17 =	vand.u32 v3, v17  }
0x22f: {  	v16 =	vor.u32 v2, v16;
	v20 =	vbroadcast v6, $0xA  }
0x230: {  	v21 =	vor.u32 s0, v0  }
0x231: {  	v22 =	vor.u32 s0, v2;
	v18 =	vmul.f32 v18, v20  }
0x232: {  	v19 =	vmul.f32 v19, v20  }
0x233: {  	[tilespmem:v17+s7+$0x0] =	vst.idx.add.f32.msk $0xffff, v18  }
0x234: {  	[tilespmem:v16+s7+$0x0] =	vst.idx.add.f32.msk $0xffff, v19  }
0x235: {  	v16 =	vld.idx.msk [tilespmem:v21+s16+$0x0], $0xffff  }
0x236: {  	v17 =	vld.idx.msk [tilespmem:v22+s16+$0x0], $0xffff;
	_ =	sdelay $0x1  }
0x237: {  	v15 =	vand.u32 v3, v15  }
0x238: {  	v14 =	vor.u32 v2, v14;
	v18 =	vbroadcast v6, $0xB  }
0x239: {  	v19 =	vor.u32 s22, v0  }
0x23a: {  	v20 =	vor.u32 s22, v2;
	v16 =	vmul.f32 v16, v18  }
0x23b: {  	v17 =	vmul.f32 v17, v18  }
0x23c: {  	[tilespmem:v15+s7+$0x0] =	vst.idx.add.f32.msk $0xffff, v16  }
0x23d: {  	[tilespmem:v14+s7+$0x0] =	vst.idx.add.f32.msk $0xffff, v17  }
0x23e: {  	v14 =	vld.idx.msk [tilespmem:v19+s16+$0x0], $0xffff  }
0x23f: {  	v15 =	vld.idx.msk [tilespmem:v20+s16+$0x0], $0xffff;
	_ =	sdelay $0x1  }
0x240: {  	v13 =	vand.u32 v3, v13  }
0x241: {  	v12 =	vor.u32 v2, v12;
	v16 =	vbroadcast v6, $0xC  }
0x242: {  	v17 =	vor.u32 s26, v0  }
0x243: {  	v18 =	vor.u32 s26, v2;
	v14 =	vmul.f32 v14, v16  }
0x244: {  	v15 =	vmul.f32 v15, v16  }
0x245: {  	[tilespmem:v13+s7+$0x0] =	vst.idx.add.f32.msk $0xffff, v14  }
0x246: {  	[tilespmem:v12+s7+$0x0] =	vst.idx.add.f32.msk $0xffff, v15  }
0x247: {  	v12 =	vld.idx.msk [tilespmem:v17+s16+$0x0], $0xffff  }
0x248: {  	v13 =	vld.idx.msk [tilespmem:v18+s16+$0x0], $0xffff;
	_ =	sdelay $0x1  }
0x249: {  	v11 =	vand.u32 v3, v11  }
0x24a: {  	v10 =	vor.u32 v2, v10;
	v14 =	vbroadcast v6, $0xD  }
0x24b: {  	v15 =	vor.u32 s23, v0  }
0x24c: {  	v16 =	vor.u32 s23, v2;
	v12 =	vmul.f32 v12, v14  }
0x24d: {  	v13 =	vmul.f32 v13, v14  }
0x24e: {  	[tilespmem:v11+s7+$0x0] =	vst.idx.add.f32.msk $0xffff, v12  }
0x24f: {  	[tilespmem:v10+s7+$0x0] =	vst.idx.add.f32.msk $0xffff, v13  }
0x250: {  	v10 =	vld.idx.msk [tilespmem:v15+s16+$0x0], $0xffff  }
0x251: {  	v11 =	vld.idx.msk [tilespmem:v16+s16+$0x0], $0xffff;
	_ =	sdelay $0x1  }
0x252: {  	v9 =	vand.u32 v3, v9  }
0x253: {  	v8 =	vor.u32 v2, v8;
	v12 =	vbroadcast v6, $0xE  }
0x254: {  	v13 =	vor.u32 s21, v0  }
0x255: {  	v14 =	vor.u32 s21, v2;
	v10 =	vmul.f32 v10, v12  }
0x256: {  	v11 =	vmul.f32 v11, v12  }
0x257: {  	[tilespmem:v9+s7+$0x0] =	vst.idx.add.f32.msk $0xffff, v10  }
0x258: {  	[tilespmem:v8+s7+$0x0] =	vst.idx.add.f32.msk $0xffff, v11  }
0x259: {  	v8 =	vld.idx.msk [tilespmem:v13+s16+$0x0], $0xffff  }
0x25a: {  	v9 =	vld.idx.msk [tilespmem:v14+s16+$0x0], $0xffff;
	_ =	sdelay $0x1  }
0x25b: {  	v10 =	vand.u32 v3, v7  }
.Ltmp2:
0x25c: {  	v7 =	vbroadcast v6, $0xF;
	v6 =	vor.u32 s31, v2;
	(pc) =	sbr.rel @p0 .LBB2_6-.Ltmp2, $4  }
0x25d: {  	_ = 	snop  }
0x25e: {  	v8 =	vmul.f32 v8, v7  }
0x25f: {  	v7 =	vmul.f32 v9, v7  }
0x260: {  	s13 =	sadd.s32 $0x10, s13;
	s31 =	smov.u32 s19;
	[tilespmem:v10+s7+$0x0] =	vst.idx.add.f32.msk $0xffff, v8  }
0x261: {  	_ =	sdelay $0x3  }
0x262: {  	[tilespmem:v6+s7+$0x0] =	vst.idx.add.f32.msk $0xffff, v7;
	s1 =	sadd.s32 $0x10, s3  }
0x263: {  	s0 =	sshll.u32 s18, $0x5;
	v7 =	vld [tilespmem:s1+$0x0]  }
0x264: {  	s21 =	sadd.s32 $0xFFFFFE20, s0  }
0x265: {  	v8 =	vor.u32 s21, v0  }
0x266: {  	v9 =	vor.u32 s21, v2;
	_ =	sdelay $0x1  }
0x267: {  	v6 =	vld [tilespmem:s13+$0x0];
	v7 =	vshll.u32 v7, $0x5  }
0x268: {  	v10 =	vbroadcast v7, $0x0  }
0x269: {  	v8 =	vld.idx.msk [tilespmem:v8+s16+$0x0], $0xffff  }
0x26a: {  	v9 =	vld.idx.msk [tilespmem:v9+s16+$0x0], $0xffff;
	v11 =	vor.u32 v0, v10  }
0x26b: {  	v11 =	vand.u32 v3, v11  }
0x26c: {  	s22 =	sadd.s32 $0xFFFFFE40, s0;
	v12 =	vbroadcast v6, $0x0;
	v10 =	vor.u32 v2, v10  }
0x26d: {  	v13 =	vor.u32 s22, v0  }
0x26e: {  	v14 =	vor.u32 s22, v2;
	v8 =	vmul.f32 v12, v8  }
0x26f: {  	v9 =	vmul.f32 v9, v12  }
0x270: {  	[tilespmem:v11+s7+$0x0] =	vst.idx.add.f32.msk $0xffff, v8  }
0x271: {  	v38 =	vbroadcast v7, $0x1;
	[tilespmem:v10+s7+$0x0] =	vst.idx.add.f32.msk $0xffff, v9  }
0x272: {  	v9 =	vld.idx.msk [tilespmem:v13+s16+$0x0], $0xffff  }
0x273: {  	v39 =	vor.u32 v0, v38;
	v11 =	vld.idx.msk [tilespmem:v14+s16+$0x0], $0xffff  }
0x274: {  	v10 =	vand.u32 v3, v39  }
0x275: {  	s23 =	sadd.s32 $0xFFFFFE60, s0;
	v40 =	vbroadcast v6, $0x1;
	v8 =	vor.u32 v2, v38  }
0x276: {  	v41 =	vor.u32 s23, v0  }
0x277: {  	v42 =	vor.u32 s23, v2;
	v9 =	vmul.f32 v9, v40  }
0x278: {  	v11 =	vmul.f32 v11, v40  }
0x279: {  	[tilespmem:v10+s7+$0x0] =	vst.idx.add.f32.msk $0xffff, v9  }
0x27a: {  	v43 =	vbroadcast v7, $0x2;
	[tilespmem:v8+s7+$0x0] =	vst.idx.add.f32.msk $0xffff, v11  }
0x27b: {  	v8 =	vld.idx.msk [tilespmem:v41+s16+$0x0], $0xffff  }
0x27c: {  	v44 =	vor.u32 v0, v43;
	v11 =	vld.idx.msk [tilespmem:v42+s16+$0x0], $0xffff  }
0x27d: {  	v10 =	vand.u32 v3, v44  }
0x27e: {  	s24 =	sadd.s32 $0xFFFFFE80, s0;
	v45 =	vbroadcast v6, $0x2;
	v9 =	vor.u32 v2, v43  }
0x27f: {  	v46 =	vor.u32 s24, v0  }
0x280: {  	v47 =	vor.u32 s24, v2;
	v8 =	vmul.f32 v8, v45  }
0x281: {  	v11 =	vmul.f32 v11, v45  }
0x282: {  	[tilespmem:v10+s7+$0x0] =	vst.idx.add.f32.msk $0xffff, v8  }
0x283: {  	v48 =	vbroadcast v7, $0x3;
	[tilespmem:v9+s7+$0x0] =	vst.idx.add.f32.msk $0xffff, v11  }
0x284: {  	v9 =	vld.idx.msk [tilespmem:v46+s16+$0x0], $0xffff  }
0x285: {  	v49 =	vor.u32 v0, v48;
	v11 =	vld.idx.msk [tilespmem:v47+s16+$0x0], $0xffff  }
0x286: {  	v10 =	vand.u32 v3, v49  }
0x287: {  	s25 =	sadd.s32 $0xFFFFFEA0, s0;
	v50 =	vbroadcast v6, $0x3;
	v8 =	vor.u32 v2, v48  }
0x288: {  	v51 =	vor.u32 s25, v0  }
0x289: {  	v52 =	vor.u32 s25, v2;
	v9 =	vmul.f32 v9, v50  }
0x28a: {  	v11 =	vmul.f32 v11, v50  }
0x28b: {  	[tilespmem:v10+s7+$0x0] =	vst.idx.add.f32.msk $0xffff, v9  }
0x28c: {  	v53 =	vbroadcast v7, $0x4;
	[tilespmem:v8+s7+$0x0] =	vst.idx.add.f32.msk $0xffff, v11  }
0x28d: {  	v8 =	vld.idx.msk [tilespmem:v51+s16+$0x0], $0xffff  }
0x28e: {  	v54 =	vor.u32 v0, v53;
	v11 =	vld.idx.msk [tilespmem:v52+s16+$0x0], $0xffff  }
0x28f: {  	v10 =	vand.u32 v3, v54  }
0x290: {  	s26 =	sadd.s32 $0xFFFFFEC0, s0;
	v55 =	vbroadcast v6, $0x4;
	v9 =	vor.u32 v2, v53  }
0x291: {  	v56 =	vor.u32 s26, v0  }
0x292: {  	v57 =	vor.u32 s26, v2;
	v8 =	vmul.f32 v8, v55  }
0x293: {  	v11 =	vmul.f32 v11, v55  }
0x294: {  	[tilespmem:v10+s7+$0x0] =	vst.idx.add.f32.msk $0xffff, v8  }
0x295: {  	v58 =	vbroadcast v7, $0x5;
	[tilespmem:v9+s7+$0x0] =	vst.idx.add.f32.msk $0xffff, v11  }
0x296: {  	v9 =	vld.idx.msk [tilespmem:v56+s16+$0x0], $0xffff  }
0x297: {  	v59 =	vor.u32 v0, v58;
	v11 =	vld.idx.msk [tilespmem:v57+s16+$0x0], $0xffff  }
0x298: {  	v10 =	vand.u32 v3, v59  }
0x299: {  	s3 =	sadd.s32 $0xFFFFFEE0, s0;
	v60 =	vbroadcast v6, $0x5;
	v8 =	vor.u32 v2, v58  }
0x29a: {  	v61 =	vor.u32 s3, v0  }
0x29b: {  	v62 =	vor.u32 s3, v2;
	v9 =	vmul.f32 v9, v60  }
0x29c: {  	v11 =	vmul.f32 v11, v60  }
0x29d: {  	[tilespmem:v10+s7+$0x0] =	vst.idx.add.f32.msk $0xffff, v9  }
0x29e: {  	v63 =	vbroadcast v7, $0x6;
	[tilespmem:v8+s7+$0x0] =	vst.idx.add.f32.msk $0xffff, v11  }
0x29f: {  	v8 =	vld.idx.msk [tilespmem:v61+s16+$0x0], $0xffff  }
0x2a0: {  	v16 =	vor.u32 v0, v63;
	v11 =	vld.idx.msk [tilespmem:v62+s16+$0x0], $0xffff  }
0x2a1: {  	v10 =	vand.u32 v3, v16  }
0x2a2: {  	s5 =	sadd.s32 $0xFFFFFF00, s0;
	v17 =	vbroadcast v6, $0x6;
	v9 =	vor.u32 v2, v63  }
0x2a3: {  	v18 =	vor.u32 s5, v0  }
0x2a4: {  	v19 =	vor.u32 s5, v2;
	v8 =	vmul.f32 v8, v17  }
0x2a5: {  	v11 =	vmul.f32 v11, v17  }
0x2a6: {  	[tilespmem:v10+s7+$0x0] =	vst.idx.add.f32.msk $0xffff, v8  }
0x2a7: {  	v20 =	vbroadcast v7, $0x7;
	[tilespmem:v9+s7+$0x0] =	vst.idx.add.f32.msk $0xffff, v11  }
0x2a8: {  	v9 =	vld.idx.msk [tilespmem:v18+s16+$0x0], $0xffff  }
0x2a9: {  	v21 =	vor.u32 v0, v20;
	v11 =	vld.idx.msk [tilespmem:v19+s16+$0x0], $0xffff  }
0x2aa: {  	v10 =	vand.u32 v3, v21  }
0x2ab: {  	s8 =	sadd.s32 $0xFFFFFF20, s0;
	v22 =	vbroadcast v6, $0x7;
	v8 =	vor.u32 v2, v20  }
0x2ac: {  	v23 =	vor.u32 s8, v0  }
0x2ad: {  	v24 =	vor.u32 s8, v2;
	v9 =	vmul.f32 v9, v22  }
0x2ae: {  	v11 =	vmul.f32 v11, v22  }
0x2af: {  	[tilespmem:v10+s7+$0x0] =	vst.idx.add.f32.msk $0xffff, v9  }
0x2b0: {  	v25 =	vbroadcast v7, $0x8;
	[tilespmem:v8+s7+$0x0] =	vst.idx.add.f32.msk $0xffff, v11  }
0x2b1: {  	v8 =	vld.idx.msk [tilespmem:v23+s16+$0x0], $0xffff  }
0x2b2: {  	v26 =	vor.u32 v0, v25;
	v11 =	vld.idx.msk [tilespmem:v24+s16+$0x0], $0xffff  }
0x2b3: {  	v10 =	vand.u32 v3, v26  }
0x2b4: {  	s13 =	sadd.s32 $0xFFFFFF40, s0;
	v27 =	vbroadcast v6, $0x8;
	v9 =	vor.u32 v2, v25  }
0x2b5: {  	v28 =	vor.u32 s13, v0  }
0x2b6: {  	v29 =	vor.u32 s13, v2;
	v8 =	vmul.f32 v8, v27  }
0x2b7: {  	v11 =	vmul.f32 v11, v27  }
0x2b8: {  	[tilespmem:v10+s7+$0x0] =	vst.idx.add.f32.msk $0xffff, v8  }
0x2b9: {  	v30 =	vbroadcast v7, $0x9;
	[tilespmem:v9+s7+$0x0] =	vst.idx.add.f32.msk $0xffff, v11  }
0x2ba: {  	v9 =	vld.idx.msk [tilespmem:v28+s16+$0x0], $0xffff  }
0x2bb: {  	v31 =	vor.u32 v0, v30;
	v11 =	vld.idx.msk [tilespmem:v29+s16+$0x0], $0xffff  }
0x2bc: {  	v10 =	vand.u32 v3, v31  }
0x2bd: {  	s14 =	sadd.s32 $0xFFFFFF60, s0;
	v32 =	vbroadcast v6, $0x9;
	v8 =	vor.u32 v2, v30  }
0x2be: {  	v33 =	vor.u32 s14, v0  }
0x2bf: {  	v34 =	vor.u32 s14, v2;
	v9 =	vmul.f32 v9, v32  }
0x2c0: {  	v11 =	vmul.f32 v11, v32  }
0x2c1: {  	[tilespmem:v10+s7+$0x0] =	vst.idx.add.f32.msk $0xffff, v9  }
0x2c2: {  	v35 =	vbroadcast v7, $0xA;
	[tilespmem:v8+s7+$0x0] =	vst.idx.add.f32.msk $0xffff, v11  }
0x2c3: {  	v8 =	vld.idx.msk [tilespmem:v33+s16+$0x0], $0xffff  }
0x2c4: {  	v36 =	vor.u32 v0, v35;
	v11 =	vld.idx.msk [tilespmem:v34+s16+$0x0], $0xffff  }
0x2c5: {  	v10 =	vand.u32 v3, v36  }
0x2c6: {  	s18 =	sadd.s32 $0xFFFFFF80, s0;
	v37 =	vbroadcast v6, $0xA;
	v9 =	vor.u32 v2, v35  }
0x2c7: {  	v38 =	vor.u32 s18, v0  }
0x2c8: {  	v39 =	vor.u32 s18, v2;
	v8 =	vmul.f32 v8, v37  }
0x2c9: {  	v11 =	vmul.f32 v11, v37  }
0x2ca: {  	[tilespmem:v10+s7+$0x0] =	vst.idx.add.f32.msk $0xffff, v8  }
0x2cb: {  	v40 =	vbroadcast v7, $0xB;
	[tilespmem:v9+s7+$0x0] =	vst.idx.add.f32.msk $0xffff, v11  }
0x2cc: {  	v9 =	vld.idx.msk [tilespmem:v38+s16+$0x0], $0xffff  }
0x2cd: {  	v41 =	vor.u32 v0, v40;
	v11 =	vld.idx.msk [tilespmem:v39+s16+$0x0], $0xffff  }
0x2ce: {  	v10 =	vand.u32 v3, v41  }
0x2cf: {  	s19 =	sadd.s32 $0xFFFFFFA0, s0;
	v42 =	vbroadcast v6, $0xB;
	v8 =	vor.u32 v2, v40  }
0x2d0: {  	v43 =	vor.u32 s19, v0  }
0x2d1: {  	v44 =	vor.u32 s19, v2;
	v9 =	vmul.f32 v9, v42  }
0x2d2: {  	v11 =	vmul.f32 v11, v42  }
0x2d3: {  	[tilespmem:v10+s7+$0x0] =	vst.idx.add.f32.msk $0xffff, v9  }
0x2d4: {  	v45 =	vbroadcast v7, $0xC;
	[tilespmem:v8+s7+$0x0] =	vst.idx.add.f32.msk $0xffff, v11  }
0x2d5: {  	v8 =	vld.idx.msk [tilespmem:v43+s16+$0x0], $0xffff  }
0x2d6: {  	v46 =	vor.u32 v0, v45;
	v11 =	vld.idx.msk [tilespmem:v44+s16+$0x0], $0xffff  }
0x2d7: {  	v10 =	vand.u32 v3, v46  }
0x2d8: {  	s20 =	sadd.s32 $0xFFFFFFC0, s0;
	v47 =	vbroadcast v6, $0xC;
	v9 =	vor.u32 v2, v45  }
0x2d9: {  	v48 =	vor.u32 s20, v0  }
0x2da: {  	v49 =	vor.u32 s20, v2;
	v8 =	vmul.f32 v8, v47  }
0x2db: {  	v11 =	vmul.f32 v11, v47  }
0x2dc: {  	[tilespmem:v10+s7+$0x0] =	vst.idx.add.f32.msk $0xffff, v8  }
0x2dd: {  	v50 =	vbroadcast v7, $0xD;
	[tilespmem:v9+s7+$0x0] =	vst.idx.add.f32.msk $0xffff, v11  }
0x2de: {  	v9 =	vld.idx.msk [tilespmem:v48+s16+$0x0], $0xffff  }
0x2df: {  	v51 =	vor.u32 v0, v50;
	v11 =	vld.idx.msk [tilespmem:v49+s16+$0x0], $0xffff  }
0x2e0: {  	v10 =	vand.u32 v3, v51  }
0x2e1: {  	s21 =	sadd.s32 $0xFFFFFFE0, s0;
	(v2sf) =	vpush v7, $0xF;
	v52 =	vbroadcast v6, $0xD;
	v8 =	vor.u32 v2, v50  }
0x2e2: {  	v53 =	vor.u32 s21, v0  }
0x2e3: {  	v54 =	vor.u32 s21, v2;
	v9 =	vmul.f32 v9, v52  }
0x2e4: {  	v11 =	vmul.f32 v11, v52  }
0x2e5: {  	[tilespmem:v10+s7+$0x0] =	vst.idx.add.f32.msk $0xffff, v9  }
0x2e6: {  	v7 =	vbroadcast v7, $0xE;
	[tilespmem:v8+s7+$0x0] =	vst.idx.add.f32.msk $0xffff, v11  }
0x2e7: {  	v8 =	vld.idx.msk [tilespmem:v53+s16+$0x0], $0xffff  }
0x2e8: {  	v55 =	vor.u32 v0, v7;
	v10 =	vld.idx.msk [tilespmem:v54+s16+$0x0], $0xffff  }
0x2e9: {  	v9 =	vand.u32 v3, v55  }
0x2ea: {  	v7 =	vor.u32 v2, v7;
	v56 =	vbroadcast v6, $0xE  }
0x2eb: {  	v57 =	vor.u32 s0, v0  }
0x2ec: {  	v58 =	vor.u32 s0, v2;
	v8 =	vmul.f32 v8, v56  }
0x2ed: {  	v10 =	vmul.f32 v10, v56  }
0x2ee: {  	[tilespmem:v9+s7+$0x0] =	vst.idx.add.f32.msk $0xffff, v8  }
0x2ef: {  	[tilespmem:v7+s7+$0x0] =	vst.idx.add.f32.msk $0xffff, v10  }
0x2f0: {  	s22 =	spop (v2sf);
	v7 =	vld.idx.msk [tilespmem:v57+s16+$0x0], $0xffff  }
0x2f1: {  	v59 =	vor.u32 s22, v0;
	v9 =	vld.idx.msk [tilespmem:v58+s16+$0x0], $0xffff  }
0x2f2: {  	v8 =	vand.u32 v3, v59  }
0x2f3: {  	v6 =	vbroadcast v6, $0xF;
	v60 =	vor.u32 s22, v2;
	_ =	sdelay $0x1  }
0x2f4: {  	v7 =	vmul.f32 v7, v6  }
0x2f5: {  	v6 =	vmul.f32 v9, v6  }
0x2f6: {  	[tilespmem:v8+s7+$0x0] =	vst.idx.add.f32.msk $0xffff, v7  }
0x2f7: {  	[tilespmem:v60+s7+$0x0] =	vst.idx.add.f32.msk $0xffff, v6  }
0x2f8: {  	v6 =	vld [tilespmem:$0xF130];
	_ =	sdelay $0x4  }
0x2f9: {  	(v2sf) =	vpush v6, $0x0;
	_ =	sdelay $0xe  }
0x2fa: {  	v7 =	vld.idx.msk [tilespmem:v4+s16+$0x0], $0xffff;
	s23 =	spop (v2sf)  }
0x2fb: {  	v6 =	vld.msk [tilespmem:$0xEEB0 ss:$0x0], $0xffff;
	s0 =	sshll.u32 s23, $0x5  }
0x2fc: {  	v62 =	vld.idx.msk [tilespmem:v5+s16+$0x0], $0xffff;
	v61 =	vor.u32 s0, v0  }
0x2fd: {  	v8 =	vand.u32 v3, v61  }
0x2fe: {  	v63 =	vor.u32 s0, v2;
	_ =	sdelay $0x1  }
0x2ff: {  	v7 =	vmul.f32 v6, v7  }
0x300: {  	v6 =	vmul.f32 v62, v6  }
0x301: {  	[tilespmem:v8+s7+$0x0] =	vst.idx.add.f32.msk $0xffff, v7  }
0x302: {  	s14 =	simm.s32 $0x0;
	s24 =	rddreg [dreg:$0x9];
	s5 =	simm.s32 $0x11;
	[tilespmem:v63+s7+$0x0] =	vst.idx.add.f32.msk $0xffff, v6  }
0x303: {  	[hbm4b:s24+s14] =	stream.linear.scatter [tilespmem:s7], [sflag:$0x11], $0x800, $0x38;
	[tilespmem:$0x14760] =	vst v63  }
0x304: {  	_ =	swait.ge [sflag:s5], $0x800  }
0x305: {  	s25 =	rddreg [dreg:$0xd]  }
0x306: {  	s26 =	rddreg [dreg:$0xa];
	s1 =	sadd.s32 $0x1, s25  }
0x307: {  	s28 =	simm.s32 $0x4;
	s29 =	simm.s32 $0x9420;
	p0 =	sne.s32 s1, s26  }
.Ltmp3:
0x308: {  	s30 =	simm.s32 $0x5;
	s31 =	simm.s32 $0x9;
	(pc) =	sbr.rel @p0 .LBB2_1-.Ltmp3, $4  }
0x309: {  	s13 =	simm.s32 $0x4E20;
	s18 =	simm.s32 $0x5820;
	s19 =	simm.s32 $0x6220  }
0x30a: {  	s20 =	simm.s32 $0x6C20;
	s21 =	simm.s32 $0x1;
	s22 =	simm.s32 $0x7620  }
0x30b: {  	s23 =	simm.s32 $0x2;
	s24 =	simm.s32 $0x8020;
	[sflag:s5] =	ssyncset.done $0x0  }
0x30c: {  	[sflag:s5] =	ssyncadd.s32 $0xFFFFF800;
	s25 =	simm.s32 $0x3;
	s26 =	simm.s32 $0x8A20  }
0x30d: {  	_ =	sfence.sel $0x180000  }
0x30e: {  	[bflag:$0x0] =	sbarrier.arrive $0xFFFF  }
0x30f: {  	_ =	strace $0x90000050  }
0x310: {  	s0 =	stileid.u32;
	[bflag:$0x2] =	sbarrier.arrive $0xFFFF  }
0x311: {  	p0 =	sne.s32 s0, $0x0;
	s0 =	rddreg [dreg:$0x2]  }
0x312: {  	s0 =	sadd.s32 @!p0 $0x100000, s0  }
0x313: {  	[sflag:s0] =	ssyncadd.tile.s32 @!p0 $0x1;
	_ =	shalt  }
.Lfunc_end2:
_tile_overlayer_lowered:
.L_overlay_start_2:
0x314: {  	(tag) =	ssettag $0x2  }
0x315: {  	s0 =	rddreg [dreg:$0x0];
	s2 =	stileid.u32  }
0x316: {  	s1 =	rddreg [dreg:$0x1];
	p0 =	sne.s32 s2, $0x0  }
0x317: {  	s3 =	rddreg [dreg:$0x2];
	[bflag:$0x3] =	sbarrier.arrive $0xFFFF;
	s2 =	simm.s32 @!p0 $0x1C11  }
0x318: {  	[timem:s3], [sflag:s2] =	dma.local @!p0 [hbm:s0], s1  }
0x319: {  	s0 =	simm.s32 @!p0 $0x11  }
0x31a: {  	_ =	swait.ge @!p0 [sflag:s0], s1  }
0x31b: {  	s1 =	ssub.s32 @!p0 $0x0, s1;
	[sflag:s0] =	ssyncset.done @!p0 $0x0  }
0x31c: {  	[sflag:s0] =	ssyncadd.s32 @!p0 s1  }
0x31d: {  	[bflag:$0x3] =	sbarrier.arrive $0xFFFF  }
0x31e: {  	_ =	shalt  }

</sc_bundles>
